<compile_context>
chip_gen: v7x
topology: tpu7x:2x2x1
jax: 0.10.2.dev20260603
libtpu: 0.0.44.dev20260713+nightly
codegen_flags: <defaults>
</compile_context>

<pallas_src>
import functools

import jax
import jax.numpy as jnp
from jax.experimental import pallas as pl
from jax.experimental.pallas import tpu as pltpu
from jax.experimental.pallas import tpu_sc as plsc

N = 10000
NPAD = 10240
BR = 256
K = 16
PROP = 64
BIGV = 3.0e38
PADV = 1.0e30



def _dot(a, b):
    return jax.lax.dot_general(
        a.astype(jnp.bfloat16), b.astype(jnp.bfloat16),
        (((1,), (0,)), ((), ())),
        preferred_element_type=jnp.float32)


def _dot_t(a, b):
    return jax.lax.dot_general(
        a.astype(jnp.bfloat16), b.astype(jnp.bfloat16),
        (((1,), (1,)), ((), ())),
        preferred_element_type=jnp.float32)



def _mlp_in(xp, W1, b1, W2, b2):
    def body(x_ref, w1_ref, b1_ref, w2_ref, b2_ref, o_ref):
        t = jax.nn.relu(_dot(x_ref[...], w1_ref[...]) + b1_ref[...])
        o_ref[...] = jax.nn.relu(_dot(t, w2_ref[...]) + b2_ref[...])
    return pl.pallas_call(
        body,
        out_shape=jax.ShapeDtypeStruct((xp.shape[0], W2.shape[1]), jnp.float32),
    )(xp, W1, b1, W2, b2)


def _mlp_out(xp, W3, b3, W4, b4):
    def body(x_ref, w3_ref, b3_ref, w4_ref, b4_ref, o_ref):
        t = jax.nn.relu(_dot(x_ref[...], w3_ref[...]) + b3_ref[...])
        o_ref[...] = _dot(t, w4_ref[...]) + b4_ref[...]
    return pl.pallas_call(
        body,
        out_shape=jax.ShapeDtypeStruct((xp.shape[0], W4.shape[1]), jnp.float32),
    )(xp, W3, b3, W4, b4)



def _prep(xp, Wsp, bs8, Wh, bh):
    NP = xp.shape[0]

    def body(x_ref, ws_ref, bs_ref, wh_ref, bh_ref, s_ref, h_ref):
        x = x_ref[...]
        s_ref[...] = _dot(x, ws_ref[...]) + bs_ref[...]
        h_ref[...] = _dot(x, wh_ref[...]) + bh_ref[...]

    return pl.pallas_call(
        body,
        out_shape=[
            jax.ShapeDtypeStruct((NP, 8), jnp.float32),
            jax.ShapeDtypeStruct((NP, Wh.shape[1]), jnp.float32),
        ],
    )(xp, Wsp, bs8, Wh, bh)



def _knn(s, sqr2, sqc8):
    NP = s.shape[0]
    nblk = NP // BR

    def body(sb_ref, sqr_ref, s_ref, sq_ref, idx_ref, v_ref):
        sb = sb_ref[...]
        dot = _dot_t(sb, s_ref[...])
        sqr = sqr_ref[...]
        sqc = sq_ref[0:1, :]
        d2 = sqr + sqc - 2.0 * dot
        col = jax.lax.broadcasted_iota(jnp.int32, (BR, NP), 1)
        lk = jax.lax.broadcasted_iota(jnp.int32, (BR, K), 1)

        def step(k, carry):
            D, V, I = carry
            m = jnp.min(D, axis=1, keepdims=True)
            cand = jnp.where(D == m, col, jnp.int32(2147483647))
            a = jnp.min(cand, axis=1, keepdims=True)
            D = jnp.where(col == a, BIGV, D)
            V = jnp.where(lk == k, m, V)
            I = jnp.where(lk == k, a, I)
            return D, V, I

        _, V, I = jax.lax.fori_loop(
            0, K, step,
            (d2, jnp.zeros((BR, K), jnp.float32), jnp.zeros((BR, K), jnp.int32)))
        idx_ref[...] = I
        v_ref[...] = V

    return pl.pallas_call(
        body,
        grid=(nblk,),
        in_specs=[
            pl.BlockSpec((BR, 8), lambda i: (i, 0)),
            pl.BlockSpec((BR, 1), lambda i: (i, 0)),
            pl.BlockSpec((NP, 8), lambda i: (0, 0)),
            pl.BlockSpec((8, NP), lambda i: (0, 0)),
        ],
        out_specs=[
            pl.BlockSpec((BR, K), lambda i: (i, 0)),
            pl.BlockSpec((BR, K), lambda i: (i, 0)),
        ],
        out_shape=[
            jax.ShapeDtypeStruct((NP, K), jnp.int32),
            jax.ShapeDtypeStruct((NP, K), jnp.float32),
        ],
    )(s, sqr2, s, sqc8)



def _agg(h, idx_flat, w_flat):
    NP, HW = h.shape
    rpw = NP // 32
    CB = 16
    nchunks = rpw // CB
    ipc = CB * K

    mesh = plsc.VectorSubcoreMesh(core_axis_name="c", subcore_axis_name="s")

    @functools.partial(
        pl.kernel,
        mesh=mesh,
        out_type=jax.ShapeDtypeStruct((NP, 2 * PROP), jnp.float32),
        scratch_types=[
            pltpu.VMEM((ipc,), jnp.int32),
            pltpu.VMEM((ipc,), jnp.float32),
            pltpu.VMEM((ipc, HW), jnp.float32),
            pltpu.VMEM((CB, 2 * PROP), jnp.float32),
            pltpu.SemaphoreType.DMA,
        ],
    )
    def k(h_hbm, idx_hbm, w_hbm, out_hbm, idxv, wv, gv, ov, sem):
        cid = jax.lax.axis_index("c")
        sid = jax.lax.axis_index("s")
        wid = sid * 2 + cid

        @pl.loop(0, nchunks)
        def _(c):
            base_row = wid * rpw + c * CB
            base_i = base_row * K
            pltpu.sync_copy(idx_hbm.at[pl.ds(base_i, ipc)], idxv)
            pltpu.sync_copy(w_hbm.at[pl.ds(base_i, ipc)], wv)
            pltpu.async_copy(h_hbm.at[idxv], gv, sem).wait()

            @pl.loop(0, CB)
            def _(r):
                acc = [jnp.zeros((16,), jnp.float32) for _ in range(4)]
                mx = [jnp.full((16,), -BIGV, jnp.float32) for _ in range(4)]
                wrow = wv[pl.ds(r * K, K)]
                for kk in range(K):
                    wk = wrow[kk]
                    for fb in range(4):
                        t = gv[r * K + kk, pl.ds(fb * 16, 16)] * wk
                        acc[fb] = acc[fb] + t
                        mx[fb] = jnp.maximum(mx[fb], t)
                for fb in range(4):
                    ov[r, pl.ds(fb * 16, 16)] = acc[fb] * (1.0 / K)
                    ov[r, pl.ds(PROP + fb * 16, 16)] = mx[fb]

            pltpu.sync_copy(ov, out_hbm.at[pl.ds(base_row, CB)])

    return k(h, idx_flat, w_flat)



def _gn_out(xp, agg, Wo1, Wo2, bo2):
    def body(x_ref, a_ref, w1_ref, w2_ref, b2_ref, o_ref):
        o_ref[...] = (_dot(x_ref[...], w1_ref[...])
                      + (_dot(a_ref[...], w2_ref[...]) + b2_ref[...]))
    return pl.pallas_call(
        body,
        out_shape=jax.ShapeDtypeStruct((xp.shape[0], Wo2.shape[1]), jnp.float32),
    )(xp, agg, Wo1, Wo2, bo2)



def kernel(x, fc1_W, fc1_b, fc2_W, fc2_b,
           g1_Ws, g1_bs, g1_Wh, g1_bh, g1_Wo1, g1_Wo2, g1_bo2,
           g2_Ws, g2_bs, g2_Wh, g2_bh, g2_Wo1, g2_Wo2, g2_bo2,
           g3_Ws, g3_bs, g3_Wh, g3_bh, g3_Wo1, g3_Wo2, g3_bo2,
           g4_Ws, g4_bs, g4_Wh, g4_bh, g4_Wo1, g4_Wo2, g4_bo2,
           fc3_W, fc3_b, fc4_W, fc4_b):
    n = x.shape[0]
    npad = -(-n // 512) * 512
    xp = jnp.pad(x, ((0, npad - n), (0, 0)))

    def r2(b):
        return b.reshape(1, -1)

    xc = _mlp_in(xp, fc1_W, r2(fc1_b), fc2_W, r2(fc2_b))

    layers = [
        (g1_Ws, g1_bs, g1_Wh, g1_bh, g1_Wo1, g1_Wo2, g1_bo2),
        (g2_Ws, g2_bs, g2_Wh, g2_bh, g2_Wo1, g2_Wo2, g2_bo2),
        (g3_Ws, g3_bs, g3_Wh, g3_bh, g3_Wo1, g3_Wo2, g3_bo2),
        (g4_Ws, g4_bs, g4_Wh, g4_bh, g4_Wo1, g4_Wo2, g4_bo2),
    ]
    for (Ws, bs, Wh, bh, Wo1, Wo2, bo2) in layers:
        Wsp = jnp.pad(Ws, ((0, 0), (0, 8 - Ws.shape[1])))
        bs8 = jnp.pad(bs, (0, 8 - bs.shape[0])).reshape(1, 8)
        Whp = jnp.pad(Wh, ((0, 0), (0, 128 - Wh.shape[1])))
        bhp = jnp.pad(bh, (0, 128 - bh.shape[0])).reshape(1, 128)
        s, h = _prep(xc, Wsp, bs8, Whp, bhp)
        s4 = s[:, :4]
        sq = jnp.sum(s4 * s4, axis=-1)
        npd = s.shape[0]
        sqr2 = sq.reshape(npd, 1)
        sqc = sq + jnp.where(jnp.arange(npd) >= n, PADV, 0.0)
        sqc8 = jnp.broadcast_to(sqc.reshape(1, npd), (8, npd))
        idx, v = _knn(s, sqr2, sqc8)
        w = jnp.exp(-10.0 * jnp.maximum(v, 0.0))
        agg = _agg(h, idx.reshape(-1), w.reshape(-1))
        xc = _gn_out(xc, agg, Wo1, Wo2, r2(bo2))

    y = _mlp_out(xc, fc3_W, r2(fc3_b), fc4_W, r2(fc4_b))
    return y[:n]

# --- scband reference (transcript-rebuilt; emitter-appended) ---
"""Pipeline reference for scband-grav-net-model-16767552323699 (READ-ONLY COPY).

The authoritative reference and input builder live on the scoring server;
editing this copy changes nothing except your own understanding.
"""

import jax, jax.numpy as jnp
import numpy as np

N = 10000
IN = 128
HID = 128
PROP = 64
SPACE = 4
K = 16
OUT = 128

GN_LAYERS = [("g1", HID), ("g2", 2 * PROP), ("g3", 2 * PROP), ("g4", 2 * PROP)]


def _lin(key, fan_in, fan_out, bias=True):
    k1, k2 = jax.random.split(key)
    lim = 1.0 / np.sqrt(fan_in)
    W = jax.random.uniform(k1, (fan_in, fan_out), minval=-lim, maxval=lim, dtype=jnp.float32)
    if not bias:
        return (W,)
    b = jax.random.uniform(k2, (fan_out,), minval=-lim, maxval=lim, dtype=jnp.float32)
    return W, b


def setup_inputs(seed=0) -> dict:
    key = jax.random.key(seed)
    keys = jax.random.split(key, 64)
    inp = {}
    inp["x"] = jax.random.normal(keys[0], (N, IN), dtype=jnp.float32)
    inp["fc1_W"], inp["fc1_b"] = _lin(keys[1], IN, HID)
    inp["fc2_W"], inp["fc2_b"] = _lin(keys[2], HID, HID)
    ki = 3
    for name, cin in GN_LAYERS:
        inp[name + "_Ws"], inp[name + "_bs"] = _lin(keys[ki], cin, SPACE); ki += 1
        inp[name + "_Wh"], inp[name + "_bh"] = _lin(keys[ki], cin, PROP); ki += 1
        inp[name + "_Wo1"] = _lin(keys[ki], cin, 2 * PROP, bias=False)[0]; ki += 1
        inp[name + "_Wo2"], inp[name + "_bo2"] = _lin(keys[ki], 2 * PROP, 2 * PROP); ki += 1
    inp["fc3_W"], inp["fc3_b"] = _lin(keys[ki], 2 * PROP, HID); ki += 1
    inp["fc4_W"], inp["fc4_b"] = _lin(keys[ki], HID, OUT)
    return inp


def _gravnet(x, Ws, bs, Wh, bh, Wo1, Wo2, bo2):
    # PyG GravNetConv: learned space embedding, kNN in that space (self included,
    # distance 0), gaussian edge weights exp(-10*d^2), mean+max aggregation of
    # weighted propagated features, then lin_out1(x) + lin_out2([mean, max]).
    s = x @ Ws + bs
    h = x @ Wh + bh
    sq = jnp.sum(s * s, axis=-1)
    d2 = sq[:, None] + sq[None, :] - 2.0 * (s @ s.T)
    neg_d2, idx = jax.lax.top_k(-d2, K)  # idx[i] = K nearest neighbors of node i (incl. self)
    d2_sel = jnp.maximum(-neg_d2, 0.0)
    w = jnp.exp(-10.0 * d2_sel)
    msgs = jnp.take(h, idx, axis=0) * w[..., None]  # [N, K, PROP]
    mean_agg = jnp.mean(msgs, axis=1)
    max_agg = jnp.max(msgs, axis=1)
    agg = jnp.concatenate([mean_agg, max_agg], axis=-1)
    return x @ Wo1 + (agg @ Wo2 + bo2)  # lin_out1 has no bias in PyG


def _forward(p):
    x = jax.nn.relu(p["x"] @ p["fc1_W"] + p["fc1_b"])
    x = jax.nn.relu(x @ p["fc2_W"] + p["fc2_b"])
    for name, _ in GN_LAYERS:
        x = _gravnet(x, p[name + "_Ws"], p[name + "_bs"], p[name + "_Wh"], p[name + "_bh"],
                     p[name + "_Wo1"], p[name + "_Wo2"], p[name + "_bo2"])
    x = jax.nn.relu(x @ p["fc3_W"] + p["fc3_b"])
    return x @ p["fc4_W"] + p["fc4_b"]


def reference(x, fc1_W, fc1_b, fc2_W, fc2_b,
              g1_Ws, g1_bs, g1_Wh, g1_bh, g1_Wo1, g1_Wo2, g1_bo2,
              g2_Ws, g2_bs, g2_Wh, g2_bh, g2_Wo1, g2_Wo2, g2_bo2,
              g3_Ws, g3_bs, g3_Wh, g3_bh, g3_Wo1, g3_Wo2, g3_bo2,
              g4_Ws, g4_bs, g4_Wh, g4_bh, g4_Wo1, g4_Wo2, g4_bo2,
              fc3_W, fc3_b, fc4_W, fc4_b):
    p = dict(locals())
    return _forward(p)

if __name__ == "__main__":
    import jax
    _d = setup_inputs()
    print(jax.jit(kernel)(*tuple(_d.values())))

</pallas_src>

<mosaic_0001>
#map = affine_map<(d0, d1) -> (0, 0)>
#map1 = affine_map<(d0, d1) -> (0)>
module attributes {stable_mosaic.version = 14 : i64} {
  func.func @k(%arg0: i32, %arg1: i32, %arg2: memref<10240x128xf32, #tpu.memory_space<hbm>>, %arg3: memref<163840xi32, #tpu.memory_space<hbm>>, %arg4: memref<163840xf32, #tpu.memory_space<hbm>>, %arg5: memref<10240x128xf32, #tpu.memory_space<hbm>>, %arg6: memref<256xi32, #tpu.memory_space<vmem>>, %arg7: memref<256xf32, #tpu.memory_space<vmem>>, %arg8: memref<256x128xf32, #tpu.memory_space<vmem>>, %arg9: memref<16x128xf32, #tpu.memory_space<vmem>>, %arg10: memref<!tpu.dma_semaphore, #tpu.memory_space<semaphore_mem>>) attributes {dimension_semantics = [#tpu.dimension_semantics<core_parallel>, #tpu.dimension_semantics<subcore_parallel>], iteration_bounds = array<i64: 2, 16>, scalar_prefetch = 0 : i64, scratch_operands = 5 : i64, tpu.core_type = #tpu.core_type<sc_vector_subcore>, window_params = [{transform_indices = #map}, {transform_indices = #map1}, {transform_indices = #map1}, {transform_indices = #map}]} {
    %mul3A = arith.constant 2 : i32
    %mul3A_0 = arith.muli %arg1, %mul3A : i32
    %add3A = arith.addi %mul3A_0, %arg0 : i32
    %scan3A = arith.constant 0 : i32
    %scan3A_1 = arith.constant 20 : i32
    %scan3A_2 = arith.addi %scan3A, %scan3A_1 : i32
    %scan3A_3 = arith.constant 1 : i32
    scf.for %scan3A_5 = %scan3A to %scan3A_2 step %scan3A_3  : i32 {
      %mul3A_6 = arith.constant 1 : i32
      %mul3A_7 = arith.muli %scan3A_5, %mul3A_6 : i32
      %add3A_8 = arith.constant 0 : i32
      %add3A_9 = arith.addi %add3A_8, %mul3A_7 : i32
      %mul3A_10 = arith.constant 320 : i32
      %mul3A_11 = arith.muli %add3A, %mul3A_10 : i32
      %mul3A_12 = arith.constant 16 : i32
      %mul3A_13 = arith.muli %add3A_9, %mul3A_12 : i32
      %add3A_14 = arith.addi %mul3A_11, %mul3A_13 : i32
      %mul3A_15 = arith.constant 16 : i32
      %mul3A_16 = arith.muli %add3A_14, %mul3A_15 : i32
      "tpu.region"() ({
        %run_scoped3A = tpu.sem_alloc : memref<!tpu.dma_semaphore, #tpu.memory_space<semaphore_mem>>
        %dma_start3A_26 = tpu.memref_slice %arg3[%mul3A_16] : memref<163840xi32, #tpu.memory_space<hbm>> -> memref<256xi32, #tpu.memory_space<hbm>>
        %dma_start3A_27 = tpu.memref_slice %arg3[%mul3A_16] : memref<163840xi32, #tpu.memory_space<hbm>> -> memref<256xi32, #tpu.memory_space<hbm>>
        tpu.enqueue_dma source(%dma_start3A_27 : memref<256xi32, #tpu.memory_space<hbm>>) target(%arg6 : memref<256xi32, #tpu.memory_space<vmem>>) target_semaphore(%run_scoped3A : memref<!tpu.dma_semaphore, #tpu.memory_space<semaphore_mem>>)
        %dma_wait3A_28 = tpu.memref_slice %arg3[%mul3A_16] : memref<163840xi32, #tpu.memory_space<hbm>> -> memref<256xi32, #tpu.memory_space<hbm>>
        %dma_wait3A_29 = tpu.memref_slice %arg3[%mul3A_16] : memref<163840xi32, #tpu.memory_space<hbm>> -> memref<256xi32, #tpu.memory_space<hbm>>
        tpu.wait_dma2 semaphore(%run_scoped3A : memref<!tpu.dma_semaphore, #tpu.memory_space<semaphore_mem>>) src(%dma_wait3A_29 : memref<256xi32, #tpu.memory_space<hbm>>) dst(%arg6 : memref<256xi32, #tpu.memory_space<vmem>>)
        tpu.yield
      }) : () -> ()
      "tpu.region"() ({
        %run_scoped3A = tpu.sem_alloc : memref<!tpu.dma_semaphore, #tpu.memory_space<semaphore_mem>>
        %dma_start3A_26 = tpu.memref_slice %arg4[%mul3A_16] : memref<163840xf32, #tpu.memory_space<hbm>> -> memref<256xf32, #tpu.memory_space<hbm>>
        %dma_start3A_27 = tpu.memref_slice %arg4[%mul3A_16] : memref<163840xf32, #tpu.memory_space<hbm>> -> memref<256xf32, #tpu.memory_space<hbm>>
        tpu.enqueue_dma source(%dma_start3A_27 : memref<256xf32, #tpu.memory_space<hbm>>) target(%arg7 : memref<256xf32, #tpu.memory_space<vmem>>) target_semaphore(%run_scoped3A : memref<!tpu.dma_semaphore, #tpu.memory_space<semaphore_mem>>)
        %dma_wait3A_28 = tpu.memref_slice %arg4[%mul3A_16] : memref<163840xf32, #tpu.memory_space<hbm>> -> memref<256xf32, #tpu.memory_space<hbm>>
        %dma_wait3A_29 = tpu.memref_slice %arg4[%mul3A_16] : memref<163840xf32, #tpu.memory_space<hbm>> -> memref<256xf32, #tpu.memory_space<hbm>>
        tpu.wait_dma2 semaphore(%run_scoped3A : memref<!tpu.dma_semaphore, #tpu.memory_space<semaphore_mem>>) src(%dma_wait3A_29 : memref<256xf32, #tpu.memory_space<hbm>>) dst(%arg7 : memref<256xf32, #tpu.memory_space<vmem>>)
        tpu.yield
      }) : () -> ()
      %dma_start3A = arith.constant 0 : i32
      %dma_start3A_17 = arith.constant 0 : i32
      %dma_start3A_18 = tpu.memref_slice %arg2[%dma_start3A, %dma_start3A_17] : memref<10240x128xf32, #tpu.memory_space<hbm>> -> memref<10240x128xf32, #tpu.memory_space<hbm>>
      tpu.enqueue_indirect_dma source(%dma_start3A_18 : memref<10240x128xf32, #tpu.memory_space<hbm>>) target(%arg8 : memref<256x128xf32, #tpu.memory_space<vmem>>) offsets(%arg6 : memref<256xi32, #tpu.memory_space<vmem>>) semaphore(%arg10 : memref<!tpu.dma_semaphore, #tpu.memory_space<semaphore_mem>>)
      %dma_wait3A = arith.constant 0 : i32
      %dma_wait3A_19 = arith.constant 0 : i32
      %dma_wait3A_20 = tpu.memref_slice %arg2[%dma_wait3A, %dma_wait3A_19] : memref<10240x128xf32, #tpu.memory_space<hbm>> -> memref<10240x128xf32, #tpu.memory_space<hbm>>
      tpu.wait_indirect_dma semaphore(%arg10 : memref<!tpu.dma_semaphore, #tpu.memory_space<semaphore_mem>>) src(%dma_wait3A_20 : memref<10240x128xf32, #tpu.memory_space<hbm>>) dst(%arg8 : memref<256x128xf32, #tpu.memory_space<vmem>>)
      %scan3A_21 = arith.constant 0 : i32
      %scan3A_22 = arith.constant 16 : i32
      %scan3A_23 = arith.addi %scan3A_21, %scan3A_22 : i32
      %scan3A_24 = arith.constant 1 : i32
      scf.for %scan3A_26 = %scan3A_21 to %scan3A_23 step %scan3A_24  : i32 {
        %mul3A_27 = arith.constant 1 : i32
        %mul3A_28 = arith.muli %scan3A_26, %mul3A_27 : i32
        %add3A_29 = arith.constant 0 : i32
        %add3A_30 = arith.addi %add3A_29, %mul3A_28 : i32
        %broadcast_in_dim3A = arith.constant 0.000000e+00 : f32
        %broadcast_in_dim3A_31 = vector.broadcast %broadcast_in_dim3A : f32 to vector<16xf32>
        %broadcast_in_dim3A_32 = arith.constant 0.000000e+00 : f32
        %broadcast_in_dim3A_33 = vector.broadcast %broadcast_in_dim3A_32 : f32 to vector<16xf32>
        %broadcast_in_dim3A_34 = arith.constant 0.000000e+00 : f32
        %broadcast_in_dim3A_35 = vector.broadcast %broadcast_in_dim3A_34 : f32 to vector<16xf32>
        %broadcast_in_dim3A_36 = arith.constant 0.000000e+00 : f32
        %broadcast_in_dim3A_37 = vector.broadcast %broadcast_in_dim3A_36 : f32 to vector<16xf32>
        %broadcast_in_dim3A_38 = arith.constant -3.000000e+38 : f32
        %broadcast_in_dim3A_39 = vector.broadcast %broadcast_in_dim3A_38 : f32 to vector<16xf32>
        %broadcast_in_dim3A_40 = arith.constant -3.000000e+38 : f32
        %broadcast_in_dim3A_41 = vector.broadcast %broadcast_in_dim3A_40 : f32 to vector<16xf32>
        %broadcast_in_dim3A_42 = arith.constant -3.000000e+38 : f32
        %broadcast_in_dim3A_43 = vector.broadcast %broadcast_in_dim3A_42 : f32 to vector<16xf32>
        %broadcast_in_dim3A_44 = arith.constant -3.000000e+38 : f32
        %broadcast_in_dim3A_45 = vector.broadcast %broadcast_in_dim3A_44 : f32 to vector<16xf32>
        %mul3A_46 = arith.constant 16 : i32
        %mul3A_47 = arith.muli %add3A_30, %mul3A_46 : i32
        %get3A = arith.index_cast %mul3A_47 : i32 to index
        %get3A_48 = tpu.vector_load %arg7[%get3A] {strides = array<i32>} : memref<256xf32, #tpu.memory_space<vmem>>, vector<16xf32>,
        %get3A_49 = vector.shape_cast %get3A_48 : vector<16xf32> to vector<16xf32>
        %slice3A = vector.extract_strided_slice %get3A_49 {offsets = [0], sizes = [1], strides = [1]} : vector<16xf32> to vector<1xf32>
        %squeeze3A = vector.extract %slice3A[0] : f32 from vector<1xf32>
        %mul3A_50 = arith.constant 16 : i32
        %mul3A_51 = arith.muli %add3A_30, %mul3A_50 : i32
        %add3A_52 = arith.constant 0 : i32
        %add3A_53 = arith.addi %mul3A_51, %add3A_52 : i32
        %get3A_54 = arith.index_cast %add3A_53 : i32 to index
        %get3A_55 = arith.constant 0 : index
        %get3A_56 = tpu.vector_load %arg8[%get3A_54, %get3A_55] {strides = array<i32>} : memref<256x128xf32, #tpu.memory_space<vmem>>, vector<1x16xf32>,
        %get3A_57 = vector.shape_cast %get3A_56 : vector<1x16xf32> to vector<16xf32>
        %mul3A_58 = vector.broadcast %squeeze3A : f32 to vector<16xf32>
        %mul3A_59 = arith.mulf %get3A_57, %mul3A_58 : vector<16xf32>
        %add3A_60 = arith.addf %broadcast_in_dim3A_31, %mul3A_59 : vector<16xf32>
        %max3A = arith.maximumf %broadcast_in_dim3A_39, %mul3A_59 : vector<16xf32>
        %mul3A_61 = arith.constant 16 : i32
        %mul3A_62 = arith.muli %add3A_30, %mul3A_61 : i32
        %add3A_63 = arith.constant 0 : i32
        %add3A_64 = arith.addi %mul3A_62, %add3A_63 : i32
        %get3A_65 = arith.index_cast %add3A_64 : i32 to index
        %get3A_66 = arith.constant 16 : index
        %get3A_67 = tpu.vector_load %arg8[%get3A_65, %get3A_66] {strides = array<i32>} : memref<256x128xf32, #tpu.memory_space<vmem>>, vector<1x16xf32>,
        %get3A_68 = vector.shape_cast %get3A_67 : vector<1x16xf32> to vector<16xf32>
        %mul3A_69 = vector.broadcast %squeeze3A : f32 to vector<16xf32>
        %mul3A_70 = arith.mulf %get3A_68, %mul3A_69 : vector<16xf32>
        %add3A_71 = arith.addf %broadcast_in_dim3A_33, %mul3A_70 : vector<16xf32>
        %max3A_72 = arith.maximumf %broadcast_in_dim3A_41, %mul3A_70 : vector<16xf32>
        %mul3A_73 = arith.constant 16 : i32
        %mul3A_74 = arith.muli %add3A_30, %mul3A_73 : i32
        %add3A_75 = arith.constant 0 : i32
        %add3A_76 = arith.addi %mul3A_74, %add3A_75 : i32
        %get3A_77 = arith.index_cast %add3A_76 : i32 to index
        %get3A_78 = arith.constant 32 : index
        %get3A_79 = tpu.vector_load %arg8[%get3A_77, %get3A_78] {strides = array<i32>} : memref<256x128xf32, #tpu.memory_space<vmem>>, vector<1x16xf32>,
        %get3A_80 = vector.shape_cast %get3A_79 : vector<1x16xf32> to vector<16xf32>
        %mul3A_81 = vector.broadcast %squeeze3A : f32 to vector<16xf32>
        %mul3A_82 = arith.mulf %get3A_80, %mul3A_81 : vector<16xf32>
        %add3A_83 = arith.addf %broadcast_in_dim3A_35, %mul3A_82 : vector<16xf32>
        %max3A_84 = arith.maximumf %broadcast_in_dim3A_43, %mul3A_82 : vector<16xf32>
        %mul3A_85 = arith.constant 16 : i32
        %mul3A_86 = arith.muli %add3A_30, %mul3A_85 : i32
        %add3A_87 = arith.constant 0 : i32
        %add3A_88 = arith.addi %mul3A_86, %add3A_87 : i32
        %get3A_89 = arith.index_cast %add3A_88 : i32 to index
        %get3A_90 = arith.constant 48 : index
        %get3A_91 = tpu.vector_load %arg8[%get3A_89, %get3A_90] {strides = array<i32>} : memref<256x128xf32, #tpu.memory_space<vmem>>, vector<1x16xf32>,
        %get3A_92 = vector.shape_cast %get3A_91 : vector<1x16xf32> to vector<16xf32>
        %mul3A_93 = vector.broadcast %squeeze3A : f32 to vector<16xf32>
        %mul3A_94 = arith.mulf %get3A_92, %mul3A_93 : vector<16xf32>
        %add3A_95 = arith.addf %broadcast_in_dim3A_37, %mul3A_94 : vector<16xf32>
        %max3A_96 = arith.maximumf %broadcast_in_dim3A_45, %mul3A_94 : vector<16xf32>
        %slice3A_97 = vector.extract_strided_slice %get3A_49 {offsets = [1], sizes = [1], strides = [1]} : vector<16xf32> to vector<1xf32>
        %squeeze3A_98 = vector.extract %slice3A_97[0] : f32 from vector<1xf32>
        %mul3A_99 = arith.constant 16 : i32
        %mul3A_100 = arith.muli %add3A_30, %mul3A_99 : i32
        %add3A_101 = arith.constant 1 : i32
        %add3A_102 = arith.addi %mul3A_100, %add3A_101 : i32
        %get3A_103 = arith.index_cast %add3A_102 : i32 to index
        %get3A_104 = arith.constant 0 : index
        %get3A_105 = tpu.vector_load %arg8[%get3A_103, %get3A_104] {strides = array<i32>} : memref<256x128xf32, #tpu.memory_space<vmem>>, vector<1x16xf32>,
        %get3A_106 = vector.shape_cast %get3A_105 : vector<1x16xf32> to vector<16xf32>
        %mul3A_107 = vector.broadcast %squeeze3A_98 : f32 to vector<16xf32>
        %mul3A_108 = arith.mulf %get3A_106, %mul3A_107 : vector<16xf32>
        %add3A_109 = arith.addf %add3A_60, %mul3A_108 : vector<16xf32>
        %max3A_110 = arith.maximumf %max3A, %mul3A_108 : vector<16xf32>
        %mul3A_111 = arith.constant 16 : i32
        %mul3A_112 = arith.muli %add3A_30, %mul3A_111 : i32
        %add3A_113 = arith.constant 1 : i32
        %add3A_114 = arith.addi %mul3A_112, %add3A_113 : i32
        %get3A_115 = arith.index_cast %add3A_114 : i32 to index
        %get3A_116 = arith.constant 16 : index
        %get3A_117 = tpu.vector_load %arg8[%get3A_115, %get3A_116] {strides = array<i32>} : memref<256x128xf32, #tpu.memory_space<vmem>>, vector<1x16xf32>,
        %get3A_118 = vector.shape_cast %get3A_117 : vector<1x16xf32> to vector<16xf32>
        %mul3A_119 = vector.broadcast %squeeze3A_98 : f32 to vector<16xf32>
        %mul3A_120 = arith.mulf %get3A_118, %mul3A_119 : vector<16xf32>
        %add3A_121 = arith.addf %add3A_71, %mul3A_120 : vector<16xf32>
        %max3A_122 = arith.maximumf %max3A_72, %mul3A_120 : vector<16xf32>
        %mul3A_123 = arith.constant 16 : i32
        %mul3A_124 = arith.muli %add3A_30, %mul3A_123 : i32
        %add3A_125 = arith.constant 1 : i32
        %add3A_126 = arith.addi %mul3A_124, %add3A_125 : i32
        %get3A_127 = arith.index_cast %add3A_126 : i32 to index
        %get3A_128 = arith.constant 32 : index
        %get3A_129 = tpu.vector_load %arg8[%get3A_127, %get3A_128] {strides = array<i32>} : memref<256x128xf32, #tpu.memory_space<vmem>>, vector<1x16xf32>,
        %get3A_130 = vector.shape_cast %get3A_129 : vector<1x16xf32> to vector<16xf32>
        %mul3A_131 = vector.broadcast %squeeze3A_98 : f32 to vector<16xf32>
        %mul3A_132 = arith.mulf %get3A_130, %mul3A_131 : vector<16xf32>
        %add3A_133 = arith.addf %add3A_83, %mul3A_132 : vector<16xf32>
        %max3A_134 = arith.maximumf %max3A_84, %mul3A_132 : vector<16xf32>
        %mul3A_135 = arith.constant 16 : i32
        %mul3A_136 = arith.muli %add3A_30, %mul3A_135 : i32
        %add3A_137 = arith.constant 1 : i32
        %add3A_138 = arith.addi %mul3A_136, %add3A_137 : i32
        %get3A_139 = arith.index_cast %add3A_138 : i32 to index
        %get3A_140 = arith.constant 48 : index
        %get3A_141 = tpu.vector_load %arg8[%get3A_139, %get3A_140] {strides = array<i32>} : memref<256x128xf32, #tpu.memory_space<vmem>>, vector<1x16xf32>,
        %get3A_142 = vector.shape_cast %get3A_141 : vector<1x16xf32> to vector<16xf32>
        %mul3A_143 = vector.broadcast %squeeze3A_98 : f32 to vector<16xf32>
        %mul3A_144 = arith.mulf %get3A_142, %mul3A_143 : vector<16xf32>
        %add3A_145 = arith.addf %add3A_95, %mul3A_144 : vector<16xf32>
        %max3A_146 = arith.maximumf %max3A_96, %mul3A_144 : vector<16xf32>
        %slice3A_147 = vector.extract_strided_slice %get3A_49 {offsets = [2], sizes = [1], strides = [1]} : vector<16xf32> to vector<1xf32>
        %squeeze3A_148 = vector.extract %slice3A_147[0] : f32 from vector<1xf32>
        %mul3A_149 = arith.constant 16 : i32
        %mul3A_150 = arith.muli %add3A_30, %mul3A_149 : i32
        %add3A_151 = arith.constant 2 : i32
        %add3A_152 = arith.addi %mul3A_150, %add3A_151 : i32
        %get3A_153 = arith.index_cast %add3A_152 : i32 to index
        %get3A_154 = arith.constant 0 : index
        %get3A_155 = tpu.vector_load %arg8[%get3A_153, %get3A_154] {strides = array<i32>} : memref<256x128xf32, #tpu.memory_space<vmem>>, vector<1x16xf32>,
        %get3A_156 = vector.shape_cast %get3A_155 : vector<1x16xf32> to vector<16xf32>
        %mul3A_157 = vector.broadcast %squeeze3A_148 : f32 to vector<16xf32>
        %mul3A_158 = arith.mulf %get3A_156, %mul3A_157 : vector<16xf32>
        %add3A_159 = arith.addf %add3A_109, %mul3A_158 : vector<16xf32>
        %max3A_160 = arith.maximumf %max3A_110, %mul3A_158 : vector<16xf32>
        %mul3A_161 = arith.constant 16 : i32
        %mul3A_162 = arith.muli %add3A_30, %mul3A_161 : i32
        %add3A_163 = arith.constant 2 : i32
        %add3A_164 = arith.addi %mul3A_162, %add3A_163 : i32
        %get3A_165 = arith.index_cast %add3A_164 : i32 to index
        %get3A_166 = arith.constant 16 : index
        %get3A_167 = tpu.vector_load %arg8[%get3A_165, %get3A_166] {strides = array<i32>} : memref<256x128xf32, #tpu.memory_space<vmem>>, vector<1x16xf32>,
        %get3A_168 = vector.shape_cast %get3A_167 : vector<1x16xf32> to vector<16xf32>
        %mul3A_169 = vector.broadcast %squeeze3A_148 : f32 to vector<16xf32>
        %mul3A_170 = arith.mulf %get3A_168, %mul3A_169 : vector<16xf32>
        %add3A_171 = arith.addf %add3A_121, %mul3A_170 : vector<16xf32>
        %max3A_172 = arith.maximumf %max3A_122, %mul3A_170 : vector<16xf32>
        %mul3A_173 = arith.constant 16 : i32
        %mul3A_174 = arith.muli %add3A_30, %mul3A_173 : i32
        %add3A_175 = arith.constant 2 : i32
        %add3A_176 = arith.addi %mul3A_174, %add3A_175 : i32
        %get3A_177 = arith.index_cast %add3A_176 : i32 to index
        %get3A_178 = arith.constant 32 : index
        %get3A_179 = tpu.vector_load %arg8[%get3A_177, %get3A_178] {strides = array<i32>} : memref<256x128xf32, #tpu.memory_space<vmem>>, vector<1x16xf32>,
        %get3A_180 = vector.shape_cast %get3A_179 : vector<1x16xf32> to vector<16xf32>
        %mul3A_181 = vector.broadcast %squeeze3A_148 : f32 to vector<16xf32>
        %mul3A_182 = arith.mulf %get3A_180, %mul3A_181 : vector<16xf32>
        %add3A_183 = arith.addf %add3A_133, %mul3A_182 : vector<16xf32>
        %max3A_184 = arith.maximumf %max3A_134, %mul3A_182 : vector<16xf32>
        %mul3A_185 = arith.constant 16 : i32
        %mul3A_186 = arith.muli %add3A_30, %mul3A_185 : i32
        %add3A_187 = arith.constant 2 : i32
        %add3A_188 = arith.addi %mul3A_186, %add3A_187 : i32
        %get3A_189 = arith.index_cast %add3A_188 : i32 to index
        %get3A_190 = arith.constant 48 : index
        %get3A_191 = tpu.vector_load %arg8[%get3A_189, %get3A_190] {strides = array<i32>} : memref<256x128xf32, #tpu.memory_space<vmem>>, vector<1x16xf32>,
        %get3A_192 = vector.shape_cast %get3A_191 : vector<1x16xf32> to vector<16xf32>
        %mul3A_193 = vector.broadcast %squeeze3A_148 : f32 to vector<16xf32>
        %mul3A_194 = arith.mulf %get3A_192, %mul3A_193 : vector<16xf32>
        %add3A_195 = arith.addf %add3A_145, %mul3A_194 : vector<16xf32>
        %max3A_196 = arith.maximumf %max3A_146, %mul3A_194 : vector<16xf32>
        %slice3A_197 = vector.extract_strided_slice %get3A_49 {offsets = [3], sizes = [1], strides = [1]} : vector<16xf32> to vector<1xf32>
        %squeeze3A_198 = vector.extract %slice3A_197[0] : f32 from vector<1xf32>
        %mul3A_199 = arith.constant 16 : i32
        %mul3A_200 = arith.muli %add3A_30, %mul3A_199 : i32
        %add3A_201 = arith.constant 3 : i32
        %add3A_202 = arith.addi %mul3A_200, %add3A_201 : i32
        %get3A_203 = arith.index_cast %add3A_202 : i32 to index
        %get3A_204 = arith.constant 0 : index
        %get3A_205 = tpu.vector_load %arg8[%get3A_203, %get3A_204] {strides = array<i32>} : memref<256x128xf32, #tpu.memory_space<vmem>>, vector<1x16xf32>,
        %get3A_206 = vector.shape_cast %get3A_205 : vector<1x16xf32> to vector<16xf32>
        %mul3A_207 = vector.broadcast %squeeze3A_198 : f32 to vector<16xf32>
        %mul3A_208 = arith.mulf %get3A_206, %mul3A_207 : vector<16xf32>
        %add3A_209 = arith.addf %add3A_159, %mul3A_208 : vector<16xf32>
        %max3A_210 = arith.maximumf %max3A_160, %mul3A_208 : vector<16xf32>
        %mul3A_211 = arith.constant 16 : i32
        %mul3A_212 = arith.muli %add3A_30, %mul3A_211 : i32
        %add3A_213 = arith.constant 3 : i32
        %add3A_214 = arith.addi %mul3A_212, %add3A_213 : i32
        %get3A_215 = arith.index_cast %add3A_214 : i32 to index
        %get3A_216 = arith.constant 16 : index
        %get3A_217 = tpu.vector_load %arg8[%get3A_215, %get3A_216] {strides = array<i32>} : memref<256x128xf32, #tpu.memory_space<vmem>>, vector<1x16xf32>,
        %get3A_218 = vector.shape_cast %get3A_217 : vector<1x16xf32> to vector<16xf32>
        %mul3A_219 = vector.broadcast %squeeze3A_198 : f32 to vector<16xf32>
        %mul3A_220 = arith.mulf %get3A_218, %mul3A_219 : vector<16xf32>
        %add3A_221 = arith.addf %add3A_171, %mul3A_220 : vector<16xf32>
        %max3A_222 = arith.maximumf %max3A_172, %mul3A_220 : vector<16xf32>
        %mul3A_223 = arith.constant 16 : i32
        %mul3A_224 = arith.muli %add3A_30, %mul3A_223 : i32
        %add3A_225 = arith.constant 3 : i32
        %add3A_226 = arith.addi %mul3A_224, %add3A_225 : i32
        %get3A_227 = arith.index_cast %add3A_226 : i32 to index
        %get3A_228 = arith.constant 32 : index
        %get3A_229 = tpu.vector_load %arg8[%get3A_227, %get3A_228] {strides = array<i32>} : memref<256x128xf32, #tpu.memory_space<vmem>>, vector<1x16xf32>,
        %get3A_230 = vector.shape_cast %get3A_229 : vector<1x16xf32> to vector<16xf32>
        %mul3A_231 = vector.broadcast %squeeze3A_198 : f32 to vector<16xf32>
        %mul3A_232 = arith.mulf %get3A_230, %mul3A_231 : vector<16xf32>
        %add3A_233 = arith.addf %add3A_183, %mul3A_232 : vector<16xf32>
        %max3A_234 = arith.maximumf %max3A_184, %mul3A_232 : vector<16xf32>
        %mul3A_235 = arith.constant 16 : i32
        %mul3A_236 = arith.muli %add3A_30, %mul3A_235 : i32
        %add3A_237 = arith.constant 3 : i32
        %add3A_238 = arith.addi %mul3A_236, %add3A_237 : i32
        %get3A_239 = arith.index_cast %add3A_238 : i32 to index
        %get3A_240 = arith.constant 48 : index
        %get3A_241 = tpu.vector_load %arg8[%get3A_239, %get3A_240] {strides = array<i32>} : memref<256x128xf32, #tpu.memory_space<vmem>>, vector<1x16xf32>,
        %get3A_242 = vector.shape_cast %get3A_241 : vector<1x16xf32> to vector<16xf32>
        %mul3A_243 = vector.broadcast %squeeze3A_198 : f32 to vector<16xf32>
        %mul3A_244 = arith.mulf %get3A_242, %mul3A_243 : vector<16xf32>
        %add3A_245 = arith.addf %add3A_195, %mul3A_244 : vector<16xf32>
        %max3A_246 = arith.maximumf %max3A_196, %mul3A_244 : vector<16xf32>
        %slice3A_247 = vector.extract_strided_slice %get3A_49 {offsets = [4], sizes = [1], strides = [1]} : vector<16xf32> to vector<1xf32>
        %squeeze3A_248 = vector.extract %slice3A_247[0] : f32 from vector<1xf32>
        %mul3A_249 = arith.constant 16 : i32
        %mul3A_250 = arith.muli %add3A_30, %mul3A_249 : i32
        %add3A_251 = arith.constant 4 : i32
        %add3A_252 = arith.addi %mul3A_250, %add3A_251 : i32
        %get3A_253 = arith.index_cast %add3A_252 : i32 to index
        %get3A_254 = arith.constant 0 : index
        %get3A_255 = tpu.vector_load %arg8[%get3A_253, %get3A_254] {strides = array<i32>} : memref<256x128xf32, #tpu.memory_space<vmem>>, vector<1x16xf32>,
        %get3A_256 = vector.shape_cast %get3A_255 : vector<1x16xf32> to vector<16xf32>
        %mul3A_257 = vector.broadcast %squeeze3A_248 : f32 to vector<16xf32>
        %mul3A_258 = arith.mulf %get3A_256, %mul3A_257 : vector<16xf32>
        %add3A_259 = arith.addf %add3A_209, %mul3A_258 : vector<16xf32>
        %max3A_260 = arith.maximumf %max3A_210, %mul3A_258 : vector<16xf32>
        %mul3A_261 = arith.constant 16 : i32
        %mul3A_262 = arith.muli %add3A_30, %mul3A_261 : i32
        %add3A_263 = arith.constant 4 : i32
        %add3A_264 = arith.addi %mul3A_262, %add3A_263 : i32
        %get3A_265 = arith.index_cast %add3A_264 : i32 to index
        %get3A_266 = arith.constant 16 : index
        %get3A_267 = tpu.vector_load %arg8[%get3A_265, %get3A_266] {strides = array<i32>} : memref<256x128xf32, #tpu.memory_space<vmem>>, vector<1x16xf32>,
        %get3A_268 = vector.shape_cast %get3A_267 : vector<1x16xf32> to vector<16xf32>
        %mul3A_269 = vector.broadcast %squeeze3A_248 : f32 to vector<16xf32>
        %mul3A_270 = arith.mulf %get3A_268, %mul3A_269 : vector<16xf32>
        %add3A_271 = arith.addf %add3A_221, %mul3A_270 : vector<16xf32>
        %max3A_272 = arith.maximumf %max3A_222, %mul3A_270 : vector<16xf32>
        %mul3A_273 = arith.constant 16 : i32
        %mul3A_274 = arith.muli %add3A_30, %mul3A_273 : i32
        %add3A_275 = arith.constant 4 : i32
        %add3A_276 = arith.addi %mul3A_274, %add3A_275 : i32
        %get3A_277 = arith.index_cast %add3A_276 : i32 to index
        %get3A_278 = arith.constant 32 : index
        %get3A_279 = tpu.vector_load %arg8[%get3A_277, %get3A_278] {strides = array<i32>} : memref<256x128xf32, #tpu.memory_space<vmem>>, vector<1x16xf32>,
        %get3A_280 = vector.shape_cast %get3A_279 : vector<1x16xf32> to vector<16xf32>
        %mul3A_281 = vector.broadcast %squeeze3A_248 : f32 to vector<16xf32>
        %mul3A_282 = arith.mulf %get3A_280, %mul3A_281 : vector<16xf32>
        %add3A_283 = arith.addf %add3A_233, %mul3A_282 : vector<16xf32>
        %max3A_284 = arith.maximumf %max3A_234, %mul3A_282 : vector<16xf32>
        %mul3A_285 = arith.constant 16 : i32
        %mul3A_286 = arith.muli %add3A_30, %mul3A_285 : i32
        %add3A_287 = arith.constant 4 : i32
        %add3A_288 = arith.addi %mul3A_286, %add3A_287 : i32
        %get3A_289 = arith.index_cast %add3A_288 : i32 to index
        %get3A_290 = arith.constant 48 : index
        %get3A_291 = tpu.vector_load %arg8[%get3A_289, %get3A_290] {strides = array<i32>} : memref<256x128xf32, #tpu.memory_space<vmem>>, vector<1x16xf32>,
        %get3A_292 = vector.shape_cast %get3A_291 : vector<1x16xf32> to vector<16xf32>
        %mul3A_293 = vector.broadcast %squeeze3A_248 : f32 to vector<16xf32>
        %mul3A_294 = arith.mulf %get3A_292, %mul3A_293 : vector<16xf32>
        %add3A_295 = arith.addf %add3A_245, %mul3A_294 : vector<16xf32>
        %max3A_296 = arith.maximumf %max3A_246, %mul3A_294 : vector<16xf32>
        %slice3A_297 = vector.extract_strided_slice %get3A_49 {offsets = [5], sizes = [1], strides = [1]} : vector<16xf32> to vector<1xf32>
        %squeeze3A_298 = vector.extract %slice3A_297[0] : f32 from vector<1xf32>
        %mul3A_299 = arith.constant 16 : i32
        %mul3A_300 = arith.muli %add3A_30, %mul3A_299 : i32
        %add3A_301 = arith.constant 5 : i32
        %add3A_302 = arith.addi %mul3A_300, %add3A_301 : i32
        %get3A_303 = arith.index_cast %add3A_302 : i32 to index
        %get3A_304 = arith.constant 0 : index
        %get3A_305 = tpu.vector_load %arg8[%get3A_303, %get3A_304] {strides = array<i32>} : memref<256x128xf32, #tpu.memory_space<vmem>>, vector<1x16xf32>,
        %get3A_306 = vector.shape_cast %get3A_305 : vector<1x16xf32> to vector<16xf32>
        %mul3A_307 = vector.broadcast %squeeze3A_298 : f32 to vector<16xf32>
        %mul3A_308 = arith.mulf %get3A_306, %mul3A_307 : vector<16xf32>
        %add3A_309 = arith.addf %add3A_259, %mul3A_308 : vector<16xf32>
        %max3A_310 = arith.maximumf %max3A_260, %mul3A_308 : vector<16xf32>
        %mul3A_311 = arith.constant 16 : i32
        %mul3A_312 = arith.muli %add3A_30, %mul3A_311 : i32
        %add3A_313 = arith.constant 5 : i32
        %add3A_314 = arith.addi %mul3A_312, %add3A_313 : i32
        %get3A_315 = arith.index_cast %add3A_314 : i32 to index
        %get3A_316 = arith.constant 16 : index
        %get3A_317 = tpu.vector_load %arg8[%get3A_315, %get3A_316] {strides = array<i32>} : memref<256x128xf32, #tpu.memory_space<vmem>>, vector<1x16xf32>,
        %get3A_318 = vector.shape_cast %get3A_317 : vector<1x16xf32> to vector<16xf32>
        %mul3A_319 = vector.broadcast %squeeze3A_298 : f32 to vector<16xf32>
        %mul3A_320 = arith.mulf %get3A_318, %mul3A_319 : vector<16xf32>
        %add3A_321 = arith.addf %add3A_271, %mul3A_320 : vector<16xf32>
        %max3A_322 = arith.maximumf %max3A_272, %mul3A_320 : vector<16xf32>
        %mul3A_323 = arith.constant 16 : i32
        %mul3A_324 = arith.muli %add3A_30, %mul3A_323 : i32
        %add3A_325 = arith.constant 5 : i32
        %add3A_326 = arith.addi %mul3A_324, %add3A_325 : i32
        %get3A_327 = arith.index_cast %add3A_326 : i32 to index
        %get3A_328 = arith.constant 32 : index
        %get3A_329 = tpu.vector_load %arg8[%get3A_327, %get3A_328] {strides = array<i32>} : memref<256x128xf32, #tpu.memory_space<vmem>>, vector<1x16xf32>,
        %get3A_330 = vector.shape_cast %get3A_329 : vector<1x16xf32> to vector<16xf32>
        %mul3A_331 = vector.broadcast %squeeze3A_298 : f32 to vector<16xf32>
        %mul3A_332 = arith.mulf %get3A_330, %mul3A_331 : vector<16xf32>
        %add3A_333 = arith.addf %add3A_283, %mul3A_332 : vector<16xf32>
        %max3A_334 = arith.maximumf %max3A_284, %mul3A_332 : vector<16xf32>
        %mul3A_335 = arith.constant 16 : i32
        %mul3A_336 = arith.muli %add3A_30, %mul3A_335 : i32
        %add3A_337 = arith.constant 5 : i32
        %add3A_338 = arith.addi %mul3A_336, %add3A_337 : i32
        %get3A_339 = arith.index_cast %add3A_338 : i32 to index
        %get3A_340 = arith.constant 48 : index
        %get3A_341 = tpu.vector_load %arg8[%get3A_339, %get3A_340] {strides = array<i32>} : memref<256x128xf32, #tpu.memory_space<vmem>>, vector<1x16xf32>,
        %get3A_342 = vector.shape_cast %get3A_341 : vector<1x16xf32> to vector<16xf32>
        %mul3A_343 = vector.broadcast %squeeze3A_298 : f32 to vector<16xf32>
        %mul3A_344 = arith.mulf %get3A_342, %mul3A_343 : vector<16xf32>
        %add3A_345 = arith.addf %add3A_295, %mul3A_344 : vector<16xf32>
        %max3A_346 = arith.maximumf %max3A_296, %mul3A_344 : vector<16xf32>
        %slice3A_347 = vector.extract_strided_slice %get3A_49 {offsets = [6], sizes = [1], strides = [1]} : vector<16xf32> to vector<1xf32>
        %squeeze3A_348 = vector.extract %slice3A_347[0] : f32 from vector<1xf32>
        %mul3A_349 = arith.constant 16 : i32
        %mul3A_350 = arith.muli %add3A_30, %mul3A_349 : i32
        %add3A_351 = arith.constant 6 : i32
        %add3A_352 = arith.addi %mul3A_350, %add3A_351 : i32
        %get3A_353 = arith.index_cast %add3A_352 : i32 to index
        %get3A_354 = arith.constant 0 : index
        %get3A_355 = tpu.vector_load %arg8[%get3A_353, %get3A_354] {strides = array<i32>} : memref<256x128xf32, #tpu.memory_space<vmem>>, vector<1x16xf32>,
        %get3A_356 = vector.shape_cast %get3A_355 : vector<1x16xf32> to vector<16xf32>
        %mul3A_357 = vector.broadcast %squeeze3A_348 : f32 to vector<16xf32>
        %mul3A_358 = arith.mulf %get3A_356, %mul3A_357 : vector<16xf32>
        %add3A_359 = arith.addf %add3A_309, %mul3A_358 : vector<16xf32>
        %max3A_360 = arith.maximumf %max3A_310, %mul3A_358 : vector<16xf32>
        %mul3A_361 = arith.constant 16 : i32
        %mul3A_362 = arith.muli %add3A_30, %mul3A_361 : i32
        %add3A_363 = arith.constant 6 : i32
        %add3A_364 = arith.addi %mul3A_362, %add3A_363 : i32
        %get3A_365 = arith.index_cast %add3A_364 : i32 to index
        %get3A_366 = arith.constant 16 : index
        %get3A_367 = tpu.vector_load %arg8[%get3A_365, %get3A_366] {strides = array<i32>} : memref<256x128xf32, #tpu.memory_space<vmem>>, vector<1x16xf32>,
        %get3A_368 = vector.shape_cast %get3A_367 : vector<1x16xf32> to vector<16xf32>
        %mul3A_369 = vector.broadcast %squeeze3A_348 : f32 to vector<16xf32>
        %mul3A_370 = arith.mulf %get3A_368, %mul3A_369 : vector<16xf32>
        %add3A_371 = arith.addf %add3A_321, %mul3A_370 : vector<16xf32>
        %max3A_372 = arith.maximumf %max3A_322, %mul3A_370 : vector<16xf32>
        %mul3A_373 = arith.constant 16 : i32
        %mul3A_374 = arith.muli %add3A_30, %mul3A_373 : i32
        %add3A_375 = arith.constant 6 : i32
        %add3A_376 = arith.addi %mul3A_374, %add3A_375 : i32
        %get3A_377 = arith.index_cast %add3A_376 : i32 to index
        %get3A_378 = arith.constant 32 : index
        %get3A_379 = tpu.vector_load %arg8[%get3A_377, %get3A_378] {strides = array<i32>} : memref<256x128xf32, #tpu.memory_space<vmem>>, vector<1x16xf32>,
        %get3A_380 = vector.shape_cast %get3A_379 : vector<1x16xf32> to vector<16xf32>
        %mul3A_381 = vector.broadcast %squeeze3A_348 : f32 to vector<16xf32>
        %mul3A_382 = arith.mulf %get3A_380, %mul3A_381 : vector<16xf32>
        %add3A_383 = arith.addf %add3A_333, %mul3A_382 : vector<16xf32>
        %max3A_384 = arith.maximumf %max3A_334, %mul3A_382 : vector<16xf32>
        %mul3A_385 = arith.constant 16 : i32
        %mul3A_386 = arith.muli %add3A_30, %mul3A_385 : i32
        %add3A_387 = arith.constant 6 : i32
        %add3A_388 = arith.addi %mul3A_386, %add3A_387 : i32
        %get3A_389 = arith.index_cast %add3A_388 : i32 to index
        %get3A_390 = arith.constant 48 : index
        %get3A_391 = tpu.vector_load %arg8[%get3A_389, %get3A_390] {strides = array<i32>} : memref<256x128xf32, #tpu.memory_space<vmem>>, vector<1x16xf32>,
        %get3A_392 = vector.shape_cast %get3A_391 : vector<1x16xf32> to vector<16xf32>
        %mul3A_393 = vector.broadcast %squeeze3A_348 : f32 to vector<16xf32>
        %mul3A_394 = arith.mulf %get3A_392, %mul3A_393 : vector<16xf32>
        %add3A_395 = arith.addf %add3A_345, %mul3A_394 : vector<16xf32>
        %max3A_396 = arith.maximumf %max3A_346, %mul3A_394 : vector<16xf32>
        %slice3A_397 = vector.extract_strided_slice %get3A_49 {offsets = [7], sizes = [1], strides = [1]} : vector<16xf32> to vector<1xf32>
        %squeeze3A_398 = vector.extract %slice3A_397[0] : f32 from vector<1xf32>
        %mul3A_399 = arith.constant 16 : i32
        %mul3A_400 = arith.muli %add3A_30, %mul3A_399 : i32
        %add3A_401 = arith.constant 7 : i32
        %add3A_402 = arith.addi %mul3A_400, %add3A_401 : i32
        %get3A_403 = arith.index_cast %add3A_402 : i32 to index
        %get3A_404 = arith.constant 0 : index
        %get3A_405 = tpu.vector_load %arg8[%get3A_403, %get3A_404] {strides = array<i32>} : memref<256x128xf32, #tpu.memory_space<vmem>>, vector<1x16xf32>,
        %get3A_406 = vector.shape_cast %get3A_405 : vector<1x16xf32> to vector<16xf32>
        %mul3A_407 = vector.broadcast %squeeze3A_398 : f32 to vector<16xf32>
        %mul3A_408 = arith.mulf %get3A_406, %mul3A_407 : vector<16xf32>
        %add3A_409 = arith.addf %add3A_359, %mul3A_408 : vector<16xf32>
        %max3A_410 = arith.maximumf %max3A_360, %mul3A_408 : vector<16xf32>
        %mul3A_411 = arith.constant 16 : i32
        %mul3A_412 = arith.muli %add3A_30, %mul3A_411 : i32
        %add3A_413 = arith.constant 7 : i32
        %add3A_414 = arith.addi %mul3A_412, %add3A_413 : i32
        %get3A_415 = arith.index_cast %add3A_414 : i32 to index
        %get3A_416 = arith.constant 16 : index
        %get3A_417 = tpu.vector_load %arg8[%get3A_415, %get3A_416] {strides = array<i32>} : memref<256x128xf32, #tpu.memory_space<vmem>>, vector<1x16xf32>,
        %get3A_418 = vector.shape_cast %get3A_417 : vector<1x16xf32> to vector<16xf32>
        %mul3A_419 = vector.broadcast %squeeze3A_398 : f32 to vector<16xf32>
        %mul3A_420 = arith.mulf %get3A_418, %mul3A_419 : vector<16xf32>
        %add3A_421 = arith.addf %add3A_371, %mul3A_420 : vector<16xf32>
        %max3A_422 = arith.maximumf %max3A_372, %mul3A_420 : vector<16xf32>
        %mul3A_423 = arith.constant 16 : i32
        %mul3A_424 = arith.muli %add3A_30, %mul3A_423 : i32
        %add3A_425 = arith.constant 7 : i32
        %add3A_426 = arith.addi %mul3A_424, %add3A_425 : i32
        %get3A_427 = arith.index_cast %add3A_426 : i32 to index
        %get3A_428 = arith.constant 32 : index
        %get3A_429 = tpu.vector_load %arg8[%get3A_427, %get3A_428] {strides = array<i32>} : memref<256x128xf32, #tpu.memory_space<vmem>>, vector<1x16xf32>,
        %get3A_430 = vector.shape_cast %get3A_429 : vector<1x16xf32> to vector<16xf32>
        %mul3A_431 = vector.broadcast %squeeze3A_398 : f32 to vector<16xf32>
        %mul3A_432 = arith.mulf %get3A_430, %mul3A_431 : vector<16xf32>
        %add3A_433 = arith.addf %add3A_383, %mul3A_432 : vector<16xf32>
        %max3A_434 = arith.maximumf %max3A_384, %mul3A_432 : vector<16xf32>
        %mul3A_435 = arith.constant 16 : i32
        %mul3A_436 = arith.muli %add3A_30, %mul3A_435 : i32
        %add3A_437 = arith.constant 7 : i32
        %add3A_438 = arith.addi %mul3A_436, %add3A_437 : i32
        %get3A_439 = arith.index_cast %add3A_438 : i32 to index
        %get3A_440 = arith.constant 48 : index
        %get3A_441 = tpu.vector_load %arg8[%get3A_439, %get3A_440] {strides = array<i32>} : memref<256x128xf32, #tpu.memory_space<vmem>>, vector<1x16xf32>,
        %get3A_442 = vector.shape_cast %get3A_441 : vector<1x16xf32> to vector<16xf32>
        %mul3A_443 = vector.broadcast %squeeze3A_398 : f32 to vector<16xf32>
        %mul3A_444 = arith.mulf %get3A_442, %mul3A_443 : vector<16xf32>
        %add3A_445 = arith.addf %add3A_395, %mul3A_444 : vector<16xf32>
        %max3A_446 = arith.maximumf %max3A_396, %mul3A_444 : vector<16xf32>
        %slice3A_447 = vector.extract_strided_slice %get3A_49 {offsets = [8], sizes = [1], strides = [1]} : vector<16xf32> to vector<1xf32>
        %squeeze3A_448 = vector.extract %slice3A_447[0] : f32 from vector<1xf32>
        %mul3A_449 = arith.constant 16 : i32
        %mul3A_450 = arith.muli %add3A_30, %mul3A_449 : i32
        %add3A_451 = arith.constant 8 : i32
        %add3A_452 = arith.addi %mul3A_450, %add3A_451 : i32
        %get3A_453 = arith.index_cast %add3A_452 : i32 to index
        %get3A_454 = arith.constant 0 : index
        %get3A_455 = tpu.vector_load %arg8[%get3A_453, %get3A_454] {strides = array<i32>} : memref<256x128xf32, #tpu.memory_space<vmem>>, vector<1x16xf32>,
        %get3A_456 = vector.shape_cast %get3A_455 : vector<1x16xf32> to vector<16xf32>
        %mul3A_457 = vector.broadcast %squeeze3A_448 : f32 to vector<16xf32>
        %mul3A_458 = arith.mulf %get3A_456, %mul3A_457 : vector<16xf32>
        %add3A_459 = arith.addf %add3A_409, %mul3A_458 : vector<16xf32>
        %max3A_460 = arith.maximumf %max3A_410, %mul3A_458 : vector<16xf32>
        %mul3A_461 = arith.constant 16 : i32
        %mul3A_462 = arith.muli %add3A_30, %mul3A_461 : i32
        %add3A_463 = arith.constant 8 : i32
        %add3A_464 = arith.addi %mul3A_462, %add3A_463 : i32
        %get3A_465 = arith.index_cast %add3A_464 : i32 to index
        %get3A_466 = arith.constant 16 : index
        %get3A_467 = tpu.vector_load %arg8[%get3A_465, %get3A_466] {strides = array<i32>} : memref<256x128xf32, #tpu.memory_space<vmem>>, vector<1x16xf32>,
        %get3A_468 = vector.shape_cast %get3A_467 : vector<1x16xf32> to vector<16xf32>
        %mul3A_469 = vector.broadcast %squeeze3A_448 : f32 to vector<16xf32>
        %mul3A_470 = arith.mulf %get3A_468, %mul3A_469 : vector<16xf32>
        %add3A_471 = arith.addf %add3A_421, %mul3A_470 : vector<16xf32>
        %max3A_472 = arith.maximumf %max3A_422, %mul3A_470 : vector<16xf32>
        %mul3A_473 = arith.constant 16 : i32
        %mul3A_474 = arith.muli %add3A_30, %mul3A_473 : i32
        %add3A_475 = arith.constant 8 : i32
        %add3A_476 = arith.addi %mul3A_474, %add3A_475 : i32
        %get3A_477 = arith.index_cast %add3A_476 : i32 to index
        %get3A_478 = arith.constant 32 : index
        %get3A_479 = tpu.vector_load %arg8[%get3A_477, %get3A_478] {strides = array<i32>} : memref<256x128xf32, #tpu.memory_space<vmem>>, vector<1x16xf32>,
        %get3A_480 = vector.shape_cast %get3A_479 : vector<1x16xf32> to vector<16xf32>
        %mul3A_481 = vector.broadcast %squeeze3A_448 : f32 to vector<16xf32>
        %mul3A_482 = arith.mulf %get3A_480, %mul3A_481 : vector<16xf32>
        %add3A_483 = arith.addf %add3A_433, %mul3A_482 : vector<16xf32>
        %max3A_484 = arith.maximumf %max3A_434, %mul3A_482 : vector<16xf32>
        %mul3A_485 = arith.constant 16 : i32
        %mul3A_486 = arith.muli %add3A_30, %mul3A_485 : i32
        %add3A_487 = arith.constant 8 : i32
        %add3A_488 = arith.addi %mul3A_486, %add3A_487 : i32
        %get3A_489 = arith.index_cast %add3A_488 : i32 to index
        %get3A_490 = arith.constant 48 : index
        %get3A_491 = tpu.vector_load %arg8[%get3A_489, %get3A_490] {strides = array<i32>} : memref<256x128xf32, #tpu.memory_space<vmem>>, vector<1x16xf32>,
        %get3A_492 = vector.shape_cast %get3A_491 : vector<1x16xf32> to vector<16xf32>
        %mul3A_493 = vector.broadcast %squeeze3A_448 : f32 to vector<16xf32>
        %mul3A_494 = arith.mulf %get3A_492, %mul3A_493 : vector<16xf32>
        %add3A_495 = arith.addf %add3A_445, %mul3A_494 : vector<16xf32>
        %max3A_496 = arith.maximumf %max3A_446, %mul3A_494 : vector<16xf32>
        %slice3A_497 = vector.extract_strided_slice %get3A_49 {offsets = [9], sizes = [1], strides = [1]} : vector<16xf32> to vector<1xf32>
        %squeeze3A_498 = vector.extract %slice3A_497[0] : f32 from vector<1xf32>
        %mul3A_499 = arith.constant 16 : i32
        %mul3A_500 = arith.muli %add3A_30, %mul3A_499 : i32
        %add3A_501 = arith.constant 9 : i32
        %add3A_502 = arith.addi %mul3A_500, %add3A_501 : i32
        %get3A_503 = arith.index_cast %add3A_502 : i32 to index
        %get3A_504 = arith.constant 0 : index
        %get3A_505 = tpu.vector_load %arg8[%get3A_503, %get3A_504] {strides = array<i32>} : memref<256x128xf32, #tpu.memory_space<vmem>>, vector<1x16xf32>,
        %get3A_506 = vector.shape_cast %get3A_505 : vector<1x16xf32> to vector<16xf32>
        %mul3A_507 = vector.broadcast %squeeze3A_498 : f32 to vector<16xf32>
        %mul3A_508 = arith.mulf %get3A_506, %mul3A_507 : vector<16xf32>
        %add3A_509 = arith.addf %add3A_459, %mul3A_508 : vector<16xf32>
        %max3A_510 = arith.maximumf %max3A_460, %mul3A_508 : vector<16xf32>
        %mul3A_511 = arith.constant 16 : i32
        %mul3A_512 = arith.muli %add3A_30, %mul3A_511 : i32
        %add3A_513 = arith.constant 9 : i32
        %add3A_514 = arith.addi %mul3A_512, %add3A_513 : i32
        %get3A_515 = arith.index_cast %add3A_514 : i32 to index
        %get3A_516 = arith.constant 16 : index
        %get3A_517 = tpu.vector_load %arg8[%get3A_515, %get3A_516] {strides = array<i32>} : memref<256x128xf32, #tpu.memory_space<vmem>>, vector<1x16xf32>,
        %get3A_518 = vector.shape_cast %get3A_517 : vector<1x16xf32> to vector<16xf32>
        %mul3A_519 = vector.broadcast %squeeze3A_498 : f32 to vector<16xf32>
        %mul3A_520 = arith.mulf %get3A_518, %mul3A_519 : vector<16xf32>
        %add3A_521 = arith.addf %add3A_471, %mul3A_520 : vector<16xf32>
        %max3A_522 = arith.maximumf %max3A_472, %mul3A_520 : vector<16xf32>
        %mul3A_523 = arith.constant 16 : i32
        %mul3A_524 = arith.muli %add3A_30, %mul3A_523 : i32
        %add3A_525 = arith.constant 9 : i32
        %add3A_526 = arith.addi %mul3A_524, %add3A_525 : i32
        %get3A_527 = arith.index_cast %add3A_526 : i32 to index
        %get3A_528 = arith.constant 32 : index
        %get3A_529 = tpu.vector_load %arg8[%get3A_527, %get3A_528] {strides = array<i32>} : memref<256x128xf32, #tpu.memory_space<vmem>>, vector<1x16xf32>,
        %get3A_530 = vector.shape_cast %get3A_529 : vector<1x16xf32> to vector<16xf32>
        %mul3A_531 = vector.broadcast %squeeze3A_498 : f32 to vector<16xf32>
        %mul3A_532 = arith.mulf %get3A_530, %mul3A_531 : vector<16xf32>
        %add3A_533 = arith.addf %add3A_483, %mul3A_532 : vector<16xf32>
        %max3A_534 = arith.maximumf %max3A_484, %mul3A_532 : vector<16xf32>
        %mul3A_535 = arith.constant 16 : i32
        %mul3A_536 = arith.muli %add3A_30, %mul3A_535 : i32
        %add3A_537 = arith.constant 9 : i32
        %add3A_538 = arith.addi %mul3A_536, %add3A_537 : i32
        %get3A_539 = arith.index_cast %add3A_538 : i32 to index
        %get3A_540 = arith.constant 48 : index
        %get3A_541 = tpu.vector_load %arg8[%get3A_539, %get3A_540] {strides = array<i32>} : memref<256x128xf32, #tpu.memory_space<vmem>>, vector<1x16xf32>,
        %get3A_542 = vector.shape_cast %get3A_541 : vector<1x16xf32> to vector<16xf32>
        %mul3A_543 = vector.broadcast %squeeze3A_498 : f32 to vector<16xf32>
        %mul3A_544 = arith.mulf %get3A_542, %mul3A_543 : vector<16xf32>
        %add3A_545 = arith.addf %add3A_495, %mul3A_544 : vector<16xf32>
        %max3A_546 = arith.maximumf %max3A_496, %mul3A_544 : vector<16xf32>
        %slice3A_547 = vector.extract_strided_slice %get3A_49 {offsets = [10], sizes = [1], strides = [1]} : vector<16xf32> to vector<1xf32>
        %squeeze3A_548 = vector.extract %slice3A_547[0] : f32 from vector<1xf32>
        %mul3A_549 = arith.constant 16 : i32
        %mul3A_550 = arith.muli %add3A_30, %mul3A_549 : i32
        %add3A_551 = arith.constant 10 : i32
        %add3A_552 = arith.addi %mul3A_550, %add3A_551 : i32
        %get3A_553 = arith.index_cast %add3A_552 : i32 to index
        %get3A_554 = arith.constant 0 : index
        %get3A_555 = tpu.vector_load %arg8[%get3A_553, %get3A_554] {strides = array<i32>} : memref<256x128xf32, #tpu.memory_space<vmem>>, vector<1x16xf32>,
        %get3A_556 = vector.shape_cast %get3A_555 : vector<1x16xf32> to vector<16xf32>
        %mul3A_557 = vector.broadcast %squeeze3A_548 : f32 to vector<16xf32>
        %mul3A_558 = arith.mulf %get3A_556, %mul3A_557 : vector<16xf32>
        %add3A_559 = arith.addf %add3A_509, %mul3A_558 : vector<16xf32>
        %max3A_560 = arith.maximumf %max3A_510, %mul3A_558 : vector<16xf32>
        %mul3A_561 = arith.constant 16 : i32
        %mul3A_562 = arith.muli %add3A_30, %mul3A_561 : i32
        %add3A_563 = arith.constant 10 : i32
        %add3A_564 = arith.addi %mul3A_562, %add3A_563 : i32
        %get3A_565 = arith.index_cast %add3A_564 : i32 to index
        %get3A_566 = arith.constant 16 : index
        %get3A_567 = tpu.vector_load %arg8[%get3A_565, %get3A_566] {strides = array<i32>} : memref<256x128xf32, #tpu.memory_space<vmem>>, vector<1x16xf32>,
        %get3A_568 = vector.shape_cast %get3A_567 : vector<1x16xf32> to vector<16xf32>
        %mul3A_569 = vector.broadcast %squeeze3A_548 : f32 to vector<16xf32>
        %mul3A_570 = arith.mulf %get3A_568, %mul3A_569 : vector<16xf32>
        %add3A_571 = arith.addf %add3A_521, %mul3A_570 : vector<16xf32>
        %max3A_572 = arith.maximumf %max3A_522, %mul3A_570 : vector<16xf32>
        %mul3A_573 = arith.constant 16 : i32
        %mul3A_574 = arith.muli %add3A_30, %mul3A_573 : i32
        %add3A_575 = arith.constant 10 : i32
        %add3A_576 = arith.addi %mul3A_574, %add3A_575 : i32
        %get3A_577 = arith.index_cast %add3A_576 : i32 to index
        %get3A_578 = arith.constant 32 : index
        %get3A_579 = tpu.vector_load %arg8[%get3A_577, %get3A_578] {strides = array<i32>} : memref<256x128xf32, #tpu.memory_space<vmem>>, vector<1x16xf32>,
        %get3A_580 = vector.shape_cast %get3A_579 : vector<1x16xf32> to vector<16xf32>
        %mul3A_581 = vector.broadcast %squeeze3A_548 : f32 to vector<16xf32>
        %mul3A_582 = arith.mulf %get3A_580, %mul3A_581 : vector<16xf32>
        %add3A_583 = arith.addf %add3A_533, %mul3A_582 : vector<16xf32>
        %max3A_584 = arith.maximumf %max3A_534, %mul3A_582 : vector<16xf32>
        %mul3A_585 = arith.constant 16 : i32
        %mul3A_586 = arith.muli %add3A_30, %mul3A_585 : i32
        %add3A_587 = arith.constant 10 : i32
        %add3A_588 = arith.addi %mul3A_586, %add3A_587 : i32
        %get3A_589 = arith.index_cast %add3A_588 : i32 to index
        %get3A_590 = arith.constant 48 : index
        %get3A_591 = tpu.vector_load %arg8[%get3A_589, %get3A_590] {strides = array<i32>} : memref<256x128xf32, #tpu.memory_space<vmem>>, vector<1x16xf32>,
        %get3A_592 = vector.shape_cast %get3A_591 : vector<1x16xf32> to vector<16xf32>
        %mul3A_593 = vector.broadcast %squeeze3A_548 : f32 to vector<16xf32>
        %mul3A_594 = arith.mulf %get3A_592, %mul3A_593 : vector<16xf32>
        %add3A_595 = arith.addf %add3A_545, %mul3A_594 : vector<16xf32>
        %max3A_596 = arith.maximumf %max3A_546, %mul3A_594 : vector<16xf32>
        %slice3A_597 = vector.extract_strided_slice %get3A_49 {offsets = [11], sizes = [1], strides = [1]} : vector<16xf32> to vector<1xf32>
        %squeeze3A_598 = vector.extract %slice3A_597[0] : f32 from vector<1xf32>
        %mul3A_599 = arith.constant 16 : i32
        %mul3A_600 = arith.muli %add3A_30, %mul3A_599 : i32
        %add3A_601 = arith.constant 11 : i32
        %add3A_602 = arith.addi %mul3A_600, %add3A_601 : i32
        %get3A_603 = arith.index_cast %add3A_602 : i32 to index
        %get3A_604 = arith.constant 0 : index
        %get3A_605 = tpu.vector_load %arg8[%get3A_603, %get3A_604] {strides = array<i32>} : memref<256x128xf32, #tpu.memory_space<vmem>>, vector<1x16xf32>,
        %get3A_606 = vector.shape_cast %get3A_605 : vector<1x16xf32> to vector<16xf32>
        %mul3A_607 = vector.broadcast %squeeze3A_598 : f32 to vector<16xf32>
        %mul3A_608 = arith.mulf %get3A_606, %mul3A_607 : vector<16xf32>
        %add3A_609 = arith.addf %add3A_559, %mul3A_608 : vector<16xf32>
        %max3A_610 = arith.maximumf %max3A_560, %mul3A_608 : vector<16xf32>
        %mul3A_611 = arith.constant 16 : i32
        %mul3A_612 = arith.muli %add3A_30, %mul3A_611 : i32
        %add3A_613 = arith.constant 11 : i32
        %add3A_614 = arith.addi %mul3A_612, %add3A_613 : i32
        %get3A_615 = arith.index_cast %add3A_614 : i32 to index
        %get3A_616 = arith.constant 16 : index
        %get3A_617 = tpu.vector_load %arg8[%get3A_615, %get3A_616] {strides = array<i32>} : memref<256x128xf32, #tpu.memory_space<vmem>>, vector<1x16xf32>,
        %get3A_618 = vector.shape_cast %get3A_617 : vector<1x16xf32> to vector<16xf32>
        %mul3A_619 = vector.broadcast %squeeze3A_598 : f32 to vector<16xf32>
        %mul3A_620 = arith.mulf %get3A_618, %mul3A_619 : vector<16xf32>
        %add3A_621 = arith.addf %add3A_571, %mul3A_620 : vector<16xf32>
        %max3A_622 = arith.maximumf %max3A_572, %mul3A_620 : vector<16xf32>
        %mul3A_623 = arith.constant 16 : i32
        %mul3A_624 = arith.muli %add3A_30, %mul3A_623 : i32
        %add3A_625 = arith.constant 11 : i32
        %add3A_626 = arith.addi %mul3A_624, %add3A_625 : i32
        %get3A_627 = arith.index_cast %add3A_626 : i32 to index
        %get3A_628 = arith.constant 32 : index
        %get3A_629 = tpu.vector_load %arg8[%get3A_627, %get3A_628] {strides = array<i32>} : memref<256x128xf32, #tpu.memory_space<vmem>>, vector<1x16xf32>,
        %get3A_630 = vector.shape_cast %get3A_629 : vector<1x16xf32> to vector<16xf32>
        %mul3A_631 = vector.broadcast %squeeze3A_598 : f32 to vector<16xf32>
        %mul3A_632 = arith.mulf %get3A_630, %mul3A_631 : vector<16xf32>
        %add3A_633 = arith.addf %add3A_583, %mul3A_632 : vector<16xf32>
        %max3A_634 = arith.maximumf %max3A_584, %mul3A_632 : vector<16xf32>
        %mul3A_635 = arith.constant 16 : i32
        %mul3A_636 = arith.muli %add3A_30, %mul3A_635 : i32
        %add3A_637 = arith.constant 11 : i32
        %add3A_638 = arith.addi %mul3A_636, %add3A_637 : i32
        %get3A_639 = arith.index_cast %add3A_638 : i32 to index
        %get3A_640 = arith.constant 48 : index
        %get3A_641 = tpu.vector_load %arg8[%get3A_639, %get3A_640] {strides = array<i32>} : memref<256x128xf32, #tpu.memory_space<vmem>>, vector<1x16xf32>,
        %get3A_642 = vector.shape_cast %get3A_641 : vector<1x16xf32> to vector<16xf32>
        %mul3A_643 = vector.broadcast %squeeze3A_598 : f32 to vector<16xf32>
        %mul3A_644 = arith.mulf %get3A_642, %mul3A_643 : vector<16xf32>
        %add3A_645 = arith.addf %add3A_595, %mul3A_644 : vector<16xf32>
        %max3A_646 = arith.maximumf %max3A_596, %mul3A_644 : vector<16xf32>
        %slice3A_647 = vector.extract_strided_slice %get3A_49 {offsets = [12], sizes = [1], strides = [1]} : vector<16xf32> to vector<1xf32>
        %squeeze3A_648 = vector.extract %slice3A_647[0] : f32 from vector<1xf32>
        %mul3A_649 = arith.constant 16 : i32
        %mul3A_650 = arith.muli %add3A_30, %mul3A_649 : i32
        %add3A_651 = arith.constant 12 : i32
        %add3A_652 = arith.addi %mul3A_650, %add3A_651 : i32
        %get3A_653 = arith.index_cast %add3A_652 : i32 to index
        %get3A_654 = arith.constant 0 : index
        %get3A_655 = tpu.vector_load %arg8[%get3A_653, %get3A_654] {strides = array<i32>} : memref<256x128xf32, #tpu.memory_space<vmem>>, vector<1x16xf32>,
        %get3A_656 = vector.shape_cast %get3A_655 : vector<1x16xf32> to vector<16xf32>
        %mul3A_657 = vector.broadcast %squeeze3A_648 : f32 to vector<16xf32>
        %mul3A_658 = arith.mulf %get3A_656, %mul3A_657 : vector<16xf32>
        %add3A_659 = arith.addf %add3A_609, %mul3A_658 : vector<16xf32>
        %max3A_660 = arith.maximumf %max3A_610, %mul3A_658 : vector<16xf32>
        %mul3A_661 = arith.constant 16 : i32
        %mul3A_662 = arith.muli %add3A_30, %mul3A_661 : i32
        %add3A_663 = arith.constant 12 : i32
        %add3A_664 = arith.addi %mul3A_662, %add3A_663 : i32
        %get3A_665 = arith.index_cast %add3A_664 : i32 to index
        %get3A_666 = arith.constant 16 : index
        %get3A_667 = tpu.vector_load %arg8[%get3A_665, %get3A_666] {strides = array<i32>} : memref<256x128xf32, #tpu.memory_space<vmem>>, vector<1x16xf32>,
        %get3A_668 = vector.shape_cast %get3A_667 : vector<1x16xf32> to vector<16xf32>
        %mul3A_669 = vector.broadcast %squeeze3A_648 : f32 to vector<16xf32>
        %mul3A_670 = arith.mulf %get3A_668, %mul3A_669 : vector<16xf32>
        %add3A_671 = arith.addf %add3A_621, %mul3A_670 : vector<16xf32>
        %max3A_672 = arith.maximumf %max3A_622, %mul3A_670 : vector<16xf32>
        %mul3A_673 = arith.constant 16 : i32
        %mul3A_674 = arith.muli %add3A_30, %mul3A_673 : i32
        %add3A_675 = arith.constant 12 : i32
        %add3A_676 = arith.addi %mul3A_674, %add3A_675 : i32
        %get3A_677 = arith.index_cast %add3A_676 : i32 to index
        %get3A_678 = arith.constant 32 : index
        %get3A_679 = tpu.vector_load %arg8[%get3A_677, %get3A_678] {strides = array<i32>} : memref<256x128xf32, #tpu.memory_space<vmem>>, vector<1x16xf32>,
        %get3A_680 = vector.shape_cast %get3A_679 : vector<1x16xf32> to vector<16xf32>
        %mul3A_681 = vector.broadcast %squeeze3A_648 : f32 to vector<16xf32>
        %mul3A_682 = arith.mulf %get3A_680, %mul3A_681 : vector<16xf32>
        %add3A_683 = arith.addf %add3A_633, %mul3A_682 : vector<16xf32>
        %max3A_684 = arith.maximumf %max3A_634, %mul3A_682 : vector<16xf32>
        %mul3A_685 = arith.constant 16 : i32
        %mul3A_686 = arith.muli %add3A_30, %mul3A_685 : i32
        %add3A_687 = arith.constant 12 : i32
        %add3A_688 = arith.addi %mul3A_686, %add3A_687 : i32
        %get3A_689 = arith.index_cast %add3A_688 : i32 to index
        %get3A_690 = arith.constant 48 : index
        %get3A_691 = tpu.vector_load %arg8[%get3A_689, %get3A_690] {strides = array<i32>} : memref<256x128xf32, #tpu.memory_space<vmem>>, vector<1x16xf32>,
        %get3A_692 = vector.shape_cast %get3A_691 : vector<1x16xf32> to vector<16xf32>
        %mul3A_693 = vector.broadcast %squeeze3A_648 : f32 to vector<16xf32>
        %mul3A_694 = arith.mulf %get3A_692, %mul3A_693 : vector<16xf32>
        %add3A_695 = arith.addf %add3A_645, %mul3A_694 : vector<16xf32>
        %max3A_696 = arith.maximumf %max3A_646, %mul3A_694 : vector<16xf32>
        %slice3A_697 = vector.extract_strided_slice %get3A_49 {offsets = [13], sizes = [1], strides = [1]} : vector<16xf32> to vector<1xf32>
        %squeeze3A_698 = vector.extract %slice3A_697[0] : f32 from vector<1xf32>
        %mul3A_699 = arith.constant 16 : i32
        %mul3A_700 = arith.muli %add3A_30, %mul3A_699 : i32
        %add3A_701 = arith.constant 13 : i32
        %add3A_702 = arith.addi %mul3A_700, %add3A_701 : i32
        %get3A_703 = arith.index_cast %add3A_702 : i32 to index
        %get3A_704 = arith.constant 0 : index
        %get3A_705 = tpu.vector_load %arg8[%get3A_703, %get3A_704] {strides = array<i32>} : memref<256x128xf32, #tpu.memory_space<vmem>>, vector<1x16xf32>,
        %get3A_706 = vector.shape_cast %get3A_705 : vector<1x16xf32> to vector<16xf32>
        %mul3A_707 = vector.broadcast %squeeze3A_698 : f32 to vector<16xf32>
        %mul3A_708 = arith.mulf %get3A_706, %mul3A_707 : vector<16xf32>
        %add3A_709 = arith.addf %add3A_659, %mul3A_708 : vector<16xf32>
        %max3A_710 = arith.maximumf %max3A_660, %mul3A_708 : vector<16xf32>
        %mul3A_711 = arith.constant 16 : i32
        %mul3A_712 = arith.muli %add3A_30, %mul3A_711 : i32
        %add3A_713 = arith.constant 13 : i32
        %add3A_714 = arith.addi %mul3A_712, %add3A_713 : i32
        %get3A_715 = arith.index_cast %add3A_714 : i32 to index
        %get3A_716 = arith.constant 16 : index
        %get3A_717 = tpu.vector_load %arg8[%get3A_715, %get3A_716] {strides = array<i32>} : memref<256x128xf32, #tpu.memory_space<vmem>>, vector<1x16xf32>,
        %get3A_718 = vector.shape_cast %get3A_717 : vector<1x16xf32> to vector<16xf32>
        %mul3A_719 = vector.broadcast %squeeze3A_698 : f32 to vector<16xf32>
        %mul3A_720 = arith.mulf %get3A_718, %mul3A_719 : vector<16xf32>
        %add3A_721 = arith.addf %add3A_671, %mul3A_720 : vector<16xf32>
        %max3A_722 = arith.maximumf %max3A_672, %mul3A_720 : vector<16xf32>
        %mul3A_723 = arith.constant 16 : i32
        %mul3A_724 = arith.muli %add3A_30, %mul3A_723 : i32
        %add3A_725 = arith.constant 13 : i32
        %add3A_726 = arith.addi %mul3A_724, %add3A_725 : i32
        %get3A_727 = arith.index_cast %add3A_726 : i32 to index
        %get3A_728 = arith.constant 32 : index
        %get3A_729 = tpu.vector_load %arg8[%get3A_727, %get3A_728] {strides = array<i32>} : memref<256x128xf32, #tpu.memory_space<vmem>>, vector<1x16xf32>,
        %get3A_730 = vector.shape_cast %get3A_729 : vector<1x16xf32> to vector<16xf32>
        %mul3A_731 = vector.broadcast %squeeze3A_698 : f32 to vector<16xf32>
        %mul3A_732 = arith.mulf %get3A_730, %mul3A_731 : vector<16xf32>
        %add3A_733 = arith.addf %add3A_683, %mul3A_732 : vector<16xf32>
        %max3A_734 = arith.maximumf %max3A_684, %mul3A_732 : vector<16xf32>
        %mul3A_735 = arith.constant 16 : i32
        %mul3A_736 = arith.muli %add3A_30, %mul3A_735 : i32
        %add3A_737 = arith.constant 13 : i32
        %add3A_738 = arith.addi %mul3A_736, %add3A_737 : i32
        %get3A_739 = arith.index_cast %add3A_738 : i32 to index
        %get3A_740 = arith.constant 48 : index
        %get3A_741 = tpu.vector_load %arg8[%get3A_739, %get3A_740] {strides = array<i32>} : memref<256x128xf32, #tpu.memory_space<vmem>>, vector<1x16xf32>,
        %get3A_742 = vector.shape_cast %get3A_741 : vector<1x16xf32> to vector<16xf32>
        %mul3A_743 = vector.broadcast %squeeze3A_698 : f32 to vector<16xf32>
        %mul3A_744 = arith.mulf %get3A_742, %mul3A_743 : vector<16xf32>
        %add3A_745 = arith.addf %add3A_695, %mul3A_744 : vector<16xf32>
        %max3A_746 = arith.maximumf %max3A_696, %mul3A_744 : vector<16xf32>
        %slice3A_747 = vector.extract_strided_slice %get3A_49 {offsets = [14], sizes = [1], strides = [1]} : vector<16xf32> to vector<1xf32>
        %squeeze3A_748 = vector.extract %slice3A_747[0] : f32 from vector<1xf32>
        %mul3A_749 = arith.constant 16 : i32
        %mul3A_750 = arith.muli %add3A_30, %mul3A_749 : i32
        %add3A_751 = arith.constant 14 : i32
        %add3A_752 = arith.addi %mul3A_750, %add3A_751 : i32
        %get3A_753 = arith.index_cast %add3A_752 : i32 to index
        %get3A_754 = arith.constant 0 : index
        %get3A_755 = tpu.vector_load %arg8[%get3A_753, %get3A_754] {strides = array<i32>} : memref<256x128xf32, #tpu.memory_space<vmem>>, vector<1x16xf32>,
        %get3A_756 = vector.shape_cast %get3A_755 : vector<1x16xf32> to vector<16xf32>
        %mul3A_757 = vector.broadcast %squeeze3A_748 : f32 to vector<16xf32>
        %mul3A_758 = arith.mulf %get3A_756, %mul3A_757 : vector<16xf32>
        %add3A_759 = arith.addf %add3A_709, %mul3A_758 : vector<16xf32>
        %max3A_760 = arith.maximumf %max3A_710, %mul3A_758 : vector<16xf32>
        %mul3A_761 = arith.constant 16 : i32
        %mul3A_762 = arith.muli %add3A_30, %mul3A_761 : i32
        %add3A_763 = arith.constant 14 : i32
        %add3A_764 = arith.addi %mul3A_762, %add3A_763 : i32
        %get3A_765 = arith.index_cast %add3A_764 : i32 to index
        %get3A_766 = arith.constant 16 : index
        %get3A_767 = tpu.vector_load %arg8[%get3A_765, %get3A_766] {strides = array<i32>} : memref<256x128xf32, #tpu.memory_space<vmem>>, vector<1x16xf32>,
        %get3A_768 = vector.shape_cast %get3A_767 : vector<1x16xf32> to vector<16xf32>
        %mul3A_769 = vector.broadcast %squeeze3A_748 : f32 to vector<16xf32>
        %mul3A_770 = arith.mulf %get3A_768, %mul3A_769 : vector<16xf32>
        %add3A_771 = arith.addf %add3A_721, %mul3A_770 : vector<16xf32>
        %max3A_772 = arith.maximumf %max3A_722, %mul3A_770 : vector<16xf32>
        %mul3A_773 = arith.constant 16 : i32
        %mul3A_774 = arith.muli %add3A_30, %mul3A_773 : i32
        %add3A_775 = arith.constant 14 : i32
        %add3A_776 = arith.addi %mul3A_774, %add3A_775 : i32
        %get3A_777 = arith.index_cast %add3A_776 : i32 to index
        %get3A_778 = arith.constant 32 : index
        %get3A_779 = tpu.vector_load %arg8[%get3A_777, %get3A_778] {strides = array<i32>} : memref<256x128xf32, #tpu.memory_space<vmem>>, vector<1x16xf32>,
        %get3A_780 = vector.shape_cast %get3A_779 : vector<1x16xf32> to vector<16xf32>
        %mul3A_781 = vector.broadcast %squeeze3A_748 : f32 to vector<16xf32>
        %mul3A_782 = arith.mulf %get3A_780, %mul3A_781 : vector<16xf32>
        %add3A_783 = arith.addf %add3A_733, %mul3A_782 : vector<16xf32>
        %max3A_784 = arith.maximumf %max3A_734, %mul3A_782 : vector<16xf32>
        %mul3A_785 = arith.constant 16 : i32
        %mul3A_786 = arith.muli %add3A_30, %mul3A_785 : i32
        %add3A_787 = arith.constant 14 : i32
        %add3A_788 = arith.addi %mul3A_786, %add3A_787 : i32
        %get3A_789 = arith.index_cast %add3A_788 : i32 to index
        %get3A_790 = arith.constant 48 : index
        %get3A_791 = tpu.vector_load %arg8[%get3A_789, %get3A_790] {strides = array<i32>} : memref<256x128xf32, #tpu.memory_space<vmem>>, vector<1x16xf32>,
        %get3A_792 = vector.shape_cast %get3A_791 : vector<1x16xf32> to vector<16xf32>
        %mul3A_793 = vector.broadcast %squeeze3A_748 : f32 to vector<16xf32>
        %mul3A_794 = arith.mulf %get3A_792, %mul3A_793 : vector<16xf32>
        %add3A_795 = arith.addf %add3A_745, %mul3A_794 : vector<16xf32>
        %max3A_796 = arith.maximumf %max3A_746, %mul3A_794 : vector<16xf32>
        %slice3A_797 = vector.extract_strided_slice %get3A_49 {offsets = [15], sizes = [1], strides = [1]} : vector<16xf32> to vector<1xf32>
        %squeeze3A_798 = vector.extract %slice3A_797[0] : f32 from vector<1xf32>
        %mul3A_799 = arith.constant 16 : i32
        %mul3A_800 = arith.muli %add3A_30, %mul3A_799 : i32
        %add3A_801 = arith.constant 15 : i32
        %add3A_802 = arith.addi %mul3A_800, %add3A_801 : i32
        %get3A_803 = arith.index_cast %add3A_802 : i32 to index
        %get3A_804 = arith.constant 0 : index
        %get3A_805 = tpu.vector_load %arg8[%get3A_803, %get3A_804] {strides = array<i32>} : memref<256x128xf32, #tpu.memory_space<vmem>>, vector<1x16xf32>,
        %get3A_806 = vector.shape_cast %get3A_805 : vector<1x16xf32> to vector<16xf32>
        %mul3A_807 = vector.broadcast %squeeze3A_798 : f32 to vector<16xf32>
        %mul3A_808 = arith.mulf %get3A_806, %mul3A_807 : vector<16xf32>
        %add3A_809 = arith.addf %add3A_759, %mul3A_808 : vector<16xf32>
        %max3A_810 = arith.maximumf %max3A_760, %mul3A_808 : vector<16xf32>
        %mul3A_811 = arith.constant 16 : i32
        %mul3A_812 = arith.muli %add3A_30, %mul3A_811 : i32
        %add3A_813 = arith.constant 15 : i32
        %add3A_814 = arith.addi %mul3A_812, %add3A_813 : i32
        %get3A_815 = arith.index_cast %add3A_814 : i32 to index
        %get3A_816 = arith.constant 16 : index
        %get3A_817 = tpu.vector_load %arg8[%get3A_815, %get3A_816] {strides = array<i32>} : memref<256x128xf32, #tpu.memory_space<vmem>>, vector<1x16xf32>,
        %get3A_818 = vector.shape_cast %get3A_817 : vector<1x16xf32> to vector<16xf32>
        %mul3A_819 = vector.broadcast %squeeze3A_798 : f32 to vector<16xf32>
        %mul3A_820 = arith.mulf %get3A_818, %mul3A_819 : vector<16xf32>
        %add3A_821 = arith.addf %add3A_771, %mul3A_820 : vector<16xf32>
        %max3A_822 = arith.maximumf %max3A_772, %mul3A_820 : vector<16xf32>
        %mul3A_823 = arith.constant 16 : i32
        %mul3A_824 = arith.muli %add3A_30, %mul3A_823 : i32
        %add3A_825 = arith.constant 15 : i32
        %add3A_826 = arith.addi %mul3A_824, %add3A_825 : i32
        %get3A_827 = arith.index_cast %add3A_826 : i32 to index
        %get3A_828 = arith.constant 32 : index
        %get3A_829 = tpu.vector_load %arg8[%get3A_827, %get3A_828] {strides = array<i32>} : memref<256x128xf32, #tpu.memory_space<vmem>>, vector<1x16xf32>,
        %get3A_830 = vector.shape_cast %get3A_829 : vector<1x16xf32> to vector<16xf32>
        %mul3A_831 = vector.broadcast %squeeze3A_798 : f32 to vector<16xf32>
        %mul3A_832 = arith.mulf %get3A_830, %mul3A_831 : vector<16xf32>
        %add3A_833 = arith.addf %add3A_783, %mul3A_832 : vector<16xf32>
        %max3A_834 = arith.maximumf %max3A_784, %mul3A_832 : vector<16xf32>
        %mul3A_835 = arith.constant 16 : i32
        %mul3A_836 = arith.muli %add3A_30, %mul3A_835 : i32
        %add3A_837 = arith.constant 15 : i32
        %add3A_838 = arith.addi %mul3A_836, %add3A_837 : i32
        %get3A_839 = arith.index_cast %add3A_838 : i32 to index
        %get3A_840 = arith.constant 48 : index
        %get3A_841 = tpu.vector_load %arg8[%get3A_839, %get3A_840] {strides = array<i32>} : memref<256x128xf32, #tpu.memory_space<vmem>>, vector<1x16xf32>,
        %get3A_842 = vector.shape_cast %get3A_841 : vector<1x16xf32> to vector<16xf32>
        %mul3A_843 = vector.broadcast %squeeze3A_798 : f32 to vector<16xf32>
        %mul3A_844 = arith.mulf %get3A_842, %mul3A_843 : vector<16xf32>
        %add3A_845 = arith.addf %add3A_795, %mul3A_844 : vector<16xf32>
        %max3A_846 = arith.maximumf %max3A_796, %mul3A_844 : vector<16xf32>
        %mul3A_847 = arith.constant 6.250000e-02 : f32
        %mul3A_848 = vector.broadcast %mul3A_847 : f32 to vector<16xf32>
        %mul3A_849 = arith.mulf %add3A_809, %mul3A_848 : vector<16xf32>
        %swap3A = arith.index_cast %add3A_30 : i32 to index
        %swap3A_850 = arith.constant 0 : index
        %swap3A_851 = tpu.vector_load %arg9[%swap3A, %swap3A_850] {strides = array<i32>} : memref<16x128xf32, #tpu.memory_space<vmem>>, vector<1x16xf32>,
        %swap3A_852 = vector.shape_cast %swap3A_851 : vector<1x16xf32> to vector<16xf32>
        %swap3A_853 = vector.shape_cast %mul3A_849 : vector<16xf32> to vector<1x16xf32>
        tpu.vector_store %arg9[%swap3A, %swap3A_850], %swap3A_853 {strides = array<i32>} : memref<16x128xf32, #tpu.memory_space<vmem>>, vector<1x16xf32>,
        %swap3A_854 = arith.index_cast %add3A_30 : i32 to index
        %swap3A_855 = arith.constant 64 : index
        %swap3A_856 = tpu.vector_load %arg9[%swap3A_854, %swap3A_855] {strides = array<i32>} : memref<16x128xf32, #tpu.memory_space<vmem>>, vector<1x16xf32>,
        %swap3A_857 = vector.shape_cast %swap3A_856 : vector<1x16xf32> to vector<16xf32>
        %swap3A_858 = vector.shape_cast %max3A_810 : vector<16xf32> to vector<1x16xf32>
        tpu.vector_store %arg9[%swap3A_854, %swap3A_855], %swap3A_858 {strides = array<i32>} : memref<16x128xf32, #tpu.memory_space<vmem>>, vector<1x16xf32>,
        %mul3A_859 = arith.constant 6.250000e-02 : f32
        %mul3A_860 = vector.broadcast %mul3A_859 : f32 to vector<16xf32>
        %mul3A_861 = arith.mulf %add3A_821, %mul3A_860 : vector<16xf32>
        %swap3A_862 = arith.index_cast %add3A_30 : i32 to index
        %swap3A_863 = arith.constant 16 : index
        %swap3A_864 = tpu.vector_load %arg9[%swap3A_862, %swap3A_863] {strides = array<i32>} : memref<16x128xf32, #tpu.memory_space<vmem>>, vector<1x16xf32>,
        %swap3A_865 = vector.shape_cast %swap3A_864 : vector<1x16xf32> to vector<16xf32>
        %swap3A_866 = vector.shape_cast %mul3A_861 : vector<16xf32> to vector<1x16xf32>
        tpu.vector_store %arg9[%swap3A_862, %swap3A_863], %swap3A_866 {strides = array<i32>} : memref<16x128xf32, #tpu.memory_space<vmem>>, vector<1x16xf32>,
        %swap3A_867 = arith.index_cast %add3A_30 : i32 to index
        %swap3A_868 = arith.constant 80 : index
        %swap3A_869 = tpu.vector_load %arg9[%swap3A_867, %swap3A_868] {strides = array<i32>} : memref<16x128xf32, #tpu.memory_space<vmem>>, vector<1x16xf32>,
        %swap3A_870 = vector.shape_cast %swap3A_869 : vector<1x16xf32> to vector<16xf32>
        %swap3A_871 = vector.shape_cast %max3A_822 : vector<16xf32> to vector<1x16xf32>
        tpu.vector_store %arg9[%swap3A_867, %swap3A_868], %swap3A_871 {strides = array<i32>} : memref<16x128xf32, #tpu.memory_space<vmem>>, vector<1x16xf32>,
        %mul3A_872 = arith.constant 6.250000e-02 : f32
        %mul3A_873 = vector.broadcast %mul3A_872 : f32 to vector<16xf32>
        %mul3A_874 = arith.mulf %add3A_833, %mul3A_873 : vector<16xf32>
        %swap3A_875 = arith.index_cast %add3A_30 : i32 to index
        %swap3A_876 = arith.constant 32 : index
        %swap3A_877 = tpu.vector_load %arg9[%swap3A_875, %swap3A_876] {strides = array<i32>} : memref<16x128xf32, #tpu.memory_space<vmem>>, vector<1x16xf32>,
        %swap3A_878 = vector.shape_cast %swap3A_877 : vector<1x16xf32> to vector<16xf32>
        %swap3A_879 = vector.shape_cast %mul3A_874 : vector<16xf32> to vector<1x16xf32>
        tpu.vector_store %arg9[%swap3A_875, %swap3A_876], %swap3A_879 {strides = array<i32>} : memref<16x128xf32, #tpu.memory_space<vmem>>, vector<1x16xf32>,
        %swap3A_880 = arith.index_cast %add3A_30 : i32 to index
        %swap3A_881 = arith.constant 96 : index
        %swap3A_882 = tpu.vector_load %arg9[%swap3A_880, %swap3A_881] {strides = array<i32>} : memref<16x128xf32, #tpu.memory_space<vmem>>, vector<1x16xf32>,
        %swap3A_883 = vector.shape_cast %swap3A_882 : vector<1x16xf32> to vector<16xf32>
        %swap3A_884 = vector.shape_cast %max3A_834 : vector<16xf32> to vector<1x16xf32>
        tpu.vector_store %arg9[%swap3A_880, %swap3A_881], %swap3A_884 {strides = array<i32>} : memref<16x128xf32, #tpu.memory_space<vmem>>, vector<1x16xf32>,
        %mul3A_885 = arith.constant 6.250000e-02 : f32
        %mul3A_886 = vector.broadcast %mul3A_885 : f32 to vector<16xf32>
        %mul3A_887 = arith.mulf %add3A_845, %mul3A_886 : vector<16xf32>
        %swap3A_888 = arith.index_cast %add3A_30 : i32 to index
        %swap3A_889 = arith.constant 48 : index
        %swap3A_890 = tpu.vector_load %arg9[%swap3A_888, %swap3A_889] {strides = array<i32>} : memref<16x128xf32, #tpu.memory_space<vmem>>, vector<1x16xf32>,
        %swap3A_891 = vector.shape_cast %swap3A_890 : vector<1x16xf32> to vector<16xf32>
        %swap3A_892 = vector.shape_cast %mul3A_887 : vector<16xf32> to vector<1x16xf32>
        tpu.vector_store %arg9[%swap3A_888, %swap3A_889], %swap3A_892 {strides = array<i32>} : memref<16x128xf32, #tpu.memory_space<vmem>>, vector<1x16xf32>,
        %swap3A_893 = arith.index_cast %add3A_30 : i32 to index
        %swap3A_894 = arith.constant 112 : index
        %swap3A_895 = tpu.vector_load %arg9[%swap3A_893, %swap3A_894] {strides = array<i32>} : memref<16x128xf32, #tpu.memory_space<vmem>>, vector<1x16xf32>,
        %swap3A_896 = vector.shape_cast %swap3A_895 : vector<1x16xf32> to vector<16xf32>
        %swap3A_897 = vector.shape_cast %max3A_846 : vector<16xf32> to vector<1x16xf32>
        tpu.vector_store %arg9[%swap3A_893, %swap3A_894], %swap3A_897 {strides = array<i32>} : memref<16x128xf32, #tpu.memory_space<vmem>>, vector<1x16xf32>,
      }
      %scan3A_25 = arith.constant 16 : i32
      "tpu.region"() ({
        %run_scoped3A = tpu.sem_alloc : memref<!tpu.dma_semaphore, #tpu.memory_space<semaphore_mem>>
        %dma_start3A_26 = arith.constant 0 : i32
        %dma_start3A_27 = tpu.memref_slice %arg5[%add3A_14, %dma_start3A_26] : memref<10240x128xf32, #tpu.memory_space<hbm>> -> memref<16x128xf32, #tpu.memory_space<hbm>>
        %dma_start3A_28 = arith.constant 0 : i32
        %dma_start3A_29 = tpu.memref_slice %arg5[%add3A_14, %dma_start3A_28] : memref<10240x128xf32, #tpu.memory_space<hbm>> -> memref<16x128xf32, #tpu.memory_space<hbm>>
        tpu.enqueue_dma source(%arg9 : memref<16x128xf32, #tpu.memory_space<vmem>>) target(%dma_start3A_29 : memref<16x128xf32, #tpu.memory_space<hbm>>) target_semaphore(%run_scoped3A : memref<!tpu.dma_semaphore, #tpu.memory_space<semaphore_mem>>)
        %dma_wait3A_30 = arith.constant 0 : i32
        %dma_wait3A_31 = tpu.memref_slice %arg5[%add3A_14, %dma_wait3A_30] : memref<10240x128xf32, #tpu.memory_space<hbm>> -> memref<16x128xf32, #tpu.memory_space<hbm>>
        %dma_wait3A_32 = arith.constant 0 : i32
        %dma_wait3A_33 = tpu.memref_slice %arg5[%add3A_14, %dma_wait3A_32] : memref<10240x128xf32, #tpu.memory_space<hbm>> -> memref<16x128xf32, #tpu.memory_space<hbm>>
        tpu.wait_dma2 semaphore(%run_scoped3A : memref<!tpu.dma_semaphore, #tpu.memory_space<semaphore_mem>>) src(%arg9 : memref<16x128xf32, #tpu.memory_space<vmem>>) dst(%dma_wait3A_33 : memref<16x128xf32, #tpu.memory_space<hbm>>)
        tpu.yield
      }) : () -> ()
    }
    %scan3A_4 = arith.constant 20 : i32
    return
  }
}

#map = affine_map<(d0, d1) -> (0, 0)>
#map1 = affine_map<(d0, d1) -> (0)>
module attributes {stable_mosaic.version = 14 : i64} {
  func.func @k(%arg0: i32, %arg1: i32, %arg2: memref<10240x128xf32, #tpu.memory_space<hbm>>, %arg3: memref<163840xi32, #tpu.memory_space<hbm>>, %arg4: memref<163840xf32, #tpu.memory_space<hbm>>, %arg5: memref<10240x128xf32, #tpu.memory_space<hbm>>, %arg6: memref<256xi32, #tpu.memory_space<vmem>>, %arg7: memref<256xf32, #tpu.memory_space<vmem>>, %arg8: memref<256x128xf32, #tpu.memory_space<vmem>>, %arg9: memref<16x128xf32, #tpu.memory_space<vmem>>, %arg10: memref<!tpu.dma_semaphore, #tpu.memory_space<semaphore_mem>>) attributes {dimension_semantics = [#tpu.dimension_semantics<core_parallel>, #tpu.dimension_semantics<subcore_parallel>], iteration_bounds = array<i64: 2, 16>, scalar_prefetch = 0 : i64, scratch_operands = 5 : i64, tpu.core_type = #tpu.core_type<sc_vector_subcore>, window_params = [{transform_indices = #map}, {transform_indices = #map1}, {transform_indices = #map1}, {transform_indices = #map}]} {
    %mul3A = arith.constant 2 : i32
    %mul3A_0 = arith.muli %arg1, %mul3A : i32
    %add3A = arith.addi %mul3A_0, %arg0 : i32
    %scan3A = arith.constant 0 : i32
    %scan3A_1 = arith.constant 20 : i32
    %scan3A_2 = arith.addi %scan3A, %scan3A_1 : i32
    %scan3A_3 = arith.constant 1 : i32
    scf.for %scan3A_5 = %scan3A to %scan3A_2 step %scan3A_3  : i32 {
      %mul3A_6 = arith.constant 1 : i32
      %mul3A_7 = arith.muli %scan3A_5, %mul3A_6 : i32
      %add3A_8 = arith.constant 0 : i32
      %add3A_9 = arith.addi %add3A_8, %mul3A_7 : i32
      %mul3A_10 = arith.constant 320 : i32
      %mul3A_11 = arith.muli %add3A, %mul3A_10 : i32
      %mul3A_12 = arith.constant 16 : i32
      %mul3A_13 = arith.muli %add3A_9, %mul3A_12 : i32
      %add3A_14 = arith.addi %mul3A_11, %mul3A_13 : i32
      %mul3A_15 = arith.constant 16 : i32
      %mul3A_16 = arith.muli %add3A_14, %mul3A_15 : i32
      "tpu.region"() ({
        %run_scoped3A = tpu.sem_alloc : memref<!tpu.dma_semaphore, #tpu.memory_space<semaphore_mem>>
        %dma_start3A_26 = tpu.memref_slice %arg3[%mul3A_16] : memref<163840xi32, #tpu.memory_space<hbm>> -> memref<256xi32, #tpu.memory_space<hbm>>
        %dma_start3A_27 = tpu.memref_slice %arg3[%mul3A_16] : memref<163840xi32, #tpu.memory_space<hbm>> -> memref<256xi32, #tpu.memory_space<hbm>>
        tpu.enqueue_dma source(%dma_start3A_27 : memref<256xi32, #tpu.memory_space<hbm>>) target(%arg6 : memref<256xi32, #tpu.memory_space<vmem>>) target_semaphore(%run_scoped3A : memref<!tpu.dma_semaphore, #tpu.memory_space<semaphore_mem>>)
        %dma_wait3A_28 = tpu.memref_slice %arg3[%mul3A_16] : memref<163840xi32, #tpu.memory_space<hbm>> -> memref<256xi32, #tpu.memory_space<hbm>>
        %dma_wait3A_29 = tpu.memref_slice %arg3[%mul3A_16] : memref<163840xi32, #tpu.memory_space<hbm>> -> memref<256xi32, #tpu.memory_space<hbm>>
        tpu.wait_dma2 semaphore(%run_scoped3A : memref<!tpu.dma_semaphore, #tpu.memory_space<semaphore_mem>>) src(%dma_wait3A_29 : memref<256xi32, #tpu.memory_space<hbm>>) dst(%arg6 : memref<256xi32, #tpu.memory_space<vmem>>)
        tpu.yield
      }) : () -> ()
      "tpu.region"() ({
        %run_scoped3A = tpu.sem_alloc : memref<!tpu.dma_semaphore, #tpu.memory_space<semaphore_mem>>
        %dma_start3A_26 = tpu.memref_slice %arg4[%mul3A_16] : memref<163840xf32, #tpu.memory_space<hbm>> -> memref<256xf32, #tpu.memory_space<hbm>>
        %dma_start3A_27 = tpu.memref_slice %arg4[%mul3A_16] : memref<163840xf32, #tpu.memory_space<hbm>> -> memref<256xf32, #tpu.memory_space<hbm>>
        tpu.enqueue_dma source(%dma_start3A_27 : memref<256xf32, #tpu.memory_space<hbm>>) target(%arg7 : memref<256xf32, #tpu.memory_space<vmem>>) target_semaphore(%run_scoped3A : memref<!tpu.dma_semaphore, #tpu.memory_space<semaphore_mem>>)
        %dma_wait3A_28 = tpu.memref_slice %arg4[%mul3A_16] : memref<163840xf32, #tpu.memory_space<hbm>> -> memref<256xf32, #tpu.memory_space<hbm>>
        %dma_wait3A_29 = tpu.memref_slice %arg4[%mul3A_16] : memref<163840xf32, #tpu.memory_space<hbm>> -> memref<256xf32, #tpu.memory_space<hbm>>
        tpu.wait_dma2 semaphore(%run_scoped3A : memref<!tpu.dma_semaphore, #tpu.memory_space<semaphore_mem>>) src(%dma_wait3A_29 : memref<256xf32, #tpu.memory_space<hbm>>) dst(%arg7 : memref<256xf32, #tpu.memory_space<vmem>>)
        tpu.yield
      }) : () -> ()
      %dma_start3A = arith.constant 0 : i32
      %dma_start3A_17 = arith.constant 0 : i32
      %dma_start3A_18 = tpu.memref_slice %arg2[%dma_start3A, %dma_start3A_17] : memref<10240x128xf32, #tpu.memory_space<hbm>> -> memref<10240x128xf32, #tpu.memory_space<hbm>>
      tpu.enqueue_indirect_dma source(%dma_start3A_18 : memref<10240x128xf32, #tpu.memory_space<hbm>>) target(%arg8 : memref<256x128xf32, #tpu.memory_space<vmem>>) offsets(%arg6 : memref<256xi32, #tpu.memory_space<vmem>>) semaphore(%arg10 : memref<!tpu.dma_semaphore, #tpu.memory_space<semaphore_mem>>)
      %dma_wait3A = arith.constant 0 : i32
      %dma_wait3A_19 = arith.constant 0 : i32
      %dma_wait3A_20 = tpu.memref_slice %arg2[%dma_wait3A, %dma_wait3A_19] : memref<10240x128xf32, #tpu.memory_space<hbm>> -> memref<10240x128xf32, #tpu.memory_space<hbm>>
      tpu.wait_indirect_dma semaphore(%arg10 : memref<!tpu.dma_semaphore, #tpu.memory_space<semaphore_mem>>) src(%dma_wait3A_20 : memref<10240x128xf32, #tpu.memory_space<hbm>>) dst(%arg8 : memref<256x128xf32, #tpu.memory_space<vmem>>)
      %scan3A_21 = arith.constant 0 : i32
      %scan3A_22 = arith.constant 16 : i32
      %scan3A_23 = arith.addi %scan3A_21, %scan3A_22 : i32
      %scan3A_24 = arith.constant 1 : i32
      scf.for %scan3A_26 = %scan3A_21 to %scan3A_23 step %scan3A_24  : i32 {
        %mul3A_27 = arith.constant 1 : i32
        %mul3A_28 = arith.muli %scan3A_26, %mul3A_27 : i32
        %add3A_29 = arith.constant 0 : i32
        %add3A_30 = arith.addi %add3A_29, %mul3A_28 : i32
        %broadcast_in_dim3A = arith.constant 0.000000e+00 : f32
        %broadcast_in_dim3A_31 = vector.broadcast %broadcast_in_dim3A : f32 to vector<16xf32>
        %broadcast_in_dim3A_32 = arith.constant 0.000000e+00 : f32
        %broadcast_in_dim3A_33 = vector.broadcast %broadcast_in_dim3A_32 : f32 to vector<16xf32>
        %broadcast_in_dim3A_34 = arith.constant 0.000000e+00 : f32
        %broadcast_in_dim3A_35 = vector.broadcast %broadcast_in_dim3A_34 : f32 to vector<16xf32>
        %broadcast_in_dim3A_36 = arith.constant 0.000000e+00 : f32
        %broadcast_in_dim3A_37 = vector.broadcast %broadcast_in_dim3A_36 : f32 to vector<16xf32>
        %broadcast_in_dim3A_38 = arith.constant -3.000000e+38 : f32
        %broadcast_in_dim3A_39 = vector.broadcast %broadcast_in_dim3A_38 : f32 to vector<16xf32>
        %broadcast_in_dim3A_40 = arith.constant -3.000000e+38 : f32
        %broadcast_in_dim3A_41 = vector.broadcast %broadcast_in_dim3A_40 : f32 to vector<16xf32>
        %broadcast_in_dim3A_42 = arith.constant -3.000000e+38 : f32
        %broadcast_in_dim3A_43 = vector.broadcast %broadcast_in_dim3A_42 : f32 to vector<16xf32>
        %broadcast_in_dim3A_44 = arith.constant -3.000000e+38 : f32
        %broadcast_in_dim3A_45 = vector.broadcast %broadcast_in_dim3A_44 : f32 to vector<16xf32>
        %mul3A_46 = arith.constant 16 : i32
        %mul3A_47 = arith.muli %add3A_30, %mul3A_46 : i32
        %get3A = arith.index_cast %mul3A_47 : i32 to index
        %get3A_48 = tpu.vector_load %arg7[%get3A] {strides = array<i32>} : memref<256xf32, #tpu.memory_space<vmem>>, vector<16xf32>,
        %get3A_49 = vector.shape_cast %get3A_48 : vector<16xf32> to vector<16xf32>
        %slice3A = vector.extract_strided_slice %get3A_49 {offsets = [0], sizes = [1], strides = [1]} : vector<16xf32> to vector<1xf32>
        %squeeze3A = vector.extract %slice3A[0] : f32 from vector<1xf32>
        %mul3A_50 = arith.constant 16 : i32
        %mul3A_51 = arith.muli %add3A_30, %mul3A_50 : i32
        %add3A_52 = arith.constant 0 : i32
        %add3A_53 = arith.addi %mul3A_51, %add3A_52 : i32
        %get3A_54 = arith.index_cast %add3A_53 : i32 to index
        %get3A_55 = arith.constant 0 : index
        %get3A_56 = tpu.vector_load %arg8[%get3A_54, %get3A_55] {strides = array<i32>} : memref<256x128xf32, #tpu.memory_space<vmem>>, vector<1x16xf32>,
        %get3A_57 = vector.shape_cast %get3A_56 : vector<1x16xf32> to vector<16xf32>
        %mul3A_58 = vector.broadcast %squeeze3A : f32 to vector<16xf32>
        %mul3A_59 = arith.mulf %get3A_57, %mul3A_58 : vector<16xf32>
        %add3A_60 = arith.addf %broadcast_in_dim3A_31, %mul3A_59 : vector<16xf32>
        %max3A = arith.maximumf %broadcast_in_dim3A_39, %mul3A_59 : vector<16xf32>
        %mul3A_61 = arith.constant 16 : i32
        %mul3A_62 = arith.muli %add3A_30, %mul3A_61 : i32
        %add3A_63 = arith.constant 0 : i32
        %add3A_64 = arith.addi %mul3A_62, %add3A_63 : i32
        %get3A_65 = arith.index_cast %add3A_64 : i32 to index
        %get3A_66 = arith.constant 16 : index
        %get3A_67 = tpu.vector_load %arg8[%get3A_65, %get3A_66] {strides = array<i32>} : memref<256x128xf32, #tpu.memory_space<vmem>>, vector<1x16xf32>,
        %get3A_68 = vector.shape_cast %get3A_67 : vector<1x16xf32> to vector<16xf32>
        %mul3A_69 = vector.broadcast %squeeze3A : f32 to vector<16xf32>
        %mul3A_70 = arith.mulf %get3A_68, %mul3A_69 : vector<16xf32>
        %add3A_71 = arith.addf %broadcast_in_dim3A_33, %mul3A_70 : vector<16xf32>
        %max3A_72 = arith.maximumf %broadcast_in_dim3A_41, %mul3A_70 : vector<16xf32>
        %mul3A_73 = arith.constant 16 : i32
        %mul3A_74 = arith.muli %add3A_30, %mul3A_73 : i32
        %add3A_75 = arith.constant 0 : i32
        %add3A_76 = arith.addi %mul3A_74, %add3A_75 : i32
        %get3A_77 = arith.index_cast %add3A_76 : i32 to index
        %get3A_78 = arith.constant 32 : index
        %get3A_79 = tpu.vector_load %arg8[%get3A_77, %get3A_78] {strides = array<i32>} : memref<256x128xf32, #tpu.memory_space<vmem>>, vector<1x16xf32>,
        %get3A_80 = vector.shape_cast %get3A_79 : vector<1x16xf32> to vector<16xf32>
        %mul3A_81 = vector.broadcast %squeeze3A : f32 to vector<16xf32>
        %mul3A_82 = arith.mulf %get3A_80, %mul3A_81 : vector<16xf32>
        %add3A_83 = arith.addf %broadcast_in_dim3A_35, %mul3A_82 : vector<16xf32>
        %max3A_84 = arith.maximumf %broadcast_in_dim3A_43, %mul3A_82 : vector<16xf32>
        %mul3A_85 = arith.constant 16 : i32
        %mul3A_86 = arith.muli %add3A_30, %mul3A_85 : i32
        %add3A_87 = arith.constant 0 : i32
        %add3A_88 = arith.addi %mul3A_86, %add3A_87 : i32
        %get3A_89 = arith.index_cast %add3A_88 : i32 to index
        %get3A_90 = arith.constant 48 : index
        %get3A_91 = tpu.vector_load %arg8[%get3A_89, %get3A_90] {strides = array<i32>} : memref<256x128xf32, #tpu.memory_space<vmem>>, vector<1x16xf32>,
        %get3A_92 = vector.shape_cast %get3A_91 : vector<1x16xf32> to vector<16xf32>
        %mul3A_93 = vector.broadcast %squeeze3A : f32 to vector<16xf32>
        %mul3A_94 = arith.mulf %get3A_92, %mul3A_93 : vector<16xf32>
        %add3A_95 = arith.addf %broadcast_in_dim3A_37, %mul3A_94 : vector<16xf32>
        %max3A_96 = arith.maximumf %broadcast_in_dim3A_45, %mul3A_94 : vector<16xf32>
        %slice3A_97 = vector.extract_strided_slice %get3A_49 {offsets = [1], sizes = [1], strides = [1]} : vector<16xf32> to vector<1xf32>
        %squeeze3A_98 = vector.extract %slice3A_97[0] : f32 from vector<1xf32>
        %mul3A_99 = arith.constant 16 : i32
        %mul3A_100 = arith.muli %add3A_30, %mul3A_99 : i32
        %add3A_101 = arith.constant 1 : i32
        %add3A_102 = arith.addi %mul3A_100, %add3A_101 : i32
        %get3A_103 = arith.index_cast %add3A_102 : i32 to index
        %get3A_104 = arith.constant 0 : index
        %get3A_105 = tpu.vector_load %arg8[%get3A_103, %get3A_104] {strides = array<i32>} : memref<256x128xf32, #tpu.memory_space<vmem>>, vector<1x16xf32>,
        %get3A_106 = vector.shape_cast %get3A_105 : vector<1x16xf32> to vector<16xf32>
        %mul3A_107 = vector.broadcast %squeeze3A_98 : f32 to vector<16xf32>
        %mul3A_108 = arith.mulf %get3A_106, %mul3A_107 : vector<16xf32>
        %add3A_109 = arith.addf %add3A_60, %mul3A_108 : vector<16xf32>
        %max3A_110 = arith.maximumf %max3A, %mul3A_108 : vector<16xf32>
        %mul3A_111 = arith.constant 16 : i32
        %mul3A_112 = arith.muli %add3A_30, %mul3A_111 : i32
        %add3A_113 = arith.constant 1 : i32
        %add3A_114 = arith.addi %mul3A_112, %add3A_113 : i32
        %get3A_115 = arith.index_cast %add3A_114 : i32 to index
        %get3A_116 = arith.constant 16 : index
        %get3A_117 = tpu.vector_load %arg8[%get3A_115, %get3A_116] {strides = array<i32>} : memref<256x128xf32, #tpu.memory_space<vmem>>, vector<1x16xf32>,
        %get3A_118 = vector.shape_cast %get3A_117 : vector<1x16xf32> to vector<16xf32>
        %mul3A_119 = vector.broadcast %squeeze3A_98 : f32 to vector<16xf32>
        %mul3A_120 = arith.mulf %get3A_118, %mul3A_119 : vector<16xf32>
        %add3A_121 = arith.addf %add3A_71, %mul3A_120 : vector<16xf32>
        %max3A_122 = arith.maximumf %max3A_72, %mul3A_120 : vector<16xf32>
        %mul3A_123 = arith.constant 16 : i32
        %mul3A_124 = arith.muli %add3A_30, %mul3A_123 : i32
        %add3A_125 = arith.constant 1 : i32
        %add3A_126 = arith.addi %mul3A_124, %add3A_125 : i32
        %get3A_127 = arith.index_cast %add3A_126 : i32 to index
        %get3A_128 = arith.constant 32 : index
        %get3A_129 = tpu.vector_load %arg8[%get3A_127, %get3A_128] {strides = array<i32>} : memref<256x128xf32, #tpu.memory_space<vmem>>, vector<1x16xf32>,
        %get3A_130 = vector.shape_cast %get3A_129 : vector<1x16xf32> to vector<16xf32>
        %mul3A_131 = vector.broadcast %squeeze3A_98 : f32 to vector<16xf32>
        %mul3A_132 = arith.mulf %get3A_130, %mul3A_131 : vector<16xf32>
        %add3A_133 = arith.addf %add3A_83, %mul3A_132 : vector<16xf32>
        %max3A_134 = arith.maximumf %max3A_84, %mul3A_132 : vector<16xf32>
        %mul3A_135 = arith.constant 16 : i32
        %mul3A_136 = arith.muli %add3A_30, %mul3A_135 : i32
        %add3A_137 = arith.constant 1 : i32
        %add3A_138 = arith.addi %mul3A_136, %add3A_137 : i32
        %get3A_139 = arith.index_cast %add3A_138 : i32 to index
        %get3A_140 = arith.constant 48 : index
        %get3A_141 = tpu.vector_load %arg8[%get3A_139, %get3A_140] {strides = array<i32>} : memref<256x128xf32, #tpu.memory_space<vmem>>, vector<1x16xf32>,
        %get3A_142 = vector.shape_cast %get3A_141 : vector<1x16xf32> to vector<16xf32>
        %mul3A_143 = vector.broadcast %squeeze3A_98 : f32 to vector<16xf32>
        %mul3A_144 = arith.mulf %get3A_142, %mul3A_143 : vector<16xf32>
        %add3A_145 = arith.addf %add3A_95, %mul3A_144 : vector<16xf32>
        %max3A_146 = arith.maximumf %max3A_96, %mul3A_144 : vector<16xf32>
        %slice3A_147 = vector.extract_strided_slice %get3A_49 {offsets = [2], sizes = [1], strides = [1]} : vector<16xf32> to vector<1xf32>
        %squeeze3A_148 = vector.extract %slice3A_147[0] : f32 from vector<1xf32>
        %mul3A_149 = arith.constant 16 : i32
        %mul3A_150 = arith.muli %add3A_30, %mul3A_149 : i32
        %add3A_151 = arith.constant 2 : i32
        %add3A_152 = arith.addi %mul3A_150, %add3A_151 : i32
        %get3A_153 = arith.index_cast %add3A_152 : i32 to index
        %get3A_154 = arith.constant 0 : index
        %get3A_155 = tpu.vector_load %arg8[%get3A_153, %get3A_154] {strides = array<i32>} : memref<256x128xf32, #tpu.memory_space<vmem>>, vector<1x16xf32>,
        %get3A_156 = vector.shape_cast %get3A_155 : vector<1x16xf32> to vector<16xf32>
        %mul3A_157 = vector.broadcast %squeeze3A_148 : f32 to vector<16xf32>
        %mul3A_158 = arith.mulf %get3A_156, %mul3A_157 : vector<16xf32>
        %add3A_159 = arith.addf %add3A_109, %mul3A_158 : vector<16xf32>
        %max3A_160 = arith.maximumf %max3A_110, %mul3A_158 : vector<16xf32>
        %mul3A_161 = arith.constant 16 : i32
        %mul3A_162 = arith.muli %add3A_30, %mul3A_161 : i32
        %add3A_163 = arith.constant 2 : i32
        %add3A_164 = arith.addi %mul3A_162, %add3A_163 : i32
        %get3A_165 = arith.index_cast %add3A_164 : i32 to index
        %get3A_166 = arith.constant 16 : index
        %get3A_167 = tpu.vector_load %arg8[%get3A_165, %get3A_166] {strides = array<i32>} : memref<256x128xf32, #tpu.memory_space<vmem>>, vector<1x16xf32>,
        %get3A_168 = vector.shape_cast %get3A_167 : vector<1x16xf32> to vector<16xf32>
        %mul3A_169 = vector.broadcast %squeeze3A_148 : f32 to vector<16xf32>
        %mul3A_170 = arith.mulf %get3A_168, %mul3A_169 : vector<16xf32>
        %add3A_171 = arith.addf %add3A_121, %mul3A_170 : vector<16xf32>
        %max3A_172 = arith.maximumf %max3A_122, %mul3A_170 : vector<16xf32>
        %mul3A_173 = arith.constant 16 : i32
        %mul3A_174 = arith.muli %add3A_30, %mul3A_173 : i32
        %add3A_175 = arith.constant 2 : i32
        %add3A_176 = arith.addi %mul3A_174, %add3A_175 : i32
        %get3A_177 = arith.index_cast %add3A_176 : i32 to index
        %get3A_178 = arith.constant 32 : index
        %get3A_179 = tpu.vector_load %arg8[%get3A_177, %get3A_178] {strides = array<i32>} : memref<256x128xf32, #tpu.memory_space<vmem>>, vector<1x16xf32>,
        %get3A_180 = vector.shape_cast %get3A_179 : vector<1x16xf32> to vector<16xf32>
        %mul3A_181 = vector.broadcast %squeeze3A_148 : f32 to vector<16xf32>
        %mul3A_182 = arith.mulf %get3A_180, %mul3A_181 : vector<16xf32>
        %add3A_183 = arith.addf %add3A_133, %mul3A_182 : vector<16xf32>
        %max3A_184 = arith.maximumf %max3A_134, %mul3A_182 : vector<16xf32>
        %mul3A_185 = arith.constant 16 : i32
        %mul3A_186 = arith.muli %add3A_30, %mul3A_185 : i32
        %add3A_187 = arith.constant 2 : i32
        %add3A_188 = arith.addi %mul3A_186, %add3A_187 : i32
        %get3A_189 = arith.index_cast %add3A_188 : i32 to index
        %get3A_190 = arith.constant 48 : index
        %get3A_191 = tpu.vector_load %arg8[%get3A_189, %get3A_190] {strides = array<i32>} : memref<256x128xf32, #tpu.memory_space<vmem>>, vector<1x16xf32>,
        %get3A_192 = vector.shape_cast %get3A_191 : vector<1x16xf32> to vector<16xf32>
        %mul3A_193 = vector.broadcast %squeeze3A_148 : f32 to vector<16xf32>
        %mul3A_194 = arith.mulf %get3A_192, %mul3A_193 : vector<16xf32>
        %add3A_195 = arith.addf %add3A_145, %mul3A_194 : vector<16xf32>
        %max3A_196 = arith.maximumf %max3A_146, %mul3A_194 : vector<16xf32>
        %slice3A_197 = vector.extract_strided_slice %get3A_49 {offsets = [3], sizes = [1], strides = [1]} : vector<16xf32> to vector<1xf32>
        %squeeze3A_198 = vector.extract %slice3A_197[0] : f32 from vector<1xf32>
        %mul3A_199 = arith.constant 16 : i32
        %mul3A_200 = arith.muli %add3A_30, %mul3A_199 : i32
        %add3A_201 = arith.constant 3 : i32
        %add3A_202 = arith.addi %mul3A_200, %add3A_201 : i32
        %get3A_203 = arith.index_cast %add3A_202 : i32 to index
        %get3A_204 = arith.constant 0 : index
        %get3A_205 = tpu.vector_load %arg8[%get3A_203, %get3A_204] {strides = array<i32>} : memref<256x128xf32, #tpu.memory_space<vmem>>, vector<1x16xf32>,
        %get3A_206 = vector.shape_cast %get3A_205 : vector<1x16xf32> to vector<16xf32>
        %mul3A_207 = vector.broadcast %squeeze3A_198 : f32 to vector<16xf32>
        %mul3A_208 = arith.mulf %get3A_206, %mul3A_207 : vector<16xf32>
        %add3A_209 = arith.addf %add3A_159, %mul3A_208 : vector<16xf32>
        %max3A_210 = arith.maximumf %max3A_160, %mul3A_208 : vector<16xf32>
        %mul3A_211 = arith.constant 16 : i32
        %mul3A_212 = arith.muli %add3A_30, %mul3A_211 : i32
        %add3A_213 = arith.constant 3 : i32
        %add3A_214 = arith.addi %mul3A_212, %add3A_213 : i32
        %get3A_215 = arith.index_cast %add3A_214 : i32 to index
        %get3A_216 = arith.constant 16 : index
        %get3A_217 = tpu.vector_load %arg8[%get3A_215, %get3A_216] {strides = array<i32>} : memref<256x128xf32, #tpu.memory_space<vmem>>, vector<1x16xf32>,
        %get3A_218 = vector.shape_cast %get3A_217 : vector<1x16xf32> to vector<16xf32>
        %mul3A_219 = vector.broadcast %squeeze3A_198 : f32 to vector<16xf32>
        %mul3A_220 = arith.mulf %get3A_218, %mul3A_219 : vector<16xf32>
        %add3A_221 = arith.addf %add3A_171, %mul3A_220 : vector<16xf32>
        %max3A_222 = arith.maximumf %max3A_172, %mul3A_220 : vector<16xf32>
        %mul3A_223 = arith.constant 16 : i32
        %mul3A_224 = arith.muli %add3A_30, %mul3A_223 : i32
        %add3A_225 = arith.constant 3 : i32
        %add3A_226 = arith.addi %mul3A_224, %add3A_225 : i32
        %get3A_227 = arith.index_cast %add3A_226 : i32 to index
        %get3A_228 = arith.constant 32 : index
        %get3A_229 = tpu.vector_load %arg8[%get3A_227, %get3A_228] {strides = array<i32>} : memref<256x128xf32, #tpu.memory_space<vmem>>, vector<1x16xf32>,
        %get3A_230 = vector.shape_cast %get3A_229 : vector<1x16xf32> to vector<16xf32>
        %mul3A_231 = vector.broadcast %squeeze3A_198 : f32 to vector<16xf32>
        %mul3A_232 = arith.mulf %get3A_230, %mul3A_231 : vector<16xf32>
        %add3A_233 = arith.addf %add3A_183, %mul3A_232 : vector<16xf32>
        %max3A_234 = arith.maximumf %max3A_184, %mul3A_232 : vector<16xf32>
        %mul3A_235 = arith.constant 16 : i32
        %mul3A_236 = arith.muli %add3A_30, %mul3A_235 : i32
        %add3A_237 = arith.constant 3 : i32
        %add3A_238 = arith.addi %mul3A_236, %add3A_237 : i32
        %get3A_239 = arith.index_cast %add3A_238 : i32 to index
        %get3A_240 = arith.constant 48 : index
        %get3A_241 = tpu.vector_load %arg8[%get3A_239, %get3A_240] {strides = array<i32>} : memref<256x128xf32, #tpu.memory_space<vmem>>, vector<1x16xf32>,
        %get3A_242 = vector.shape_cast %get3A_241 : vector<1x16xf32> to vector<16xf32>
        %mul3A_243 = vector.broadcast %squeeze3A_198 : f32 to vector<16xf32>
        %mul3A_244 = arith.mulf %get3A_242, %mul3A_243 : vector<16xf32>
        %add3A_245 = arith.addf %add3A_195, %mul3A_244 : vector<16xf32>
        %max3A_246 = arith.maximumf %max3A_196, %mul3A_244 : vector<16xf32>
        %slice3A_247 = vector.extract_strided_slice %get3A_49 {offsets = [4], sizes = [1], strides = [1]} : vector<16xf32> to vector<1xf32>
        %squeeze3A_248 = vector.extract %slice3A_247[0] : f32 from vector<1xf32>
        %mul3A_249 = arith.constant 16 : i32
        %mul3A_250 = arith.muli %add3A_30, %mul3A_249 : i32
        %add3A_251 = arith.constant 4 : i32
        %add3A_252 = arith.addi %mul3A_250, %add3A_251 : i32
        %get3A_253 = arith.index_cast %add3A_252 : i32 to index
        %get3A_254 = arith.constant 0 : index
        %get3A_255 = tpu.vector_load %arg8[%get3A_253, %get3A_254] {strides = array<i32>} : memref<256x128xf32, #tpu.memory_space<vmem>>, vector<1x16xf32>,
        %get3A_256 = vector.shape_cast %get3A_255 : vector<1x16xf32> to vector<16xf32>
        %mul3A_257 = vector.broadcast %squeeze3A_248 : f32 to vector<16xf32>
        %mul3A_258 = arith.mulf %get3A_256, %mul3A_257 : vector<16xf32>
        %add3A_259 = arith.addf %add3A_209, %mul3A_258 : vector<16xf32>
        %max3A_260 = arith.maximumf %max3A_210, %mul3A_258 : vector<16xf32>
        %mul3A_261 = arith.constant 16 : i32
        %mul3A_262 = arith.muli %add3A_30, %mul3A_261 : i32
        %add3A_263 = arith.constant 4 : i32
        %add3A_264 = arith.addi %mul3A_262, %add3A_263 : i32
        %get3A_265 = arith.index_cast %add3A_264 : i32 to index
        %get3A_266 = arith.constant 16 : index
        %get3A_267 = tpu.vector_load %arg8[%get3A_265, %get3A_266] {strides = array<i32>} : memref<256x128xf32, #tpu.memory_space<vmem>>, vector<1x16xf32>,
        %get3A_268 = vector.shape_cast %get3A_267 : vector<1x16xf32> to vector<16xf32>
        %mul3A_269 = vector.broadcast %squeeze3A_248 : f32 to vector<16xf32>
        %mul3A_270 = arith.mulf %get3A_268, %mul3A_269 : vector<16xf32>
        %add3A_271 = arith.addf %add3A_221, %mul3A_270 : vector<16xf32>
        %max3A_272 = arith.maximumf %max3A_222, %mul3A_270 : vector<16xf32>
        %mul3A_273 = arith.constant 16 : i32
        %mul3A_274 = arith.muli %add3A_30, %mul3A_273 : i32
        %add3A_275 = arith.constant 4 : i32
        %add3A_276 = arith.addi %mul3A_274, %add3A_275 : i32
        %get3A_277 = arith.index_cast %add3A_276 : i32 to index
        %get3A_278 = arith.constant 32 : index
        %get3A_279 = tpu.vector_load %arg8[%get3A_277, %get3A_278] {strides = array<i32>} : memref<256x128xf32, #tpu.memory_space<vmem>>, vector<1x16xf32>,
        %get3A_280 = vector.shape_cast %get3A_279 : vector<1x16xf32> to vector<16xf32>
        %mul3A_281 = vector.broadcast %squeeze3A_248 : f32 to vector<16xf32>
        %mul3A_282 = arith.mulf %get3A_280, %mul3A_281 : vector<16xf32>
        %add3A_283 = arith.addf %add3A_233, %mul3A_282 : vector<16xf32>
        %max3A_284 = arith.maximumf %max3A_234, %mul3A_282 : vector<16xf32>
        %mul3A_285 = arith.constant 16 : i32
        %mul3A_286 = arith.muli %add3A_30, %mul3A_285 : i32
        %add3A_287 = arith.constant 4 : i32
        %add3A_288 = arith.addi %mul3A_286, %add3A_287 : i32
        %get3A_289 = arith.index_cast %add3A_288 : i32 to index
        %get3A_290 = arith.constant 48 : index
        %get3A_291 = tpu.vector_load %arg8[%get3A_289, %get3A_290] {strides = array<i32>} : memref<256x128xf32, #tpu.memory_space<vmem>>, vector<1x16xf32>,
        %get3A_292 = vector.shape_cast %get3A_291 : vector<1x16xf32> to vector<16xf32>
        %mul3A_293 = vector.broadcast %squeeze3A_248 : f32 to vector<16xf32>
        %mul3A_294 = arith.mulf %get3A_292, %mul3A_293 : vector<16xf32>
        %add3A_295 = arith.addf %add3A_245, %mul3A_294 : vector<16xf32>
        %max3A_296 = arith.maximumf %max3A_246, %mul3A_294 : vector<16xf32>
        %slice3A_297 = vector.extract_strided_slice %get3A_49 {offsets = [5], sizes = [1], strides = [1]} : vector<16xf32> to vector<1xf32>
        %squeeze3A_298 = vector.extract %slice3A_297[0] : f32 from vector<1xf32>
        %mul3A_299 = arith.constant 16 : i32
        %mul3A_300 = arith.muli %add3A_30, %mul3A_299 : i32
        %add3A_301 = arith.constant 5 : i32
        %add3A_302 = arith.addi %mul3A_300, %add3A_301 : i32
        %get3A_303 = arith.index_cast %add3A_302 : i32 to index
        %get3A_304 = arith.constant 0 : index
        %get3A_305 = tpu.vector_load %arg8[%get3A_303, %get3A_304] {strides = array<i32>} : memref<256x128xf32, #tpu.memory_space<vmem>>, vector<1x16xf32>,
        %get3A_306 = vector.shape_cast %get3A_305 : vector<1x16xf32> to vector<16xf32>
        %mul3A_307 = vector.broadcast %squeeze3A_298 : f32 to vector<16xf32>
        %mul3A_308 = arith.mulf %get3A_306, %mul3A_307 : vector<16xf32>
        %add3A_309 = arith.addf %add3A_259, %mul3A_308 : vector<16xf32>
        %max3A_310 = arith.maximumf %max3A_260, %mul3A_308 : vector<16xf32>
        %mul3A_311 = arith.constant 16 : i32
        %mul3A_312 = arith.muli %add3A_30, %mul3A_311 : i32
        %add3A_313 = arith.constant 5 : i32
        %add3A_314 = arith.addi %mul3A_312, %add3A_313 : i32
        %get3A_315 = arith.index_cast %add3A_314 : i32 to index
        %get3A_316 = arith.constant 16 : index
        %get3A_317 = tpu.vector_load %arg8[%get3A_315, %get3A_316] {strides = array<i32>} : memref<256x128xf32, #tpu.memory_space<vmem>>, vector<1x16xf32>,
        %get3A_318 = vector.shape_cast %get3A_317 : vector<1x16xf32> to vector<16xf32>
        %mul3A_319 = vector.broadcast %squeeze3A_298 : f32 to vector<16xf32>
        %mul3A_320 = arith.mulf %get3A_318, %mul3A_319 : vector<16xf32>
        %add3A_321 = arith.addf %add3A_271, %mul3A_320 : vector<16xf32>
        %max3A_322 = arith.maximumf %max3A_272, %mul3A_320 : vector<16xf32>
        %mul3A_323 = arith.constant 16 : i32
        %mul3A_324 = arith.muli %add3A_30, %mul3A_323 : i32
        %add3A_325 = arith.constant 5 : i32
        %add3A_326 = arith.addi %mul3A_324, %add3A_325 : i32
        %get3A_327 = arith.index_cast %add3A_326 : i32 to index
        %get3A_328 = arith.constant 32 : index
        %get3A_329 = tpu.vector_load %arg8[%get3A_327, %get3A_328] {strides = array<i32>} : memref<256x128xf32, #tpu.memory_space<vmem>>, vector<1x16xf32>,
        %get3A_330 = vector.shape_cast %get3A_329 : vector<1x16xf32> to vector<16xf32>
        %mul3A_331 = vector.broadcast %squeeze3A_298 : f32 to vector<16xf32>
        %mul3A_332 = arith.mulf %get3A_330, %mul3A_331 : vector<16xf32>
        %add3A_333 = arith.addf %add3A_283, %mul3A_332 : vector<16xf32>
        %max3A_334 = arith.maximumf %max3A_284, %mul3A_332 : vector<16xf32>
        %mul3A_335 = arith.constant 16 : i32
        %mul3A_336 = arith.muli %add3A_30, %mul3A_335 : i32
        %add3A_337 = arith.constant 5 : i32
        %add3A_338 = arith.addi %mul3A_336, %add3A_337 : i32
        %get3A_339 = arith.index_cast %add3A_338 : i32 to index
        %get3A_340 = arith.constant 48 : index
        %get3A_341 = tpu.vector_load %arg8[%get3A_339, %get3A_340] {strides = array<i32>} : memref<256x128xf32, #tpu.memory_space<vmem>>, vector<1x16xf32>,
        %get3A_342 = vector.shape_cast %get3A_341 : vector<1x16xf32> to vector<16xf32>
        %mul3A_343 = vector.broadcast %squeeze3A_298 : f32 to vector<16xf32>
        %mul3A_344 = arith.mulf %get3A_342, %mul3A_343 : vector<16xf32>
        %add3A_345 = arith.addf %add3A_295, %mul3A_344 : vector<16xf32>
        %max3A_346 = arith.maximumf %max3A_296, %mul3A_344 : vector<16xf32>
        %slice3A_347 = vector.extract_strided_slice %get3A_49 {offsets = [6], sizes = [1], strides = [1]} : vector<16xf32> to vector<1xf32>
        %squeeze3A_348 = vector.extract %slice3A_347[0] : f32 from vector<1xf32>
        %mul3A_349 = arith.constant 16 : i32
        %mul3A_350 = arith.muli %add3A_30, %mul3A_349 : i32
        %add3A_351 = arith.constant 6 : i32
        %add3A_352 = arith.addi %mul3A_350, %add3A_351 : i32
        %get3A_353 = arith.index_cast %add3A_352 : i32 to index
        %get3A_354 = arith.constant 0 : index
        %get3A_355 = tpu.vector_load %arg8[%get3A_353, %get3A_354] {strides = array<i32>} : memref<256x128xf32, #tpu.memory_space<vmem>>, vector<1x16xf32>,
        %get3A_356 = vector.shape_cast %get3A_355 : vector<1x16xf32> to vector<16xf32>
        %mul3A_357 = vector.broadcast %squeeze3A_348 : f32 to vector<16xf32>
        %mul3A_358 = arith.mulf %get3A_356, %mul3A_357 : vector<16xf32>
        %add3A_359 = arith.addf %add3A_309, %mul3A_358 : vector<16xf32>
        %max3A_360 = arith.maximumf %max3A_310, %mul3A_358 : vector<16xf32>
        %mul3A_361 = arith.constant 16 : i32
        %mul3A_362 = arith.muli %add3A_30, %mul3A_361 : i32
        %add3A_363 = arith.constant 6 : i32
        %add3A_364 = arith.addi %mul3A_362, %add3A_363 : i32
        %get3A_365 = arith.index_cast %add3A_364 : i32 to index
        %get3A_366 = arith.constant 16 : index
        %get3A_367 = tpu.vector_load %arg8[%get3A_365, %get3A_366] {strides = array<i32>} : memref<256x128xf32, #tpu.memory_space<vmem>>, vector<1x16xf32>,
        %get3A_368 = vector.shape_cast %get3A_367 : vector<1x16xf32> to vector<16xf32>
        %mul3A_369 = vector.broadcast %squeeze3A_348 : f32 to vector<16xf32>
        %mul3A_370 = arith.mulf %get3A_368, %mul3A_369 : vector<16xf32>
        %add3A_371 = arith.addf %add3A_321, %mul3A_370 : vector<16xf32>
        %max3A_372 = arith.maximumf %max3A_322, %mul3A_370 : vector<16xf32>
        %mul3A_373 = arith.constant 16 : i32
        %mul3A_374 = arith.muli %add3A_30, %mul3A_373 : i32
        %add3A_375 = arith.constant 6 : i32
        %add3A_376 = arith.addi %mul3A_374, %add3A_375 : i32
        %get3A_377 = arith.index_cast %add3A_376 : i32 to index
        %get3A_378 = arith.constant 32 : index
        %get3A_379 = tpu.vector_load %arg8[%get3A_377, %get3A_378] {strides = array<i32>} : memref<256x128xf32, #tpu.memory_space<vmem>>, vector<1x16xf32>,
        %get3A_380 = vector.shape_cast %get3A_379 : vector<1x16xf32> to vector<16xf32>
        %mul3A_381 = vector.broadcast %squeeze3A_348 : f32 to vector<16xf32>
        %mul3A_382 = arith.mulf %get3A_380, %mul3A_381 : vector<16xf32>
        %add3A_383 = arith.addf %add3A_333, %mul3A_382 : vector<16xf32>
        %max3A_384 = arith.maximumf %max3A_334, %mul3A_382 : vector<16xf32>
        %mul3A_385 = arith.constant 16 : i32
        %mul3A_386 = arith.muli %add3A_30, %mul3A_385 : i32
        %add3A_387 = arith.constant 6 : i32
        %add3A_388 = arith.addi %mul3A_386, %add3A_387 : i32
        %get3A_389 = arith.index_cast %add3A_388 : i32 to index
        %get3A_390 = arith.constant 48 : index
        %get3A_391 = tpu.vector_load %arg8[%get3A_389, %get3A_390] {strides = array<i32>} : memref<256x128xf32, #tpu.memory_space<vmem>>, vector<1x16xf32>,
        %get3A_392 = vector.shape_cast %get3A_391 : vector<1x16xf32> to vector<16xf32>
        %mul3A_393 = vector.broadcast %squeeze3A_348 : f32 to vector<16xf32>
        %mul3A_394 = arith.mulf %get3A_392, %mul3A_393 : vector<16xf32>
        %add3A_395 = arith.addf %add3A_345, %mul3A_394 : vector<16xf32>
        %max3A_396 = arith.maximumf %max3A_346, %mul3A_394 : vector<16xf32>
        %slice3A_397 = vector.extract_strided_slice %get3A_49 {offsets = [7], sizes = [1], strides = [1]} : vector<16xf32> to vector<1xf32>
        %squeeze3A_398 = vector.extract %slice3A_397[0] : f32 from vector<1xf32>
        %mul3A_399 = arith.constant 16 : i32
        %mul3A_400 = arith.muli %add3A_30, %mul3A_399 : i32
        %add3A_401 = arith.constant 7 : i32
        %add3A_402 = arith.addi %mul3A_400, %add3A_401 : i32
        %get3A_403 = arith.index_cast %add3A_402 : i32 to index
        %get3A_404 = arith.constant 0 : index
        %get3A_405 = tpu.vector_load %arg8[%get3A_403, %get3A_404] {strides = array<i32>} : memref<256x128xf32, #tpu.memory_space<vmem>>, vector<1x16xf32>,
        %get3A_406 = vector.shape_cast %get3A_405 : vector<1x16xf32> to vector<16xf32>
        %mul3A_407 = vector.broadcast %squeeze3A_398 : f32 to vector<16xf32>
        %mul3A_408 = arith.mulf %get3A_406, %mul3A_407 : vector<16xf32>
        %add3A_409 = arith.addf %add3A_359, %mul3A_408 : vector<16xf32>
        %max3A_410 = arith.maximumf %max3A_360, %mul3A_408 : vector<16xf32>
        %mul3A_411 = arith.constant 16 : i32
        %mul3A_412 = arith.muli %add3A_30, %mul3A_411 : i32
        %add3A_413 = arith.constant 7 : i32
        %add3A_414 = arith.addi %mul3A_412, %add3A_413 : i32
        %get3A_415 = arith.index_cast %add3A_414 : i32 to index
        %get3A_416 = arith.constant 16 : index
        %get3A_417 = tpu.vector_load %arg8[%get3A_415, %get3A_416] {strides = array<i32>} : memref<256x128xf32, #tpu.memory_space<vmem>>, vector<1x16xf32>,
        %get3A_418 = vector.shape_cast %get3A_417 : vector<1x16xf32> to vector<16xf32>
        %mul3A_419 = vector.broadcast %squeeze3A_398 : f32 to vector<16xf32>
        %mul3A_420 = arith.mulf %get3A_418, %mul3A_419 : vector<16xf32>
        %add3A_421 = arith.addf %add3A_371, %mul3A_420 : vector<16xf32>
        %max3A_422 = arith.maximumf %max3A_372, %mul3A_420 : vector<16xf32>
        %mul3A_423 = arith.constant 16 : i32
        %mul3A_424 = arith.muli %add3A_30, %mul3A_423 : i32
        %add3A_425 = arith.constant 7 : i32
        %add3A_426 = arith.addi %mul3A_424, %add3A_425 : i32
        %get3A_427 = arith.index_cast %add3A_426 : i32 to index
        %get3A_428 = arith.constant 32 : index
        %get3A_429 = tpu.vector_load %arg8[%get3A_427, %get3A_428] {strides = array<i32>} : memref<256x128xf32, #tpu.memory_space<vmem>>, vector<1x16xf32>,
        %get3A_430 = vector.shape_cast %get3A_429 : vector<1x16xf32> to vector<16xf32>
        %mul3A_431 = vector.broadcast %squeeze3A_398 : f32 to vector<16xf32>
        %mul3A_432 = arith.mulf %get3A_430, %mul3A_431 : vector<16xf32>
        %add3A_433 = arith.addf %add3A_383, %mul3A_432 : vector<16xf32>
        %max3A_434 = arith.maximumf %max3A_384, %mul3A_432 : vector<16xf32>
        %mul3A_435 = arith.constant 16 : i32
        %mul3A_436 = arith.muli %add3A_30, %mul3A_435 : i32
        %add3A_437 = arith.constant 7 : i32
        %add3A_438 = arith.addi %mul3A_436, %add3A_437 : i32
        %get3A_439 = arith.index_cast %add3A_438 : i32 to index
        %get3A_440 = arith.constant 48 : index
        %get3A_441 = tpu.vector_load %arg8[%get3A_439, %get3A_440] {strides = array<i32>} : memref<256x128xf32, #tpu.memory_space<vmem>>, vector<1x16xf32>,
        %get3A_442 = vector.shape_cast %get3A_441 : vector<1x16xf32> to vector<16xf32>
        %mul3A_443 = vector.broadcast %squeeze3A_398 : f32 to vector<16xf32>
        %mul3A_444 = arith.mulf %get3A_442, %mul3A_443 : vector<16xf32>
        %add3A_445 = arith.addf %add3A_395, %mul3A_444 : vector<16xf32>
        %max3A_446 = arith.maximumf %max3A_396, %mul3A_444 : vector<16xf32>
        %slice3A_447 = vector.extract_strided_slice %get3A_49 {offsets = [8], sizes = [1], strides = [1]} : vector<16xf32> to vector<1xf32>
        %squeeze3A_448 = vector.extract %slice3A_447[0] : f32 from vector<1xf32>
        %mul3A_449 = arith.constant 16 : i32
        %mul3A_450 = arith.muli %add3A_30, %mul3A_449 : i32
        %add3A_451 = arith.constant 8 : i32
        %add3A_452 = arith.addi %mul3A_450, %add3A_451 : i32
        %get3A_453 = arith.index_cast %add3A_452 : i32 to index
        %get3A_454 = arith.constant 0 : index
        %get3A_455 = tpu.vector_load %arg8[%get3A_453, %get3A_454] {strides = array<i32>} : memref<256x128xf32, #tpu.memory_space<vmem>>, vector<1x16xf32>,
        %get3A_456 = vector.shape_cast %get3A_455 : vector<1x16xf32> to vector<16xf32>
        %mul3A_457 = vector.broadcast %squeeze3A_448 : f32 to vector<16xf32>
        %mul3A_458 = arith.mulf %get3A_456, %mul3A_457 : vector<16xf32>
        %add3A_459 = arith.addf %add3A_409, %mul3A_458 : vector<16xf32>
        %max3A_460 = arith.maximumf %max3A_410, %mul3A_458 : vector<16xf32>
        %mul3A_461 = arith.constant 16 : i32
        %mul3A_462 = arith.muli %add3A_30, %mul3A_461 : i32
        %add3A_463 = arith.constant 8 : i32
        %add3A_464 = arith.addi %mul3A_462, %add3A_463 : i32
        %get3A_465 = arith.index_cast %add3A_464 : i32 to index
        %get3A_466 = arith.constant 16 : index
        %get3A_467 = tpu.vector_load %arg8[%get3A_465, %get3A_466] {strides = array<i32>} : memref<256x128xf32, #tpu.memory_space<vmem>>, vector<1x16xf32>,
        %get3A_468 = vector.shape_cast %get3A_467 : vector<1x16xf32> to vector<16xf32>
        %mul3A_469 = vector.broadcast %squeeze3A_448 : f32 to vector<16xf32>
        %mul3A_470 = arith.mulf %get3A_468, %mul3A_469 : vector<16xf32>
        %add3A_471 = arith.addf %add3A_421, %mul3A_470 : vector<16xf32>
        %max3A_472 = arith.maximumf %max3A_422, %mul3A_470 : vector<16xf32>
        %mul3A_473 = arith.constant 16 : i32
        %mul3A_474 = arith.muli %add3A_30, %mul3A_473 : i32
        %add3A_475 = arith.constant 8 : i32
        %add3A_476 = arith.addi %mul3A_474, %add3A_475 : i32
        %get3A_477 = arith.index_cast %add3A_476 : i32 to index
        %get3A_478 = arith.constant 32 : index
        %get3A_479 = tpu.vector_load %arg8[%get3A_477, %get3A_478] {strides = array<i32>} : memref<256x128xf32, #tpu.memory_space<vmem>>, vector<1x16xf32>,
        %get3A_480 = vector.shape_cast %get3A_479 : vector<1x16xf32> to vector<16xf32>
        %mul3A_481 = vector.broadcast %squeeze3A_448 : f32 to vector<16xf32>
        %mul3A_482 = arith.mulf %get3A_480, %mul3A_481 : vector<16xf32>
        %add3A_483 = arith.addf %add3A_433, %mul3A_482 : vector<16xf32>
        %max3A_484 = arith.maximumf %max3A_434, %mul3A_482 : vector<16xf32>
        %mul3A_485 = arith.constant 16 : i32
        %mul3A_486 = arith.muli %add3A_30, %mul3A_485 : i32
        %add3A_487 = arith.constant 8 : i32
        %add3A_488 = arith.addi %mul3A_486, %add3A_487 : i32
        %get3A_489 = arith.index_cast %add3A_488 : i32 to index
        %get3A_490 = arith.constant 48 : index
        %get3A_491 = tpu.vector_load %arg8[%get3A_489, %get3A_490] {strides = array<i32>} : memref<256x128xf32, #tpu.memory_space<vmem>>, vector<1x16xf32>,
        %get3A_492 = vector.shape_cast %get3A_491 : vector<1x16xf32> to vector<16xf32>
        %mul3A_493 = vector.broadcast %squeeze3A_448 : f32 to vector<16xf32>
        %mul3A_494 = arith.mulf %get3A_492, %mul3A_493 : vector<16xf32>
        %add3A_495 = arith.addf %add3A_445, %mul3A_494 : vector<16xf32>
        %max3A_496 = arith.maximumf %max3A_446, %mul3A_494 : vector<16xf32>
        %slice3A_497 = vector.extract_strided_slice %get3A_49 {offsets = [9], sizes = [1], strides = [1]} : vector<16xf32> to vector<1xf32>
        %squeeze3A_498 = vector.extract %slice3A_497[0] : f32 from vector<1xf32>
        %mul3A_499 = arith.constant 16 : i32
        %mul3A_500 = arith.muli %add3A_30, %mul3A_499 : i32
        %add3A_501 = arith.constant 9 : i32
        %add3A_502 = arith.addi %mul3A_500, %add3A_501 : i32
        %get3A_503 = arith.index_cast %add3A_502 : i32 to index
        %get3A_504 = arith.constant 0 : index
        %get3A_505 = tpu.vector_load %arg8[%get3A_503, %get3A_504] {strides = array<i32>} : memref<256x128xf32, #tpu.memory_space<vmem>>, vector<1x16xf32>,
        %get3A_506 = vector.shape_cast %get3A_505 : vector<1x16xf32> to vector<16xf32>
        %mul3A_507 = vector.broadcast %squeeze3A_498 : f32 to vector<16xf32>
        %mul3A_508 = arith.mulf %get3A_506, %mul3A_507 : vector<16xf32>
        %add3A_509 = arith.addf %add3A_459, %mul3A_508 : vector<16xf32>
        %max3A_510 = arith.maximumf %max3A_460, %mul3A_508 : vector<16xf32>
        %mul3A_511 = arith.constant 16 : i32
        %mul3A_512 = arith.muli %add3A_30, %mul3A_511 : i32
        %add3A_513 = arith.constant 9 : i32
        %add3A_514 = arith.addi %mul3A_512, %add3A_513 : i32
        %get3A_515 = arith.index_cast %add3A_514 : i32 to index
        %get3A_516 = arith.constant 16 : index
        %get3A_517 = tpu.vector_load %arg8[%get3A_515, %get3A_516] {strides = array<i32>} : memref<256x128xf32, #tpu.memory_space<vmem>>, vector<1x16xf32>,
        %get3A_518 = vector.shape_cast %get3A_517 : vector<1x16xf32> to vector<16xf32>
        %mul3A_519 = vector.broadcast %squeeze3A_498 : f32 to vector<16xf32>
        %mul3A_520 = arith.mulf %get3A_518, %mul3A_519 : vector<16xf32>
        %add3A_521 = arith.addf %add3A_471, %mul3A_520 : vector<16xf32>
        %max3A_522 = arith.maximumf %max3A_472, %mul3A_520 : vector<16xf32>
        %mul3A_523 = arith.constant 16 : i32
        %mul3A_524 = arith.muli %add3A_30, %mul3A_523 : i32
        %add3A_525 = arith.constant 9 : i32
        %add3A_526 = arith.addi %mul3A_524, %add3A_525 : i32
        %get3A_527 = arith.index_cast %add3A_526 : i32 to index
        %get3A_528 = arith.constant 32 : index
        %get3A_529 = tpu.vector_load %arg8[%get3A_527, %get3A_528] {strides = array<i32>} : memref<256x128xf32, #tpu.memory_space<vmem>>, vector<1x16xf32>,
        %get3A_530 = vector.shape_cast %get3A_529 : vector<1x16xf32> to vector<16xf32>
        %mul3A_531 = vector.broadcast %squeeze3A_498 : f32 to vector<16xf32>
        %mul3A_532 = arith.mulf %get3A_530, %mul3A_531 : vector<16xf32>
        %add3A_533 = arith.addf %add3A_483, %mul3A_532 : vector<16xf32>
        %max3A_534 = arith.maximumf %max3A_484, %mul3A_532 : vector<16xf32>
        %mul3A_535 = arith.constant 16 : i32
        %mul3A_536 = arith.muli %add3A_30, %mul3A_535 : i32
        %add3A_537 = arith.constant 9 : i32
        %add3A_538 = arith.addi %mul3A_536, %add3A_537 : i32
        %get3A_539 = arith.index_cast %add3A_538 : i32 to index
        %get3A_540 = arith.constant 48 : index
        %get3A_541 = tpu.vector_load %arg8[%get3A_539, %get3A_540] {strides = array<i32>} : memref<256x128xf32, #tpu.memory_space<vmem>>, vector<1x16xf32>,
        %get3A_542 = vector.shape_cast %get3A_541 : vector<1x16xf32> to vector<16xf32>
        %mul3A_543 = vector.broadcast %squeeze3A_498 : f32 to vector<16xf32>
        %mul3A_544 = arith.mulf %get3A_542, %mul3A_543 : vector<16xf32>
        %add3A_545 = arith.addf %add3A_495, %mul3A_544 : vector<16xf32>
        %max3A_546 = arith.maximumf %max3A_496, %mul3A_544 : vector<16xf32>
        %slice3A_547 = vector.extract_strided_slice %get3A_49 {offsets = [10], sizes = [1], strides = [1]} : vector<16xf32> to vector<1xf32>
        %squeeze3A_548 = vector.extract %slice3A_547[0] : f32 from vector<1xf32>
        %mul3A_549 = arith.constant 16 : i32
        %mul3A_550 = arith.muli %add3A_30, %mul3A_549 : i32
        %add3A_551 = arith.constant 10 : i32
        %add3A_552 = arith.addi %mul3A_550, %add3A_551 : i32
        %get3A_553 = arith.index_cast %add3A_552 : i32 to index
        %get3A_554 = arith.constant 0 : index
        %get3A_555 = tpu.vector_load %arg8[%get3A_553, %get3A_554] {strides = array<i32>} : memref<256x128xf32, #tpu.memory_space<vmem>>, vector<1x16xf32>,
        %get3A_556 = vector.shape_cast %get3A_555 : vector<1x16xf32> to vector<16xf32>
        %mul3A_557 = vector.broadcast %squeeze3A_548 : f32 to vector<16xf32>
        %mul3A_558 = arith.mulf %get3A_556, %mul3A_557 : vector<16xf32>
        %add3A_559 = arith.addf %add3A_509, %mul3A_558 : vector<16xf32>
        %max3A_560 = arith.maximumf %max3A_510, %mul3A_558 : vector<16xf32>
        %mul3A_561 = arith.constant 16 : i32
        %mul3A_562 = arith.muli %add3A_30, %mul3A_561 : i32
        %add3A_563 = arith.constant 10 : i32
        %add3A_564 = arith.addi %mul3A_562, %add3A_563 : i32
        %get3A_565 = arith.index_cast %add3A_564 : i32 to index
        %get3A_566 = arith.constant 16 : index
        %get3A_567 = tpu.vector_load %arg8[%get3A_565, %get3A_566] {strides = array<i32>} : memref<256x128xf32, #tpu.memory_space<vmem>>, vector<1x16xf32>,
        %get3A_568 = vector.shape_cast %get3A_567 : vector<1x16xf32> to vector<16xf32>
        %mul3A_569 = vector.broadcast %squeeze3A_548 : f32 to vector<16xf32>
        %mul3A_570 = arith.mulf %get3A_568, %mul3A_569 : vector<16xf32>
        %add3A_571 = arith.addf %add3A_521, %mul3A_570 : vector<16xf32>
        %max3A_572 = arith.maximumf %max3A_522, %mul3A_570 : vector<16xf32>
        %mul3A_573 = arith.constant 16 : i32
        %mul3A_574 = arith.muli %add3A_30, %mul3A_573 : i32
        %add3A_575 = arith.constant 10 : i32
        %add3A_576 = arith.addi %mul3A_574, %add3A_575 : i32
        %get3A_577 = arith.index_cast %add3A_576 : i32 to index
        %get3A_578 = arith.constant 32 : index
        %get3A_579 = tpu.vector_load %arg8[%get3A_577, %get3A_578] {strides = array<i32>} : memref<256x128xf32, #tpu.memory_space<vmem>>, vector<1x16xf32>,
        %get3A_580 = vector.shape_cast %get3A_579 : vector<1x16xf32> to vector<16xf32>
        %mul3A_581 = vector.broadcast %squeeze3A_548 : f32 to vector<16xf32>
        %mul3A_582 = arith.mulf %get3A_580, %mul3A_581 : vector<16xf32>
        %add3A_583 = arith.addf %add3A_533, %mul3A_582 : vector<16xf32>
        %max3A_584 = arith.maximumf %max3A_534, %mul3A_582 : vector<16xf32>
        %mul3A_585 = arith.constant 16 : i32
        %mul3A_586 = arith.muli %add3A_30, %mul3A_585 : i32
        %add3A_587 = arith.constant 10 : i32
        %add3A_588 = arith.addi %mul3A_586, %add3A_587 : i32
        %get3A_589 = arith.index_cast %add3A_588 : i32 to index
        %get3A_590 = arith.constant 48 : index
        %get3A_591 = tpu.vector_load %arg8[%get3A_589, %get3A_590] {strides = array<i32>} : memref<256x128xf32, #tpu.memory_space<vmem>>, vector<1x16xf32>,
        %get3A_592 = vector.shape_cast %get3A_591 : vector<1x16xf32> to vector<16xf32>
        %mul3A_593 = vector.broadcast %squeeze3A_548 : f32 to vector<16xf32>
        %mul3A_594 = arith.mulf %get3A_592, %mul3A_593 : vector<16xf32>
        %add3A_595 = arith.addf %add3A_545, %mul3A_594 : vector<16xf32>
        %max3A_596 = arith.maximumf %max3A_546, %mul3A_594 : vector<16xf32>
        %slice3A_597 = vector.extract_strided_slice %get3A_49 {offsets = [11], sizes = [1], strides = [1]} : vector<16xf32> to vector<1xf32>
        %squeeze3A_598 = vector.extract %slice3A_597[0] : f32 from vector<1xf32>
        %mul3A_599 = arith.constant 16 : i32
        %mul3A_600 = arith.muli %add3A_30, %mul3A_599 : i32
        %add3A_601 = arith.constant 11 : i32
        %add3A_602 = arith.addi %mul3A_600, %add3A_601 : i32
        %get3A_603 = arith.index_cast %add3A_602 : i32 to index
        %get3A_604 = arith.constant 0 : index
        %get3A_605 = tpu.vector_load %arg8[%get3A_603, %get3A_604] {strides = array<i32>} : memref<256x128xf32, #tpu.memory_space<vmem>>, vector<1x16xf32>,
        %get3A_606 = vector.shape_cast %get3A_605 : vector<1x16xf32> to vector<16xf32>
        %mul3A_607 = vector.broadcast %squeeze3A_598 : f32 to vector<16xf32>
        %mul3A_608 = arith.mulf %get3A_606, %mul3A_607 : vector<16xf32>
        %add3A_609 = arith.addf %add3A_559, %mul3A_608 : vector<16xf32>
        %max3A_610 = arith.maximumf %max3A_560, %mul3A_608 : vector<16xf32>
        %mul3A_611 = arith.constant 16 : i32
        %mul3A_612 = arith.muli %add3A_30, %mul3A_611 : i32
        %add3A_613 = arith.constant 11 : i32
        %add3A_614 = arith.addi %mul3A_612, %add3A_613 : i32
        %get3A_615 = arith.index_cast %add3A_614 : i32 to index
        %get3A_616 = arith.constant 16 : index
        %get3A_617 = tpu.vector_load %arg8[%get3A_615, %get3A_616] {strides = array<i32>} : memref<256x128xf32, #tpu.memory_space<vmem>>, vector<1x16xf32>,
        %get3A_618 = vector.shape_cast %get3A_617 : vector<1x16xf32> to vector<16xf32>
        %mul3A_619 = vector.broadcast %squeeze3A_598 : f32 to vector<16xf32>
        %mul3A_620 = arith.mulf %get3A_618, %mul3A_619 : vector<16xf32>
        %add3A_621 = arith.addf %add3A_571, %mul3A_620 : vector<16xf32>
        %max3A_622 = arith.maximumf %max3A_572, %mul3A_620 : vector<16xf32>
        %mul3A_623 = arith.constant 16 : i32
        %mul3A_624 = arith.muli %add3A_30, %mul3A_623 : i32
        %add3A_625 = arith.constant 11 : i32
        %add3A_626 = arith.addi %mul3A_624, %add3A_625 : i32
        %get3A_627 = arith.index_cast %add3A_626 : i32 to index
        %get3A_628 = arith.constant 32 : index
        %get3A_629 = tpu.vector_load %arg8[%get3A_627, %get3A_628] {strides = array<i32>} : memref<256x128xf32, #tpu.memory_space<vmem>>, vector<1x16xf32>,
        %get3A_630 = vector.shape_cast %get3A_629 : vector<1x16xf32> to vector<16xf32>
        %mul3A_631 = vector.broadcast %squeeze3A_598 : f32 to vector<16xf32>
        %mul3A_632 = arith.mulf %get3A_630, %mul3A_631 : vector<16xf32>
        %add3A_633 = arith.addf %add3A_583, %mul3A_632 : vector<16xf32>
        %max3A_634 = arith.maximumf %max3A_584, %mul3A_632 : vector<16xf32>
        %mul3A_635 = arith.constant 16 : i32
        %mul3A_636 = arith.muli %add3A_30, %mul3A_635 : i32
        %add3A_637 = arith.constant 11 : i32
        %add3A_638 = arith.addi %mul3A_636, %add3A_637 : i32
        %get3A_639 = arith.index_cast %add3A_638 : i32 to index
        %get3A_640 = arith.constant 48 : index
        %get3A_641 = tpu.vector_load %arg8[%get3A_639, %get3A_640] {strides = array<i32>} : memref<256x128xf32, #tpu.memory_space<vmem>>, vector<1x16xf32>,
        %get3A_642 = vector.shape_cast %get3A_641 : vector<1x16xf32> to vector<16xf32>
        %mul3A_643 = vector.broadcast %squeeze3A_598 : f32 to vector<16xf32>
        %mul3A_644 = arith.mulf %get3A_642, %mul3A_643 : vector<16xf32>
        %add3A_645 = arith.addf %add3A_595, %mul3A_644 : vector<16xf32>
        %max3A_646 = arith.maximumf %max3A_596, %mul3A_644 : vector<16xf32>
        %slice3A_647 = vector.extract_strided_slice %get3A_49 {offsets = [12], sizes = [1], strides = [1]} : vector<16xf32> to vector<1xf32>
        %squeeze3A_648 = vector.extract %slice3A_647[0] : f32 from vector<1xf32>
        %mul3A_649 = arith.constant 16 : i32
        %mul3A_650 = arith.muli %add3A_30, %mul3A_649 : i32
        %add3A_651 = arith.constant 12 : i32
        %add3A_652 = arith.addi %mul3A_650, %add3A_651 : i32
        %get3A_653 = arith.index_cast %add3A_652 : i32 to index
        %get3A_654 = arith.constant 0 : index
        %get3A_655 = tpu.vector_load %arg8[%get3A_653, %get3A_654] {strides = array<i32>} : memref<256x128xf32, #tpu.memory_space<vmem>>, vector<1x16xf32>,
        %get3A_656 = vector.shape_cast %get3A_655 : vector<1x16xf32> to vector<16xf32>
        %mul3A_657 = vector.broadcast %squeeze3A_648 : f32 to vector<16xf32>
        %mul3A_658 = arith.mulf %get3A_656, %mul3A_657 : vector<16xf32>
        %add3A_659 = arith.addf %add3A_609, %mul3A_658 : vector<16xf32>
        %max3A_660 = arith.maximumf %max3A_610, %mul3A_658 : vector<16xf32>
        %mul3A_661 = arith.constant 16 : i32
        %mul3A_662 = arith.muli %add3A_30, %mul3A_661 : i32
        %add3A_663 = arith.constant 12 : i32
        %add3A_664 = arith.addi %mul3A_662, %add3A_663 : i32
        %get3A_665 = arith.index_cast %add3A_664 : i32 to index
        %get3A_666 = arith.constant 16 : index
        %get3A_667 = tpu.vector_load %arg8[%get3A_665, %get3A_666] {strides = array<i32>} : memref<256x128xf32, #tpu.memory_space<vmem>>, vector<1x16xf32>,
        %get3A_668 = vector.shape_cast %get3A_667 : vector<1x16xf32> to vector<16xf32>
        %mul3A_669 = vector.broadcast %squeeze3A_648 : f32 to vector<16xf32>
        %mul3A_670 = arith.mulf %get3A_668, %mul3A_669 : vector<16xf32>
        %add3A_671 = arith.addf %add3A_621, %mul3A_670 : vector<16xf32>
        %max3A_672 = arith.maximumf %max3A_622, %mul3A_670 : vector<16xf32>
        %mul3A_673 = arith.constant 16 : i32
        %mul3A_674 = arith.muli %add3A_30, %mul3A_673 : i32
        %add3A_675 = arith.constant 12 : i32
        %add3A_676 = arith.addi %mul3A_674, %add3A_675 : i32
        %get3A_677 = arith.index_cast %add3A_676 : i32 to index
        %get3A_678 = arith.constant 32 : index
        %get3A_679 = tpu.vector_load %arg8[%get3A_677, %get3A_678] {strides = array<i32>} : memref<256x128xf32, #tpu.memory_space<vmem>>, vector<1x16xf32>,
        %get3A_680 = vector.shape_cast %get3A_679 : vector<1x16xf32> to vector<16xf32>
        %mul3A_681 = vector.broadcast %squeeze3A_648 : f32 to vector<16xf32>
        %mul3A_682 = arith.mulf %get3A_680, %mul3A_681 : vector<16xf32>
        %add3A_683 = arith.addf %add3A_633, %mul3A_682 : vector<16xf32>
        %max3A_684 = arith.maximumf %max3A_634, %mul3A_682 : vector<16xf32>
        %mul3A_685 = arith.constant 16 : i32
        %mul3A_686 = arith.muli %add3A_30, %mul3A_685 : i32
        %add3A_687 = arith.constant 12 : i32
        %add3A_688 = arith.addi %mul3A_686, %add3A_687 : i32
        %get3A_689 = arith.index_cast %add3A_688 : i32 to index
        %get3A_690 = arith.constant 48 : index
        %get3A_691 = tpu.vector_load %arg8[%get3A_689, %get3A_690] {strides = array<i32>} : memref<256x128xf32, #tpu.memory_space<vmem>>, vector<1x16xf32>,
        %get3A_692 = vector.shape_cast %get3A_691 : vector<1x16xf32> to vector<16xf32>
        %mul3A_693 = vector.broadcast %squeeze3A_648 : f32 to vector<16xf32>
        %mul3A_694 = arith.mulf %get3A_692, %mul3A_693 : vector<16xf32>
        %add3A_695 = arith.addf %add3A_645, %mul3A_694 : vector<16xf32>
        %max3A_696 = arith.maximumf %max3A_646, %mul3A_694 : vector<16xf32>
        %slice3A_697 = vector.extract_strided_slice %get3A_49 {offsets = [13], sizes = [1], strides = [1]} : vector<16xf32> to vector<1xf32>
        %squeeze3A_698 = vector.extract %slice3A_697[0] : f32 from vector<1xf32>
        %mul3A_699 = arith.constant 16 : i32
        %mul3A_700 = arith.muli %add3A_30, %mul3A_699 : i32
        %add3A_701 = arith.constant 13 : i32
        %add3A_702 = arith.addi %mul3A_700, %add3A_701 : i32
        %get3A_703 = arith.index_cast %add3A_702 : i32 to index
        %get3A_704 = arith.constant 0 : index
        %get3A_705 = tpu.vector_load %arg8[%get3A_703, %get3A_704] {strides = array<i32>} : memref<256x128xf32, #tpu.memory_space<vmem>>, vector<1x16xf32>,
        %get3A_706 = vector.shape_cast %get3A_705 : vector<1x16xf32> to vector<16xf32>
        %mul3A_707 = vector.broadcast %squeeze3A_698 : f32 to vector<16xf32>
        %mul3A_708 = arith.mulf %get3A_706, %mul3A_707 : vector<16xf32>
        %add3A_709 = arith.addf %add3A_659, %mul3A_708 : vector<16xf32>
        %max3A_710 = arith.maximumf %max3A_660, %mul3A_708 : vector<16xf32>
        %mul3A_711 = arith.constant 16 : i32
        %mul3A_712 = arith.muli %add3A_30, %mul3A_711 : i32
        %add3A_713 = arith.constant 13 : i32
        %add3A_714 = arith.addi %mul3A_712, %add3A_713 : i32
        %get3A_715 = arith.index_cast %add3A_714 : i32 to index
        %get3A_716 = arith.constant 16 : index
        %get3A_717 = tpu.vector_load %arg8[%get3A_715, %get3A_716] {strides = array<i32>} : memref<256x128xf32, #tpu.memory_space<vmem>>, vector<1x16xf32>,
        %get3A_718 = vector.shape_cast %get3A_717 : vector<1x16xf32> to vector<16xf32>
        %mul3A_719 = vector.broadcast %squeeze3A_698 : f32 to vector<16xf32>
        %mul3A_720 = arith.mulf %get3A_718, %mul3A_719 : vector<16xf32>
        %add3A_721 = arith.addf %add3A_671, %mul3A_720 : vector<16xf32>
        %max3A_722 = arith.maximumf %max3A_672, %mul3A_720 : vector<16xf32>
        %mul3A_723 = arith.constant 16 : i32
        %mul3A_724 = arith.muli %add3A_30, %mul3A_723 : i32
        %add3A_725 = arith.constant 13 : i32
        %add3A_726 = arith.addi %mul3A_724, %add3A_725 : i32
        %get3A_727 = arith.index_cast %add3A_726 : i32 to index
        %get3A_728 = arith.constant 32 : index
        %get3A_729 = tpu.vector_load %arg8[%get3A_727, %get3A_728] {strides = array<i32>} : memref<256x128xf32, #tpu.memory_space<vmem>>, vector<1x16xf32>,
        %get3A_730 = vector.shape_cast %get3A_729 : vector<1x16xf32> to vector<16xf32>
        %mul3A_731 = vector.broadcast %squeeze3A_698 : f32 to vector<16xf32>
        %mul3A_732 = arith.mulf %get3A_730, %mul3A_731 : vector<16xf32>
        %add3A_733 = arith.addf %add3A_683, %mul3A_732 : vector<16xf32>
        %max3A_734 = arith.maximumf %max3A_684, %mul3A_732 : vector<16xf32>
        %mul3A_735 = arith.constant 16 : i32
        %mul3A_736 = arith.muli %add3A_30, %mul3A_735 : i32
        %add3A_737 = arith.constant 13 : i32
        %add3A_738 = arith.addi %mul3A_736, %add3A_737 : i32
        %get3A_739 = arith.index_cast %add3A_738 : i32 to index
        %get3A_740 = arith.constant 48 : index
        %get3A_741 = tpu.vector_load %arg8[%get3A_739, %get3A_740] {strides = array<i32>} : memref<256x128xf32, #tpu.memory_space<vmem>>, vector<1x16xf32>,
        %get3A_742 = vector.shape_cast %get3A_741 : vector<1x16xf32> to vector<16xf32>
        %mul3A_743 = vector.broadcast %squeeze3A_698 : f32 to vector<16xf32>
        %mul3A_744 = arith.mulf %get3A_742, %mul3A_743 : vector<16xf32>
        %add3A_745 = arith.addf %add3A_695, %mul3A_744 : vector<16xf32>
        %max3A_746 = arith.maximumf %max3A_696, %mul3A_744 : vector<16xf32>
        %slice3A_747 = vector.extract_strided_slice %get3A_49 {offsets = [14], sizes = [1], strides = [1]} : vector<16xf32> to vector<1xf32>
        %squeeze3A_748 = vector.extract %slice3A_747[0] : f32 from vector<1xf32>
        %mul3A_749 = arith.constant 16 : i32
        %mul3A_750 = arith.muli %add3A_30, %mul3A_749 : i32
        %add3A_751 = arith.constant 14 : i32
        %add3A_752 = arith.addi %mul3A_750, %add3A_751 : i32
        %get3A_753 = arith.index_cast %add3A_752 : i32 to index
        %get3A_754 = arith.constant 0 : index
        %get3A_755 = tpu.vector_load %arg8[%get3A_753, %get3A_754] {strides = array<i32>} : memref<256x128xf32, #tpu.memory_space<vmem>>, vector<1x16xf32>,
        %get3A_756 = vector.shape_cast %get3A_755 : vector<1x16xf32> to vector<16xf32>
        %mul3A_757 = vector.broadcast %squeeze3A_748 : f32 to vector<16xf32>
        %mul3A_758 = arith.mulf %get3A_756, %mul3A_757 : vector<16xf32>
        %add3A_759 = arith.addf %add3A_709, %mul3A_758 : vector<16xf32>
        %max3A_760 = arith.maximumf %max3A_710, %mul3A_758 : vector<16xf32>
        %mul3A_761 = arith.constant 16 : i32
        %mul3A_762 = arith.muli %add3A_30, %mul3A_761 : i32
        %add3A_763 = arith.constant 14 : i32
        %add3A_764 = arith.addi %mul3A_762, %add3A_763 : i32
        %get3A_765 = arith.index_cast %add3A_764 : i32 to index
        %get3A_766 = arith.constant 16 : index
        %get3A_767 = tpu.vector_load %arg8[%get3A_765, %get3A_766] {strides = array<i32>} : memref<256x128xf32, #tpu.memory_space<vmem>>, vector<1x16xf32>,
        %get3A_768 = vector.shape_cast %get3A_767 : vector<1x16xf32> to vector<16xf32>
        %mul3A_769 = vector.broadcast %squeeze3A_748 : f32 to vector<16xf32>
        %mul3A_770 = arith.mulf %get3A_768, %mul3A_769 : vector<16xf32>
        %add3A_771 = arith.addf %add3A_721, %mul3A_770 : vector<16xf32>
        %max3A_772 = arith.maximumf %max3A_722, %mul3A_770 : vector<16xf32>
        %mul3A_773 = arith.constant 16 : i32
        %mul3A_774 = arith.muli %add3A_30, %mul3A_773 : i32
        %add3A_775 = arith.constant 14 : i32
        %add3A_776 = arith.addi %mul3A_774, %add3A_775 : i32
        %get3A_777 = arith.index_cast %add3A_776 : i32 to index
        %get3A_778 = arith.constant 32 : index
        %get3A_779 = tpu.vector_load %arg8[%get3A_777, %get3A_778] {strides = array<i32>} : memref<256x128xf32, #tpu.memory_space<vmem>>, vector<1x16xf32>,
        %get3A_780 = vector.shape_cast %get3A_779 : vector<1x16xf32> to vector<16xf32>
        %mul3A_781 = vector.broadcast %squeeze3A_748 : f32 to vector<16xf32>
        %mul3A_782 = arith.mulf %get3A_780, %mul3A_781 : vector<16xf32>
        %add3A_783 = arith.addf %add3A_733, %mul3A_782 : vector<16xf32>
        %max3A_784 = arith.maximumf %max3A_734, %mul3A_782 : vector<16xf32>
        %mul3A_785 = arith.constant 16 : i32
        %mul3A_786 = arith.muli %add3A_30, %mul3A_785 : i32
        %add3A_787 = arith.constant 14 : i32
        %add3A_788 = arith.addi %mul3A_786, %add3A_787 : i32
        %get3A_789 = arith.index_cast %add3A_788 : i32 to index
        %get3A_790 = arith.constant 48 : index
        %get3A_791 = tpu.vector_load %arg8[%get3A_789, %get3A_790] {strides = array<i32>} : memref<256x128xf32, #tpu.memory_space<vmem>>, vector<1x16xf32>,
        %get3A_792 = vector.shape_cast %get3A_791 : vector<1x16xf32> to vector<16xf32>
        %mul3A_793 = vector.broadcast %squeeze3A_748 : f32 to vector<16xf32>
        %mul3A_794 = arith.mulf %get3A_792, %mul3A_793 : vector<16xf32>
        %add3A_795 = arith.addf %add3A_745, %mul3A_794 : vector<16xf32>
        %max3A_796 = arith.maximumf %max3A_746, %mul3A_794 : vector<16xf32>
        %slice3A_797 = vector.extract_strided_slice %get3A_49 {offsets = [15], sizes = [1], strides = [1]} : vector<16xf32> to vector<1xf32>
        %squeeze3A_798 = vector.extract %slice3A_797[0] : f32 from vector<1xf32>
        %mul3A_799 = arith.constant 16 : i32
        %mul3A_800 = arith.muli %add3A_30, %mul3A_799 : i32
        %add3A_801 = arith.constant 15 : i32
        %add3A_802 = arith.addi %mul3A_800, %add3A_801 : i32
        %get3A_803 = arith.index_cast %add3A_802 : i32 to index
        %get3A_804 = arith.constant 0 : index
        %get3A_805 = tpu.vector_load %arg8[%get3A_803, %get3A_804] {strides = array<i32>} : memref<256x128xf32, #tpu.memory_space<vmem>>, vector<1x16xf32>,
        %get3A_806 = vector.shape_cast %get3A_805 : vector<1x16xf32> to vector<16xf32>
        %mul3A_807 = vector.broadcast %squeeze3A_798 : f32 to vector<16xf32>
        %mul3A_808 = arith.mulf %get3A_806, %mul3A_807 : vector<16xf32>
        %add3A_809 = arith.addf %add3A_759, %mul3A_808 : vector<16xf32>
        %max3A_810 = arith.maximumf %max3A_760, %mul3A_808 : vector<16xf32>
        %mul3A_811 = arith.constant 16 : i32
        %mul3A_812 = arith.muli %add3A_30, %mul3A_811 : i32
        %add3A_813 = arith.constant 15 : i32
        %add3A_814 = arith.addi %mul3A_812, %add3A_813 : i32
        %get3A_815 = arith.index_cast %add3A_814 : i32 to index
        %get3A_816 = arith.constant 16 : index
        %get3A_817 = tpu.vector_load %arg8[%get3A_815, %get3A_816] {strides = array<i32>} : memref<256x128xf32, #tpu.memory_space<vmem>>, vector<1x16xf32>,
        %get3A_818 = vector.shape_cast %get3A_817 : vector<1x16xf32> to vector<16xf32>
        %mul3A_819 = vector.broadcast %squeeze3A_798 : f32 to vector<16xf32>
        %mul3A_820 = arith.mulf %get3A_818, %mul3A_819 : vector<16xf32>
        %add3A_821 = arith.addf %add3A_771, %mul3A_820 : vector<16xf32>
        %max3A_822 = arith.maximumf %max3A_772, %mul3A_820 : vector<16xf32>
        %mul3A_823 = arith.constant 16 : i32
        %mul3A_824 = arith.muli %add3A_30, %mul3A_823 : i32
        %add3A_825 = arith.constant 15 : i32
        %add3A_826 = arith.addi %mul3A_824, %add3A_825 : i32
        %get3A_827 = arith.index_cast %add3A_826 : i32 to index
        %get3A_828 = arith.constant 32 : index
        %get3A_829 = tpu.vector_load %arg8[%get3A_827, %get3A_828] {strides = array<i32>} : memref<256x128xf32, #tpu.memory_space<vmem>>, vector<1x16xf32>,
        %get3A_830 = vector.shape_cast %get3A_829 : vector<1x16xf32> to vector<16xf32>
        %mul3A_831 = vector.broadcast %squeeze3A_798 : f32 to vector<16xf32>
        %mul3A_832 = arith.mulf %get3A_830, %mul3A_831 : vector<16xf32>
        %add3A_833 = arith.addf %add3A_783, %mul3A_832 : vector<16xf32>
        %max3A_834 = arith.maximumf %max3A_784, %mul3A_832 : vector<16xf32>
        %mul3A_835 = arith.constant 16 : i32
        %mul3A_836 = arith.muli %add3A_30, %mul3A_835 : i32
        %add3A_837 = arith.constant 15 : i32
        %add3A_838 = arith.addi %mul3A_836, %add3A_837 : i32
        %get3A_839 = arith.index_cast %add3A_838 : i32 to index
        %get3A_840 = arith.constant 48 : index
        %get3A_841 = tpu.vector_load %arg8[%get3A_839, %get3A_840] {strides = array<i32>} : memref<256x128xf32, #tpu.memory_space<vmem>>, vector<1x16xf32>,
        %get3A_842 = vector.shape_cast %get3A_841 : vector<1x16xf32> to vector<16xf32>
        %mul3A_843 = vector.broadcast %squeeze3A_798 : f32 to vector<16xf32>
        %mul3A_844 = arith.mulf %get3A_842, %mul3A_843 : vector<16xf32>
        %add3A_845 = arith.addf %add3A_795, %mul3A_844 : vector<16xf32>
        %max3A_846 = arith.maximumf %max3A_796, %mul3A_844 : vector<16xf32>
        %mul3A_847 = arith.constant 6.250000e-02 : f32
        %mul3A_848 = vector.broadcast %mul3A_847 : f32 to vector<16xf32>
        %mul3A_849 = arith.mulf %add3A_809, %mul3A_848 : vector<16xf32>
        %swap3A = arith.index_cast %add3A_30 : i32 to index
        %swap3A_850 = arith.constant 0 : index
        %swap3A_851 = tpu.vector_load %arg9[%swap3A, %swap3A_850] {strides = array<i32>} : memref<16x128xf32, #tpu.memory_space<vmem>>, vector<1x16xf32>,
        %swap3A_852 = vector.shape_cast %swap3A_851 : vector<1x16xf32> to vector<16xf32>
        %swap3A_853 = vector.shape_cast %mul3A_849 : vector<16xf32> to vector<1x16xf32>
        tpu.vector_store %arg9[%swap3A, %swap3A_850], %swap3A_853 {strides = array<i32>} : memref<16x128xf32, #tpu.memory_space<vmem>>, vector<1x16xf32>,
        %swap3A_854 = arith.index_cast %add3A_30 : i32 to index
        %swap3A_855 = arith.constant 64 : index
        %swap3A_856 = tpu.vector_load %arg9[%swap3A_854, %swap3A_855] {strides = array<i32>} : memref<16x128xf32, #tpu.memory_space<vmem>>, vector<1x16xf32>,
        %swap3A_857 = vector.shape_cast %swap3A_856 : vector<1x16xf32> to vector<16xf32>
        %swap3A_858 = vector.shape_cast %max3A_810 : vector<16xf32> to vector<1x16xf32>
        tpu.vector_store %arg9[%swap3A_854, %swap3A_855], %swap3A_858 {strides = array<i32>} : memref<16x128xf32, #tpu.memory_space<vmem>>, vector<1x16xf32>,
        %mul3A_859 = arith.constant 6.250000e-02 : f32
        %mul3A_860 = vector.broadcast %mul3A_859 : f32 to vector<16xf32>
        %mul3A_861 = arith.mulf %add3A_821, %mul3A_860 : vector<16xf32>
        %swap3A_862 = arith.index_cast %add3A_30 : i32 to index
        %swap3A_863 = arith.constant 16 : index
        %swap3A_864 = tpu.vector_load %arg9[%swap3A_862, %swap3A_863] {strides = array<i32>} : memref<16x128xf32, #tpu.memory_space<vmem>>, vector<1x16xf32>,
        %swap3A_865 = vector.shape_cast %swap3A_864 : vector<1x16xf32> to vector<16xf32>
        %swap3A_866 = vector.shape_cast %mul3A_861 : vector<16xf32> to vector<1x16xf32>
        tpu.vector_store %arg9[%swap3A_862, %swap3A_863], %swap3A_866 {strides = array<i32>} : memref<16x128xf32, #tpu.memory_space<vmem>>, vector<1x16xf32>,
        %swap3A_867 = arith.index_cast %add3A_30 : i32 to index
        %swap3A_868 = arith.constant 80 : index
        %swap3A_869 = tpu.vector_load %arg9[%swap3A_867, %swap3A_868] {strides = array<i32>} : memref<16x128xf32, #tpu.memory_space<vmem>>, vector<1x16xf32>,
        %swap3A_870 = vector.shape_cast %swap3A_869 : vector<1x16xf32> to vector<16xf32>
        %swap3A_871 = vector.shape_cast %max3A_822 : vector<16xf32> to vector<1x16xf32>
        tpu.vector_store %arg9[%swap3A_867, %swap3A_868], %swap3A_871 {strides = array<i32>} : memref<16x128xf32, #tpu.memory_space<vmem>>, vector<1x16xf32>,
        %mul3A_872 = arith.constant 6.250000e-02 : f32
        %mul3A_873 = vector.broadcast %mul3A_872 : f32 to vector<16xf32>
        %mul3A_874 = arith.mulf %add3A_833, %mul3A_873 : vector<16xf32>
        %swap3A_875 = arith.index_cast %add3A_30 : i32 to index
        %swap3A_876 = arith.constant 32 : index
        %swap3A_877 = tpu.vector_load %arg9[%swap3A_875, %swap3A_876] {strides = array<i32>} : memref<16x128xf32, #tpu.memory_space<vmem>>, vector<1x16xf32>,
        %swap3A_878 = vector.shape_cast %swap3A_877 : vector<1x16xf32> to vector<16xf32>
        %swap3A_879 = vector.shape_cast %mul3A_874 : vector<16xf32> to vector<1x16xf32>
        tpu.vector_store %arg9[%swap3A_875, %swap3A_876], %swap3A_879 {strides = array<i32>} : memref<16x128xf32, #tpu.memory_space<vmem>>, vector<1x16xf32>,
        %swap3A_880 = arith.index_cast %add3A_30 : i32 to index
        %swap3A_881 = arith.constant 96 : index
        %swap3A_882 = tpu.vector_load %arg9[%swap3A_880, %swap3A_881] {strides = array<i32>} : memref<16x128xf32, #tpu.memory_space<vmem>>, vector<1x16xf32>,
        %swap3A_883 = vector.shape_cast %swap3A_882 : vector<1x16xf32> to vector<16xf32>
        %swap3A_884 = vector.shape_cast %max3A_834 : vector<16xf32> to vector<1x16xf32>
        tpu.vector_store %arg9[%swap3A_880, %swap3A_881], %swap3A_884 {strides = array<i32>} : memref<16x128xf32, #tpu.memory_space<vmem>>, vector<1x16xf32>,
        %mul3A_885 = arith.constant 6.250000e-02 : f32
        %mul3A_886 = vector.broadcast %mul3A_885 : f32 to vector<16xf32>
        %mul3A_887 = arith.mulf %add3A_845, %mul3A_886 : vector<16xf32>
        %swap3A_888 = arith.index_cast %add3A_30 : i32 to index
        %swap3A_889 = arith.constant 48 : index
        %swap3A_890 = tpu.vector_load %arg9[%swap3A_888, %swap3A_889] {strides = array<i32>} : memref<16x128xf32, #tpu.memory_space<vmem>>, vector<1x16xf32>,
        %swap3A_891 = vector.shape_cast %swap3A_890 : vector<1x16xf32> to vector<16xf32>
        %swap3A_892 = vector.shape_cast %mul3A_887 : vector<16xf32> to vector<1x16xf32>
        tpu.vector_store %arg9[%swap3A_888, %swap3A_889], %swap3A_892 {strides = array<i32>} : memref<16x128xf32, #tpu.memory_space<vmem>>, vector<1x16xf32>,
        %swap3A_893 = arith.index_cast %add3A_30 : i32 to index
        %swap3A_894 = arith.constant 112 : index
        %swap3A_895 = tpu.vector_load %arg9[%swap3A_893, %swap3A_894] {strides = array<i32>} : memref<16x128xf32, #tpu.memory_space<vmem>>, vector<1x16xf32>,
        %swap3A_896 = vector.shape_cast %swap3A_895 : vector<1x16xf32> to vector<16xf32>
        %swap3A_897 = vector.shape_cast %max3A_846 : vector<16xf32> to vector<1x16xf32>
        tpu.vector_store %arg9[%swap3A_893, %swap3A_894], %swap3A_897 {strides = array<i32>} : memref<16x128xf32, #tpu.memory_space<vmem>>, vector<1x16xf32>,
      }
      %scan3A_25 = arith.constant 16 : i32
      "tpu.region"() ({
        %run_scoped3A = tpu.sem_alloc : memref<!tpu.dma_semaphore, #tpu.memory_space<semaphore_mem>>
        %dma_start3A_26 = arith.constant 0 : i32
        %dma_start3A_27 = tpu.memref_slice %arg5[%add3A_14, %dma_start3A_26] : memref<10240x128xf32, #tpu.memory_space<hbm>> -> memref<16x128xf32, #tpu.memory_space<hbm>>
        %dma_start3A_28 = arith.constant 0 : i32
        %dma_start3A_29 = tpu.memref_slice %arg5[%add3A_14, %dma_start3A_28] : memref<10240x128xf32, #tpu.memory_space<hbm>> -> memref<16x128xf32, #tpu.memory_space<hbm>>
        tpu.enqueue_dma source(%arg9 : memref<16x128xf32, #tpu.memory_space<vmem>>) target(%dma_start3A_29 : memref<16x128xf32, #tpu.memory_space<hbm>>) target_semaphore(%run_scoped3A : memref<!tpu.dma_semaphore, #tpu.memory_space<semaphore_mem>>)
        %dma_wait3A_30 = arith.constant 0 : i32
        %dma_wait3A_31 = tpu.memref_slice %arg5[%add3A_14, %dma_wait3A_30] : memref<10240x128xf32, #tpu.memory_space<hbm>> -> memref<16x128xf32, #tpu.memory_space<hbm>>
        %dma_wait3A_32 = arith.constant 0 : i32
        %dma_wait3A_33 = tpu.memref_slice %arg5[%add3A_14, %dma_wait3A_32] : memref<10240x128xf32, #tpu.memory_space<hbm>> -> memref<16x128xf32, #tpu.memory_space<hbm>>
        tpu.wait_dma2 semaphore(%run_scoped3A : memref<!tpu.dma_semaphore, #tpu.memory_space<semaphore_mem>>) src(%arg9 : memref<16x128xf32, #tpu.memory_space<vmem>>) dst(%dma_wait3A_33 : memref<16x128xf32, #tpu.memory_space<hbm>>)
        tpu.yield
      }) : () -> ()
    }
    %scan3A_4 = arith.constant 20 : i32
    return
  }
}

#map = affine_map<(d0, d1) -> (0, 0)>
#map1 = affine_map<(d0, d1) -> (0)>
module attributes {stable_mosaic.version = 14 : i64} {
  func.func @k(%arg0: i32, %arg1: i32, %arg2: memref<10240x128xf32, #tpu.memory_space<hbm>>, %arg3: memref<163840xi32, #tpu.memory_space<hbm>>, %arg4: memref<163840xf32, #tpu.memory_space<hbm>>, %arg5: memref<10240x128xf32, #tpu.memory_space<hbm>>, %arg6: memref<256xi32, #tpu.memory_space<vmem>>, %arg7: memref<256xf32, #tpu.memory_space<vmem>>, %arg8: memref<256x128xf32, #tpu.memory_space<vmem>>, %arg9: memref<16x128xf32, #tpu.memory_space<vmem>>, %arg10: memref<!tpu.dma_semaphore, #tpu.memory_space<semaphore_mem>>) attributes {dimension_semantics = [#tpu.dimension_semantics<core_parallel>, #tpu.dimension_semantics<subcore_parallel>], iteration_bounds = array<i64: 2, 16>, scalar_prefetch = 0 : i64, scratch_operands = 5 : i64, tpu.core_type = #tpu.core_type<sc_vector_subcore>, window_params = [{transform_indices = #map}, {transform_indices = #map1}, {transform_indices = #map1}, {transform_indices = #map}]} {
    %mul3A = arith.constant 2 : i32
    %mul3A_0 = arith.muli %arg1, %mul3A : i32
    %add3A = arith.addi %mul3A_0, %arg0 : i32
    %scan3A = arith.constant 0 : i32
    %scan3A_1 = arith.constant 20 : i32
    %scan3A_2 = arith.addi %scan3A, %scan3A_1 : i32
    %scan3A_3 = arith.constant 1 : i32
    scf.for %scan3A_5 = %scan3A to %scan3A_2 step %scan3A_3  : i32 {
      %mul3A_6 = arith.constant 1 : i32
      %mul3A_7 = arith.muli %scan3A_5, %mul3A_6 : i32
      %add3A_8 = arith.constant 0 : i32
      %add3A_9 = arith.addi %add3A_8, %mul3A_7 : i32
      %mul3A_10 = arith.constant 320 : i32
      %mul3A_11 = arith.muli %add3A, %mul3A_10 : i32
      %mul3A_12 = arith.constant 16 : i32
      %mul3A_13 = arith.muli %add3A_9, %mul3A_12 : i32
      %add3A_14 = arith.addi %mul3A_11, %mul3A_13 : i32
      %mul3A_15 = arith.constant 16 : i32
      %mul3A_16 = arith.muli %add3A_14, %mul3A_15 : i32
      "tpu.region"() ({
        %run_scoped3A = tpu.sem_alloc : memref<!tpu.dma_semaphore, #tpu.memory_space<semaphore_mem>>
        %dma_start3A_26 = tpu.memref_slice %arg3[%mul3A_16] : memref<163840xi32, #tpu.memory_space<hbm>> -> memref<256xi32, #tpu.memory_space<hbm>>
        %dma_start3A_27 = tpu.memref_slice %arg3[%mul3A_16] : memref<163840xi32, #tpu.memory_space<hbm>> -> memref<256xi32, #tpu.memory_space<hbm>>
        tpu.enqueue_dma source(%dma_start3A_27 : memref<256xi32, #tpu.memory_space<hbm>>) target(%arg6 : memref<256xi32, #tpu.memory_space<vmem>>) target_semaphore(%run_scoped3A : memref<!tpu.dma_semaphore, #tpu.memory_space<semaphore_mem>>)
        %dma_wait3A_28 = tpu.memref_slice %arg3[%mul3A_16] : memref<163840xi32, #tpu.memory_space<hbm>> -> memref<256xi32, #tpu.memory_space<hbm>>
        %dma_wait3A_29 = tpu.memref_slice %arg3[%mul3A_16] : memref<163840xi32, #tpu.memory_space<hbm>> -> memref<256xi32, #tpu.memory_space<hbm>>
        tpu.wait_dma2 semaphore(%run_scoped3A : memref<!tpu.dma_semaphore, #tpu.memory_space<semaphore_mem>>) src(%dma_wait3A_29 : memref<256xi32, #tpu.memory_space<hbm>>) dst(%arg6 : memref<256xi32, #tpu.memory_space<vmem>>)
        tpu.yield
      }) : () -> ()
      "tpu.region"() ({
        %run_scoped3A = tpu.sem_alloc : memref<!tpu.dma_semaphore, #tpu.memory_space<semaphore_mem>>
        %dma_start3A_26 = tpu.memref_slice %arg4[%mul3A_16] : memref<163840xf32, #tpu.memory_space<hbm>> -> memref<256xf32, #tpu.memory_space<hbm>>
        %dma_start3A_27 = tpu.memref_slice %arg4[%mul3A_16] : memref<163840xf32, #tpu.memory_space<hbm>> -> memref<256xf32, #tpu.memory_space<hbm>>
        tpu.enqueue_dma source(%dma_start3A_27 : memref<256xf32, #tpu.memory_space<hbm>>) target(%arg7 : memref<256xf32, #tpu.memory_space<vmem>>) target_semaphore(%run_scoped3A : memref<!tpu.dma_semaphore, #tpu.memory_space<semaphore_mem>>)
        %dma_wait3A_28 = tpu.memref_slice %arg4[%mul3A_16] : memref<163840xf32, #tpu.memory_space<hbm>> -> memref<256xf32, #tpu.memory_space<hbm>>
        %dma_wait3A_29 = tpu.memref_slice %arg4[%mul3A_16] : memref<163840xf32, #tpu.memory_space<hbm>> -> memref<256xf32, #tpu.memory_space<hbm>>
        tpu.wait_dma2 semaphore(%run_scoped3A : memref<!tpu.dma_semaphore, #tpu.memory_space<semaphore_mem>>) src(%dma_wait3A_29 : memref<256xf32, #tpu.memory_space<hbm>>) dst(%arg7 : memref<256xf32, #tpu.memory_space<vmem>>)
        tpu.yield
      }) : () -> ()
      %dma_start3A = arith.constant 0 : i32
      %dma_start3A_17 = arith.constant 0 : i32
      %dma_start3A_18 = tpu.memref_slice %arg2[%dma_start3A, %dma_start3A_17] : memref<10240x128xf32, #tpu.memory_space<hbm>> -> memref<10240x128xf32, #tpu.memory_space<hbm>>
      tpu.enqueue_indirect_dma source(%dma_start3A_18 : memref<10240x128xf32, #tpu.memory_space<hbm>>) target(%arg8 : memref<256x128xf32, #tpu.memory_space<vmem>>) offsets(%arg6 : memref<256xi32, #tpu.memory_space<vmem>>) semaphore(%arg10 : memref<!tpu.dma_semaphore, #tpu.memory_space<semaphore_mem>>)
      %dma_wait3A = arith.constant 0 : i32
      %dma_wait3A_19 = arith.constant 0 : i32
      %dma_wait3A_20 = tpu.memref_slice %arg2[%dma_wait3A, %dma_wait3A_19] : memref<10240x128xf32, #tpu.memory_space<hbm>> -> memref<10240x128xf32, #tpu.memory_space<hbm>>
      tpu.wait_indirect_dma semaphore(%arg10 : memref<!tpu.dma_semaphore, #tpu.memory_space<semaphore_mem>>) src(%dma_wait3A_20 : memref<10240x128xf32, #tpu.memory_space<hbm>>) dst(%arg8 : memref<256x128xf32, #tpu.memory_space<vmem>>)
      %scan3A_21 = arith.constant 0 : i32
      %scan3A_22 = arith.constant 16 : i32
      %scan3A_23 = arith.addi %scan3A_21, %scan3A_22 : i32
      %scan3A_24 = arith.constant 1 : i32
      scf.for %scan3A_26 = %scan3A_21 to %scan3A_23 step %scan3A_24  : i32 {
        %mul3A_27 = arith.constant 1 : i32
        %mul3A_28 = arith.muli %scan3A_26, %mul3A_27 : i32
        %add3A_29 = arith.constant 0 : i32
        %add3A_30 = arith.addi %add3A_29, %mul3A_28 : i32
        %broadcast_in_dim3A = arith.constant 0.000000e+00 : f32
        %broadcast_in_dim3A_31 = vector.broadcast %broadcast_in_dim3A : f32 to vector<16xf32>
        %broadcast_in_dim3A_32 = arith.constant 0.000000e+00 : f32
        %broadcast_in_dim3A_33 = vector.broadcast %broadcast_in_dim3A_32 : f32 to vector<16xf32>
        %broadcast_in_dim3A_34 = arith.constant 0.000000e+00 : f32
        %broadcast_in_dim3A_35 = vector.broadcast %broadcast_in_dim3A_34 : f32 to vector<16xf32>
        %broadcast_in_dim3A_36 = arith.constant 0.000000e+00 : f32
        %broadcast_in_dim3A_37 = vector.broadcast %broadcast_in_dim3A_36 : f32 to vector<16xf32>
        %broadcast_in_dim3A_38 = arith.constant -3.000000e+38 : f32
        %broadcast_in_dim3A_39 = vector.broadcast %broadcast_in_dim3A_38 : f32 to vector<16xf32>
        %broadcast_in_dim3A_40 = arith.constant -3.000000e+38 : f32
        %broadcast_in_dim3A_41 = vector.broadcast %broadcast_in_dim3A_40 : f32 to vector<16xf32>
        %broadcast_in_dim3A_42 = arith.constant -3.000000e+38 : f32
        %broadcast_in_dim3A_43 = vector.broadcast %broadcast_in_dim3A_42 : f32 to vector<16xf32>
        %broadcast_in_dim3A_44 = arith.constant -3.000000e+38 : f32
        %broadcast_in_dim3A_45 = vector.broadcast %broadcast_in_dim3A_44 : f32 to vector<16xf32>
        %mul3A_46 = arith.constant 16 : i32
        %mul3A_47 = arith.muli %add3A_30, %mul3A_46 : i32
        %get3A = arith.index_cast %mul3A_47 : i32 to index
        %get3A_48 = tpu.vector_load %arg7[%get3A] {strides = array<i32>} : memref<256xf32, #tpu.memory_space<vmem>>, vector<16xf32>,
        %get3A_49 = vector.shape_cast %get3A_48 : vector<16xf32> to vector<16xf32>
        %slice3A = vector.extract_strided_slice %get3A_49 {offsets = [0], sizes = [1], strides = [1]} : vector<16xf32> to vector<1xf32>
        %squeeze3A = vector.extract %slice3A[0] : f32 from vector<1xf32>
        %mul3A_50 = arith.constant 16 : i32
        %mul3A_51 = arith.muli %add3A_30, %mul3A_50 : i32
        %add3A_52 = arith.constant 0 : i32
        %add3A_53 = arith.addi %mul3A_51, %add3A_52 : i32
        %get3A_54 = arith.index_cast %add3A_53 : i32 to index
        %get3A_55 = arith.constant 0 : index
        %get3A_56 = tpu.vector_load %arg8[%get3A_54, %get3A_55] {strides = array<i32>} : memref<256x128xf32, #tpu.memory_space<vmem>>, vector<1x16xf32>,
        %get3A_57 = vector.shape_cast %get3A_56 : vector<1x16xf32> to vector<16xf32>
        %mul3A_58 = vector.broadcast %squeeze3A : f32 to vector<16xf32>
        %mul3A_59 = arith.mulf %get3A_57, %mul3A_58 : vector<16xf32>
        %add3A_60 = arith.addf %broadcast_in_dim3A_31, %mul3A_59 : vector<16xf32>
        %max3A = arith.maximumf %broadcast_in_dim3A_39, %mul3A_59 : vector<16xf32>
        %mul3A_61 = arith.constant 16 : i32
        %mul3A_62 = arith.muli %add3A_30, %mul3A_61 : i32
        %add3A_63 = arith.constant 0 : i32
        %add3A_64 = arith.addi %mul3A_62, %add3A_63 : i32
        %get3A_65 = arith.index_cast %add3A_64 : i32 to index
        %get3A_66 = arith.constant 16 : index
        %get3A_67 = tpu.vector_load %arg8[%get3A_65, %get3A_66] {strides = array<i32>} : memref<256x128xf32, #tpu.memory_space<vmem>>, vector<1x16xf32>,
        %get3A_68 = vector.shape_cast %get3A_67 : vector<1x16xf32> to vector<16xf32>
        %mul3A_69 = vector.broadcast %squeeze3A : f32 to vector<16xf32>
        %mul3A_70 = arith.mulf %get3A_68, %mul3A_69 : vector<16xf32>
        %add3A_71 = arith.addf %broadcast_in_dim3A_33, %mul3A_70 : vector<16xf32>
        %max3A_72 = arith.maximumf %broadcast_in_dim3A_41, %mul3A_70 : vector<16xf32>
        %mul3A_73 = arith.constant 16 : i32
        %mul3A_74 = arith.muli %add3A_30, %mul3A_73 : i32
        %add3A_75 = arith.constant 0 : i32
        %add3A_76 = arith.addi %mul3A_74, %add3A_75 : i32
        %get3A_77 = arith.index_cast %add3A_76 : i32 to index
        %get3A_78 = arith.constant 32 : index
        %get3A_79 = tpu.vector_load %arg8[%get3A_77, %get3A_78] {strides = array<i32>} : memref<256x128xf32, #tpu.memory_space<vmem>>, vector<1x16xf32>,
        %get3A_80 = vector.shape_cast %get3A_79 : vector<1x16xf32> to vector<16xf32>
        %mul3A_81 = vector.broadcast %squeeze3A : f32 to vector<16xf32>
        %mul3A_82 = arith.mulf %get3A_80, %mul3A_81 : vector<16xf32>
        %add3A_83 = arith.addf %broadcast_in_dim3A_35, %mul3A_82 : vector<16xf32>
        %max3A_84 = arith.maximumf %broadcast_in_dim3A_43, %mul3A_82 : vector<16xf32>
        %mul3A_85 = arith.constant 16 : i32
        %mul3A_86 = arith.muli %add3A_30, %mul3A_85 : i32
        %add3A_87 = arith.constant 0 : i32
        %add3A_88 = arith.addi %mul3A_86, %add3A_87 : i32
        %get3A_89 = arith.index_cast %add3A_88 : i32 to index
        %get3A_90 = arith.constant 48 : index
        %get3A_91 = tpu.vector_load %arg8[%get3A_89, %get3A_90] {strides = array<i32>} : memref<256x128xf32, #tpu.memory_space<vmem>>, vector<1x16xf32>,
        %get3A_92 = vector.shape_cast %get3A_91 : vector<1x16xf32> to vector<16xf32>
        %mul3A_93 = vector.broadcast %squeeze3A : f32 to vector<16xf32>
        %mul3A_94 = arith.mulf %get3A_92, %mul3A_93 : vector<16xf32>
        %add3A_95 = arith.addf %broadcast_in_dim3A_37, %mul3A_94 : vector<16xf32>
        %max3A_96 = arith.maximumf %broadcast_in_dim3A_45, %mul3A_94 : vector<16xf32>
        %slice3A_97 = vector.extract_strided_slice %get3A_49 {offsets = [1], sizes = [1], strides = [1]} : vector<16xf32> to vector<1xf32>
        %squeeze3A_98 = vector.extract %slice3A_97[0] : f32 from vector<1xf32>
        %mul3A_99 = arith.constant 16 : i32
        %mul3A_100 = arith.muli %add3A_30, %mul3A_99 : i32
        %add3A_101 = arith.constant 1 : i32
        %add3A_102 = arith.addi %mul3A_100, %add3A_101 : i32
        %get3A_103 = arith.index_cast %add3A_102 : i32 to index
        %get3A_104 = arith.constant 0 : index
        %get3A_105 = tpu.vector_load %arg8[%get3A_103, %get3A_104] {strides = array<i32>} : memref<256x128xf32, #tpu.memory_space<vmem>>, vector<1x16xf32>,
        %get3A_106 = vector.shape_cast %get3A_105 : vector<1x16xf32> to vector<16xf32>
        %mul3A_107 = vector.broadcast %squeeze3A_98 : f32 to vector<16xf32>
        %mul3A_108 = arith.mulf %get3A_106, %mul3A_107 : vector<16xf32>
        %add3A_109 = arith.addf %add3A_60, %mul3A_108 : vector<16xf32>
        %max3A_110 = arith.maximumf %max3A, %mul3A_108 : vector<16xf32>
        %mul3A_111 = arith.constant 16 : i32
        %mul3A_112 = arith.muli %add3A_30, %mul3A_111 : i32
        %add3A_113 = arith.constant 1 : i32
        %add3A_114 = arith.addi %mul3A_112, %add3A_113 : i32
        %get3A_115 = arith.index_cast %add3A_114 : i32 to index
        %get3A_116 = arith.constant 16 : index
        %get3A_117 = tpu.vector_load %arg8[%get3A_115, %get3A_116] {strides = array<i32>} : memref<256x128xf32, #tpu.memory_space<vmem>>, vector<1x16xf32>,
        %get3A_118 = vector.shape_cast %get3A_117 : vector<1x16xf32> to vector<16xf32>
        %mul3A_119 = vector.broadcast %squeeze3A_98 : f32 to vector<16xf32>
        %mul3A_120 = arith.mulf %get3A_118, %mul3A_119 : vector<16xf32>
        %add3A_121 = arith.addf %add3A_71, %mul3A_120 : vector<16xf32>
        %max3A_122 = arith.maximumf %max3A_72, %mul3A_120 : vector<16xf32>
        %mul3A_123 = arith.constant 16 : i32
        %mul3A_124 = arith.muli %add3A_30, %mul3A_123 : i32
        %add3A_125 = arith.constant 1 : i32
        %add3A_126 = arith.addi %mul3A_124, %add3A_125 : i32
        %get3A_127 = arith.index_cast %add3A_126 : i32 to index
        %get3A_128 = arith.constant 32 : index
        %get3A_129 = tpu.vector_load %arg8[%get3A_127, %get3A_128] {strides = array<i32>} : memref<256x128xf32, #tpu.memory_space<vmem>>, vector<1x16xf32>,
        %get3A_130 = vector.shape_cast %get3A_129 : vector<1x16xf32> to vector<16xf32>
        %mul3A_131 = vector.broadcast %squeeze3A_98 : f32 to vector<16xf32>
        %mul3A_132 = arith.mulf %get3A_130, %mul3A_131 : vector<16xf32>
        %add3A_133 = arith.addf %add3A_83, %mul3A_132 : vector<16xf32>
        %max3A_134 = arith.maximumf %max3A_84, %mul3A_132 : vector<16xf32>
        %mul3A_135 = arith.constant 16 : i32
        %mul3A_136 = arith.muli %add3A_30, %mul3A_135 : i32
        %add3A_137 = arith.constant 1 : i32
        %add3A_138 = arith.addi %mul3A_136, %add3A_137 : i32
        %get3A_139 = arith.index_cast %add3A_138 : i32 to index
        %get3A_140 = arith.constant 48 : index
        %get3A_141 = tpu.vector_load %arg8[%get3A_139, %get3A_140] {strides = array<i32>} : memref<256x128xf32, #tpu.memory_space<vmem>>, vector<1x16xf32>,
        %get3A_142 = vector.shape_cast %get3A_141 : vector<1x16xf32> to vector<16xf32>
        %mul3A_143 = vector.broadcast %squeeze3A_98 : f32 to vector<16xf32>
        %mul3A_144 = arith.mulf %get3A_142, %mul3A_143 : vector<16xf32>
        %add3A_145 = arith.addf %add3A_95, %mul3A_144 : vector<16xf32>
        %max3A_146 = arith.maximumf %max3A_96, %mul3A_144 : vector<16xf32>
        %slice3A_147 = vector.extract_strided_slice %get3A_49 {offsets = [2], sizes = [1], strides = [1]} : vector<16xf32> to vector<1xf32>
        %squeeze3A_148 = vector.extract %slice3A_147[0] : f32 from vector<1xf32>
        %mul3A_149 = arith.constant 16 : i32
        %mul3A_150 = arith.muli %add3A_30, %mul3A_149 : i32
        %add3A_151 = arith.constant 2 : i32
        %add3A_152 = arith.addi %mul3A_150, %add3A_151 : i32
        %get3A_153 = arith.index_cast %add3A_152 : i32 to index
        %get3A_154 = arith.constant 0 : index
        %get3A_155 = tpu.vector_load %arg8[%get3A_153, %get3A_154] {strides = array<i32>} : memref<256x128xf32, #tpu.memory_space<vmem>>, vector<1x16xf32>,
        %get3A_156 = vector.shape_cast %get3A_155 : vector<1x16xf32> to vector<16xf32>
        %mul3A_157 = vector.broadcast %squeeze3A_148 : f32 to vector<16xf32>
        %mul3A_158 = arith.mulf %get3A_156, %mul3A_157 : vector<16xf32>
        %add3A_159 = arith.addf %add3A_109, %mul3A_158 : vector<16xf32>
        %max3A_160 = arith.maximumf %max3A_110, %mul3A_158 : vector<16xf32>
        %mul3A_161 = arith.constant 16 : i32
        %mul3A_162 = arith.muli %add3A_30, %mul3A_161 : i32
        %add3A_163 = arith.constant 2 : i32
        %add3A_164 = arith.addi %mul3A_162, %add3A_163 : i32
        %get3A_165 = arith.index_cast %add3A_164 : i32 to index
        %get3A_166 = arith.constant 16 : index
        %get3A_167 = tpu.vector_load %arg8[%get3A_165, %get3A_166] {strides = array<i32>} : memref<256x128xf32, #tpu.memory_space<vmem>>, vector<1x16xf32>,
        %get3A_168 = vector.shape_cast %get3A_167 : vector<1x16xf32> to vector<16xf32>
        %mul3A_169 = vector.broadcast %squeeze3A_148 : f32 to vector<16xf32>
        %mul3A_170 = arith.mulf %get3A_168, %mul3A_169 : vector<16xf32>
        %add3A_171 = arith.addf %add3A_121, %mul3A_170 : vector<16xf32>
        %max3A_172 = arith.maximumf %max3A_122, %mul3A_170 : vector<16xf32>
        %mul3A_173 = arith.constant 16 : i32
        %mul3A_174 = arith.muli %add3A_30, %mul3A_173 : i32
        %add3A_175 = arith.constant 2 : i32
        %add3A_176 = arith.addi %mul3A_174, %add3A_175 : i32
        %get3A_177 = arith.index_cast %add3A_176 : i32 to index
        %get3A_178 = arith.constant 32 : index
        %get3A_179 = tpu.vector_load %arg8[%get3A_177, %get3A_178] {strides = array<i32>} : memref<256x128xf32, #tpu.memory_space<vmem>>, vector<1x16xf32>,
        %get3A_180 = vector.shape_cast %get3A_179 : vector<1x16xf32> to vector<16xf32>
        %mul3A_181 = vector.broadcast %squeeze3A_148 : f32 to vector<16xf32>
        %mul3A_182 = arith.mulf %get3A_180, %mul3A_181 : vector<16xf32>
        %add3A_183 = arith.addf %add3A_133, %mul3A_182 : vector<16xf32>
        %max3A_184 = arith.maximumf %max3A_134, %mul3A_182 : vector<16xf32>
        %mul3A_185 = arith.constant 16 : i32
        %mul3A_186 = arith.muli %add3A_30, %mul3A_185 : i32
        %add3A_187 = arith.constant 2 : i32
        %add3A_188 = arith.addi %mul3A_186, %add3A_187 : i32
        %get3A_189 = arith.index_cast %add3A_188 : i32 to index
        %get3A_190 = arith.constant 48 : index
        %get3A_191 = tpu.vector_load %arg8[%get3A_189, %get3A_190] {strides = array<i32>} : memref<256x128xf32, #tpu.memory_space<vmem>>, vector<1x16xf32>,
        %get3A_192 = vector.shape_cast %get3A_191 : vector<1x16xf32> to vector<16xf32>
        %mul3A_193 = vector.broadcast %squeeze3A_148 : f32 to vector<16xf32>
        %mul3A_194 = arith.mulf %get3A_192, %mul3A_193 : vector<16xf32>
        %add3A_195 = arith.addf %add3A_145, %mul3A_194 : vector<16xf32>
        %max3A_196 = arith.maximumf %max3A_146, %mul3A_194 : vector<16xf32>
        %slice3A_197 = vector.extract_strided_slice %get3A_49 {offsets = [3], sizes = [1], strides = [1]} : vector<16xf32> to vector<1xf32>
        %squeeze3A_198 = vector.extract %slice3A_197[0] : f32 from vector<1xf32>
        %mul3A_199 = arith.constant 16 : i32
        %mul3A_200 = arith.muli %add3A_30, %mul3A_199 : i32
        %add3A_201 = arith.constant 3 : i32
        %add3A_202 = arith.addi %mul3A_200, %add3A_201 : i32
        %get3A_203 = arith.index_cast %add3A_202 : i32 to index
        %get3A_204 = arith.constant 0 : index
        %get3A_205 = tpu.vector_load %arg8[%get3A_203, %get3A_204] {strides = array<i32>} : memref<256x128xf32, #tpu.memory_space<vmem>>, vector<1x16xf32>,
        %get3A_206 = vector.shape_cast %get3A_205 : vector<1x16xf32> to vector<16xf32>
        %mul3A_207 = vector.broadcast %squeeze3A_198 : f32 to vector<16xf32>
        %mul3A_208 = arith.mulf %get3A_206, %mul3A_207 : vector<16xf32>
        %add3A_209 = arith.addf %add3A_159, %mul3A_208 : vector<16xf32>
        %max3A_210 = arith.maximumf %max3A_160, %mul3A_208 : vector<16xf32>
        %mul3A_211 = arith.constant 16 : i32
        %mul3A_212 = arith.muli %add3A_30, %mul3A_211 : i32
        %add3A_213 = arith.constant 3 : i32
        %add3A_214 = arith.addi %mul3A_212, %add3A_213 : i32
        %get3A_215 = arith.index_cast %add3A_214 : i32 to index
        %get3A_216 = arith.constant 16 : index
        %get3A_217 = tpu.vector_load %arg8[%get3A_215, %get3A_216] {strides = array<i32>} : memref<256x128xf32, #tpu.memory_space<vmem>>, vector<1x16xf32>,
        %get3A_218 = vector.shape_cast %get3A_217 : vector<1x16xf32> to vector<16xf32>
        %mul3A_219 = vector.broadcast %squeeze3A_198 : f32 to vector<16xf32>
        %mul3A_220 = arith.mulf %get3A_218, %mul3A_219 : vector<16xf32>
        %add3A_221 = arith.addf %add3A_171, %mul3A_220 : vector<16xf32>
        %max3A_222 = arith.maximumf %max3A_172, %mul3A_220 : vector<16xf32>
        %mul3A_223 = arith.constant 16 : i32
        %mul3A_224 = arith.muli %add3A_30, %mul3A_223 : i32
        %add3A_225 = arith.constant 3 : i32
        %add3A_226 = arith.addi %mul3A_224, %add3A_225 : i32
        %get3A_227 = arith.index_cast %add3A_226 : i32 to index
        %get3A_228 = arith.constant 32 : index
        %get3A_229 = tpu.vector_load %arg8[%get3A_227, %get3A_228] {strides = array<i32>} : memref<256x128xf32, #tpu.memory_space<vmem>>, vector<1x16xf32>,
        %get3A_230 = vector.shape_cast %get3A_229 : vector<1x16xf32> to vector<16xf32>
        %mul3A_231 = vector.broadcast %squeeze3A_198 : f32 to vector<16xf32>
        %mul3A_232 = arith.mulf %get3A_230, %mul3A_231 : vector<16xf32>
        %add3A_233 = arith.addf %add3A_183, %mul3A_232 : vector<16xf32>
        %max3A_234 = arith.maximumf %max3A_184, %mul3A_232 : vector<16xf32>
        %mul3A_235 = arith.constant 16 : i32
        %mul3A_236 = arith.muli %add3A_30, %mul3A_235 : i32
        %add3A_237 = arith.constant 3 : i32
        %add3A_238 = arith.addi %mul3A_236, %add3A_237 : i32
        %get3A_239 = arith.index_cast %add3A_238 : i32 to index
        %get3A_240 = arith.constant 48 : index
        %get3A_241 = tpu.vector_load %arg8[%get3A_239, %get3A_240] {strides = array<i32>} : memref<256x128xf32, #tpu.memory_space<vmem>>, vector<1x16xf32>,
        %get3A_242 = vector.shape_cast %get3A_241 : vector<1x16xf32> to vector<16xf32>
        %mul3A_243 = vector.broadcast %squeeze3A_198 : f32 to vector<16xf32>
        %mul3A_244 = arith.mulf %get3A_242, %mul3A_243 : vector<16xf32>
        %add3A_245 = arith.addf %add3A_195, %mul3A_244 : vector<16xf32>
        %max3A_246 = arith.maximumf %max3A_196, %mul3A_244 : vector<16xf32>
        %slice3A_247 = vector.extract_strided_slice %get3A_49 {offsets = [4], sizes = [1], strides = [1]} : vector<16xf32> to vector<1xf32>
        %squeeze3A_248 = vector.extract %slice3A_247[0] : f32 from vector<1xf32>
        %mul3A_249 = arith.constant 16 : i32
        %mul3A_250 = arith.muli %add3A_30, %mul3A_249 : i32
        %add3A_251 = arith.constant 4 : i32
        %add3A_252 = arith.addi %mul3A_250, %add3A_251 : i32
        %get3A_253 = arith.index_cast %add3A_252 : i32 to index
        %get3A_254 = arith.constant 0 : index
        %get3A_255 = tpu.vector_load %arg8[%get3A_253, %get3A_254] {strides = array<i32>} : memref<256x128xf32, #tpu.memory_space<vmem>>, vector<1x16xf32>,
        %get3A_256 = vector.shape_cast %get3A_255 : vector<1x16xf32> to vector<16xf32>
        %mul3A_257 = vector.broadcast %squeeze3A_248 : f32 to vector<16xf32>
        %mul3A_258 = arith.mulf %get3A_256, %mul3A_257 : vector<16xf32>
        %add3A_259 = arith.addf %add3A_209, %mul3A_258 : vector<16xf32>
        %max3A_260 = arith.maximumf %max3A_210, %mul3A_258 : vector<16xf32>
        %mul3A_261 = arith.constant 16 : i32
        %mul3A_262 = arith.muli %add3A_30, %mul3A_261 : i32
        %add3A_263 = arith.constant 4 : i32
        %add3A_264 = arith.addi %mul3A_262, %add3A_263 : i32
        %get3A_265 = arith.index_cast %add3A_264 : i32 to index
        %get3A_266 = arith.constant 16 : index
        %get3A_267 = tpu.vector_load %arg8[%get3A_265, %get3A_266] {strides = array<i32>} : memref<256x128xf32, #tpu.memory_space<vmem>>, vector<1x16xf32>,
        %get3A_268 = vector.shape_cast %get3A_267 : vector<1x16xf32> to vector<16xf32>
        %mul3A_269 = vector.broadcast %squeeze3A_248 : f32 to vector<16xf32>
        %mul3A_270 = arith.mulf %get3A_268, %mul3A_269 : vector<16xf32>
        %add3A_271 = arith.addf %add3A_221, %mul3A_270 : vector<16xf32>
        %max3A_272 = arith.maximumf %max3A_222, %mul3A_270 : vector<16xf32>
        %mul3A_273 = arith.constant 16 : i32
        %mul3A_274 = arith.muli %add3A_30, %mul3A_273 : i32
        %add3A_275 = arith.constant 4 : i32
        %add3A_276 = arith.addi %mul3A_274, %add3A_275 : i32
        %get3A_277 = arith.index_cast %add3A_276 : i32 to index
        %get3A_278 = arith.constant 32 : index
        %get3A_279 = tpu.vector_load %arg8[%get3A_277, %get3A_278] {strides = array<i32>} : memref<256x128xf32, #tpu.memory_space<vmem>>, vector<1x16xf32>,
        %get3A_280 = vector.shape_cast %get3A_279 : vector<1x16xf32> to vector<16xf32>
        %mul3A_281 = vector.broadcast %squeeze3A_248 : f32 to vector<16xf32>
        %mul3A_282 = arith.mulf %get3A_280, %mul3A_281 : vector<16xf32>
        %add3A_283 = arith.addf %add3A_233, %mul3A_282 : vector<16xf32>
        %max3A_284 = arith.maximumf %max3A_234, %mul3A_282 : vector<16xf32>
        %mul3A_285 = arith.constant 16 : i32
        %mul3A_286 = arith.muli %add3A_30, %mul3A_285 : i32
        %add3A_287 = arith.constant 4 : i32
        %add3A_288 = arith.addi %mul3A_286, %add3A_287 : i32
        %get3A_289 = arith.index_cast %add3A_288 : i32 to index
        %get3A_290 = arith.constant 48 : index
        %get3A_291 = tpu.vector_load %arg8[%get3A_289, %get3A_290] {strides = array<i32>} : memref<256x128xf32, #tpu.memory_space<vmem>>, vector<1x16xf32>,
        %get3A_292 = vector.shape_cast %get3A_291 : vector<1x16xf32> to vector<16xf32>
        %mul3A_293 = vector.broadcast %squeeze3A_248 : f32 to vector<16xf32>
        %mul3A_294 = arith.mulf %get3A_292, %mul3A_293 : vector<16xf32>
        %add3A_295 = arith.addf %add3A_245, %mul3A_294 : vector<16xf32>
        %max3A_296 = arith.maximumf %max3A_246, %mul3A_294 : vector<16xf32>
        %slice3A_297 = vector.extract_strided_slice %get3A_49 {offsets = [5], sizes = [1], strides = [1]} : vector<16xf32> to vector<1xf32>
        %squeeze3A_298 = vector.extract %slice3A_297[0] : f32 from vector<1xf32>
        %mul3A_299 = arith.constant 16 : i32
        %mul3A_300 = arith.muli %add3A_30, %mul3A_299 : i32
        %add3A_301 = arith.constant 5 : i32
        %add3A_302 = arith.addi %mul3A_300, %add3A_301 : i32
        %get3A_303 = arith.index_cast %add3A_302 : i32 to index
        %get3A_304 = arith.constant 0 : index
        %get3A_305 = tpu.vector_load %arg8[%get3A_303, %get3A_304] {strides = array<i32>} : memref<256x128xf32, #tpu.memory_space<vmem>>, vector<1x16xf32>,
        %get3A_306 = vector.shape_cast %get3A_305 : vector<1x16xf32> to vector<16xf32>
        %mul3A_307 = vector.broadcast %squeeze3A_298 : f32 to vector<16xf32>
        %mul3A_308 = arith.mulf %get3A_306, %mul3A_307 : vector<16xf32>
        %add3A_309 = arith.addf %add3A_259, %mul3A_308 : vector<16xf32>
        %max3A_310 = arith.maximumf %max3A_260, %mul3A_308 : vector<16xf32>
        %mul3A_311 = arith.constant 16 : i32
        %mul3A_312 = arith.muli %add3A_30, %mul3A_311 : i32
        %add3A_313 = arith.constant 5 : i32
        %add3A_314 = arith.addi %mul3A_312, %add3A_313 : i32
        %get3A_315 = arith.index_cast %add3A_314 : i32 to index
        %get3A_316 = arith.constant 16 : index
        %get3A_317 = tpu.vector_load %arg8[%get3A_315, %get3A_316] {strides = array<i32>} : memref<256x128xf32, #tpu.memory_space<vmem>>, vector<1x16xf32>,
        %get3A_318 = vector.shape_cast %get3A_317 : vector<1x16xf32> to vector<16xf32>
        %mul3A_319 = vector.broadcast %squeeze3A_298 : f32 to vector<16xf32>
        %mul3A_320 = arith.mulf %get3A_318, %mul3A_319 : vector<16xf32>
        %add3A_321 = arith.addf %add3A_271, %mul3A_320 : vector<16xf32>
        %max3A_322 = arith.maximumf %max3A_272, %mul3A_320 : vector<16xf32>
        %mul3A_323 = arith.constant 16 : i32
        %mul3A_324 = arith.muli %add3A_30, %mul3A_323 : i32
        %add3A_325 = arith.constant 5 : i32
        %add3A_326 = arith.addi %mul3A_324, %add3A_325 : i32
        %get3A_327 = arith.index_cast %add3A_326 : i32 to index
        %get3A_328 = arith.constant 32 : index
        %get3A_329 = tpu.vector_load %arg8[%get3A_327, %get3A_328] {strides = array<i32>} : memref<256x128xf32, #tpu.memory_space<vmem>>, vector<1x16xf32>,
        %get3A_330 = vector.shape_cast %get3A_329 : vector<1x16xf32> to vector<16xf32>
        %mul3A_331 = vector.broadcast %squeeze3A_298 : f32 to vector<16xf32>
        %mul3A_332 = arith.mulf %get3A_330, %mul3A_331 : vector<16xf32>
        %add3A_333 = arith.addf %add3A_283, %mul3A_332 : vector<16xf32>
        %max3A_334 = arith.maximumf %max3A_284, %mul3A_332 : vector<16xf32>
        %mul3A_335 = arith.constant 16 : i32
        %mul3A_336 = arith.muli %add3A_30, %mul3A_335 : i32
        %add3A_337 = arith.constant 5 : i32
        %add3A_338 = arith.addi %mul3A_336, %add3A_337 : i32
        %get3A_339 = arith.index_cast %add3A_338 : i32 to index
        %get3A_340 = arith.constant 48 : index
        %get3A_341 = tpu.vector_load %arg8[%get3A_339, %get3A_340] {strides = array<i32>} : memref<256x128xf32, #tpu.memory_space<vmem>>, vector<1x16xf32>,
        %get3A_342 = vector.shape_cast %get3A_341 : vector<1x16xf32> to vector<16xf32>
        %mul3A_343 = vector.broadcast %squeeze3A_298 : f32 to vector<16xf32>
        %mul3A_344 = arith.mulf %get3A_342, %mul3A_343 : vector<16xf32>
        %add3A_345 = arith.addf %add3A_295, %mul3A_344 : vector<16xf32>
        %max3A_346 = arith.maximumf %max3A_296, %mul3A_344 : vector<16xf32>
        %slice3A_347 = vector.extract_strided_slice %get3A_49 {offsets = [6], sizes = [1], strides = [1]} : vector<16xf32> to vector<1xf32>
        %squeeze3A_348 = vector.extract %slice3A_347[0] : f32 from vector<1xf32>
        %mul3A_349 = arith.constant 16 : i32
        %mul3A_350 = arith.muli %add3A_30, %mul3A_349 : i32
        %add3A_351 = arith.constant 6 : i32
        %add3A_352 = arith.addi %mul3A_350, %add3A_351 : i32
        %get3A_353 = arith.index_cast %add3A_352 : i32 to index
        %get3A_354 = arith.constant 0 : index
        %get3A_355 = tpu.vector_load %arg8[%get3A_353, %get3A_354] {strides = array<i32>} : memref<256x128xf32, #tpu.memory_space<vmem>>, vector<1x16xf32>,
        %get3A_356 = vector.shape_cast %get3A_355 : vector<1x16xf32> to vector<16xf32>
        %mul3A_357 = vector.broadcast %squeeze3A_348 : f32 to vector<16xf32>
        %mul3A_358 = arith.mulf %get3A_356, %mul3A_357 : vector<16xf32>
        %add3A_359 = arith.addf %add3A_309, %mul3A_358 : vector<16xf32>
        %max3A_360 = arith.maximumf %max3A_310, %mul3A_358 : vector<16xf32>
        %mul3A_361 = arith.constant 16 : i32
        %mul3A_362 = arith.muli %add3A_30, %mul3A_361 : i32
        %add3A_363 = arith.constant 6 : i32
        %add3A_364 = arith.addi %mul3A_362, %add3A_363 : i32
        %get3A_365 = arith.index_cast %add3A_364 : i32 to index
        %get3A_366 = arith.constant 16 : index
        %get3A_367 = tpu.vector_load %arg8[%get3A_365, %get3A_366] {strides = array<i32>} : memref<256x128xf32, #tpu.memory_space<vmem>>, vector<1x16xf32>,
        %get3A_368 = vector.shape_cast %get3A_367 : vector<1x16xf32> to vector<16xf32>
        %mul3A_369 = vector.broadcast %squeeze3A_348 : f32 to vector<16xf32>
        %mul3A_370 = arith.mulf %get3A_368, %mul3A_369 : vector<16xf32>
        %add3A_371 = arith.addf %add3A_321, %mul3A_370 : vector<16xf32>
        %max3A_372 = arith.maximumf %max3A_322, %mul3A_370 : vector<16xf32>
        %mul3A_373 = arith.constant 16 : i32
        %mul3A_374 = arith.muli %add3A_30, %mul3A_373 : i32
        %add3A_375 = arith.constant 6 : i32
        %add3A_376 = arith.addi %mul3A_374, %add3A_375 : i32
        %get3A_377 = arith.index_cast %add3A_376 : i32 to index
        %get3A_378 = arith.constant 32 : index
        %get3A_379 = tpu.vector_load %arg8[%get3A_377, %get3A_378] {strides = array<i32>} : memref<256x128xf32, #tpu.memory_space<vmem>>, vector<1x16xf32>,
        %get3A_380 = vector.shape_cast %get3A_379 : vector<1x16xf32> to vector<16xf32>
        %mul3A_381 = vector.broadcast %squeeze3A_348 : f32 to vector<16xf32>
        %mul3A_382 = arith.mulf %get3A_380, %mul3A_381 : vector<16xf32>
        %add3A_383 = arith.addf %add3A_333, %mul3A_382 : vector<16xf32>
        %max3A_384 = arith.maximumf %max3A_334, %mul3A_382 : vector<16xf32>
        %mul3A_385 = arith.constant 16 : i32
        %mul3A_386 = arith.muli %add3A_30, %mul3A_385 : i32
        %add3A_387 = arith.constant 6 : i32
        %add3A_388 = arith.addi %mul3A_386, %add3A_387 : i32
        %get3A_389 = arith.index_cast %add3A_388 : i32 to index
        %get3A_390 = arith.constant 48 : index
        %get3A_391 = tpu.vector_load %arg8[%get3A_389, %get3A_390] {strides = array<i32>} : memref<256x128xf32, #tpu.memory_space<vmem>>, vector<1x16xf32>,
        %get3A_392 = vector.shape_cast %get3A_391 : vector<1x16xf32> to vector<16xf32>
        %mul3A_393 = vector.broadcast %squeeze3A_348 : f32 to vector<16xf32>
        %mul3A_394 = arith.mulf %get3A_392, %mul3A_393 : vector<16xf32>
        %add3A_395 = arith.addf %add3A_345, %mul3A_394 : vector<16xf32>
        %max3A_396 = arith.maximumf %max3A_346, %mul3A_394 : vector<16xf32>
        %slice3A_397 = vector.extract_strided_slice %get3A_49 {offsets = [7], sizes = [1], strides = [1]} : vector<16xf32> to vector<1xf32>
        %squeeze3A_398 = vector.extract %slice3A_397[0] : f32 from vector<1xf32>
        %mul3A_399 = arith.constant 16 : i32
        %mul3A_400 = arith.muli %add3A_30, %mul3A_399 : i32
        %add3A_401 = arith.constant 7 : i32
        %add3A_402 = arith.addi %mul3A_400, %add3A_401 : i32
        %get3A_403 = arith.index_cast %add3A_402 : i32 to index
        %get3A_404 = arith.constant 0 : index
        %get3A_405 = tpu.vector_load %arg8[%get3A_403, %get3A_404] {strides = array<i32>} : memref<256x128xf32, #tpu.memory_space<vmem>>, vector<1x16xf32>,
        %get3A_406 = vector.shape_cast %get3A_405 : vector<1x16xf32> to vector<16xf32>
        %mul3A_407 = vector.broadcast %squeeze3A_398 : f32 to vector<16xf32>
        %mul3A_408 = arith.mulf %get3A_406, %mul3A_407 : vector<16xf32>
        %add3A_409 = arith.addf %add3A_359, %mul3A_408 : vector<16xf32>
        %max3A_410 = arith.maximumf %max3A_360, %mul3A_408 : vector<16xf32>
        %mul3A_411 = arith.constant 16 : i32
        %mul3A_412 = arith.muli %add3A_30, %mul3A_411 : i32
        %add3A_413 = arith.constant 7 : i32
        %add3A_414 = arith.addi %mul3A_412, %add3A_413 : i32
        %get3A_415 = arith.index_cast %add3A_414 : i32 to index
        %get3A_416 = arith.constant 16 : index
        %get3A_417 = tpu.vector_load %arg8[%get3A_415, %get3A_416] {strides = array<i32>} : memref<256x128xf32, #tpu.memory_space<vmem>>, vector<1x16xf32>,
        %get3A_418 = vector.shape_cast %get3A_417 : vector<1x16xf32> to vector<16xf32>
        %mul3A_419 = vector.broadcast %squeeze3A_398 : f32 to vector<16xf32>
        %mul3A_420 = arith.mulf %get3A_418, %mul3A_419 : vector<16xf32>
        %add3A_421 = arith.addf %add3A_371, %mul3A_420 : vector<16xf32>
        %max3A_422 = arith.maximumf %max3A_372, %mul3A_420 : vector<16xf32>
        %mul3A_423 = arith.constant 16 : i32
        %mul3A_424 = arith.muli %add3A_30, %mul3A_423 : i32
        %add3A_425 = arith.constant 7 : i32
        %add3A_426 = arith.addi %mul3A_424, %add3A_425 : i32
        %get3A_427 = arith.index_cast %add3A_426 : i32 to index
        %get3A_428 = arith.constant 32 : index
        %get3A_429 = tpu.vector_load %arg8[%get3A_427, %get3A_428] {strides = array<i32>} : memref<256x128xf32, #tpu.memory_space<vmem>>, vector<1x16xf32>,
        %get3A_430 = vector.shape_cast %get3A_429 : vector<1x16xf32> to vector<16xf32>
        %mul3A_431 = vector.broadcast %squeeze3A_398 : f32 to vector<16xf32>
        %mul3A_432 = arith.mulf %get3A_430, %mul3A_431 : vector<16xf32>
        %add3A_433 = arith.addf %add3A_383, %mul3A_432 : vector<16xf32>
        %max3A_434 = arith.maximumf %max3A_384, %mul3A_432 : vector<16xf32>
        %mul3A_435 = arith.constant 16 : i32
        %mul3A_436 = arith.muli %add3A_30, %mul3A_435 : i32
        %add3A_437 = arith.constant 7 : i32
        %add3A_438 = arith.addi %mul3A_436, %add3A_437 : i32
        %get3A_439 = arith.index_cast %add3A_438 : i32 to index
        %get3A_440 = arith.constant 48 : index
        %get3A_441 = tpu.vector_load %arg8[%get3A_439, %get3A_440] {strides = array<i32>} : memref<256x128xf32, #tpu.memory_space<vmem>>, vector<1x16xf32>,
        %get3A_442 = vector.shape_cast %get3A_441 : vector<1x16xf32> to vector<16xf32>
        %mul3A_443 = vector.broadcast %squeeze3A_398 : f32 to vector<16xf32>
        %mul3A_444 = arith.mulf %get3A_442, %mul3A_443 : vector<16xf32>
        %add3A_445 = arith.addf %add3A_395, %mul3A_444 : vector<16xf32>
        %max3A_446 = arith.maximumf %max3A_396, %mul3A_444 : vector<16xf32>
        %slice3A_447 = vector.extract_strided_slice %get3A_49 {offsets = [8], sizes = [1], strides = [1]} : vector<16xf32> to vector<1xf32>
        %squeeze3A_448 = vector.extract %slice3A_447[0] : f32 from vector<1xf32>
        %mul3A_449 = arith.constant 16 : i32
        %mul3A_450 = arith.muli %add3A_30, %mul3A_449 : i32
        %add3A_451 = arith.constant 8 : i32
        %add3A_452 = arith.addi %mul3A_450, %add3A_451 : i32
        %get3A_453 = arith.index_cast %add3A_452 : i32 to index
        %get3A_454 = arith.constant 0 : index
        %get3A_455 = tpu.vector_load %arg8[%get3A_453, %get3A_454] {strides = array<i32>} : memref<256x128xf32, #tpu.memory_space<vmem>>, vector<1x16xf32>,
        %get3A_456 = vector.shape_cast %get3A_455 : vector<1x16xf32> to vector<16xf32>
        %mul3A_457 = vector.broadcast %squeeze3A_448 : f32 to vector<16xf32>
        %mul3A_458 = arith.mulf %get3A_456, %mul3A_457 : vector<16xf32>
        %add3A_459 = arith.addf %add3A_409, %mul3A_458 : vector<16xf32>
        %max3A_460 = arith.maximumf %max3A_410, %mul3A_458 : vector<16xf32>
        %mul3A_461 = arith.constant 16 : i32
        %mul3A_462 = arith.muli %add3A_30, %mul3A_461 : i32
        %add3A_463 = arith.constant 8 : i32
        %add3A_464 = arith.addi %mul3A_462, %add3A_463 : i32
        %get3A_465 = arith.index_cast %add3A_464 : i32 to index
        %get3A_466 = arith.constant 16 : index
        %get3A_467 = tpu.vector_load %arg8[%get3A_465, %get3A_466] {strides = array<i32>} : memref<256x128xf32, #tpu.memory_space<vmem>>, vector<1x16xf32>,
        %get3A_468 = vector.shape_cast %get3A_467 : vector<1x16xf32> to vector<16xf32>
        %mul3A_469 = vector.broadcast %squeeze3A_448 : f32 to vector<16xf32>
        %mul3A_470 = arith.mulf %get3A_468, %mul3A_469 : vector<16xf32>
        %add3A_471 = arith.addf %add3A_421, %mul3A_470 : vector<16xf32>
        %max3A_472 = arith.maximumf %max3A_422, %mul3A_470 : vector<16xf32>
        %mul3A_473 = arith.constant 16 : i32
        %mul3A_474 = arith.muli %add3A_30, %mul3A_473 : i32
        %add3A_475 = arith.constant 8 : i32
        %add3A_476 = arith.addi %mul3A_474, %add3A_475 : i32
        %get3A_477 = arith.index_cast %add3A_476 : i32 to index
        %get3A_478 = arith.constant 32 : index
        %get3A_479 = tpu.vector_load %arg8[%get3A_477, %get3A_478] {strides = array<i32>} : memref<256x128xf32, #tpu.memory_space<vmem>>, vector<1x16xf32>,
        %get3A_480 = vector.shape_cast %get3A_479 : vector<1x16xf32> to vector<16xf32>
        %mul3A_481 = vector.broadcast %squeeze3A_448 : f32 to vector<16xf32>
        %mul3A_482 = arith.mulf %get3A_480, %mul3A_481 : vector<16xf32>
        %add3A_483 = arith.addf %add3A_433, %mul3A_482 : vector<16xf32>
        %max3A_484 = arith.maximumf %max3A_434, %mul3A_482 : vector<16xf32>
        %mul3A_485 = arith.constant 16 : i32
        %mul3A_486 = arith.muli %add3A_30, %mul3A_485 : i32
        %add3A_487 = arith.constant 8 : i32
        %add3A_488 = arith.addi %mul3A_486, %add3A_487 : i32
        %get3A_489 = arith.index_cast %add3A_488 : i32 to index
        %get3A_490 = arith.constant 48 : index
        %get3A_491 = tpu.vector_load %arg8[%get3A_489, %get3A_490] {strides = array<i32>} : memref<256x128xf32, #tpu.memory_space<vmem>>, vector<1x16xf32>,
        %get3A_492 = vector.shape_cast %get3A_491 : vector<1x16xf32> to vector<16xf32>
        %mul3A_493 = vector.broadcast %squeeze3A_448 : f32 to vector<16xf32>
        %mul3A_494 = arith.mulf %get3A_492, %mul3A_493 : vector<16xf32>
        %add3A_495 = arith.addf %add3A_445, %mul3A_494 : vector<16xf32>
        %max3A_496 = arith.maximumf %max3A_446, %mul3A_494 : vector<16xf32>
        %slice3A_497 = vector.extract_strided_slice %get3A_49 {offsets = [9], sizes = [1], strides = [1]} : vector<16xf32> to vector<1xf32>
        %squeeze3A_498 = vector.extract %slice3A_497[0] : f32 from vector<1xf32>
        %mul3A_499 = arith.constant 16 : i32
        %mul3A_500 = arith.muli %add3A_30, %mul3A_499 : i32
        %add3A_501 = arith.constant 9 : i32
        %add3A_502 = arith.addi %mul3A_500, %add3A_501 : i32
        %get3A_503 = arith.index_cast %add3A_502 : i32 to index
        %get3A_504 = arith.constant 0 : index
        %get3A_505 = tpu.vector_load %arg8[%get3A_503, %get3A_504] {strides = array<i32>} : memref<256x128xf32, #tpu.memory_space<vmem>>, vector<1x16xf32>,
        %get3A_506 = vector.shape_cast %get3A_505 : vector<1x16xf32> to vector<16xf32>
        %mul3A_507 = vector.broadcast %squeeze3A_498 : f32 to vector<16xf32>
        %mul3A_508 = arith.mulf %get3A_506, %mul3A_507 : vector<16xf32>
        %add3A_509 = arith.addf %add3A_459, %mul3A_508 : vector<16xf32>
        %max3A_510 = arith.maximumf %max3A_460, %mul3A_508 : vector<16xf32>
        %mul3A_511 = arith.constant 16 : i32
        %mul3A_512 = arith.muli %add3A_30, %mul3A_511 : i32
        %add3A_513 = arith.constant 9 : i32
        %add3A_514 = arith.addi %mul3A_512, %add3A_513 : i32
        %get3A_515 = arith.index_cast %add3A_514 : i32 to index
        %get3A_516 = arith.constant 16 : index
        %get3A_517 = tpu.vector_load %arg8[%get3A_515, %get3A_516] {strides = array<i32>} : memref<256x128xf32, #tpu.memory_space<vmem>>, vector<1x16xf32>,
        %get3A_518 = vector.shape_cast %get3A_517 : vector<1x16xf32> to vector<16xf32>
        %mul3A_519 = vector.broadcast %squeeze3A_498 : f32 to vector<16xf32>
        %mul3A_520 = arith.mulf %get3A_518, %mul3A_519 : vector<16xf32>
        %add3A_521 = arith.addf %add3A_471, %mul3A_520 : vector<16xf32>
        %max3A_522 = arith.maximumf %max3A_472, %mul3A_520 : vector<16xf32>
        %mul3A_523 = arith.constant 16 : i32
        %mul3A_524 = arith.muli %add3A_30, %mul3A_523 : i32
        %add3A_525 = arith.constant 9 : i32
        %add3A_526 = arith.addi %mul3A_524, %add3A_525 : i32
        %get3A_527 = arith.index_cast %add3A_526 : i32 to index
        %get3A_528 = arith.constant 32 : index
        %get3A_529 = tpu.vector_load %arg8[%get3A_527, %get3A_528] {strides = array<i32>} : memref<256x128xf32, #tpu.memory_space<vmem>>, vector<1x16xf32>,
        %get3A_530 = vector.shape_cast %get3A_529 : vector<1x16xf32> to vector<16xf32>
        %mul3A_531 = vector.broadcast %squeeze3A_498 : f32 to vector<16xf32>
        %mul3A_532 = arith.mulf %get3A_530, %mul3A_531 : vector<16xf32>
        %add3A_533 = arith.addf %add3A_483, %mul3A_532 : vector<16xf32>
        %max3A_534 = arith.maximumf %max3A_484, %mul3A_532 : vector<16xf32>
        %mul3A_535 = arith.constant 16 : i32
        %mul3A_536 = arith.muli %add3A_30, %mul3A_535 : i32
        %add3A_537 = arith.constant 9 : i32
        %add3A_538 = arith.addi %mul3A_536, %add3A_537 : i32
        %get3A_539 = arith.index_cast %add3A_538 : i32 to index
        %get3A_540 = arith.constant 48 : index
        %get3A_541 = tpu.vector_load %arg8[%get3A_539, %get3A_540] {strides = array<i32>} : memref<256x128xf32, #tpu.memory_space<vmem>>, vector<1x16xf32>,
        %get3A_542 = vector.shape_cast %get3A_541 : vector<1x16xf32> to vector<16xf32>
        %mul3A_543 = vector.broadcast %squeeze3A_498 : f32 to vector<16xf32>
        %mul3A_544 = arith.mulf %get3A_542, %mul3A_543 : vector<16xf32>
        %add3A_545 = arith.addf %add3A_495, %mul3A_544 : vector<16xf32>
        %max3A_546 = arith.maximumf %max3A_496, %mul3A_544 : vector<16xf32>
        %slice3A_547 = vector.extract_strided_slice %get3A_49 {offsets = [10], sizes = [1], strides = [1]} : vector<16xf32> to vector<1xf32>
        %squeeze3A_548 = vector.extract %slice3A_547[0] : f32 from vector<1xf32>
        %mul3A_549 = arith.constant 16 : i32
        %mul3A_550 = arith.muli %add3A_30, %mul3A_549 : i32
        %add3A_551 = arith.constant 10 : i32
        %add3A_552 = arith.addi %mul3A_550, %add3A_551 : i32
        %get3A_553 = arith.index_cast %add3A_552 : i32 to index
        %get3A_554 = arith.constant 0 : index
        %get3A_555 = tpu.vector_load %arg8[%get3A_553, %get3A_554] {strides = array<i32>} : memref<256x128xf32, #tpu.memory_space<vmem>>, vector<1x16xf32>,
        %get3A_556 = vector.shape_cast %get3A_555 : vector<1x16xf32> to vector<16xf32>
        %mul3A_557 = vector.broadcast %squeeze3A_548 : f32 to vector<16xf32>
        %mul3A_558 = arith.mulf %get3A_556, %mul3A_557 : vector<16xf32>
        %add3A_559 = arith.addf %add3A_509, %mul3A_558 : vector<16xf32>
        %max3A_560 = arith.maximumf %max3A_510, %mul3A_558 : vector<16xf32>
        %mul3A_561 = arith.constant 16 : i32
        %mul3A_562 = arith.muli %add3A_30, %mul3A_561 : i32
        %add3A_563 = arith.constant 10 : i32
        %add3A_564 = arith.addi %mul3A_562, %add3A_563 : i32
        %get3A_565 = arith.index_cast %add3A_564 : i32 to index
        %get3A_566 = arith.constant 16 : index
        %get3A_567 = tpu.vector_load %arg8[%get3A_565, %get3A_566] {strides = array<i32>} : memref<256x128xf32, #tpu.memory_space<vmem>>, vector<1x16xf32>,
        %get3A_568 = vector.shape_cast %get3A_567 : vector<1x16xf32> to vector<16xf32>
        %mul3A_569 = vector.broadcast %squeeze3A_548 : f32 to vector<16xf32>
        %mul3A_570 = arith.mulf %get3A_568, %mul3A_569 : vector<16xf32>
        %add3A_571 = arith.addf %add3A_521, %mul3A_570 : vector<16xf32>
        %max3A_572 = arith.maximumf %max3A_522, %mul3A_570 : vector<16xf32>
        %mul3A_573 = arith.constant 16 : i32
        %mul3A_574 = arith.muli %add3A_30, %mul3A_573 : i32
        %add3A_575 = arith.constant 10 : i32
        %add3A_576 = arith.addi %mul3A_574, %add3A_575 : i32
        %get3A_577 = arith.index_cast %add3A_576 : i32 to index
        %get3A_578 = arith.constant 32 : index
        %get3A_579 = tpu.vector_load %arg8[%get3A_577, %get3A_578] {strides = array<i32>} : memref<256x128xf32, #tpu.memory_space<vmem>>, vector<1x16xf32>,
        %get3A_580 = vector.shape_cast %get3A_579 : vector<1x16xf32> to vector<16xf32>
        %mul3A_581 = vector.broadcast %squeeze3A_548 : f32 to vector<16xf32>
        %mul3A_582 = arith.mulf %get3A_580, %mul3A_581 : vector<16xf32>
        %add3A_583 = arith.addf %add3A_533, %mul3A_582 : vector<16xf32>
        %max3A_584 = arith.maximumf %max3A_534, %mul3A_582 : vector<16xf32>
        %mul3A_585 = arith.constant 16 : i32
        %mul3A_586 = arith.muli %add3A_30, %mul3A_585 : i32
        %add3A_587 = arith.constant 10 : i32
        %add3A_588 = arith.addi %mul3A_586, %add3A_587 : i32
        %get3A_589 = arith.index_cast %add3A_588 : i32 to index
        %get3A_590 = arith.constant 48 : index
        %get3A_591 = tpu.vector_load %arg8[%get3A_589, %get3A_590] {strides = array<i32>} : memref<256x128xf32, #tpu.memory_space<vmem>>, vector<1x16xf32>,
        %get3A_592 = vector.shape_cast %get3A_591 : vector<1x16xf32> to vector<16xf32>
        %mul3A_593 = vector.broadcast %squeeze3A_548 : f32 to vector<16xf32>
        %mul3A_594 = arith.mulf %get3A_592, %mul3A_593 : vector<16xf32>
        %add3A_595 = arith.addf %add3A_545, %mul3A_594 : vector<16xf32>
        %max3A_596 = arith.maximumf %max3A_546, %mul3A_594 : vector<16xf32>
        %slice3A_597 = vector.extract_strided_slice %get3A_49 {offsets = [11], sizes = [1], strides = [1]} : vector<16xf32> to vector<1xf32>
        %squeeze3A_598 = vector.extract %slice3A_597[0] : f32 from vector<1xf32>
        %mul3A_599 = arith.constant 16 : i32
        %mul3A_600 = arith.muli %add3A_30, %mul3A_599 : i32
        %add3A_601 = arith.constant 11 : i32
        %add3A_602 = arith.addi %mul3A_600, %add3A_601 : i32
        %get3A_603 = arith.index_cast %add3A_602 : i32 to index
        %get3A_604 = arith.constant 0 : index
        %get3A_605 = tpu.vector_load %arg8[%get3A_603, %get3A_604] {strides = array<i32>} : memref<256x128xf32, #tpu.memory_space<vmem>>, vector<1x16xf32>,
        %get3A_606 = vector.shape_cast %get3A_605 : vector<1x16xf32> to vector<16xf32>
        %mul3A_607 = vector.broadcast %squeeze3A_598 : f32 to vector<16xf32>
        %mul3A_608 = arith.mulf %get3A_606, %mul3A_607 : vector<16xf32>
        %add3A_609 = arith.addf %add3A_559, %mul3A_608 : vector<16xf32>
        %max3A_610 = arith.maximumf %max3A_560, %mul3A_608 : vector<16xf32>
        %mul3A_611 = arith.constant 16 : i32
        %mul3A_612 = arith.muli %add3A_30, %mul3A_611 : i32
        %add3A_613 = arith.constant 11 : i32
        %add3A_614 = arith.addi %mul3A_612, %add3A_613 : i32
        %get3A_615 = arith.index_cast %add3A_614 : i32 to index
        %get3A_616 = arith.constant 16 : index
        %get3A_617 = tpu.vector_load %arg8[%get3A_615, %get3A_616] {strides = array<i32>} : memref<256x128xf32, #tpu.memory_space<vmem>>, vector<1x16xf32>,
        %get3A_618 = vector.shape_cast %get3A_617 : vector<1x16xf32> to vector<16xf32>
        %mul3A_619 = vector.broadcast %squeeze3A_598 : f32 to vector<16xf32>
        %mul3A_620 = arith.mulf %get3A_618, %mul3A_619 : vector<16xf32>
        %add3A_621 = arith.addf %add3A_571, %mul3A_620 : vector<16xf32>
        %max3A_622 = arith.maximumf %max3A_572, %mul3A_620 : vector<16xf32>
        %mul3A_623 = arith.constant 16 : i32
        %mul3A_624 = arith.muli %add3A_30, %mul3A_623 : i32
        %add3A_625 = arith.constant 11 : i32
        %add3A_626 = arith.addi %mul3A_624, %add3A_625 : i32
        %get3A_627 = arith.index_cast %add3A_626 : i32 to index
        %get3A_628 = arith.constant 32 : index
        %get3A_629 = tpu.vector_load %arg8[%get3A_627, %get3A_628] {strides = array<i32>} : memref<256x128xf32, #tpu.memory_space<vmem>>, vector<1x16xf32>,
        %get3A_630 = vector.shape_cast %get3A_629 : vector<1x16xf32> to vector<16xf32>
        %mul3A_631 = vector.broadcast %squeeze3A_598 : f32 to vector<16xf32>
        %mul3A_632 = arith.mulf %get3A_630, %mul3A_631 : vector<16xf32>
        %add3A_633 = arith.addf %add3A_583, %mul3A_632 : vector<16xf32>
        %max3A_634 = arith.maximumf %max3A_584, %mul3A_632 : vector<16xf32>
        %mul3A_635 = arith.constant 16 : i32
        %mul3A_636 = arith.muli %add3A_30, %mul3A_635 : i32
        %add3A_637 = arith.constant 11 : i32
        %add3A_638 = arith.addi %mul3A_636, %add3A_637 : i32
        %get3A_639 = arith.index_cast %add3A_638 : i32 to index
        %get3A_640 = arith.constant 48 : index
        %get3A_641 = tpu.vector_load %arg8[%get3A_639, %get3A_640] {strides = array<i32>} : memref<256x128xf32, #tpu.memory_space<vmem>>, vector<1x16xf32>,
        %get3A_642 = vector.shape_cast %get3A_641 : vector<1x16xf32> to vector<16xf32>
        %mul3A_643 = vector.broadcast %squeeze3A_598 : f32 to vector<16xf32>
        %mul3A_644 = arith.mulf %get3A_642, %mul3A_643 : vector<16xf32>
        %add3A_645 = arith.addf %add3A_595, %mul3A_644 : vector<16xf32>
        %max3A_646 = arith.maximumf %max3A_596, %mul3A_644 : vector<16xf32>
        %slice3A_647 = vector.extract_strided_slice %get3A_49 {offsets = [12], sizes = [1], strides = [1]} : vector<16xf32> to vector<1xf32>
        %squeeze3A_648 = vector.extract %slice3A_647[0] : f32 from vector<1xf32>
        %mul3A_649 = arith.constant 16 : i32
        %mul3A_650 = arith.muli %add3A_30, %mul3A_649 : i32
        %add3A_651 = arith.constant 12 : i32
        %add3A_652 = arith.addi %mul3A_650, %add3A_651 : i32
        %get3A_653 = arith.index_cast %add3A_652 : i32 to index
        %get3A_654 = arith.constant 0 : index
        %get3A_655 = tpu.vector_load %arg8[%get3A_653, %get3A_654] {strides = array<i32>} : memref<256x128xf32, #tpu.memory_space<vmem>>, vector<1x16xf32>,
        %get3A_656 = vector.shape_cast %get3A_655 : vector<1x16xf32> to vector<16xf32>
        %mul3A_657 = vector.broadcast %squeeze3A_648 : f32 to vector<16xf32>
        %mul3A_658 = arith.mulf %get3A_656, %mul3A_657 : vector<16xf32>
        %add3A_659 = arith.addf %add3A_609, %mul3A_658 : vector<16xf32>
        %max3A_660 = arith.maximumf %max3A_610, %mul3A_658 : vector<16xf32>
        %mul3A_661 = arith.constant 16 : i32
        %mul3A_662 = arith.muli %add3A_30, %mul3A_661 : i32
        %add3A_663 = arith.constant 12 : i32
        %add3A_664 = arith.addi %mul3A_662, %add3A_663 : i32
        %get3A_665 = arith.index_cast %add3A_664 : i32 to index
        %get3A_666 = arith.constant 16 : index
        %get3A_667 = tpu.vector_load %arg8[%get3A_665, %get3A_666] {strides = array<i32>} : memref<256x128xf32, #tpu.memory_space<vmem>>, vector<1x16xf32>,
        %get3A_668 = vector.shape_cast %get3A_667 : vector<1x16xf32> to vector<16xf32>
        %mul3A_669 = vector.broadcast %squeeze3A_648 : f32 to vector<16xf32>
        %mul3A_670 = arith.mulf %get3A_668, %mul3A_669 : vector<16xf32>
        %add3A_671 = arith.addf %add3A_621, %mul3A_670 : vector<16xf32>
        %max3A_672 = arith.maximumf %max3A_622, %mul3A_670 : vector<16xf32>
        %mul3A_673 = arith.constant 16 : i32
        %mul3A_674 = arith.muli %add3A_30, %mul3A_673 : i32
        %add3A_675 = arith.constant 12 : i32
        %add3A_676 = arith.addi %mul3A_674, %add3A_675 : i32
        %get3A_677 = arith.index_cast %add3A_676 : i32 to index
        %get3A_678 = arith.constant 32 : index
        %get3A_679 = tpu.vector_load %arg8[%get3A_677, %get3A_678] {strides = array<i32>} : memref<256x128xf32, #tpu.memory_space<vmem>>, vector<1x16xf32>,
        %get3A_680 = vector.shape_cast %get3A_679 : vector<1x16xf32> to vector<16xf32>
        %mul3A_681 = vector.broadcast %squeeze3A_648 : f32 to vector<16xf32>
        %mul3A_682 = arith.mulf %get3A_680, %mul3A_681 : vector<16xf32>
        %add3A_683 = arith.addf %add3A_633, %mul3A_682 : vector<16xf32>
        %max3A_684 = arith.maximumf %max3A_634, %mul3A_682 : vector<16xf32>
        %mul3A_685 = arith.constant 16 : i32
        %mul3A_686 = arith.muli %add3A_30, %mul3A_685 : i32
        %add3A_687 = arith.constant 12 : i32
        %add3A_688 = arith.addi %mul3A_686, %add3A_687 : i32
        %get3A_689 = arith.index_cast %add3A_688 : i32 to index
        %get3A_690 = arith.constant 48 : index
        %get3A_691 = tpu.vector_load %arg8[%get3A_689, %get3A_690] {strides = array<i32>} : memref<256x128xf32, #tpu.memory_space<vmem>>, vector<1x16xf32>,
        %get3A_692 = vector.shape_cast %get3A_691 : vector<1x16xf32> to vector<16xf32>
        %mul3A_693 = vector.broadcast %squeeze3A_648 : f32 to vector<16xf32>
        %mul3A_694 = arith.mulf %get3A_692, %mul3A_693 : vector<16xf32>
        %add3A_695 = arith.addf %add3A_645, %mul3A_694 : vector<16xf32>
        %max3A_696 = arith.maximumf %max3A_646, %mul3A_694 : vector<16xf32>
        %slice3A_697 = vector.extract_strided_slice %get3A_49 {offsets = [13], sizes = [1], strides = [1]} : vector<16xf32> to vector<1xf32>
        %squeeze3A_698 = vector.extract %slice3A_697[0] : f32 from vector<1xf32>
        %mul3A_699 = arith.constant 16 : i32
        %mul3A_700 = arith.muli %add3A_30, %mul3A_699 : i32
        %add3A_701 = arith.constant 13 : i32
        %add3A_702 = arith.addi %mul3A_700, %add3A_701 : i32
        %get3A_703 = arith.index_cast %add3A_702 : i32 to index
        %get3A_704 = arith.constant 0 : index
        %get3A_705 = tpu.vector_load %arg8[%get3A_703, %get3A_704] {strides = array<i32>} : memref<256x128xf32, #tpu.memory_space<vmem>>, vector<1x16xf32>,
        %get3A_706 = vector.shape_cast %get3A_705 : vector<1x16xf32> to vector<16xf32>
        %mul3A_707 = vector.broadcast %squeeze3A_698 : f32 to vector<16xf32>
        %mul3A_708 = arith.mulf %get3A_706, %mul3A_707 : vector<16xf32>
        %add3A_709 = arith.addf %add3A_659, %mul3A_708 : vector<16xf32>
        %max3A_710 = arith.maximumf %max3A_660, %mul3A_708 : vector<16xf32>
        %mul3A_711 = arith.constant 16 : i32
        %mul3A_712 = arith.muli %add3A_30, %mul3A_711 : i32
        %add3A_713 = arith.constant 13 : i32
        %add3A_714 = arith.addi %mul3A_712, %add3A_713 : i32
        %get3A_715 = arith.index_cast %add3A_714 : i32 to index
        %get3A_716 = arith.constant 16 : index
        %get3A_717 = tpu.vector_load %arg8[%get3A_715, %get3A_716] {strides = array<i32>} : memref<256x128xf32, #tpu.memory_space<vmem>>, vector<1x16xf32>,
        %get3A_718 = vector.shape_cast %get3A_717 : vector<1x16xf32> to vector<16xf32>
        %mul3A_719 = vector.broadcast %squeeze3A_698 : f32 to vector<16xf32>
        %mul3A_720 = arith.mulf %get3A_718, %mul3A_719 : vector<16xf32>
        %add3A_721 = arith.addf %add3A_671, %mul3A_720 : vector<16xf32>
        %max3A_722 = arith.maximumf %max3A_672, %mul3A_720 : vector<16xf32>
        %mul3A_723 = arith.constant 16 : i32
        %mul3A_724 = arith.muli %add3A_30, %mul3A_723 : i32
        %add3A_725 = arith.constant 13 : i32
        %add3A_726 = arith.addi %mul3A_724, %add3A_725 : i32
        %get3A_727 = arith.index_cast %add3A_726 : i32 to index
        %get3A_728 = arith.constant 32 : index
        %get3A_729 = tpu.vector_load %arg8[%get3A_727, %get3A_728] {strides = array<i32>} : memref<256x128xf32, #tpu.memory_space<vmem>>, vector<1x16xf32>,
        %get3A_730 = vector.shape_cast %get3A_729 : vector<1x16xf32> to vector<16xf32>
        %mul3A_731 = vector.broadcast %squeeze3A_698 : f32 to vector<16xf32>
        %mul3A_732 = arith.mulf %get3A_730, %mul3A_731 : vector<16xf32>
        %add3A_733 = arith.addf %add3A_683, %mul3A_732 : vector<16xf32>
        %max3A_734 = arith.maximumf %max3A_684, %mul3A_732 : vector<16xf32>
        %mul3A_735 = arith.constant 16 : i32
        %mul3A_736 = arith.muli %add3A_30, %mul3A_735 : i32
        %add3A_737 = arith.constant 13 : i32
        %add3A_738 = arith.addi %mul3A_736, %add3A_737 : i32
        %get3A_739 = arith.index_cast %add3A_738 : i32 to index
        %get3A_740 = arith.constant 48 : index
        %get3A_741 = tpu.vector_load %arg8[%get3A_739, %get3A_740] {strides = array<i32>} : memref<256x128xf32, #tpu.memory_space<vmem>>, vector<1x16xf32>,
        %get3A_742 = vector.shape_cast %get3A_741 : vector<1x16xf32> to vector<16xf32>
        %mul3A_743 = vector.broadcast %squeeze3A_698 : f32 to vector<16xf32>
        %mul3A_744 = arith.mulf %get3A_742, %mul3A_743 : vector<16xf32>
        %add3A_745 = arith.addf %add3A_695, %mul3A_744 : vector<16xf32>
        %max3A_746 = arith.maximumf %max3A_696, %mul3A_744 : vector<16xf32>
        %slice3A_747 = vector.extract_strided_slice %get3A_49 {offsets = [14], sizes = [1], strides = [1]} : vector<16xf32> to vector<1xf32>
        %squeeze3A_748 = vector.extract %slice3A_747[0] : f32 from vector<1xf32>
        %mul3A_749 = arith.constant 16 : i32
        %mul3A_750 = arith.muli %add3A_30, %mul3A_749 : i32
        %add3A_751 = arith.constant 14 : i32
        %add3A_752 = arith.addi %mul3A_750, %add3A_751 : i32
        %get3A_753 = arith.index_cast %add3A_752 : i32 to index
        %get3A_754 = arith.constant 0 : index
        %get3A_755 = tpu.vector_load %arg8[%get3A_753, %get3A_754] {strides = array<i32>} : memref<256x128xf32, #tpu.memory_space<vmem>>, vector<1x16xf32>,
        %get3A_756 = vector.shape_cast %get3A_755 : vector<1x16xf32> to vector<16xf32>
        %mul3A_757 = vector.broadcast %squeeze3A_748 : f32 to vector<16xf32>
        %mul3A_758 = arith.mulf %get3A_756, %mul3A_757 : vector<16xf32>
        %add3A_759 = arith.addf %add3A_709, %mul3A_758 : vector<16xf32>
        %max3A_760 = arith.maximumf %max3A_710, %mul3A_758 : vector<16xf32>
        %mul3A_761 = arith.constant 16 : i32
        %mul3A_762 = arith.muli %add3A_30, %mul3A_761 : i32
        %add3A_763 = arith.constant 14 : i32
        %add3A_764 = arith.addi %mul3A_762, %add3A_763 : i32
        %get3A_765 = arith.index_cast %add3A_764 : i32 to index
        %get3A_766 = arith.constant 16 : index
        %get3A_767 = tpu.vector_load %arg8[%get3A_765, %get3A_766] {strides = array<i32>} : memref<256x128xf32, #tpu.memory_space<vmem>>, vector<1x16xf32>,
        %get3A_768 = vector.shape_cast %get3A_767 : vector<1x16xf32> to vector<16xf32>
        %mul3A_769 = vector.broadcast %squeeze3A_748 : f32 to vector<16xf32>
        %mul3A_770 = arith.mulf %get3A_768, %mul3A_769 : vector<16xf32>
        %add3A_771 = arith.addf %add3A_721, %mul3A_770 : vector<16xf32>
        %max3A_772 = arith.maximumf %max3A_722, %mul3A_770 : vector<16xf32>
        %mul3A_773 = arith.constant 16 : i32
        %mul3A_774 = arith.muli %add3A_30, %mul3A_773 : i32
        %add3A_775 = arith.constant 14 : i32
        %add3A_776 = arith.addi %mul3A_774, %add3A_775 : i32
        %get3A_777 = arith.index_cast %add3A_776 : i32 to index
        %get3A_778 = arith.constant 32 : index
        %get3A_779 = tpu.vector_load %arg8[%get3A_777, %get3A_778] {strides = array<i32>} : memref<256x128xf32, #tpu.memory_space<vmem>>, vector<1x16xf32>,
        %get3A_780 = vector.shape_cast %get3A_779 : vector<1x16xf32> to vector<16xf32>
        %mul3A_781 = vector.broadcast %squeeze3A_748 : f32 to vector<16xf32>
        %mul3A_782 = arith.mulf %get3A_780, %mul3A_781 : vector<16xf32>
        %add3A_783 = arith.addf %add3A_733, %mul3A_782 : vector<16xf32>
        %max3A_784 = arith.maximumf %max3A_734, %mul3A_782 : vector<16xf32>
        %mul3A_785 = arith.constant 16 : i32
        %mul3A_786 = arith.muli %add3A_30, %mul3A_785 : i32
        %add3A_787 = arith.constant 14 : i32
        %add3A_788 = arith.addi %mul3A_786, %add3A_787 : i32
        %get3A_789 = arith.index_cast %add3A_788 : i32 to index
        %get3A_790 = arith.constant 48 : index
        %get3A_791 = tpu.vector_load %arg8[%get3A_789, %get3A_790] {strides = array<i32>} : memref<256x128xf32, #tpu.memory_space<vmem>>, vector<1x16xf32>,
        %get3A_792 = vector.shape_cast %get3A_791 : vector<1x16xf32> to vector<16xf32>
        %mul3A_793 = vector.broadcast %squeeze3A_748 : f32 to vector<16xf32>
        %mul3A_794 = arith.mulf %get3A_792, %mul3A_793 : vector<16xf32>
        %add3A_795 = arith.addf %add3A_745, %mul3A_794 : vector<16xf32>
        %max3A_796 = arith.maximumf %max3A_746, %mul3A_794 : vector<16xf32>
        %slice3A_797 = vector.extract_strided_slice %get3A_49 {offsets = [15], sizes = [1], strides = [1]} : vector<16xf32> to vector<1xf32>
        %squeeze3A_798 = vector.extract %slice3A_797[0] : f32 from vector<1xf32>
        %mul3A_799 = arith.constant 16 : i32
        %mul3A_800 = arith.muli %add3A_30, %mul3A_799 : i32
        %add3A_801 = arith.constant 15 : i32
        %add3A_802 = arith.addi %mul3A_800, %add3A_801 : i32
        %get3A_803 = arith.index_cast %add3A_802 : i32 to index
        %get3A_804 = arith.constant 0 : index
        %get3A_805 = tpu.vector_load %arg8[%get3A_803, %get3A_804] {strides = array<i32>} : memref<256x128xf32, #tpu.memory_space<vmem>>, vector<1x16xf32>,
        %get3A_806 = vector.shape_cast %get3A_805 : vector<1x16xf32> to vector<16xf32>
        %mul3A_807 = vector.broadcast %squeeze3A_798 : f32 to vector<16xf32>
        %mul3A_808 = arith.mulf %get3A_806, %mul3A_807 : vector<16xf32>
        %add3A_809 = arith.addf %add3A_759, %mul3A_808 : vector<16xf32>
        %max3A_810 = arith.maximumf %max3A_760, %mul3A_808 : vector<16xf32>
        %mul3A_811 = arith.constant 16 : i32
        %mul3A_812 = arith.muli %add3A_30, %mul3A_811 : i32
        %add3A_813 = arith.constant 15 : i32
        %add3A_814 = arith.addi %mul3A_812, %add3A_813 : i32
        %get3A_815 = arith.index_cast %add3A_814 : i32 to index
        %get3A_816 = arith.constant 16 : index
        %get3A_817 = tpu.vector_load %arg8[%get3A_815, %get3A_816] {strides = array<i32>} : memref<256x128xf32, #tpu.memory_space<vmem>>, vector<1x16xf32>,
        %get3A_818 = vector.shape_cast %get3A_817 : vector<1x16xf32> to vector<16xf32>
        %mul3A_819 = vector.broadcast %squeeze3A_798 : f32 to vector<16xf32>
        %mul3A_820 = arith.mulf %get3A_818, %mul3A_819 : vector<16xf32>
        %add3A_821 = arith.addf %add3A_771, %mul3A_820 : vector<16xf32>
        %max3A_822 = arith.maximumf %max3A_772, %mul3A_820 : vector<16xf32>
        %mul3A_823 = arith.constant 16 : i32
        %mul3A_824 = arith.muli %add3A_30, %mul3A_823 : i32
        %add3A_825 = arith.constant 15 : i32
        %add3A_826 = arith.addi %mul3A_824, %add3A_825 : i32
        %get3A_827 = arith.index_cast %add3A_826 : i32 to index
        %get3A_828 = arith.constant 32 : index
        %get3A_829 = tpu.vector_load %arg8[%get3A_827, %get3A_828] {strides = array<i32>} : memref<256x128xf32, #tpu.memory_space<vmem>>, vector<1x16xf32>,
        %get3A_830 = vector.shape_cast %get3A_829 : vector<1x16xf32> to vector<16xf32>
        %mul3A_831 = vector.broadcast %squeeze3A_798 : f32 to vector<16xf32>
        %mul3A_832 = arith.mulf %get3A_830, %mul3A_831 : vector<16xf32>
        %add3A_833 = arith.addf %add3A_783, %mul3A_832 : vector<16xf32>
        %max3A_834 = arith.maximumf %max3A_784, %mul3A_832 : vector<16xf32>
        %mul3A_835 = arith.constant 16 : i32
        %mul3A_836 = arith.muli %add3A_30, %mul3A_835 : i32
        %add3A_837 = arith.constant 15 : i32
        %add3A_838 = arith.addi %mul3A_836, %add3A_837 : i32
        %get3A_839 = arith.index_cast %add3A_838 : i32 to index
        %get3A_840 = arith.constant 48 : index
        %get3A_841 = tpu.vector_load %arg8[%get3A_839, %get3A_840] {strides = array<i32>} : memref<256x128xf32, #tpu.memory_space<vmem>>, vector<1x16xf32>,
        %get3A_842 = vector.shape_cast %get3A_841 : vector<1x16xf32> to vector<16xf32>
        %mul3A_843 = vector.broadcast %squeeze3A_798 : f32 to vector<16xf32>
        %mul3A_844 = arith.mulf %get3A_842, %mul3A_843 : vector<16xf32>
        %add3A_845 = arith.addf %add3A_795, %mul3A_844 : vector<16xf32>
        %max3A_846 = arith.maximumf %max3A_796, %mul3A_844 : vector<16xf32>
        %mul3A_847 = arith.constant 6.250000e-02 : f32
        %mul3A_848 = vector.broadcast %mul3A_847 : f32 to vector<16xf32>
        %mul3A_849 = arith.mulf %add3A_809, %mul3A_848 : vector<16xf32>
        %swap3A = arith.index_cast %add3A_30 : i32 to index
        %swap3A_850 = arith.constant 0 : index
        %swap3A_851 = tpu.vector_load %arg9[%swap3A, %swap3A_850] {strides = array<i32>} : memref<16x128xf32, #tpu.memory_space<vmem>>, vector<1x16xf32>,
        %swap3A_852 = vector.shape_cast %swap3A_851 : vector<1x16xf32> to vector<16xf32>
        %swap3A_853 = vector.shape_cast %mul3A_849 : vector<16xf32> to vector<1x16xf32>
        tpu.vector_store %arg9[%swap3A, %swap3A_850], %swap3A_853 {strides = array<i32>} : memref<16x128xf32, #tpu.memory_space<vmem>>, vector<1x16xf32>,
        %swap3A_854 = arith.index_cast %add3A_30 : i32 to index
        %swap3A_855 = arith.constant 64 : index
        %swap3A_856 = tpu.vector_load %arg9[%swap3A_854, %swap3A_855] {strides = array<i32>} : memref<16x128xf32, #tpu.memory_space<vmem>>, vector<1x16xf32>,
        %swap3A_857 = vector.shape_cast %swap3A_856 : vector<1x16xf32> to vector<16xf32>
        %swap3A_858 = vector.shape_cast %max3A_810 : vector<16xf32> to vector<1x16xf32>
        tpu.vector_store %arg9[%swap3A_854, %swap3A_855], %swap3A_858 {strides = array<i32>} : memref<16x128xf32, #tpu.memory_space<vmem>>, vector<1x16xf32>,
        %mul3A_859 = arith.constant 6.250000e-02 : f32
        %mul3A_860 = vector.broadcast %mul3A_859 : f32 to vector<16xf32>
        %mul3A_861 = arith.mulf %add3A_821, %mul3A_860 : vector<16xf32>
        %swap3A_862 = arith.index_cast %add3A_30 : i32 to index
        %swap3A_863 = arith.constant 16 : index
        %swap3A_864 = tpu.vector_load %arg9[%swap3A_862, %swap3A_863] {strides = array<i32>} : memref<16x128xf32, #tpu.memory_space<vmem>>, vector<1x16xf32>,
        %swap3A_865 = vector.shape_cast %swap3A_864 : vector<1x16xf32> to vector<16xf32>
        %swap3A_866 = vector.shape_cast %mul3A_861 : vector<16xf32> to vector<1x16xf32>
        tpu.vector_store %arg9[%swap3A_862, %swap3A_863], %swap3A_866 {strides = array<i32>} : memref<16x128xf32, #tpu.memory_space<vmem>>, vector<1x16xf32>,
        %swap3A_867 = arith.index_cast %add3A_30 : i32 to index
        %swap3A_868 = arith.constant 80 : index
        %swap3A_869 = tpu.vector_load %arg9[%swap3A_867, %swap3A_868] {strides = array<i32>} : memref<16x128xf32, #tpu.memory_space<vmem>>, vector<1x16xf32>,
        %swap3A_870 = vector.shape_cast %swap3A_869 : vector<1x16xf32> to vector<16xf32>
        %swap3A_871 = vector.shape_cast %max3A_822 : vector<16xf32> to vector<1x16xf32>
        tpu.vector_store %arg9[%swap3A_867, %swap3A_868], %swap3A_871 {strides = array<i32>} : memref<16x128xf32, #tpu.memory_space<vmem>>, vector<1x16xf32>,
        %mul3A_872 = arith.constant 6.250000e-02 : f32
        %mul3A_873 = vector.broadcast %mul3A_872 : f32 to vector<16xf32>
        %mul3A_874 = arith.mulf %add3A_833, %mul3A_873 : vector<16xf32>
        %swap3A_875 = arith.index_cast %add3A_30 : i32 to index
        %swap3A_876 = arith.constant 32 : index
        %swap3A_877 = tpu.vector_load %arg9[%swap3A_875, %swap3A_876] {strides = array<i32>} : memref<16x128xf32, #tpu.memory_space<vmem>>, vector<1x16xf32>,
        %swap3A_878 = vector.shape_cast %swap3A_877 : vector<1x16xf32> to vector<16xf32>
        %swap3A_879 = vector.shape_cast %mul3A_874 : vector<16xf32> to vector<1x16xf32>
        tpu.vector_store %arg9[%swap3A_875, %swap3A_876], %swap3A_879 {strides = array<i32>} : memref<16x128xf32, #tpu.memory_space<vmem>>, vector<1x16xf32>,
        %swap3A_880 = arith.index_cast %add3A_30 : i32 to index
        %swap3A_881 = arith.constant 96 : index
        %swap3A_882 = tpu.vector_load %arg9[%swap3A_880, %swap3A_881] {strides = array<i32>} : memref<16x128xf32, #tpu.memory_space<vmem>>, vector<1x16xf32>,
        %swap3A_883 = vector.shape_cast %swap3A_882 : vector<1x16xf32> to vector<16xf32>
        %swap3A_884 = vector.shape_cast %max3A_834 : vector<16xf32> to vector<1x16xf32>
        tpu.vector_store %arg9[%swap3A_880, %swap3A_881], %swap3A_884 {strides = array<i32>} : memref<16x128xf32, #tpu.memory_space<vmem>>, vector<1x16xf32>,
        %mul3A_885 = arith.constant 6.250000e-02 : f32
        %mul3A_886 = vector.broadcast %mul3A_885 : f32 to vector<16xf32>
        %mul3A_887 = arith.mulf %add3A_845, %mul3A_886 : vector<16xf32>
        %swap3A_888 = arith.index_cast %add3A_30 : i32 to index
        %swap3A_889 = arith.constant 48 : index
        %swap3A_890 = tpu.vector_load %arg9[%swap3A_888, %swap3A_889] {strides = array<i32>} : memref<16x128xf32, #tpu.memory_space<vmem>>, vector<1x16xf32>,
        %swap3A_891 = vector.shape_cast %swap3A_890 : vector<1x16xf32> to vector<16xf32>
        %swap3A_892 = vector.shape_cast %mul3A_887 : vector<16xf32> to vector<1x16xf32>
        tpu.vector_store %arg9[%swap3A_888, %swap3A_889], %swap3A_892 {strides = array<i32>} : memref<16x128xf32, #tpu.memory_space<vmem>>, vector<1x16xf32>,
        %swap3A_893 = arith.index_cast %add3A_30 : i32 to index
        %swap3A_894 = arith.constant 112 : index
        %swap3A_895 = tpu.vector_load %arg9[%swap3A_893, %swap3A_894] {strides = array<i32>} : memref<16x128xf32, #tpu.memory_space<vmem>>, vector<1x16xf32>,
        %swap3A_896 = vector.shape_cast %swap3A_895 : vector<1x16xf32> to vector<16xf32>
        %swap3A_897 = vector.shape_cast %max3A_846 : vector<16xf32> to vector<1x16xf32>
        tpu.vector_store %arg9[%swap3A_893, %swap3A_894], %swap3A_897 {strides = array<i32>} : memref<16x128xf32, #tpu.memory_space<vmem>>, vector<1x16xf32>,
      }
      %scan3A_25 = arith.constant 16 : i32
      "tpu.region"() ({
        %run_scoped3A = tpu.sem_alloc : memref<!tpu.dma_semaphore, #tpu.memory_space<semaphore_mem>>
        %dma_start3A_26 = arith.constant 0 : i32
        %dma_start3A_27 = tpu.memref_slice %arg5[%add3A_14, %dma_start3A_26] : memref<10240x128xf32, #tpu.memory_space<hbm>> -> memref<16x128xf32, #tpu.memory_space<hbm>>
        %dma_start3A_28 = arith.constant 0 : i32
        %dma_start3A_29 = tpu.memref_slice %arg5[%add3A_14, %dma_start3A_28] : memref<10240x128xf32, #tpu.memory_space<hbm>> -> memref<16x128xf32, #tpu.memory_space<hbm>>
        tpu.enqueue_dma source(%arg9 : memref<16x128xf32, #tpu.memory_space<vmem>>) target(%dma_start3A_29 : memref<16x128xf32, #tpu.memory_space<hbm>>) target_semaphore(%run_scoped3A : memref<!tpu.dma_semaphore, #tpu.memory_space<semaphore_mem>>)
        %dma_wait3A_30 = arith.constant 0 : i32
        %dma_wait3A_31 = tpu.memref_slice %arg5[%add3A_14, %dma_wait3A_30] : memref<10240x128xf32, #tpu.memory_space<hbm>> -> memref<16x128xf32, #tpu.memory_space<hbm>>
        %dma_wait3A_32 = arith.constant 0 : i32
        %dma_wait3A_33 = tpu.memref_slice %arg5[%add3A_14, %dma_wait3A_32] : memref<10240x128xf32, #tpu.memory_space<hbm>> -> memref<16x128xf32, #tpu.memory_space<hbm>>
        tpu.wait_dma2 semaphore(%run_scoped3A : memref<!tpu.dma_semaphore, #tpu.memory_space<semaphore_mem>>) src(%arg9 : memref<16x128xf32, #tpu.memory_space<vmem>>) dst(%dma_wait3A_33 : memref<16x128xf32, #tpu.memory_space<hbm>>)
        tpu.yield
      }) : () -> ()
    }
    %scan3A_4 = arith.constant 20 : i32
    return
  }
}

#map = affine_map<(d0, d1) -> (0, 0)>
#map1 = affine_map<(d0, d1) -> (0)>
module attributes {stable_mosaic.version = 14 : i64} {
  func.func @k(%arg0: i32, %arg1: i32, %arg2: memref<10240x128xf32, #tpu.memory_space<hbm>>, %arg3: memref<163840xi32, #tpu.memory_space<hbm>>, %arg4: memref<163840xf32, #tpu.memory_space<hbm>>, %arg5: memref<10240x128xf32, #tpu.memory_space<hbm>>, %arg6: memref<256xi32, #tpu.memory_space<vmem>>, %arg7: memref<256xf32, #tpu.memory_space<vmem>>, %arg8: memref<256x128xf32, #tpu.memory_space<vmem>>, %arg9: memref<16x128xf32, #tpu.memory_space<vmem>>, %arg10: memref<!tpu.dma_semaphore, #tpu.memory_space<semaphore_mem>>) attributes {dimension_semantics = [#tpu.dimension_semantics<core_parallel>, #tpu.dimension_semantics<subcore_parallel>], iteration_bounds = array<i64: 2, 16>, scalar_prefetch = 0 : i64, scratch_operands = 5 : i64, tpu.core_type = #tpu.core_type<sc_vector_subcore>, window_params = [{transform_indices = #map}, {transform_indices = #map1}, {transform_indices = #map1}, {transform_indices = #map}]} {
    %mul3A = arith.constant 2 : i32
    %mul3A_0 = arith.muli %arg1, %mul3A : i32
    %add3A = arith.addi %mul3A_0, %arg0 : i32
    %scan3A = arith.constant 0 : i32
    %scan3A_1 = arith.constant 20 : i32
    %scan3A_2 = arith.addi %scan3A, %scan3A_1 : i32
    %scan3A_3 = arith.constant 1 : i32
    scf.for %scan3A_5 = %scan3A to %scan3A_2 step %scan3A_3  : i32 {
      %mul3A_6 = arith.constant 1 : i32
      %mul3A_7 = arith.muli %scan3A_5, %mul3A_6 : i32
      %add3A_8 = arith.constant 0 : i32
      %add3A_9 = arith.addi %add3A_8, %mul3A_7 : i32
      %mul3A_10 = arith.constant 320 : i32
      %mul3A_11 = arith.muli %add3A, %mul3A_10 : i32
      %mul3A_12 = arith.constant 16 : i32
      %mul3A_13 = arith.muli %add3A_9, %mul3A_12 : i32
      %add3A_14 = arith.addi %mul3A_11, %mul3A_13 : i32
      %mul3A_15 = arith.constant 16 : i32
      %mul3A_16 = arith.muli %add3A_14, %mul3A_15 : i32
      "tpu.region"() ({
        %run_scoped3A = tpu.sem_alloc : memref<!tpu.dma_semaphore, #tpu.memory_space<semaphore_mem>>
        %dma_start3A_26 = tpu.memref_slice %arg3[%mul3A_16] : memref<163840xi32, #tpu.memory_space<hbm>> -> memref<256xi32, #tpu.memory_space<hbm>>
        %dma_start3A_27 = tpu.memref_slice %arg3[%mul3A_16] : memref<163840xi32, #tpu.memory_space<hbm>> -> memref<256xi32, #tpu.memory_space<hbm>>
        tpu.enqueue_dma source(%dma_start3A_27 : memref<256xi32, #tpu.memory_space<hbm>>) target(%arg6 : memref<256xi32, #tpu.memory_space<vmem>>) target_semaphore(%run_scoped3A : memref<!tpu.dma_semaphore, #tpu.memory_space<semaphore_mem>>)
        %dma_wait3A_28 = tpu.memref_slice %arg3[%mul3A_16] : memref<163840xi32, #tpu.memory_space<hbm>> -> memref<256xi32, #tpu.memory_space<hbm>>
        %dma_wait3A_29 = tpu.memref_slice %arg3[%mul3A_16] : memref<163840xi32, #tpu.memory_space<hbm>> -> memref<256xi32, #tpu.memory_space<hbm>>
        tpu.wait_dma2 semaphore(%run_scoped3A : memref<!tpu.dma_semaphore, #tpu.memory_space<semaphore_mem>>) src(%dma_wait3A_29 : memref<256xi32, #tpu.memory_space<hbm>>) dst(%arg6 : memref<256xi32, #tpu.memory_space<vmem>>)
        tpu.yield
      }) : () -> ()
      "tpu.region"() ({
        %run_scoped3A = tpu.sem_alloc : memref<!tpu.dma_semaphore, #tpu.memory_space<semaphore_mem>>
        %dma_start3A_26 = tpu.memref_slice %arg4[%mul3A_16] : memref<163840xf32, #tpu.memory_space<hbm>> -> memref<256xf32, #tpu.memory_space<hbm>>
        %dma_start3A_27 = tpu.memref_slice %arg4[%mul3A_16] : memref<163840xf32, #tpu.memory_space<hbm>> -> memref<256xf32, #tpu.memory_space<hbm>>
        tpu.enqueue_dma source(%dma_start3A_27 : memref<256xf32, #tpu.memory_space<hbm>>) target(%arg7 : memref<256xf32, #tpu.memory_space<vmem>>) target_semaphore(%run_scoped3A : memref<!tpu.dma_semaphore, #tpu.memory_space<semaphore_mem>>)
        %dma_wait3A_28 = tpu.memref_slice %arg4[%mul3A_16] : memref<163840xf32, #tpu.memory_space<hbm>> -> memref<256xf32, #tpu.memory_space<hbm>>
        %dma_wait3A_29 = tpu.memref_slice %arg4[%mul3A_16] : memref<163840xf32, #tpu.memory_space<hbm>> -> memref<256xf32, #tpu.memory_space<hbm>>
        tpu.wait_dma2 semaphore(%run_scoped3A : memref<!tpu.dma_semaphore, #tpu.memory_space<semaphore_mem>>) src(%dma_wait3A_29 : memref<256xf32, #tpu.memory_space<hbm>>) dst(%arg7 : memref<256xf32, #tpu.memory_space<vmem>>)
        tpu.yield
      }) : () -> ()
      %dma_start3A = arith.constant 0 : i32
      %dma_start3A_17 = arith.constant 0 : i32
      %dma_start3A_18 = tpu.memref_slice %arg2[%dma_start3A, %dma_start3A_17] : memref<10240x128xf32, #tpu.memory_space<hbm>> -> memref<10240x128xf32, #tpu.memory_space<hbm>>
      tpu.enqueue_indirect_dma source(%dma_start3A_18 : memref<10240x128xf32, #tpu.memory_space<hbm>>) target(%arg8 : memref<256x128xf32, #tpu.memory_space<vmem>>) offsets(%arg6 : memref<256xi32, #tpu.memory_space<vmem>>) semaphore(%arg10 : memref<!tpu.dma_semaphore, #tpu.memory_space<semaphore_mem>>)
      %dma_wait3A = arith.constant 0 : i32
      %dma_wait3A_19 = arith.constant 0 : i32
      %dma_wait3A_20 = tpu.memref_slice %arg2[%dma_wait3A, %dma_wait3A_19] : memref<10240x128xf32, #tpu.memory_space<hbm>> -> memref<10240x128xf32, #tpu.memory_space<hbm>>
      tpu.wait_indirect_dma semaphore(%arg10 : memref<!tpu.dma_semaphore, #tpu.memory_space<semaphore_mem>>) src(%dma_wait3A_20 : memref<10240x128xf32, #tpu.memory_space<hbm>>) dst(%arg8 : memref<256x128xf32, #tpu.memory_space<vmem>>)
      %scan3A_21 = arith.constant 0 : i32
      %scan3A_22 = arith.constant 16 : i32
      %scan3A_23 = arith.addi %scan3A_21, %scan3A_22 : i32
      %scan3A_24 = arith.constant 1 : i32
      scf.for %scan3A_26 = %scan3A_21 to %scan3A_23 step %scan3A_24  : i32 {
        %mul3A_27 = arith.constant 1 : i32
        %mul3A_28 = arith.muli %scan3A_26, %mul3A_27 : i32
        %add3A_29 = arith.constant 0 : i32
        %add3A_30 = arith.addi %add3A_29, %mul3A_28 : i32
        %broadcast_in_dim3A = arith.constant 0.000000e+00 : f32
        %broadcast_in_dim3A_31 = vector.broadcast %broadcast_in_dim3A : f32 to vector<16xf32>
        %broadcast_in_dim3A_32 = arith.constant 0.000000e+00 : f32
        %broadcast_in_dim3A_33 = vector.broadcast %broadcast_in_dim3A_32 : f32 to vector<16xf32>
        %broadcast_in_dim3A_34 = arith.constant 0.000000e+00 : f32
        %broadcast_in_dim3A_35 = vector.broadcast %broadcast_in_dim3A_34 : f32 to vector<16xf32>
        %broadcast_in_dim3A_36 = arith.constant 0.000000e+00 : f32
        %broadcast_in_dim3A_37 = vector.broadcast %broadcast_in_dim3A_36 : f32 to vector<16xf32>
        %broadcast_in_dim3A_38 = arith.constant -3.000000e+38 : f32
        %broadcast_in_dim3A_39 = vector.broadcast %broadcast_in_dim3A_38 : f32 to vector<16xf32>
        %broadcast_in_dim3A_40 = arith.constant -3.000000e+38 : f32
        %broadcast_in_dim3A_41 = vector.broadcast %broadcast_in_dim3A_40 : f32 to vector<16xf32>
        %broadcast_in_dim3A_42 = arith.constant -3.000000e+38 : f32
        %broadcast_in_dim3A_43 = vector.broadcast %broadcast_in_dim3A_42 : f32 to vector<16xf32>
        %broadcast_in_dim3A_44 = arith.constant -3.000000e+38 : f32
        %broadcast_in_dim3A_45 = vector.broadcast %broadcast_in_dim3A_44 : f32 to vector<16xf32>
        %mul3A_46 = arith.constant 16 : i32
        %mul3A_47 = arith.muli %add3A_30, %mul3A_46 : i32
        %get3A = arith.index_cast %mul3A_47 : i32 to index
        %get3A_48 = tpu.vector_load %arg7[%get3A] {strides = array<i32>} : memref<256xf32, #tpu.memory_space<vmem>>, vector<16xf32>,
        %get3A_49 = vector.shape_cast %get3A_48 : vector<16xf32> to vector<16xf32>
        %slice3A = vector.extract_strided_slice %get3A_49 {offsets = [0], sizes = [1], strides = [1]} : vector<16xf32> to vector<1xf32>
        %squeeze3A = vector.extract %slice3A[0] : f32 from vector<1xf32>
        %mul3A_50 = arith.constant 16 : i32
        %mul3A_51 = arith.muli %add3A_30, %mul3A_50 : i32
        %add3A_52 = arith.constant 0 : i32
        %add3A_53 = arith.addi %mul3A_51, %add3A_52 : i32
        %get3A_54 = arith.index_cast %add3A_53 : i32 to index
        %get3A_55 = arith.constant 0 : index
        %get3A_56 = tpu.vector_load %arg8[%get3A_54, %get3A_55] {strides = array<i32>} : memref<256x128xf32, #tpu.memory_space<vmem>>, vector<1x16xf32>,
        %get3A_57 = vector.shape_cast %get3A_56 : vector<1x16xf32> to vector<16xf32>
        %mul3A_58 = vector.broadcast %squeeze3A : f32 to vector<16xf32>
        %mul3A_59 = arith.mulf %get3A_57, %mul3A_58 : vector<16xf32>
        %add3A_60 = arith.addf %broadcast_in_dim3A_31, %mul3A_59 : vector<16xf32>
        %max3A = arith.maximumf %broadcast_in_dim3A_39, %mul3A_59 : vector<16xf32>
        %mul3A_61 = arith.constant 16 : i32
        %mul3A_62 = arith.muli %add3A_30, %mul3A_61 : i32
        %add3A_63 = arith.constant 0 : i32
        %add3A_64 = arith.addi %mul3A_62, %add3A_63 : i32
        %get3A_65 = arith.index_cast %add3A_64 : i32 to index
        %get3A_66 = arith.constant 16 : index
        %get3A_67 = tpu.vector_load %arg8[%get3A_65, %get3A_66] {strides = array<i32>} : memref<256x128xf32, #tpu.memory_space<vmem>>, vector<1x16xf32>,
        %get3A_68 = vector.shape_cast %get3A_67 : vector<1x16xf32> to vector<16xf32>
        %mul3A_69 = vector.broadcast %squeeze3A : f32 to vector<16xf32>
        %mul3A_70 = arith.mulf %get3A_68, %mul3A_69 : vector<16xf32>
        %add3A_71 = arith.addf %broadcast_in_dim3A_33, %mul3A_70 : vector<16xf32>
        %max3A_72 = arith.maximumf %broadcast_in_dim3A_41, %mul3A_70 : vector<16xf32>
        %mul3A_73 = arith.constant 16 : i32
        %mul3A_74 = arith.muli %add3A_30, %mul3A_73 : i32
        %add3A_75 = arith.constant 0 : i32
        %add3A_76 = arith.addi %mul3A_74, %add3A_75 : i32
        %get3A_77 = arith.index_cast %add3A_76 : i32 to index
        %get3A_78 = arith.constant 32 : index
        %get3A_79 = tpu.vector_load %arg8[%get3A_77, %get3A_78] {strides = array<i32>} : memref<256x128xf32, #tpu.memory_space<vmem>>, vector<1x16xf32>,
        %get3A_80 = vector.shape_cast %get3A_79 : vector<1x16xf32> to vector<16xf32>
        %mul3A_81 = vector.broadcast %squeeze3A : f32 to vector<16xf32>
        %mul3A_82 = arith.mulf %get3A_80, %mul3A_81 : vector<16xf32>
        %add3A_83 = arith.addf %broadcast_in_dim3A_35, %mul3A_82 : vector<16xf32>
        %max3A_84 = arith.maximumf %broadcast_in_dim3A_43, %mul3A_82 : vector<16xf32>
        %mul3A_85 = arith.constant 16 : i32
        %mul3A_86 = arith.muli %add3A_30, %mul3A_85 : i32
        %add3A_87 = arith.constant 0 : i32
        %add3A_88 = arith.addi %mul3A_86, %add3A_87 : i32
        %get3A_89 = arith.index_cast %add3A_88 : i32 to index
        %get3A_90 = arith.constant 48 : index
        %get3A_91 = tpu.vector_load %arg8[%get3A_89, %get3A_90] {strides = array<i32>} : memref<256x128xf32, #tpu.memory_space<vmem>>, vector<1x16xf32>,
        %get3A_92 = vector.shape_cast %get3A_91 : vector<1x16xf32> to vector<16xf32>
        %mul3A_93 = vector.broadcast %squeeze3A : f32 to vector<16xf32>
        %mul3A_94 = arith.mulf %get3A_92, %mul3A_93 : vector<16xf32>
        %add3A_95 = arith.addf %broadcast_in_dim3A_37, %mul3A_94 : vector<16xf32>
        %max3A_96 = arith.maximumf %broadcast_in_dim3A_45, %mul3A_94 : vector<16xf32>
        %slice3A_97 = vector.extract_strided_slice %get3A_49 {offsets = [1], sizes = [1], strides = [1]} : vector<16xf32> to vector<1xf32>
        %squeeze3A_98 = vector.extract %slice3A_97[0] : f32 from vector<1xf32>
        %mul3A_99 = arith.constant 16 : i32
        %mul3A_100 = arith.muli %add3A_30, %mul3A_99 : i32
        %add3A_101 = arith.constant 1 : i32
        %add3A_102 = arith.addi %mul3A_100, %add3A_101 : i32
        %get3A_103 = arith.index_cast %add3A_102 : i32 to index
        %get3A_104 = arith.constant 0 : index
        %get3A_105 = tpu.vector_load %arg8[%get3A_103, %get3A_104] {strides = array<i32>} : memref<256x128xf32, #tpu.memory_space<vmem>>, vector<1x16xf32>,
        %get3A_106 = vector.shape_cast %get3A_105 : vector<1x16xf32> to vector<16xf32>
        %mul3A_107 = vector.broadcast %squeeze3A_98 : f32 to vector<16xf32>
        %mul3A_108 = arith.mulf %get3A_106, %mul3A_107 : vector<16xf32>
        %add3A_109 = arith.addf %add3A_60, %mul3A_108 : vector<16xf32>
        %max3A_110 = arith.maximumf %max3A, %mul3A_108 : vector<16xf32>
        %mul3A_111 = arith.constant 16 : i32
        %mul3A_112 = arith.muli %add3A_30, %mul3A_111 : i32
        %add3A_113 = arith.constant 1 : i32
        %add3A_114 = arith.addi %mul3A_112, %add3A_113 : i32
        %get3A_115 = arith.index_cast %add3A_114 : i32 to index
        %get3A_116 = arith.constant 16 : index
        %get3A_117 = tpu.vector_load %arg8[%get3A_115, %get3A_116] {strides = array<i32>} : memref<256x128xf32, #tpu.memory_space<vmem>>, vector<1x16xf32>,
        %get3A_118 = vector.shape_cast %get3A_117 : vector<1x16xf32> to vector<16xf32>
        %mul3A_119 = vector.broadcast %squeeze3A_98 : f32 to vector<16xf32>
        %mul3A_120 = arith.mulf %get3A_118, %mul3A_119 : vector<16xf32>
        %add3A_121 = arith.addf %add3A_71, %mul3A_120 : vector<16xf32>
        %max3A_122 = arith.maximumf %max3A_72, %mul3A_120 : vector<16xf32>
        %mul3A_123 = arith.constant 16 : i32
        %mul3A_124 = arith.muli %add3A_30, %mul3A_123 : i32
        %add3A_125 = arith.constant 1 : i32
        %add3A_126 = arith.addi %mul3A_124, %add3A_125 : i32
        %get3A_127 = arith.index_cast %add3A_126 : i32 to index
        %get3A_128 = arith.constant 32 : index
        %get3A_129 = tpu.vector_load %arg8[%get3A_127, %get3A_128] {strides = array<i32>} : memref<256x128xf32, #tpu.memory_space<vmem>>, vector<1x16xf32>,
        %get3A_130 = vector.shape_cast %get3A_129 : vector<1x16xf32> to vector<16xf32>
        %mul3A_131 = vector.broadcast %squeeze3A_98 : f32 to vector<16xf32>
        %mul3A_132 = arith.mulf %get3A_130, %mul3A_131 : vector<16xf32>
        %add3A_133 = arith.addf %add3A_83, %mul3A_132 : vector<16xf32>
        %max3A_134 = arith.maximumf %max3A_84, %mul3A_132 : vector<16xf32>
        %mul3A_135 = arith.constant 16 : i32
        %mul3A_136 = arith.muli %add3A_30, %mul3A_135 : i32
        %add3A_137 = arith.constant 1 : i32
        %add3A_138 = arith.addi %mul3A_136, %add3A_137 : i32
        %get3A_139 = arith.index_cast %add3A_138 : i32 to index
        %get3A_140 = arith.constant 48 : index
        %get3A_141 = tpu.vector_load %arg8[%get3A_139, %get3A_140] {strides = array<i32>} : memref<256x128xf32, #tpu.memory_space<vmem>>, vector<1x16xf32>,
        %get3A_142 = vector.shape_cast %get3A_141 : vector<1x16xf32> to vector<16xf32>
        %mul3A_143 = vector.broadcast %squeeze3A_98 : f32 to vector<16xf32>
        %mul3A_144 = arith.mulf %get3A_142, %mul3A_143 : vector<16xf32>
        %add3A_145 = arith.addf %add3A_95, %mul3A_144 : vector<16xf32>
        %max3A_146 = arith.maximumf %max3A_96, %mul3A_144 : vector<16xf32>
        %slice3A_147 = vector.extract_strided_slice %get3A_49 {offsets = [2], sizes = [1], strides = [1]} : vector<16xf32> to vector<1xf32>
        %squeeze3A_148 = vector.extract %slice3A_147[0] : f32 from vector<1xf32>
        %mul3A_149 = arith.constant 16 : i32
        %mul3A_150 = arith.muli %add3A_30, %mul3A_149 : i32
        %add3A_151 = arith.constant 2 : i32
        %add3A_152 = arith.addi %mul3A_150, %add3A_151 : i32
        %get3A_153 = arith.index_cast %add3A_152 : i32 to index
        %get3A_154 = arith.constant 0 : index
        %get3A_155 = tpu.vector_load %arg8[%get3A_153, %get3A_154] {strides = array<i32>} : memref<256x128xf32, #tpu.memory_space<vmem>>, vector<1x16xf32>,
        %get3A_156 = vector.shape_cast %get3A_155 : vector<1x16xf32> to vector<16xf32>
        %mul3A_157 = vector.broadcast %squeeze3A_148 : f32 to vector<16xf32>
        %mul3A_158 = arith.mulf %get3A_156, %mul3A_157 : vector<16xf32>
        %add3A_159 = arith.addf %add3A_109, %mul3A_158 : vector<16xf32>
        %max3A_160 = arith.maximumf %max3A_110, %mul3A_158 : vector<16xf32>
        %mul3A_161 = arith.constant 16 : i32
        %mul3A_162 = arith.muli %add3A_30, %mul3A_161 : i32
        %add3A_163 = arith.constant 2 : i32
        %add3A_164 = arith.addi %mul3A_162, %add3A_163 : i32
        %get3A_165 = arith.index_cast %add3A_164 : i32 to index
        %get3A_166 = arith.constant 16 : index
        %get3A_167 = tpu.vector_load %arg8[%get3A_165, %get3A_166] {strides = array<i32>} : memref<256x128xf32, #tpu.memory_space<vmem>>, vector<1x16xf32>,
        %get3A_168 = vector.shape_cast %get3A_167 : vector<1x16xf32> to vector<16xf32>
        %mul3A_169 = vector.broadcast %squeeze3A_148 : f32 to vector<16xf32>
        %mul3A_170 = arith.mulf %get3A_168, %mul3A_169 : vector<16xf32>
        %add3A_171 = arith.addf %add3A_121, %mul3A_170 : vector<16xf32>
        %max3A_172 = arith.maximumf %max3A_122, %mul3A_170 : vector<16xf32>
        %mul3A_173 = arith.constant 16 : i32
        %mul3A_174 = arith.muli %add3A_30, %mul3A_173 : i32
        %add3A_175 = arith.constant 2 : i32
        %add3A_176 = arith.addi %mul3A_174, %add3A_175 : i32
        %get3A_177 = arith.index_cast %add3A_176 : i32 to index
        %get3A_178 = arith.constant 32 : index
        %get3A_179 = tpu.vector_load %arg8[%get3A_177, %get3A_178] {strides = array<i32>} : memref<256x128xf32, #tpu.memory_space<vmem>>, vector<1x16xf32>,
        %get3A_180 = vector.shape_cast %get3A_179 : vector<1x16xf32> to vector<16xf32>
        %mul3A_181 = vector.broadcast %squeeze3A_148 : f32 to vector<16xf32>
        %mul3A_182 = arith.mulf %get3A_180, %mul3A_181 : vector<16xf32>
        %add3A_183 = arith.addf %add3A_133, %mul3A_182 : vector<16xf32>
        %max3A_184 = arith.maximumf %max3A_134, %mul3A_182 : vector<16xf32>
        %mul3A_185 = arith.constant 16 : i32
        %mul3A_186 = arith.muli %add3A_30, %mul3A_185 : i32
        %add3A_187 = arith.constant 2 : i32
        %add3A_188 = arith.addi %mul3A_186, %add3A_187 : i32
        %get3A_189 = arith.index_cast %add3A_188 : i32 to index
        %get3A_190 = arith.constant 48 : index
        %get3A_191 = tpu.vector_load %arg8[%get3A_189, %get3A_190] {strides = array<i32>} : memref<256x128xf32, #tpu.memory_space<vmem>>, vector<1x16xf32>,
        %get3A_192 = vector.shape_cast %get3A_191 : vector<1x16xf32> to vector<16xf32>
        %mul3A_193 = vector.broadcast %squeeze3A_148 : f32 to vector<16xf32>
        %mul3A_194 = arith.mulf %get3A_192, %mul3A_193 : vector<16xf32>
        %add3A_195 = arith.addf %add3A_145, %mul3A_194 : vector<16xf32>
        %max3A_196 = arith.maximumf %max3A_146, %mul3A_194 : vector<16xf32>
        %slice3A_197 = vector.extract_strided_slice %get3A_49 {offsets = [3], sizes = [1], strides = [1]} : vector<16xf32> to vector<1xf32>
        %squeeze3A_198 = vector.extract %slice3A_197[0] : f32 from vector<1xf32>
        %mul3A_199 = arith.constant 16 : i32
        %mul3A_200 = arith.muli %add3A_30, %mul3A_199 : i32
        %add3A_201 = arith.constant 3 : i32
        %add3A_202 = arith.addi %mul3A_200, %add3A_201 : i32
        %get3A_203 = arith.index_cast %add3A_202 : i32 to index
        %get3A_204 = arith.constant 0 : index
        %get3A_205 = tpu.vector_load %arg8[%get3A_203, %get3A_204] {strides = array<i32>} : memref<256x128xf32, #tpu.memory_space<vmem>>, vector<1x16xf32>,
        %get3A_206 = vector.shape_cast %get3A_205 : vector<1x16xf32> to vector<16xf32>
        %mul3A_207 = vector.broadcast %squeeze3A_198 : f32 to vector<16xf32>
        %mul3A_208 = arith.mulf %get3A_206, %mul3A_207 : vector<16xf32>
        %add3A_209 = arith.addf %add3A_159, %mul3A_208 : vector<16xf32>
        %max3A_210 = arith.maximumf %max3A_160, %mul3A_208 : vector<16xf32>
        %mul3A_211 = arith.constant 16 : i32
        %mul3A_212 = arith.muli %add3A_30, %mul3A_211 : i32
        %add3A_213 = arith.constant 3 : i32
        %add3A_214 = arith.addi %mul3A_212, %add3A_213 : i32
        %get3A_215 = arith.index_cast %add3A_214 : i32 to index
        %get3A_216 = arith.constant 16 : index
        %get3A_217 = tpu.vector_load %arg8[%get3A_215, %get3A_216] {strides = array<i32>} : memref<256x128xf32, #tpu.memory_space<vmem>>, vector<1x16xf32>,
        %get3A_218 = vector.shape_cast %get3A_217 : vector<1x16xf32> to vector<16xf32>
        %mul3A_219 = vector.broadcast %squeeze3A_198 : f32 to vector<16xf32>
        %mul3A_220 = arith.mulf %get3A_218, %mul3A_219 : vector<16xf32>
        %add3A_221 = arith.addf %add3A_171, %mul3A_220 : vector<16xf32>
        %max3A_222 = arith.maximumf %max3A_172, %mul3A_220 : vector<16xf32>
        %mul3A_223 = arith.constant 16 : i32
        %mul3A_224 = arith.muli %add3A_30, %mul3A_223 : i32
        %add3A_225 = arith.constant 3 : i32
        %add3A_226 = arith.addi %mul3A_224, %add3A_225 : i32
        %get3A_227 = arith.index_cast %add3A_226 : i32 to index
        %get3A_228 = arith.constant 32 : index
        %get3A_229 = tpu.vector_load %arg8[%get3A_227, %get3A_228] {strides = array<i32>} : memref<256x128xf32, #tpu.memory_space<vmem>>, vector<1x16xf32>,
        %get3A_230 = vector.shape_cast %get3A_229 : vector<1x16xf32> to vector<16xf32>
        %mul3A_231 = vector.broadcast %squeeze3A_198 : f32 to vector<16xf32>
        %mul3A_232 = arith.mulf %get3A_230, %mul3A_231 : vector<16xf32>
        %add3A_233 = arith.addf %add3A_183, %mul3A_232 : vector<16xf32>
        %max3A_234 = arith.maximumf %max3A_184, %mul3A_232 : vector<16xf32>
        %mul3A_235 = arith.constant 16 : i32
        %mul3A_236 = arith.muli %add3A_30, %mul3A_235 : i32
        %add3A_237 = arith.constant 3 : i32
        %add3A_238 = arith.addi %mul3A_236, %add3A_237 : i32
        %get3A_239 = arith.index_cast %add3A_238 : i32 to index
        %get3A_240 = arith.constant 48 : index
        %get3A_241 = tpu.vector_load %arg8[%get3A_239, %get3A_240] {strides = array<i32>} : memref<256x128xf32, #tpu.memory_space<vmem>>, vector<1x16xf32>,
        %get3A_242 = vector.shape_cast %get3A_241 : vector<1x16xf32> to vector<16xf32>
        %mul3A_243 = vector.broadcast %squeeze3A_198 : f32 to vector<16xf32>
        %mul3A_244 = arith.mulf %get3A_242, %mul3A_243 : vector<16xf32>
        %add3A_245 = arith.addf %add3A_195, %mul3A_244 : vector<16xf32>
        %max3A_246 = arith.maximumf %max3A_196, %mul3A_244 : vector<16xf32>
        %slice3A_247 = vector.extract_strided_slice %get3A_49 {offsets = [4], sizes = [1], strides = [1]} : vector<16xf32> to vector<1xf32>
        %squeeze3A_248 = vector.extract %slice3A_247[0] : f32 from vector<1xf32>
        %mul3A_249 = arith.constant 16 : i32
        %mul3A_250 = arith.muli %add3A_30, %mul3A_249 : i32
        %add3A_251 = arith.constant 4 : i32
        %add3A_252 = arith.addi %mul3A_250, %add3A_251 : i32
        %get3A_253 = arith.index_cast %add3A_252 : i32 to index
        %get3A_254 = arith.constant 0 : index
        %get3A_255 = tpu.vector_load %arg8[%get3A_253, %get3A_254] {strides = array<i32>} : memref<256x128xf32, #tpu.memory_space<vmem>>, vector<1x16xf32>,
        %get3A_256 = vector.shape_cast %get3A_255 : vector<1x16xf32> to vector<16xf32>
        %mul3A_257 = vector.broadcast %squeeze3A_248 : f32 to vector<16xf32>
        %mul3A_258 = arith.mulf %get3A_256, %mul3A_257 : vector<16xf32>
        %add3A_259 = arith.addf %add3A_209, %mul3A_258 : vector<16xf32>
        %max3A_260 = arith.maximumf %max3A_210, %mul3A_258 : vector<16xf32>
        %mul3A_261 = arith.constant 16 : i32
        %mul3A_262 = arith.muli %add3A_30, %mul3A_261 : i32
        %add3A_263 = arith.constant 4 : i32
        %add3A_264 = arith.addi %mul3A_262, %add3A_263 : i32
        %get3A_265 = arith.index_cast %add3A_264 : i32 to index
        %get3A_266 = arith.constant 16 : index
        %get3A_267 = tpu.vector_load %arg8[%get3A_265, %get3A_266] {strides = array<i32>} : memref<256x128xf32, #tpu.memory_space<vmem>>, vector<1x16xf32>,
        %get3A_268 = vector.shape_cast %get3A_267 : vector<1x16xf32> to vector<16xf32>
        %mul3A_269 = vector.broadcast %squeeze3A_248 : f32 to vector<16xf32>
        %mul3A_270 = arith.mulf %get3A_268, %mul3A_269 : vector<16xf32>
        %add3A_271 = arith.addf %add3A_221, %mul3A_270 : vector<16xf32>
        %max3A_272 = arith.maximumf %max3A_222, %mul3A_270 : vector<16xf32>
        %mul3A_273 = arith.constant 16 : i32
        %mul3A_274 = arith.muli %add3A_30, %mul3A_273 : i32
        %add3A_275 = arith.constant 4 : i32
        %add3A_276 = arith.addi %mul3A_274, %add3A_275 : i32
        %get3A_277 = arith.index_cast %add3A_276 : i32 to index
        %get3A_278 = arith.constant 32 : index
        %get3A_279 = tpu.vector_load %arg8[%get3A_277, %get3A_278] {strides = array<i32>} : memref<256x128xf32, #tpu.memory_space<vmem>>, vector<1x16xf32>,
        %get3A_280 = vector.shape_cast %get3A_279 : vector<1x16xf32> to vector<16xf32>
        %mul3A_281 = vector.broadcast %squeeze3A_248 : f32 to vector<16xf32>
        %mul3A_282 = arith.mulf %get3A_280, %mul3A_281 : vector<16xf32>
        %add3A_283 = arith.addf %add3A_233, %mul3A_282 : vector<16xf32>
        %max3A_284 = arith.maximumf %max3A_234, %mul3A_282 : vector<16xf32>
        %mul3A_285 = arith.constant 16 : i32
        %mul3A_286 = arith.muli %add3A_30, %mul3A_285 : i32
        %add3A_287 = arith.constant 4 : i32
        %add3A_288 = arith.addi %mul3A_286, %add3A_287 : i32
        %get3A_289 = arith.index_cast %add3A_288 : i32 to index
        %get3A_290 = arith.constant 48 : index
        %get3A_291 = tpu.vector_load %arg8[%get3A_289, %get3A_290] {strides = array<i32>} : memref<256x128xf32, #tpu.memory_space<vmem>>, vector<1x16xf32>,
        %get3A_292 = vector.shape_cast %get3A_291 : vector<1x16xf32> to vector<16xf32>
        %mul3A_293 = vector.broadcast %squeeze3A_248 : f32 to vector<16xf32>
        %mul3A_294 = arith.mulf %get3A_292, %mul3A_293 : vector<16xf32>
        %add3A_295 = arith.addf %add3A_245, %mul3A_294 : vector<16xf32>
        %max3A_296 = arith.maximumf %max3A_246, %mul3A_294 : vector<16xf32>
        %slice3A_297 = vector.extract_strided_slice %get3A_49 {offsets = [5], sizes = [1], strides = [1]} : vector<16xf32> to vector<1xf32>
        %squeeze3A_298 = vector.extract %slice3A_297[0] : f32 from vector<1xf32>
        %mul3A_299 = arith.constant 16 : i32
        %mul3A_300 = arith.muli %add3A_30, %mul3A_299 : i32
        %add3A_301 = arith.constant 5 : i32
        %add3A_302 = arith.addi %mul3A_300, %add3A_301 : i32
        %get3A_303 = arith.index_cast %add3A_302 : i32 to index
        %get3A_304 = arith.constant 0 : index
        %get3A_305 = tpu.vector_load %arg8[%get3A_303, %get3A_304] {strides = array<i32>} : memref<256x128xf32, #tpu.memory_space<vmem>>, vector<1x16xf32>,
        %get3A_306 = vector.shape_cast %get3A_305 : vector<1x16xf32> to vector<16xf32>
        %mul3A_307 = vector.broadcast %squeeze3A_298 : f32 to vector<16xf32>
        %mul3A_308 = arith.mulf %get3A_306, %mul3A_307 : vector<16xf32>
        %add3A_309 = arith.addf %add3A_259, %mul3A_308 : vector<16xf32>
        %max3A_310 = arith.maximumf %max3A_260, %mul3A_308 : vector<16xf32>
        %mul3A_311 = arith.constant 16 : i32
        %mul3A_312 = arith.muli %add3A_30, %mul3A_311 : i32
        %add3A_313 = arith.constant 5 : i32
        %add3A_314 = arith.addi %mul3A_312, %add3A_313 : i32
        %get3A_315 = arith.index_cast %add3A_314 : i32 to index
        %get3A_316 = arith.constant 16 : index
        %get3A_317 = tpu.vector_load %arg8[%get3A_315, %get3A_316] {strides = array<i32>} : memref<256x128xf32, #tpu.memory_space<vmem>>, vector<1x16xf32>,
        %get3A_318 = vector.shape_cast %get3A_317 : vector<1x16xf32> to vector<16xf32>
        %mul3A_319 = vector.broadcast %squeeze3A_298 : f32 to vector<16xf32>
        %mul3A_320 = arith.mulf %get3A_318, %mul3A_319 : vector<16xf32>
        %add3A_321 = arith.addf %add3A_271, %mul3A_320 : vector<16xf32>
        %max3A_322 = arith.maximumf %max3A_272, %mul3A_320 : vector<16xf32>
        %mul3A_323 = arith.constant 16 : i32
        %mul3A_324 = arith.muli %add3A_30, %mul3A_323 : i32
        %add3A_325 = arith.constant 5 : i32
        %add3A_326 = arith.addi %mul3A_324, %add3A_325 : i32
        %get3A_327 = arith.index_cast %add3A_326 : i32 to index
        %get3A_328 = arith.constant 32 : index
        %get3A_329 = tpu.vector_load %arg8[%get3A_327, %get3A_328] {strides = array<i32>} : memref<256x128xf32, #tpu.memory_space<vmem>>, vector<1x16xf32>,
        %get3A_330 = vector.shape_cast %get3A_329 : vector<1x16xf32> to vector<16xf32>
        %mul3A_331 = vector.broadcast %squeeze3A_298 : f32 to vector<16xf32>
        %mul3A_332 = arith.mulf %get3A_330, %mul3A_331 : vector<16xf32>
        %add3A_333 = arith.addf %add3A_283, %mul3A_332 : vector<16xf32>
        %max3A_334 = arith.maximumf %max3A_284, %mul3A_332 : vector<16xf32>
        %mul3A_335 = arith.constant 16 : i32
        %mul3A_336 = arith.muli %add3A_30, %mul3A_335 : i32
        %add3A_337 = arith.constant 5 : i32
        %add3A_338 = arith.addi %mul3A_336, %add3A_337 : i32
        %get3A_339 = arith.index_cast %add3A_338 : i32 to index
        %get3A_340 = arith.constant 48 : index
        %get3A_341 = tpu.vector_load %arg8[%get3A_339, %get3A_340] {strides = array<i32>} : memref<256x128xf32, #tpu.memory_space<vmem>>, vector<1x16xf32>,
        %get3A_342 = vector.shape_cast %get3A_341 : vector<1x16xf32> to vector<16xf32>
        %mul3A_343 = vector.broadcast %squeeze3A_298 : f32 to vector<16xf32>
        %mul3A_344 = arith.mulf %get3A_342, %mul3A_343 : vector<16xf32>
        %add3A_345 = arith.addf %add3A_295, %mul3A_344 : vector<16xf32>
        %max3A_346 = arith.maximumf %max3A_296, %mul3A_344 : vector<16xf32>
        %slice3A_347 = vector.extract_strided_slice %get3A_49 {offsets = [6], sizes = [1], strides = [1]} : vector<16xf32> to vector<1xf32>
        %squeeze3A_348 = vector.extract %slice3A_347[0] : f32 from vector<1xf32>
        %mul3A_349 = arith.constant 16 : i32
        %mul3A_350 = arith.muli %add3A_30, %mul3A_349 : i32
        %add3A_351 = arith.constant 6 : i32
        %add3A_352 = arith.addi %mul3A_350, %add3A_351 : i32
        %get3A_353 = arith.index_cast %add3A_352 : i32 to index
        %get3A_354 = arith.constant 0 : index
        %get3A_355 = tpu.vector_load %arg8[%get3A_353, %get3A_354] {strides = array<i32>} : memref<256x128xf32, #tpu.memory_space<vmem>>, vector<1x16xf32>,
        %get3A_356 = vector.shape_cast %get3A_355 : vector<1x16xf32> to vector<16xf32>
        %mul3A_357 = vector.broadcast %squeeze3A_348 : f32 to vector<16xf32>
        %mul3A_358 = arith.mulf %get3A_356, %mul3A_357 : vector<16xf32>
        %add3A_359 = arith.addf %add3A_309, %mul3A_358 : vector<16xf32>
        %max3A_360 = arith.maximumf %max3A_310, %mul3A_358 : vector<16xf32>
        %mul3A_361 = arith.constant 16 : i32
        %mul3A_362 = arith.muli %add3A_30, %mul3A_361 : i32
        %add3A_363 = arith.constant 6 : i32
        %add3A_364 = arith.addi %mul3A_362, %add3A_363 : i32
        %get3A_365 = arith.index_cast %add3A_364 : i32 to index
        %get3A_366 = arith.constant 16 : index
        %get3A_367 = tpu.vector_load %arg8[%get3A_365, %get3A_366] {strides = array<i32>} : memref<256x128xf32, #tpu.memory_space<vmem>>, vector<1x16xf32>,
        %get3A_368 = vector.shape_cast %get3A_367 : vector<1x16xf32> to vector<16xf32>
        %mul3A_369 = vector.broadcast %squeeze3A_348 : f32 to vector<16xf32>
        %mul3A_370 = arith.mulf %get3A_368, %mul3A_369 : vector<16xf32>
        %add3A_371 = arith.addf %add3A_321, %mul3A_370 : vector<16xf32>
        %max3A_372 = arith.maximumf %max3A_322, %mul3A_370 : vector<16xf32>
        %mul3A_373 = arith.constant 16 : i32
        %mul3A_374 = arith.muli %add3A_30, %mul3A_373 : i32
        %add3A_375 = arith.constant 6 : i32
        %add3A_376 = arith.addi %mul3A_374, %add3A_375 : i32
        %get3A_377 = arith.index_cast %add3A_376 : i32 to index
        %get3A_378 = arith.constant 32 : index
        %get3A_379 = tpu.vector_load %arg8[%get3A_377, %get3A_378] {strides = array<i32>} : memref<256x128xf32, #tpu.memory_space<vmem>>, vector<1x16xf32>,
        %get3A_380 = vector.shape_cast %get3A_379 : vector<1x16xf32> to vector<16xf32>
        %mul3A_381 = vector.broadcast %squeeze3A_348 : f32 to vector<16xf32>
        %mul3A_382 = arith.mulf %get3A_380, %mul3A_381 : vector<16xf32>
        %add3A_383 = arith.addf %add3A_333, %mul3A_382 : vector<16xf32>
        %max3A_384 = arith.maximumf %max3A_334, %mul3A_382 : vector<16xf32>
        %mul3A_385 = arith.constant 16 : i32
        %mul3A_386 = arith.muli %add3A_30, %mul3A_385 : i32
        %add3A_387 = arith.constant 6 : i32
        %add3A_388 = arith.addi %mul3A_386, %add3A_387 : i32
        %get3A_389 = arith.index_cast %add3A_388 : i32 to index
        %get3A_390 = arith.constant 48 : index
        %get3A_391 = tpu.vector_load %arg8[%get3A_389, %get3A_390] {strides = array<i32>} : memref<256x128xf32, #tpu.memory_space<vmem>>, vector<1x16xf32>,
        %get3A_392 = vector.shape_cast %get3A_391 : vector<1x16xf32> to vector<16xf32>
        %mul3A_393 = vector.broadcast %squeeze3A_348 : f32 to vector<16xf32>
        %mul3A_394 = arith.mulf %get3A_392, %mul3A_393 : vector<16xf32>
        %add3A_395 = arith.addf %add3A_345, %mul3A_394 : vector<16xf32>
        %max3A_396 = arith.maximumf %max3A_346, %mul3A_394 : vector<16xf32>
        %slice3A_397 = vector.extract_strided_slice %get3A_49 {offsets = [7], sizes = [1], strides = [1]} : vector<16xf32> to vector<1xf32>
        %squeeze3A_398 = vector.extract %slice3A_397[0] : f32 from vector<1xf32>
        %mul3A_399 = arith.constant 16 : i32
        %mul3A_400 = arith.muli %add3A_30, %mul3A_399 : i32
        %add3A_401 = arith.constant 7 : i32
        %add3A_402 = arith.addi %mul3A_400, %add3A_401 : i32
        %get3A_403 = arith.index_cast %add3A_402 : i32 to index
        %get3A_404 = arith.constant 0 : index
        %get3A_405 = tpu.vector_load %arg8[%get3A_403, %get3A_404] {strides = array<i32>} : memref<256x128xf32, #tpu.memory_space<vmem>>, vector<1x16xf32>,
        %get3A_406 = vector.shape_cast %get3A_405 : vector<1x16xf32> to vector<16xf32>
        %mul3A_407 = vector.broadcast %squeeze3A_398 : f32 to vector<16xf32>
        %mul3A_408 = arith.mulf %get3A_406, %mul3A_407 : vector<16xf32>
        %add3A_409 = arith.addf %add3A_359, %mul3A_408 : vector<16xf32>
        %max3A_410 = arith.maximumf %max3A_360, %mul3A_408 : vector<16xf32>
        %mul3A_411 = arith.constant 16 : i32
        %mul3A_412 = arith.muli %add3A_30, %mul3A_411 : i32
        %add3A_413 = arith.constant 7 : i32
        %add3A_414 = arith.addi %mul3A_412, %add3A_413 : i32
        %get3A_415 = arith.index_cast %add3A_414 : i32 to index
        %get3A_416 = arith.constant 16 : index
        %get3A_417 = tpu.vector_load %arg8[%get3A_415, %get3A_416] {strides = array<i32>} : memref<256x128xf32, #tpu.memory_space<vmem>>, vector<1x16xf32>,
        %get3A_418 = vector.shape_cast %get3A_417 : vector<1x16xf32> to vector<16xf32>
        %mul3A_419 = vector.broadcast %squeeze3A_398 : f32 to vector<16xf32>
        %mul3A_420 = arith.mulf %get3A_418, %mul3A_419 : vector<16xf32>
        %add3A_421 = arith.addf %add3A_371, %mul3A_420 : vector<16xf32>
        %max3A_422 = arith.maximumf %max3A_372, %mul3A_420 : vector<16xf32>
        %mul3A_423 = arith.constant 16 : i32
        %mul3A_424 = arith.muli %add3A_30, %mul3A_423 : i32
        %add3A_425 = arith.constant 7 : i32
        %add3A_426 = arith.addi %mul3A_424, %add3A_425 : i32
        %get3A_427 = arith.index_cast %add3A_426 : i32 to index
        %get3A_428 = arith.constant 32 : index
        %get3A_429 = tpu.vector_load %arg8[%get3A_427, %get3A_428] {strides = array<i32>} : memref<256x128xf32, #tpu.memory_space<vmem>>, vector<1x16xf32>,
        %get3A_430 = vector.shape_cast %get3A_429 : vector<1x16xf32> to vector<16xf32>
        %mul3A_431 = vector.broadcast %squeeze3A_398 : f32 to vector<16xf32>
        %mul3A_432 = arith.mulf %get3A_430, %mul3A_431 : vector<16xf32>
        %add3A_433 = arith.addf %add3A_383, %mul3A_432 : vector<16xf32>
        %max3A_434 = arith.maximumf %max3A_384, %mul3A_432 : vector<16xf32>
        %mul3A_435 = arith.constant 16 : i32
        %mul3A_436 = arith.muli %add3A_30, %mul3A_435 : i32
        %add3A_437 = arith.constant 7 : i32
        %add3A_438 = arith.addi %mul3A_436, %add3A_437 : i32
        %get3A_439 = arith.index_cast %add3A_438 : i32 to index
        %get3A_440 = arith.constant 48 : index
        %get3A_441 = tpu.vector_load %arg8[%get3A_439, %get3A_440] {strides = array<i32>} : memref<256x128xf32, #tpu.memory_space<vmem>>, vector<1x16xf32>,
        %get3A_442 = vector.shape_cast %get3A_441 : vector<1x16xf32> to vector<16xf32>
        %mul3A_443 = vector.broadcast %squeeze3A_398 : f32 to vector<16xf32>
        %mul3A_444 = arith.mulf %get3A_442, %mul3A_443 : vector<16xf32>
        %add3A_445 = arith.addf %add3A_395, %mul3A_444 : vector<16xf32>
        %max3A_446 = arith.maximumf %max3A_396, %mul3A_444 : vector<16xf32>
        %slice3A_447 = vector.extract_strided_slice %get3A_49 {offsets = [8], sizes = [1], strides = [1]} : vector<16xf32> to vector<1xf32>
        %squeeze3A_448 = vector.extract %slice3A_447[0] : f32 from vector<1xf32>
        %mul3A_449 = arith.constant 16 : i32
        %mul3A_450 = arith.muli %add3A_30, %mul3A_449 : i32
        %add3A_451 = arith.constant 8 : i32
        %add3A_452 = arith.addi %mul3A_450, %add3A_451 : i32
        %get3A_453 = arith.index_cast %add3A_452 : i32 to index
        %get3A_454 = arith.constant 0 : index
        %get3A_455 = tpu.vector_load %arg8[%get3A_453, %get3A_454] {strides = array<i32>} : memref<256x128xf32, #tpu.memory_space<vmem>>, vector<1x16xf32>,
        %get3A_456 = vector.shape_cast %get3A_455 : vector<1x16xf32> to vector<16xf32>
        %mul3A_457 = vector.broadcast %squeeze3A_448 : f32 to vector<16xf32>
        %mul3A_458 = arith.mulf %get3A_456, %mul3A_457 : vector<16xf32>
        %add3A_459 = arith.addf %add3A_409, %mul3A_458 : vector<16xf32>
        %max3A_460 = arith.maximumf %max3A_410, %mul3A_458 : vector<16xf32>
        %mul3A_461 = arith.constant 16 : i32
        %mul3A_462 = arith.muli %add3A_30, %mul3A_461 : i32
        %add3A_463 = arith.constant 8 : i32
        %add3A_464 = arith.addi %mul3A_462, %add3A_463 : i32
        %get3A_465 = arith.index_cast %add3A_464 : i32 to index
        %get3A_466 = arith.constant 16 : index
        %get3A_467 = tpu.vector_load %arg8[%get3A_465, %get3A_466] {strides = array<i32>} : memref<256x128xf32, #tpu.memory_space<vmem>>, vector<1x16xf32>,
        %get3A_468 = vector.shape_cast %get3A_467 : vector<1x16xf32> to vector<16xf32>
        %mul3A_469 = vector.broadcast %squeeze3A_448 : f32 to vector<16xf32>
        %mul3A_470 = arith.mulf %get3A_468, %mul3A_469 : vector<16xf32>
        %add3A_471 = arith.addf %add3A_421, %mul3A_470 : vector<16xf32>
        %max3A_472 = arith.maximumf %max3A_422, %mul3A_470 : vector<16xf32>
        %mul3A_473 = arith.constant 16 : i32
        %mul3A_474 = arith.muli %add3A_30, %mul3A_473 : i32
        %add3A_475 = arith.constant 8 : i32
        %add3A_476 = arith.addi %mul3A_474, %add3A_475 : i32
        %get3A_477 = arith.index_cast %add3A_476 : i32 to index
        %get3A_478 = arith.constant 32 : index
        %get3A_479 = tpu.vector_load %arg8[%get3A_477, %get3A_478] {strides = array<i32>} : memref<256x128xf32, #tpu.memory_space<vmem>>, vector<1x16xf32>,
        %get3A_480 = vector.shape_cast %get3A_479 : vector<1x16xf32> to vector<16xf32>
        %mul3A_481 = vector.broadcast %squeeze3A_448 : f32 to vector<16xf32>
        %mul3A_482 = arith.mulf %get3A_480, %mul3A_481 : vector<16xf32>
        %add3A_483 = arith.addf %add3A_433, %mul3A_482 : vector<16xf32>
        %max3A_484 = arith.maximumf %max3A_434, %mul3A_482 : vector<16xf32>
        %mul3A_485 = arith.constant 16 : i32
        %mul3A_486 = arith.muli %add3A_30, %mul3A_485 : i32
        %add3A_487 = arith.constant 8 : i32
        %add3A_488 = arith.addi %mul3A_486, %add3A_487 : i32
        %get3A_489 = arith.index_cast %add3A_488 : i32 to index
        %get3A_490 = arith.constant 48 : index
        %get3A_491 = tpu.vector_load %arg8[%get3A_489, %get3A_490] {strides = array<i32>} : memref<256x128xf32, #tpu.memory_space<vmem>>, vector<1x16xf32>,
        %get3A_492 = vector.shape_cast %get3A_491 : vector<1x16xf32> to vector<16xf32>
        %mul3A_493 = vector.broadcast %squeeze3A_448 : f32 to vector<16xf32>
        %mul3A_494 = arith.mulf %get3A_492, %mul3A_493 : vector<16xf32>
        %add3A_495 = arith.addf %add3A_445, %mul3A_494 : vector<16xf32>
        %max3A_496 = arith.maximumf %max3A_446, %mul3A_494 : vector<16xf32>
        %slice3A_497 = vector.extract_strided_slice %get3A_49 {offsets = [9], sizes = [1], strides = [1]} : vector<16xf32> to vector<1xf32>
        %squeeze3A_498 = vector.extract %slice3A_497[0] : f32 from vector<1xf32>
        %mul3A_499 = arith.constant 16 : i32
        %mul3A_500 = arith.muli %add3A_30, %mul3A_499 : i32
        %add3A_501 = arith.constant 9 : i32
        %add3A_502 = arith.addi %mul3A_500, %add3A_501 : i32
        %get3A_503 = arith.index_cast %add3A_502 : i32 to index
        %get3A_504 = arith.constant 0 : index
        %get3A_505 = tpu.vector_load %arg8[%get3A_503, %get3A_504] {strides = array<i32>} : memref<256x128xf32, #tpu.memory_space<vmem>>, vector<1x16xf32>,
        %get3A_506 = vector.shape_cast %get3A_505 : vector<1x16xf32> to vector<16xf32>
        %mul3A_507 = vector.broadcast %squeeze3A_498 : f32 to vector<16xf32>
        %mul3A_508 = arith.mulf %get3A_506, %mul3A_507 : vector<16xf32>
        %add3A_509 = arith.addf %add3A_459, %mul3A_508 : vector<16xf32>
        %max3A_510 = arith.maximumf %max3A_460, %mul3A_508 : vector<16xf32>
        %mul3A_511 = arith.constant 16 : i32
        %mul3A_512 = arith.muli %add3A_30, %mul3A_511 : i32
        %add3A_513 = arith.constant 9 : i32
        %add3A_514 = arith.addi %mul3A_512, %add3A_513 : i32
        %get3A_515 = arith.index_cast %add3A_514 : i32 to index
        %get3A_516 = arith.constant 16 : index
        %get3A_517 = tpu.vector_load %arg8[%get3A_515, %get3A_516] {strides = array<i32>} : memref<256x128xf32, #tpu.memory_space<vmem>>, vector<1x16xf32>,
        %get3A_518 = vector.shape_cast %get3A_517 : vector<1x16xf32> to vector<16xf32>
        %mul3A_519 = vector.broadcast %squeeze3A_498 : f32 to vector<16xf32>
        %mul3A_520 = arith.mulf %get3A_518, %mul3A_519 : vector<16xf32>
        %add3A_521 = arith.addf %add3A_471, %mul3A_520 : vector<16xf32>
        %max3A_522 = arith.maximumf %max3A_472, %mul3A_520 : vector<16xf32>
        %mul3A_523 = arith.constant 16 : i32
        %mul3A_524 = arith.muli %add3A_30, %mul3A_523 : i32
        %add3A_525 = arith.constant 9 : i32
        %add3A_526 = arith.addi %mul3A_524, %add3A_525 : i32
        %get3A_527 = arith.index_cast %add3A_526 : i32 to index
        %get3A_528 = arith.constant 32 : index
        %get3A_529 = tpu.vector_load %arg8[%get3A_527, %get3A_528] {strides = array<i32>} : memref<256x128xf32, #tpu.memory_space<vmem>>, vector<1x16xf32>,
        %get3A_530 = vector.shape_cast %get3A_529 : vector<1x16xf32> to vector<16xf32>
        %mul3A_531 = vector.broadcast %squeeze3A_498 : f32 to vector<16xf32>
        %mul3A_532 = arith.mulf %get3A_530, %mul3A_531 : vector<16xf32>
        %add3A_533 = arith.addf %add3A_483, %mul3A_532 : vector<16xf32>
        %max3A_534 = arith.maximumf %max3A_484, %mul3A_532 : vector<16xf32>
        %mul3A_535 = arith.constant 16 : i32
        %mul3A_536 = arith.muli %add3A_30, %mul3A_535 : i32
        %add3A_537 = arith.constant 9 : i32
        %add3A_538 = arith.addi %mul3A_536, %add3A_537 : i32
        %get3A_539 = arith.index_cast %add3A_538 : i32 to index
        %get3A_540 = arith.constant 48 : index
        %get3A_541 = tpu.vector_load %arg8[%get3A_539, %get3A_540] {strides = array<i32>} : memref<256x128xf32, #tpu.memory_space<vmem>>, vector<1x16xf32>,
        %get3A_542 = vector.shape_cast %get3A_541 : vector<1x16xf32> to vector<16xf32>
        %mul3A_543 = vector.broadcast %squeeze3A_498 : f32 to vector<16xf32>
        %mul3A_544 = arith.mulf %get3A_542, %mul3A_543 : vector<16xf32>
        %add3A_545 = arith.addf %add3A_495, %mul3A_544 : vector<16xf32>
        %max3A_546 = arith.maximumf %max3A_496, %mul3A_544 : vector<16xf32>
        %slice3A_547 = vector.extract_strided_slice %get3A_49 {offsets = [10], sizes = [1], strides = [1]} : vector<16xf32> to vector<1xf32>
        %squeeze3A_548 = vector.extract %slice3A_547[0] : f32 from vector<1xf32>
        %mul3A_549 = arith.constant 16 : i32
        %mul3A_550 = arith.muli %add3A_30, %mul3A_549 : i32
        %add3A_551 = arith.constant 10 : i32
        %add3A_552 = arith.addi %mul3A_550, %add3A_551 : i32
        %get3A_553 = arith.index_cast %add3A_552 : i32 to index
        %get3A_554 = arith.constant 0 : index
        %get3A_555 = tpu.vector_load %arg8[%get3A_553, %get3A_554] {strides = array<i32>} : memref<256x128xf32, #tpu.memory_space<vmem>>, vector<1x16xf32>,
        %get3A_556 = vector.shape_cast %get3A_555 : vector<1x16xf32> to vector<16xf32>
        %mul3A_557 = vector.broadcast %squeeze3A_548 : f32 to vector<16xf32>
        %mul3A_558 = arith.mulf %get3A_556, %mul3A_557 : vector<16xf32>
        %add3A_559 = arith.addf %add3A_509, %mul3A_558 : vector<16xf32>
        %max3A_560 = arith.maximumf %max3A_510, %mul3A_558 : vector<16xf32>
        %mul3A_561 = arith.constant 16 : i32
        %mul3A_562 = arith.muli %add3A_30, %mul3A_561 : i32
        %add3A_563 = arith.constant 10 : i32
        %add3A_564 = arith.addi %mul3A_562, %add3A_563 : i32
        %get3A_565 = arith.index_cast %add3A_564 : i32 to index
        %get3A_566 = arith.constant 16 : index
        %get3A_567 = tpu.vector_load %arg8[%get3A_565, %get3A_566] {strides = array<i32>} : memref<256x128xf32, #tpu.memory_space<vmem>>, vector<1x16xf32>,
        %get3A_568 = vector.shape_cast %get3A_567 : vector<1x16xf32> to vector<16xf32>
        %mul3A_569 = vector.broadcast %squeeze3A_548 : f32 to vector<16xf32>
        %mul3A_570 = arith.mulf %get3A_568, %mul3A_569 : vector<16xf32>
        %add3A_571 = arith.addf %add3A_521, %mul3A_570 : vector<16xf32>
        %max3A_572 = arith.maximumf %max3A_522, %mul3A_570 : vector<16xf32>
        %mul3A_573 = arith.constant 16 : i32
        %mul3A_574 = arith.muli %add3A_30, %mul3A_573 : i32
        %add3A_575 = arith.constant 10 : i32
        %add3A_576 = arith.addi %mul3A_574, %add3A_575 : i32
        %get3A_577 = arith.index_cast %add3A_576 : i32 to index
        %get3A_578 = arith.constant 32 : index
        %get3A_579 = tpu.vector_load %arg8[%get3A_577, %get3A_578] {strides = array<i32>} : memref<256x128xf32, #tpu.memory_space<vmem>>, vector<1x16xf32>,
        %get3A_580 = vector.shape_cast %get3A_579 : vector<1x16xf32> to vector<16xf32>
        %mul3A_581 = vector.broadcast %squeeze3A_548 : f32 to vector<16xf32>
        %mul3A_582 = arith.mulf %get3A_580, %mul3A_581 : vector<16xf32>
        %add3A_583 = arith.addf %add3A_533, %mul3A_582 : vector<16xf32>
        %max3A_584 = arith.maximumf %max3A_534, %mul3A_582 : vector<16xf32>
        %mul3A_585 = arith.constant 16 : i32
        %mul3A_586 = arith.muli %add3A_30, %mul3A_585 : i32
        %add3A_587 = arith.constant 10 : i32
        %add3A_588 = arith.addi %mul3A_586, %add3A_587 : i32
        %get3A_589 = arith.index_cast %add3A_588 : i32 to index
        %get3A_590 = arith.constant 48 : index
        %get3A_591 = tpu.vector_load %arg8[%get3A_589, %get3A_590] {strides = array<i32>} : memref<256x128xf32, #tpu.memory_space<vmem>>, vector<1x16xf32>,
        %get3A_592 = vector.shape_cast %get3A_591 : vector<1x16xf32> to vector<16xf32>
        %mul3A_593 = vector.broadcast %squeeze3A_548 : f32 to vector<16xf32>
        %mul3A_594 = arith.mulf %get3A_592, %mul3A_593 : vector<16xf32>
        %add3A_595 = arith.addf %add3A_545, %mul3A_594 : vector<16xf32>
        %max3A_596 = arith.maximumf %max3A_546, %mul3A_594 : vector<16xf32>
        %slice3A_597 = vector.extract_strided_slice %get3A_49 {offsets = [11], sizes = [1], strides = [1]} : vector<16xf32> to vector<1xf32>
        %squeeze3A_598 = vector.extract %slice3A_597[0] : f32 from vector<1xf32>
        %mul3A_599 = arith.constant 16 : i32
        %mul3A_600 = arith.muli %add3A_30, %mul3A_599 : i32
        %add3A_601 = arith.constant 11 : i32
        %add3A_602 = arith.addi %mul3A_600, %add3A_601 : i32
        %get3A_603 = arith.index_cast %add3A_602 : i32 to index
        %get3A_604 = arith.constant 0 : index
        %get3A_605 = tpu.vector_load %arg8[%get3A_603, %get3A_604] {strides = array<i32>} : memref<256x128xf32, #tpu.memory_space<vmem>>, vector<1x16xf32>,
        %get3A_606 = vector.shape_cast %get3A_605 : vector<1x16xf32> to vector<16xf32>
        %mul3A_607 = vector.broadcast %squeeze3A_598 : f32 to vector<16xf32>
        %mul3A_608 = arith.mulf %get3A_606, %mul3A_607 : vector<16xf32>
        %add3A_609 = arith.addf %add3A_559, %mul3A_608 : vector<16xf32>
        %max3A_610 = arith.maximumf %max3A_560, %mul3A_608 : vector<16xf32>
        %mul3A_611 = arith.constant 16 : i32
        %mul3A_612 = arith.muli %add3A_30, %mul3A_611 : i32
        %add3A_613 = arith.constant 11 : i32
        %add3A_614 = arith.addi %mul3A_612, %add3A_613 : i32
        %get3A_615 = arith.index_cast %add3A_614 : i32 to index
        %get3A_616 = arith.constant 16 : index
        %get3A_617 = tpu.vector_load %arg8[%get3A_615, %get3A_616] {strides = array<i32>} : memref<256x128xf32, #tpu.memory_space<vmem>>, vector<1x16xf32>,
        %get3A_618 = vector.shape_cast %get3A_617 : vector<1x16xf32> to vector<16xf32>
        %mul3A_619 = vector.broadcast %squeeze3A_598 : f32 to vector<16xf32>
        %mul3A_620 = arith.mulf %get3A_618, %mul3A_619 : vector<16xf32>
        %add3A_621 = arith.addf %add3A_571, %mul3A_620 : vector<16xf32>
        %max3A_622 = arith.maximumf %max3A_572, %mul3A_620 : vector<16xf32>
        %mul3A_623 = arith.constant 16 : i32
        %mul3A_624 = arith.muli %add3A_30, %mul3A_623 : i32
        %add3A_625 = arith.constant 11 : i32
        %add3A_626 = arith.addi %mul3A_624, %add3A_625 : i32
        %get3A_627 = arith.index_cast %add3A_626 : i32 to index
        %get3A_628 = arith.constant 32 : index
        %get3A_629 = tpu.vector_load %arg8[%get3A_627, %get3A_628] {strides = array<i32>} : memref<256x128xf32, #tpu.memory_space<vmem>>, vector<1x16xf32>,
        %get3A_630 = vector.shape_cast %get3A_629 : vector<1x16xf32> to vector<16xf32>
        %mul3A_631 = vector.broadcast %squeeze3A_598 : f32 to vector<16xf32>
        %mul3A_632 = arith.mulf %get3A_630, %mul3A_631 : vector<16xf32>
        %add3A_633 = arith.addf %add3A_583, %mul3A_632 : vector<16xf32>
        %max3A_634 = arith.maximumf %max3A_584, %mul3A_632 : vector<16xf32>
        %mul3A_635 = arith.constant 16 : i32
        %mul3A_636 = arith.muli %add3A_30, %mul3A_635 : i32
        %add3A_637 = arith.constant 11 : i32
        %add3A_638 = arith.addi %mul3A_636, %add3A_637 : i32
        %get3A_639 = arith.index_cast %add3A_638 : i32 to index
        %get3A_640 = arith.constant 48 : index
        %get3A_641 = tpu.vector_load %arg8[%get3A_639, %get3A_640] {strides = array<i32>} : memref<256x128xf32, #tpu.memory_space<vmem>>, vector<1x16xf32>,
        %get3A_642 = vector.shape_cast %get3A_641 : vector<1x16xf32> to vector<16xf32>
        %mul3A_643 = vector.broadcast %squeeze3A_598 : f32 to vector<16xf32>
        %mul3A_644 = arith.mulf %get3A_642, %mul3A_643 : vector<16xf32>
        %add3A_645 = arith.addf %add3A_595, %mul3A_644 : vector<16xf32>
        %max3A_646 = arith.maximumf %max3A_596, %mul3A_644 : vector<16xf32>
        %slice3A_647 = vector.extract_strided_slice %get3A_49 {offsets = [12], sizes = [1], strides = [1]} : vector<16xf32> to vector<1xf32>
        %squeeze3A_648 = vector.extract %slice3A_647[0] : f32 from vector<1xf32>
        %mul3A_649 = arith.constant 16 : i32
        %mul3A_650 = arith.muli %add3A_30, %mul3A_649 : i32
        %add3A_651 = arith.constant 12 : i32
        %add3A_652 = arith.addi %mul3A_650, %add3A_651 : i32
        %get3A_653 = arith.index_cast %add3A_652 : i32 to index
        %get3A_654 = arith.constant 0 : index
        %get3A_655 = tpu.vector_load %arg8[%get3A_653, %get3A_654] {strides = array<i32>} : memref<256x128xf32, #tpu.memory_space<vmem>>, vector<1x16xf32>,
        %get3A_656 = vector.shape_cast %get3A_655 : vector<1x16xf32> to vector<16xf32>
        %mul3A_657 = vector.broadcast %squeeze3A_648 : f32 to vector<16xf32>
        %mul3A_658 = arith.mulf %get3A_656, %mul3A_657 : vector<16xf32>
        %add3A_659 = arith.addf %add3A_609, %mul3A_658 : vector<16xf32>
        %max3A_660 = arith.maximumf %max3A_610, %mul3A_658 : vector<16xf32>
        %mul3A_661 = arith.constant 16 : i32
        %mul3A_662 = arith.muli %add3A_30, %mul3A_661 : i32
        %add3A_663 = arith.constant 12 : i32
        %add3A_664 = arith.addi %mul3A_662, %add3A_663 : i32
        %get3A_665 = arith.index_cast %add3A_664 : i32 to index
        %get3A_666 = arith.constant 16 : index
        %get3A_667 = tpu.vector_load %arg8[%get3A_665, %get3A_666] {strides = array<i32>} : memref<256x128xf32, #tpu.memory_space<vmem>>, vector<1x16xf32>,
        %get3A_668 = vector.shape_cast %get3A_667 : vector<1x16xf32> to vector<16xf32>
        %mul3A_669 = vector.broadcast %squeeze3A_648 : f32 to vector<16xf32>
        %mul3A_670 = arith.mulf %get3A_668, %mul3A_669 : vector<16xf32>
        %add3A_671 = arith.addf %add3A_621, %mul3A_670 : vector<16xf32>
        %max3A_672 = arith.maximumf %max3A_622, %mul3A_670 : vector<16xf32>
        %mul3A_673 = arith.constant 16 : i32
        %mul3A_674 = arith.muli %add3A_30, %mul3A_673 : i32
        %add3A_675 = arith.constant 12 : i32
        %add3A_676 = arith.addi %mul3A_674, %add3A_675 : i32
        %get3A_677 = arith.index_cast %add3A_676 : i32 to index
        %get3A_678 = arith.constant 32 : index
        %get3A_679 = tpu.vector_load %arg8[%get3A_677, %get3A_678] {strides = array<i32>} : memref<256x128xf32, #tpu.memory_space<vmem>>, vector<1x16xf32>,
        %get3A_680 = vector.shape_cast %get3A_679 : vector<1x16xf32> to vector<16xf32>
        %mul3A_681 = vector.broadcast %squeeze3A_648 : f32 to vector<16xf32>
        %mul3A_682 = arith.mulf %get3A_680, %mul3A_681 : vector<16xf32>
        %add3A_683 = arith.addf %add3A_633, %mul3A_682 : vector<16xf32>
        %max3A_684 = arith.maximumf %max3A_634, %mul3A_682 : vector<16xf32>
        %mul3A_685 = arith.constant 16 : i32
        %mul3A_686 = arith.muli %add3A_30, %mul3A_685 : i32
        %add3A_687 = arith.constant 12 : i32
        %add3A_688 = arith.addi %mul3A_686, %add3A_687 : i32
        %get3A_689 = arith.index_cast %add3A_688 : i32 to index
        %get3A_690 = arith.constant 48 : index
        %get3A_691 = tpu.vector_load %arg8[%get3A_689, %get3A_690] {strides = array<i32>} : memref<256x128xf32, #tpu.memory_space<vmem>>, vector<1x16xf32>,
        %get3A_692 = vector.shape_cast %get3A_691 : vector<1x16xf32> to vector<16xf32>
        %mul3A_693 = vector.broadcast %squeeze3A_648 : f32 to vector<16xf32>
        %mul3A_694 = arith.mulf %get3A_692, %mul3A_693 : vector<16xf32>
        %add3A_695 = arith.addf %add3A_645, %mul3A_694 : vector<16xf32>
        %max3A_696 = arith.maximumf %max3A_646, %mul3A_694 : vector<16xf32>
        %slice3A_697 = vector.extract_strided_slice %get3A_49 {offsets = [13], sizes = [1], strides = [1]} : vector<16xf32> to vector<1xf32>
        %squeeze3A_698 = vector.extract %slice3A_697[0] : f32 from vector<1xf32>
        %mul3A_699 = arith.constant 16 : i32
        %mul3A_700 = arith.muli %add3A_30, %mul3A_699 : i32
        %add3A_701 = arith.constant 13 : i32
        %add3A_702 = arith.addi %mul3A_700, %add3A_701 : i32
        %get3A_703 = arith.index_cast %add3A_702 : i32 to index
        %get3A_704 = arith.constant 0 : index
        %get3A_705 = tpu.vector_load %arg8[%get3A_703, %get3A_704] {strides = array<i32>} : memref<256x128xf32, #tpu.memory_space<vmem>>, vector<1x16xf32>,
        %get3A_706 = vector.shape_cast %get3A_705 : vector<1x16xf32> to vector<16xf32>
        %mul3A_707 = vector.broadcast %squeeze3A_698 : f32 to vector<16xf32>
        %mul3A_708 = arith.mulf %get3A_706, %mul3A_707 : vector<16xf32>
        %add3A_709 = arith.addf %add3A_659, %mul3A_708 : vector<16xf32>
        %max3A_710 = arith.maximumf %max3A_660, %mul3A_708 : vector<16xf32>
        %mul3A_711 = arith.constant 16 : i32
        %mul3A_712 = arith.muli %add3A_30, %mul3A_711 : i32
        %add3A_713 = arith.constant 13 : i32
        %add3A_714 = arith.addi %mul3A_712, %add3A_713 : i32
        %get3A_715 = arith.index_cast %add3A_714 : i32 to index
        %get3A_716 = arith.constant 16 : index
        %get3A_717 = tpu.vector_load %arg8[%get3A_715, %get3A_716] {strides = array<i32>} : memref<256x128xf32, #tpu.memory_space<vmem>>, vector<1x16xf32>,
        %get3A_718 = vector.shape_cast %get3A_717 : vector<1x16xf32> to vector<16xf32>
        %mul3A_719 = vector.broadcast %squeeze3A_698 : f32 to vector<16xf32>
        %mul3A_720 = arith.mulf %get3A_718, %mul3A_719 : vector<16xf32>
        %add3A_721 = arith.addf %add3A_671, %mul3A_720 : vector<16xf32>
        %max3A_722 = arith.maximumf %max3A_672, %mul3A_720 : vector<16xf32>
        %mul3A_723 = arith.constant 16 : i32
        %mul3A_724 = arith.muli %add3A_30, %mul3A_723 : i32
        %add3A_725 = arith.constant 13 : i32
        %add3A_726 = arith.addi %mul3A_724, %add3A_725 : i32
        %get3A_727 = arith.index_cast %add3A_726 : i32 to index
        %get3A_728 = arith.constant 32 : index
        %get3A_729 = tpu.vector_load %arg8[%get3A_727, %get3A_728] {strides = array<i32>} : memref<256x128xf32, #tpu.memory_space<vmem>>, vector<1x16xf32>,
        %get3A_730 = vector.shape_cast %get3A_729 : vector<1x16xf32> to vector<16xf32>
        %mul3A_731 = vector.broadcast %squeeze3A_698 : f32 to vector<16xf32>
        %mul3A_732 = arith.mulf %get3A_730, %mul3A_731 : vector<16xf32>
        %add3A_733 = arith.addf %add3A_683, %mul3A_732 : vector<16xf32>
        %max3A_734 = arith.maximumf %max3A_684, %mul3A_732 : vector<16xf32>
        %mul3A_735 = arith.constant 16 : i32
        %mul3A_736 = arith.muli %add3A_30, %mul3A_735 : i32
        %add3A_737 = arith.constant 13 : i32
        %add3A_738 = arith.addi %mul3A_736, %add3A_737 : i32
        %get3A_739 = arith.index_cast %add3A_738 : i32 to index
        %get3A_740 = arith.constant 48 : index
        %get3A_741 = tpu.vector_load %arg8[%get3A_739, %get3A_740] {strides = array<i32>} : memref<256x128xf32, #tpu.memory_space<vmem>>, vector<1x16xf32>,
        %get3A_742 = vector.shape_cast %get3A_741 : vector<1x16xf32> to vector<16xf32>
        %mul3A_743 = vector.broadcast %squeeze3A_698 : f32 to vector<16xf32>
        %mul3A_744 = arith.mulf %get3A_742, %mul3A_743 : vector<16xf32>
        %add3A_745 = arith.addf %add3A_695, %mul3A_744 : vector<16xf32>
        %max3A_746 = arith.maximumf %max3A_696, %mul3A_744 : vector<16xf32>
        %slice3A_747 = vector.extract_strided_slice %get3A_49 {offsets = [14], sizes = [1], strides = [1]} : vector<16xf32> to vector<1xf32>
        %squeeze3A_748 = vector.extract %slice3A_747[0] : f32 from vector<1xf32>
        %mul3A_749 = arith.constant 16 : i32
        %mul3A_750 = arith.muli %add3A_30, %mul3A_749 : i32
        %add3A_751 = arith.constant 14 : i32
        %add3A_752 = arith.addi %mul3A_750, %add3A_751 : i32
        %get3A_753 = arith.index_cast %add3A_752 : i32 to index
        %get3A_754 = arith.constant 0 : index
        %get3A_755 = tpu.vector_load %arg8[%get3A_753, %get3A_754] {strides = array<i32>} : memref<256x128xf32, #tpu.memory_space<vmem>>, vector<1x16xf32>,
        %get3A_756 = vector.shape_cast %get3A_755 : vector<1x16xf32> to vector<16xf32>
        %mul3A_757 = vector.broadcast %squeeze3A_748 : f32 to vector<16xf32>
        %mul3A_758 = arith.mulf %get3A_756, %mul3A_757 : vector<16xf32>
        %add3A_759 = arith.addf %add3A_709, %mul3A_758 : vector<16xf32>
        %max3A_760 = arith.maximumf %max3A_710, %mul3A_758 : vector<16xf32>
        %mul3A_761 = arith.constant 16 : i32
        %mul3A_762 = arith.muli %add3A_30, %mul3A_761 : i32
        %add3A_763 = arith.constant 14 : i32
        %add3A_764 = arith.addi %mul3A_762, %add3A_763 : i32
        %get3A_765 = arith.index_cast %add3A_764 : i32 to index
        %get3A_766 = arith.constant 16 : index
        %get3A_767 = tpu.vector_load %arg8[%get3A_765, %get3A_766] {strides = array<i32>} : memref<256x128xf32, #tpu.memory_space<vmem>>, vector<1x16xf32>,
        %get3A_768 = vector.shape_cast %get3A_767 : vector<1x16xf32> to vector<16xf32>
        %mul3A_769 = vector.broadcast %squeeze3A_748 : f32 to vector<16xf32>
        %mul3A_770 = arith.mulf %get3A_768, %mul3A_769 : vector<16xf32>
        %add3A_771 = arith.addf %add3A_721, %mul3A_770 : vector<16xf32>
        %max3A_772 = arith.maximumf %max3A_722, %mul3A_770 : vector<16xf32>
        %mul3A_773 = arith.constant 16 : i32
        %mul3A_774 = arith.muli %add3A_30, %mul3A_773 : i32
        %add3A_775 = arith.constant 14 : i32
        %add3A_776 = arith.addi %mul3A_774, %add3A_775 : i32
        %get3A_777 = arith.index_cast %add3A_776 : i32 to index
        %get3A_778 = arith.constant 32 : index
        %get3A_779 = tpu.vector_load %arg8[%get3A_777, %get3A_778] {strides = array<i32>} : memref<256x128xf32, #tpu.memory_space<vmem>>, vector<1x16xf32>,
        %get3A_780 = vector.shape_cast %get3A_779 : vector<1x16xf32> to vector<16xf32>
        %mul3A_781 = vector.broadcast %squeeze3A_748 : f32 to vector<16xf32>
        %mul3A_782 = arith.mulf %get3A_780, %mul3A_781 : vector<16xf32>
        %add3A_783 = arith.addf %add3A_733, %mul3A_782 : vector<16xf32>
        %max3A_784 = arith.maximumf %max3A_734, %mul3A_782 : vector<16xf32>
        %mul3A_785 = arith.constant 16 : i32
        %mul3A_786 = arith.muli %add3A_30, %mul3A_785 : i32
        %add3A_787 = arith.constant 14 : i32
        %add3A_788 = arith.addi %mul3A_786, %add3A_787 : i32
        %get3A_789 = arith.index_cast %add3A_788 : i32 to index
        %get3A_790 = arith.constant 48 : index
        %get3A_791 = tpu.vector_load %arg8[%get3A_789, %get3A_790] {strides = array<i32>} : memref<256x128xf32, #tpu.memory_space<vmem>>, vector<1x16xf32>,
        %get3A_792 = vector.shape_cast %get3A_791 : vector<1x16xf32> to vector<16xf32>
        %mul3A_793 = vector.broadcast %squeeze3A_748 : f32 to vector<16xf32>
        %mul3A_794 = arith.mulf %get3A_792, %mul3A_793 : vector<16xf32>
        %add3A_795 = arith.addf %add3A_745, %mul3A_794 : vector<16xf32>
        %max3A_796 = arith.maximumf %max3A_746, %mul3A_794 : vector<16xf32>
        %slice3A_797 = vector.extract_strided_slice %get3A_49 {offsets = [15], sizes = [1], strides = [1]} : vector<16xf32> to vector<1xf32>
        %squeeze3A_798 = vector.extract %slice3A_797[0] : f32 from vector<1xf32>
        %mul3A_799 = arith.constant 16 : i32
        %mul3A_800 = arith.muli %add3A_30, %mul3A_799 : i32
        %add3A_801 = arith.constant 15 : i32
        %add3A_802 = arith.addi %mul3A_800, %add3A_801 : i32
        %get3A_803 = arith.index_cast %add3A_802 : i32 to index
        %get3A_804 = arith.constant 0 : index
        %get3A_805 = tpu.vector_load %arg8[%get3A_803, %get3A_804] {strides = array<i32>} : memref<256x128xf32, #tpu.memory_space<vmem>>, vector<1x16xf32>,
        %get3A_806 = vector.shape_cast %get3A_805 : vector<1x16xf32> to vector<16xf32>
        %mul3A_807 = vector.broadcast %squeeze3A_798 : f32 to vector<16xf32>
        %mul3A_808 = arith.mulf %get3A_806, %mul3A_807 : vector<16xf32>
        %add3A_809 = arith.addf %add3A_759, %mul3A_808 : vector<16xf32>
        %max3A_810 = arith.maximumf %max3A_760, %mul3A_808 : vector<16xf32>
        %mul3A_811 = arith.constant 16 : i32
        %mul3A_812 = arith.muli %add3A_30, %mul3A_811 : i32
        %add3A_813 = arith.constant 15 : i32
        %add3A_814 = arith.addi %mul3A_812, %add3A_813 : i32
        %get3A_815 = arith.index_cast %add3A_814 : i32 to index
        %get3A_816 = arith.constant 16 : index
        %get3A_817 = tpu.vector_load %arg8[%get3A_815, %get3A_816] {strides = array<i32>} : memref<256x128xf32, #tpu.memory_space<vmem>>, vector<1x16xf32>,
        %get3A_818 = vector.shape_cast %get3A_817 : vector<1x16xf32> to vector<16xf32>
        %mul3A_819 = vector.broadcast %squeeze3A_798 : f32 to vector<16xf32>
        %mul3A_820 = arith.mulf %get3A_818, %mul3A_819 : vector<16xf32>
        %add3A_821 = arith.addf %add3A_771, %mul3A_820 : vector<16xf32>
        %max3A_822 = arith.maximumf %max3A_772, %mul3A_820 : vector<16xf32>
        %mul3A_823 = arith.constant 16 : i32
        %mul3A_824 = arith.muli %add3A_30, %mul3A_823 : i32
        %add3A_825 = arith.constant 15 : i32
        %add3A_826 = arith.addi %mul3A_824, %add3A_825 : i32
        %get3A_827 = arith.index_cast %add3A_826 : i32 to index
        %get3A_828 = arith.constant 32 : index
        %get3A_829 = tpu.vector_load %arg8[%get3A_827, %get3A_828] {strides = array<i32>} : memref<256x128xf32, #tpu.memory_space<vmem>>, vector<1x16xf32>,
        %get3A_830 = vector.shape_cast %get3A_829 : vector<1x16xf32> to vector<16xf32>
        %mul3A_831 = vector.broadcast %squeeze3A_798 : f32 to vector<16xf32>
        %mul3A_832 = arith.mulf %get3A_830, %mul3A_831 : vector<16xf32>
        %add3A_833 = arith.addf %add3A_783, %mul3A_832 : vector<16xf32>
        %max3A_834 = arith.maximumf %max3A_784, %mul3A_832 : vector<16xf32>
        %mul3A_835 = arith.constant 16 : i32
        %mul3A_836 = arith.muli %add3A_30, %mul3A_835 : i32
        %add3A_837 = arith.constant 15 : i32
        %add3A_838 = arith.addi %mul3A_836, %add3A_837 : i32
        %get3A_839 = arith.index_cast %add3A_838 : i32 to index
        %get3A_840 = arith.constant 48 : index
        %get3A_841 = tpu.vector_load %arg8[%get3A_839, %get3A_840] {strides = array<i32>} : memref<256x128xf32, #tpu.memory_space<vmem>>, vector<1x16xf32>,
        %get3A_842 = vector.shape_cast %get3A_841 : vector<1x16xf32> to vector<16xf32>
        %mul3A_843 = vector.broadcast %squeeze3A_798 : f32 to vector<16xf32>
        %mul3A_844 = arith.mulf %get3A_842, %mul3A_843 : vector<16xf32>
        %add3A_845 = arith.addf %add3A_795, %mul3A_844 : vector<16xf32>
        %max3A_846 = arith.maximumf %max3A_796, %mul3A_844 : vector<16xf32>
        %mul3A_847 = arith.constant 6.250000e-02 : f32
        %mul3A_848 = vector.broadcast %mul3A_847 : f32 to vector<16xf32>
        %mul3A_849 = arith.mulf %add3A_809, %mul3A_848 : vector<16xf32>
        %swap3A = arith.index_cast %add3A_30 : i32 to index
        %swap3A_850 = arith.constant 0 : index
        %swap3A_851 = tpu.vector_load %arg9[%swap3A, %swap3A_850] {strides = array<i32>} : memref<16x128xf32, #tpu.memory_space<vmem>>, vector<1x16xf32>,
        %swap3A_852 = vector.shape_cast %swap3A_851 : vector<1x16xf32> to vector<16xf32>
        %swap3A_853 = vector.shape_cast %mul3A_849 : vector<16xf32> to vector<1x16xf32>
        tpu.vector_store %arg9[%swap3A, %swap3A_850], %swap3A_853 {strides = array<i32>} : memref<16x128xf32, #tpu.memory_space<vmem>>, vector<1x16xf32>,
        %swap3A_854 = arith.index_cast %add3A_30 : i32 to index
        %swap3A_855 = arith.constant 64 : index
        %swap3A_856 = tpu.vector_load %arg9[%swap3A_854, %swap3A_855] {strides = array<i32>} : memref<16x128xf32, #tpu.memory_space<vmem>>, vector<1x16xf32>,
        %swap3A_857 = vector.shape_cast %swap3A_856 : vector<1x16xf32> to vector<16xf32>
        %swap3A_858 = vector.shape_cast %max3A_810 : vector<16xf32> to vector<1x16xf32>
        tpu.vector_store %arg9[%swap3A_854, %swap3A_855], %swap3A_858 {strides = array<i32>} : memref<16x128xf32, #tpu.memory_space<vmem>>, vector<1x16xf32>,
        %mul3A_859 = arith.constant 6.250000e-02 : f32
        %mul3A_860 = vector.broadcast %mul3A_859 : f32 to vector<16xf32>
        %mul3A_861 = arith.mulf %add3A_821, %mul3A_860 : vector<16xf32>
        %swap3A_862 = arith.index_cast %add3A_30 : i32 to index
        %swap3A_863 = arith.constant 16 : index
        %swap3A_864 = tpu.vector_load %arg9[%swap3A_862, %swap3A_863] {strides = array<i32>} : memref<16x128xf32, #tpu.memory_space<vmem>>, vector<1x16xf32>,
        %swap3A_865 = vector.shape_cast %swap3A_864 : vector<1x16xf32> to vector<16xf32>
        %swap3A_866 = vector.shape_cast %mul3A_861 : vector<16xf32> to vector<1x16xf32>
        tpu.vector_store %arg9[%swap3A_862, %swap3A_863], %swap3A_866 {strides = array<i32>} : memref<16x128xf32, #tpu.memory_space<vmem>>, vector<1x16xf32>,
        %swap3A_867 = arith.index_cast %add3A_30 : i32 to index
        %swap3A_868 = arith.constant 80 : index
        %swap3A_869 = tpu.vector_load %arg9[%swap3A_867, %swap3A_868] {strides = array<i32>} : memref<16x128xf32, #tpu.memory_space<vmem>>, vector<1x16xf32>,
        %swap3A_870 = vector.shape_cast %swap3A_869 : vector<1x16xf32> to vector<16xf32>
        %swap3A_871 = vector.shape_cast %max3A_822 : vector<16xf32> to vector<1x16xf32>
        tpu.vector_store %arg9[%swap3A_867, %swap3A_868], %swap3A_871 {strides = array<i32>} : memref<16x128xf32, #tpu.memory_space<vmem>>, vector<1x16xf32>,
        %mul3A_872 = arith.constant 6.250000e-02 : f32
        %mul3A_873 = vector.broadcast %mul3A_872 : f32 to vector<16xf32>
        %mul3A_874 = arith.mulf %add3A_833, %mul3A_873 : vector<16xf32>
        %swap3A_875 = arith.index_cast %add3A_30 : i32 to index
        %swap3A_876 = arith.constant 32 : index
        %swap3A_877 = tpu.vector_load %arg9[%swap3A_875, %swap3A_876] {strides = array<i32>} : memref<16x128xf32, #tpu.memory_space<vmem>>, vector<1x16xf32>,
        %swap3A_878 = vector.shape_cast %swap3A_877 : vector<1x16xf32> to vector<16xf32>
        %swap3A_879 = vector.shape_cast %mul3A_874 : vector<16xf32> to vector<1x16xf32>
        tpu.vector_store %arg9[%swap3A_875, %swap3A_876], %swap3A_879 {strides = array<i32>} : memref<16x128xf32, #tpu.memory_space<vmem>>, vector<1x16xf32>,
        %swap3A_880 = arith.index_cast %add3A_30 : i32 to index
        %swap3A_881 = arith.constant 96 : index
        %swap3A_882 = tpu.vector_load %arg9[%swap3A_880, %swap3A_881] {strides = array<i32>} : memref<16x128xf32, #tpu.memory_space<vmem>>, vector<1x16xf32>,
        %swap3A_883 = vector.shape_cast %swap3A_882 : vector<1x16xf32> to vector<16xf32>
        %swap3A_884 = vector.shape_cast %max3A_834 : vector<16xf32> to vector<1x16xf32>
        tpu.vector_store %arg9[%swap3A_880, %swap3A_881], %swap3A_884 {strides = array<i32>} : memref<16x128xf32, #tpu.memory_space<vmem>>, vector<1x16xf32>,
        %mul3A_885 = arith.constant 6.250000e-02 : f32
        %mul3A_886 = vector.broadcast %mul3A_885 : f32 to vector<16xf32>
        %mul3A_887 = arith.mulf %add3A_845, %mul3A_886 : vector<16xf32>
        %swap3A_888 = arith.index_cast %add3A_30 : i32 to index
        %swap3A_889 = arith.constant 48 : index
        %swap3A_890 = tpu.vector_load %arg9[%swap3A_888, %swap3A_889] {strides = array<i32>} : memref<16x128xf32, #tpu.memory_space<vmem>>, vector<1x16xf32>,
        %swap3A_891 = vector.shape_cast %swap3A_890 : vector<1x16xf32> to vector<16xf32>
        %swap3A_892 = vector.shape_cast %mul3A_887 : vector<16xf32> to vector<1x16xf32>
        tpu.vector_store %arg9[%swap3A_888, %swap3A_889], %swap3A_892 {strides = array<i32>} : memref<16x128xf32, #tpu.memory_space<vmem>>, vector<1x16xf32>,
        %swap3A_893 = arith.index_cast %add3A_30 : i32 to index
        %swap3A_894 = arith.constant 112 : index
        %swap3A_895 = tpu.vector_load %arg9[%swap3A_893, %swap3A_894] {strides = array<i32>} : memref<16x128xf32, #tpu.memory_space<vmem>>, vector<1x16xf32>,
        %swap3A_896 = vector.shape_cast %swap3A_895 : vector<1x16xf32> to vector<16xf32>
        %swap3A_897 = vector.shape_cast %max3A_846 : vector<16xf32> to vector<1x16xf32>
        tpu.vector_store %arg9[%swap3A_893, %swap3A_894], %swap3A_897 {strides = array<i32>} : memref<16x128xf32, #tpu.memory_space<vmem>>, vector<1x16xf32>,
      }
      %scan3A_25 = arith.constant 16 : i32
      "tpu.region"() ({
        %run_scoped3A = tpu.sem_alloc : memref<!tpu.dma_semaphore, #tpu.memory_space<semaphore_mem>>
        %dma_start3A_26 = arith.constant 0 : i32
        %dma_start3A_27 = tpu.memref_slice %arg5[%add3A_14, %dma_start3A_26] : memref<10240x128xf32, #tpu.memory_space<hbm>> -> memref<16x128xf32, #tpu.memory_space<hbm>>
        %dma_start3A_28 = arith.constant 0 : i32
        %dma_start3A_29 = tpu.memref_slice %arg5[%add3A_14, %dma_start3A_28] : memref<10240x128xf32, #tpu.memory_space<hbm>> -> memref<16x128xf32, #tpu.memory_space<hbm>>
        tpu.enqueue_dma source(%arg9 : memref<16x128xf32, #tpu.memory_space<vmem>>) target(%dma_start3A_29 : memref<16x128xf32, #tpu.memory_space<hbm>>) target_semaphore(%run_scoped3A : memref<!tpu.dma_semaphore, #tpu.memory_space<semaphore_mem>>)
        %dma_wait3A_30 = arith.constant 0 : i32
        %dma_wait3A_31 = tpu.memref_slice %arg5[%add3A_14, %dma_wait3A_30] : memref<10240x128xf32, #tpu.memory_space<hbm>> -> memref<16x128xf32, #tpu.memory_space<hbm>>
        %dma_wait3A_32 = arith.constant 0 : i32
        %dma_wait3A_33 = tpu.memref_slice %arg5[%add3A_14, %dma_wait3A_32] : memref<10240x128xf32, #tpu.memory_space<hbm>> -> memref<16x128xf32, #tpu.memory_space<hbm>>
        tpu.wait_dma2 semaphore(%run_scoped3A : memref<!tpu.dma_semaphore, #tpu.memory_space<semaphore_mem>>) src(%arg9 : memref<16x128xf32, #tpu.memory_space<vmem>>) dst(%dma_wait3A_33 : memref<16x128xf32, #tpu.memory_space<hbm>>)
        tpu.yield
      }) : () -> ()
    }
    %scan3A_4 = arith.constant 20 : i32
    return
  }
}

module attributes {stable_mosaic.version = 14 : i64} {
  func.func @body(%arg0: memref<10240x128xf32, #tpu.memory_space<vmem>>, %arg1: memref<128x8xf32, #tpu.memory_space<vmem>>, %arg2: memref<1x8xf32, #tpu.memory_space<vmem>>, %arg3: memref<128x128xf32, #tpu.memory_space<vmem>>, %arg4: memref<1x128xf32, #tpu.memory_space<vmem>>, %arg5: memref<10240x8xf32, #tpu.memory_space<vmem>>, %arg6: memref<10240x128xf32, #tpu.memory_space<vmem>>) attributes {dimension_semantics = [], scalar_prefetch = 0 : i64, scratch_operands = 0 : i64, tpu.core_type = #tpu.core_type<tc>} {
    %get3A = arith.constant 0 : index
    %get3A_0 = arith.constant 0 : index
    %get3A_1 = vector.load %arg0[%get3A, %get3A_0] : memref<10240x128xf32, #tpu.memory_space<vmem>>, vector<10240x128xf32>
    %get3A_2 = arith.constant 0 : index
    %get3A_3 = arith.constant 0 : index
    %get3A_4 = vector.load %arg1[%get3A_2, %get3A_3] : memref<128x8xf32, #tpu.memory_space<vmem>>, vector<128x8xf32>
    %convert_element_type3A = arith.truncf %get3A_1 : vector<10240x128xf32> to vector<10240x128xbf16>
    %convert_element_type3A_5 = arith.truncf %get3A_4 : vector<128x8xf32> to vector<128x8xbf16>
    %dot_general3A = arith.constant dense<0.000000e+00> : vector<10240x8xf32>
    %dot_general3A_6 = tpu.matmul %convert_element_type3A, %convert_element_type3A_5, %dot_general3A {dimension_numbers = #tpu.dot_dimension_numbers<[1], [0], [0], [1], [0, 0, 1, 1], [], []>, transpose_lhs_hint = false} : vector<10240x128xbf16>, vector<128x8xbf16>, vector<10240x8xf32> -> vector<10240x8xf32>
    %get3A_7 = arith.constant 0 : index
    %get3A_8 = arith.constant 0 : index
    %get3A_9 = vector.load %arg2[%get3A_7, %get3A_8] : memref<1x8xf32, #tpu.memory_space<vmem>>, vector<1x8xf32>
    %add3A = vector.broadcast %get3A_9 : vector<1x8xf32> to vector<10240x8xf32>
    %add3A_10 = arith.addf %dot_general3A_6, %add3A : vector<10240x8xf32>
    %swap3A = arith.constant 0 : index
    %swap3A_11 = arith.constant 0 : index
    %swap3A_12 = vector.load %arg5[%swap3A, %swap3A_11] : memref<10240x8xf32, #tpu.memory_space<vmem>>, vector<10240x8xf32>
    tpu.vector_store %arg5[%swap3A, %swap3A_11], %add3A_10 {strides = array<i32>} : memref<10240x8xf32, #tpu.memory_space<vmem>>, vector<10240x8xf32>,
    %get3A_13 = arith.constant 0 : index
    %get3A_14 = arith.constant 0 : index
    %get3A_15 = vector.load %arg3[%get3A_13, %get3A_14] : memref<128x128xf32, #tpu.memory_space<vmem>>, vector<128x128xf32>
    %convert_element_type3A_16 = arith.truncf %get3A_1 : vector<10240x128xf32> to vector<10240x128xbf16>
    %convert_element_type3A_17 = arith.truncf %get3A_15 : vector<128x128xf32> to vector<128x128xbf16>
    %dot_general3A_18 = arith.constant dense<0.000000e+00> : vector<10240x128xf32>
    %dot_general3A_19 = tpu.matmul %convert_element_type3A_16, %convert_element_type3A_17, %dot_general3A_18 {dimension_numbers = #tpu.dot_dimension_numbers<[1], [0], [0], [1], [0, 0, 1, 1], [], []>, transpose_lhs_hint = false} : vector<10240x128xbf16>, vector<128x128xbf16>, vector<10240x128xf32> -> vector<10240x128xf32>
    %get3A_20 = arith.constant 0 : index
    %get3A_21 = arith.constant 0 : index
    %get3A_22 = vector.load %arg4[%get3A_20, %get3A_21] : memref<1x128xf32, #tpu.memory_space<vmem>>, vector<1x128xf32>
    %add3A_23 = vector.broadcast %get3A_22 : vector<1x128xf32> to vector<10240x128xf32>
    %add3A_24 = arith.addf %dot_general3A_19, %add3A_23 : vector<10240x128xf32>
    %swap3A_25 = arith.constant 0 : index
    %swap3A_26 = arith.constant 0 : index
    %swap3A_27 = vector.load %arg6[%swap3A_25, %swap3A_26] : memref<10240x128xf32, #tpu.memory_space<vmem>>, vector<10240x128xf32>
    tpu.vector_store %arg6[%swap3A_25, %swap3A_26], %add3A_24 {strides = array<i32>} : memref<10240x128xf32, #tpu.memory_space<vmem>>, vector<10240x128xf32>,
    return
  }
}

module attributes {stable_mosaic.version = 14 : i64} {
  func.func @body(%arg0: memref<10240x128xf32, #tpu.memory_space<vmem>>, %arg1: memref<128x128xf32, #tpu.memory_space<vmem>>, %arg2: memref<1x128xf32, #tpu.memory_space<vmem>>, %arg3: memref<128x128xf32, #tpu.memory_space<vmem>>, %arg4: memref<1x128xf32, #tpu.memory_space<vmem>>, %arg5: memref<10240x128xf32, #tpu.memory_space<vmem>>) attributes {dimension_semantics = [], scalar_prefetch = 0 : i64, scratch_operands = 0 : i64, tpu.core_type = #tpu.core_type<tc>} {
    %get3A = arith.constant 0 : index
    %get3A_0 = arith.constant 0 : index
    %get3A_1 = vector.load %arg0[%get3A, %get3A_0] : memref<10240x128xf32, #tpu.memory_space<vmem>>, vector<10240x128xf32>
    %get3A_2 = arith.constant 0 : index
    %get3A_3 = arith.constant 0 : index
    %get3A_4 = vector.load %arg1[%get3A_2, %get3A_3] : memref<128x128xf32, #tpu.memory_space<vmem>>, vector<128x128xf32>
    %convert_element_type3A = arith.truncf %get3A_1 : vector<10240x128xf32> to vector<10240x128xbf16>
    %convert_element_type3A_5 = arith.truncf %get3A_4 : vector<128x128xf32> to vector<128x128xbf16>
    %dot_general3A = arith.constant dense<0.000000e+00> : vector<10240x128xf32>
    %dot_general3A_6 = tpu.matmul %convert_element_type3A, %convert_element_type3A_5, %dot_general3A {dimension_numbers = #tpu.dot_dimension_numbers<[1], [0], [0], [1], [0, 0, 1, 1], [], []>, transpose_lhs_hint = false} : vector<10240x128xbf16>, vector<128x128xbf16>, vector<10240x128xf32> -> vector<10240x128xf32>
    %get3A_7 = arith.constant 0 : index
    %get3A_8 = arith.constant 0 : index
    %get3A_9 = vector.load %arg2[%get3A_7, %get3A_8] : memref<1x128xf32, #tpu.memory_space<vmem>>, vector<1x128xf32>
    %add3A = vector.broadcast %get3A_9 : vector<1x128xf32> to vector<10240x128xf32>
    %add3A_10 = arith.addf %dot_general3A_6, %add3A : vector<10240x128xf32>
    %max3A = arith.constant 0.000000e+00 : f32
    %max3A_11 = vector.broadcast %max3A : f32 to vector<10240x128xf32>
    %max3A_12 = arith.maximumf %add3A_10, %max3A_11 : vector<10240x128xf32>
    %get3A_13 = arith.constant 0 : index
    %get3A_14 = arith.constant 0 : index
    %get3A_15 = vector.load %arg3[%get3A_13, %get3A_14] : memref<128x128xf32, #tpu.memory_space<vmem>>, vector<128x128xf32>
    %convert_element_type3A_16 = arith.truncf %max3A_12 : vector<10240x128xf32> to vector<10240x128xbf16>
    %convert_element_type3A_17 = arith.truncf %get3A_15 : vector<128x128xf32> to vector<128x128xbf16>
    %dot_general3A_18 = arith.constant dense<0.000000e+00> : vector<10240x128xf32>
    %dot_general3A_19 = tpu.matmul %convert_element_type3A_16, %convert_element_type3A_17, %dot_general3A_18 {dimension_numbers = #tpu.dot_dimension_numbers<[1], [0], [0], [1], [0, 0, 1, 1], [], []>, transpose_lhs_hint = false} : vector<10240x128xbf16>, vector<128x128xbf16>, vector<10240x128xf32> -> vector<10240x128xf32>
    %get3A_20 = arith.constant 0 : index
    %get3A_21 = arith.constant 0 : index
    %get3A_22 = vector.load %arg4[%get3A_20, %get3A_21] : memref<1x128xf32, #tpu.memory_space<vmem>>, vector<1x128xf32>
    %add3A_23 = vector.broadcast %get3A_22 : vector<1x128xf32> to vector<10240x128xf32>
    %add3A_24 = arith.addf %dot_general3A_19, %add3A_23 : vector<10240x128xf32>
    %max3A_25 = arith.constant 0.000000e+00 : f32
    %max3A_26 = vector.broadcast %max3A_25 : f32 to vector<10240x128xf32>
    %max3A_27 = arith.maximumf %add3A_24, %max3A_26 : vector<10240x128xf32>
    %swap3A = arith.constant 0 : index
    %swap3A_28 = arith.constant 0 : index
    %swap3A_29 = vector.load %arg5[%swap3A, %swap3A_28] : memref<10240x128xf32, #tpu.memory_space<vmem>>, vector<10240x128xf32>
    tpu.vector_store %arg5[%swap3A, %swap3A_28], %max3A_27 {strides = array<i32>} : memref<10240x128xf32, #tpu.memory_space<vmem>>, vector<10240x128xf32>,
    return
  }
}

module attributes {stable_mosaic.version = 14 : i64} {
  func.func @body(%arg0: i32, %arg1: memref<256x8xf32, #tpu.memory_space<vmem>>, %arg2: memref<256x1xf32, #tpu.memory_space<vmem>>, %arg3: memref<10240x8xf32, #tpu.memory_space<vmem>>, %arg4: memref<8x10240xf32, #tpu.memory_space<vmem>>, %arg5: memref<256x16xi32, #tpu.memory_space<vmem>>, %arg6: memref<256x16xf32, #tpu.memory_space<vmem>>) attributes {dimension_semantics = [#tpu.dimension_semantics<arbitrary>], iteration_bounds = array<i64: 40>, scalar_prefetch = 0 : i64, scratch_operands = 0 : i64, tpu.core_type = #tpu.core_type<tc>, window_params = [{transform_indices = @transform_0, window_bounds = array<i64: 256, 8>}, {transform_indices = @transform_1, window_bounds = array<i64: 256, 1>}, {pipeline_mode = #tpu.pipeline_mode<synchronous>, transform_indices = @transform_2, window_bounds = array<i64: 10240, 8>}, {pipeline_mode = #tpu.pipeline_mode<synchronous>, transform_indices = @transform_3, window_bounds = array<i64: 8, 10240>}, {transform_indices = @transform_4, window_bounds = array<i64: 256, 16>}, {transform_indices = @transform_5, window_bounds = array<i64: 256, 16>}]} {
    %get3A = arith.constant 0 : index
    %get3A_0 = arith.constant 0 : index
    %get3A_1 = vector.load %arg1[%get3A, %get3A_0] : memref<256x8xf32, #tpu.memory_space<vmem>>, vector<256x8xf32>
    %get3A_2 = arith.constant 0 : index
    %get3A_3 = arith.constant 0 : index
    %get3A_4 = vector.load %arg3[%get3A_2, %get3A_3] : memref<10240x8xf32, #tpu.memory_space<vmem>>, vector<10240x8xf32>
    %convert_element_type3A = arith.truncf %get3A_1 : vector<256x8xf32> to vector<256x8xbf16>
    %convert_element_type3A_5 = arith.truncf %get3A_4 : vector<10240x8xf32> to vector<10240x8xbf16>
    %dot_general3A = arith.constant dense<0.000000e+00> : vector<256x10240xf32>
    %dot_general3A_6 = tpu.matmul %convert_element_type3A, %convert_element_type3A_5, %dot_general3A {dimension_numbers = #tpu.dot_dimension_numbers<[1], [1], [0], [0], [0, 0, 1, 0], [], []>, transpose_lhs_hint = false} : vector<256x8xbf16>, vector<10240x8xbf16>, vector<256x10240xf32> -> vector<256x10240xf32>
    %get3A_7 = arith.constant 0 : index
    %get3A_8 = arith.constant 0 : index
    %get3A_9 = vector.load %arg2[%get3A_7, %get3A_8] : memref<256x1xf32, #tpu.memory_space<vmem>>, vector<256x1xf32>
    %get3A_10 = arith.constant 0 : index
    %get3A_11 = arith.constant 0 : index
    %get3A_12 = vector.load %arg4[%get3A_10, %get3A_11] : memref<8x10240xf32, #tpu.memory_space<vmem>>, vector<1x10240xf32>
    %add3A = vector.broadcast %get3A_9 : vector<256x1xf32> to vector<256x10240xf32>
    %add3A_13 = vector.broadcast %get3A_12 : vector<1x10240xf32> to vector<256x10240xf32>
    %add3A_14 = arith.addf %add3A, %add3A_13 : vector<256x10240xf32>
    %mul3A = arith.constant 2.000000e+00 : f32
    %mul3A_15 = vector.broadcast %mul3A : f32 to vector<256x10240xf32>
    %mul3A_16 = arith.mulf %mul3A_15, %dot_general3A_6 : vector<256x10240xf32>
    %sub3A = arith.subf %add3A_14, %mul3A_16 : vector<256x10240xf32>
    %iota3A = tpu.iota {dimensions = array<i32: 1>} : vector<256x10240xi32>
    %iota3A_17 = tpu.iota {dimensions = array<i32: 1>} : vector<256x16xi32>
    %broadcast_in_dim3A = arith.constant 0.000000e+00 : f32
    %broadcast_in_dim3A_18 = vector.broadcast %broadcast_in_dim3A : f32 to vector<256x16xf32>
    %broadcast_in_dim3A_19 = arith.constant 0 : i32
    %broadcast_in_dim3A_20 = vector.broadcast %broadcast_in_dim3A_19 : i32 to vector<256x16xi32>
    %scan3A = arith.constant 0 : i32
    %scan3A_21 = arith.constant 16 : i32
    %scan3A_22 = arith.addi %scan3A, %scan3A_21 : i32
    %scan3A_23 = arith.constant 1 : i32
    %scan3A_24:3 = scf.for %scan3A_31 = %scan3A to %scan3A_22 step %scan3A_23 iter_args(%scan3A_32 = %sub3A, %scan3A_33 = %broadcast_in_dim3A_18, %scan3A_34 = %broadcast_in_dim3A_20) -> (vector<256x10240xf32>, vector<256x16xf32>, vector<256x16xi32>)  : i32 {
      %reduce_min3A = arith.constant dense<0x7F800000> : vector<256xf32>
      %reduce_min3A_35 = vector.multi_reduction <minimumf>, %scan3A_32, %reduce_min3A [1] : vector<256x10240xf32> to vector<256xf32>
      %broadcast_in_dim3A_36 = vector.shape_cast %reduce_min3A_35 : vector<256xf32> to vector<256x1xf32>
      %eq3A = vector.broadcast %broadcast_in_dim3A_36 : vector<256x1xf32> to vector<256x10240xf32>
      %eq3A_37 = arith.cmpf oeq, %scan3A_32, %eq3A : vector<256x10240xf32>
      %jit3A = arith.constant 2147483647 : i32
      %broadcast_in_dim3A_38 = vector.broadcast %jit3A : i32 to vector<256x10240xi32>
      %select_n3A = arith.select %eq3A_37, %iota3A, %broadcast_in_dim3A_38 : vector<256x10240xi1>, vector<256x10240xi32>
      %reduce_min3A_39 = arith.constant dense<2147483647> : vector<256xi32>
      %reduce_min3A_40 = vector.multi_reduction <minsi>, %select_n3A, %reduce_min3A_39 [1] : vector<256x10240xi32> to vector<256xi32>
      %broadcast_in_dim3A_41 = vector.shape_cast %reduce_min3A_40 : vector<256xi32> to vector<256x1xi32>
      %eq3A_42 = vector.broadcast %broadcast_in_dim3A_41 : vector<256x1xi32> to vector<256x10240xi32>
      %eq3A_43 = arith.cmpi eq, %iota3A, %eq3A_42 : vector<256x10240xi32>
      %jit3A_44 = arith.constant 3.000000e+38 : f32
      %broadcast_in_dim3A_45 = vector.broadcast %jit3A_44 : f32 to vector<256x10240xf32>
      %select_n3A_46 = arith.select %eq3A_43, %broadcast_in_dim3A_45, %scan3A_32 : vector<256x10240xi1>, vector<256x10240xf32>
      %eq3A_47 = vector.broadcast %scan3A_31 : i32 to vector<256x16xi32>
      %eq3A_48 = arith.cmpi eq, %iota3A_17, %eq3A_47 : vector<256x16xi32>
      %broadcast_in_dim3A_49 = vector.shape_cast %broadcast_in_dim3A_36 : vector<256x1xf32> to vector<256x1xf32>
      %broadcast_in_dim3A_50 = vector.broadcast %broadcast_in_dim3A_49 : vector<256x1xf32> to vector<256x16xf32>
      %select_n3A_51 = arith.select %eq3A_48, %broadcast_in_dim3A_50, %scan3A_33 : vector<256x16xi1>, vector<256x16xf32>
      %eq3A_52 = vector.broadcast %scan3A_31 : i32 to vector<256x16xi32>
      %eq3A_53 = arith.cmpi eq, %iota3A_17, %eq3A_52 : vector<256x16xi32>
      %broadcast_in_dim3A_54 = vector.shape_cast %broadcast_in_dim3A_41 : vector<256x1xi32> to vector<256x1xi32>
      %broadcast_in_dim3A_55 = vector.broadcast %broadcast_in_dim3A_54 : vector<256x1xi32> to vector<256x16xi32>
      %select_n3A_56 = arith.select %eq3A_53, %broadcast_in_dim3A_55, %scan3A_34 : vector<256x16xi1>, vector<256x16xi32>
      scf.yield %select_n3A_46, %select_n3A_51, %select_n3A_56 : vector<256x10240xf32>, vector<256x16xf32>, vector<256x16xi32>
    }
    %scan3A_25 = arith.constant 16 : i32
    %swap3A = arith.constant 0 : index
    %swap3A_26 = arith.constant 0 : index
    %swap3A_27 = vector.load %arg5[%swap3A, %swap3A_26] : memref<256x16xi32, #tpu.memory_space<vmem>>, vector<256x16xi32>
    tpu.vector_store %arg5[%swap3A, %swap3A_26], %scan3A_24#2 {strides = array<i32>} : memref<256x16xi32, #tpu.memory_space<vmem>>, vector<256x16xi32>,
    %swap3A_28 = arith.constant 0 : index
    %swap3A_29 = arith.constant 0 : index
    %swap3A_30 = vector.load %arg6[%swap3A_28, %swap3A_29] : memref<256x16xf32, #tpu.memory_space<vmem>>, vector<256x16xf32>
    tpu.vector_store %arg6[%swap3A_28, %swap3A_29], %scan3A_24#1 {strides = array<i32>} : memref<256x16xf32, #tpu.memory_space<vmem>>, vector<256x16xf32>,
    return
  }
  func.func @transform_0(%arg0: i32) -> (i32, i32) {
    %c0_i32 = arith.constant 0 : i32
    %c0_i32_0 = arith.constant 0 : i32
    return %arg0, %c0_i32 : i32, i32
  }
  func.func @transform_1(%arg0: i32) -> (i32, i32) {
    %c0_i32 = arith.constant 0 : i32
    %c0_i32_0 = arith.constant 0 : i32
    return %arg0, %c0_i32 : i32, i32
  }
  func.func @transform_2(%arg0: i32) -> (i32, i32) {
    %c0_i32 = arith.constant 0 : i32
    %c0_i32_0 = arith.constant 0 : i32
    %c0_i32_1 = arith.constant 0 : i32
    return %c0_i32, %c0_i32_0 : i32, i32
  }
  func.func @transform_3(%arg0: i32) -> (i32, i32) {
    %c0_i32 = arith.constant 0 : i32
    %c0_i32_0 = arith.constant 0 : i32
    %c0_i32_1 = arith.constant 0 : i32
    return %c0_i32, %c0_i32_0 : i32, i32
  }
  func.func @transform_4(%arg0: i32) -> (i32, i32) {
    %c0_i32 = arith.constant 0 : i32
    %c0_i32_0 = arith.constant 0 : i32
    return %arg0, %c0_i32 : i32, i32
  }
  func.func @transform_5(%arg0: i32) -> (i32, i32) {
    %c0_i32 = arith.constant 0 : i32
    %c0_i32_0 = arith.constant 0 : i32
    return %arg0, %c0_i32 : i32, i32
  }
}

module attributes {stable_mosaic.version = 14 : i64} {
  func.func @body(%arg0: memref<10240x128xf32, #tpu.memory_space<vmem>>, %arg1: memref<10240x128xf32, #tpu.memory_space<vmem>>, %arg2: memref<128x128xf32, #tpu.memory_space<vmem>>, %arg3: memref<128x128xf32, #tpu.memory_space<vmem>>, %arg4: memref<1x128xf32, #tpu.memory_space<vmem>>, %arg5: memref<10240x128xf32, #tpu.memory_space<vmem>>) attributes {dimension_semantics = [], scalar_prefetch = 0 : i64, scratch_operands = 0 : i64, tpu.core_type = #tpu.core_type<tc>} {
    %get3A = arith.constant 0 : index
    %get3A_0 = arith.constant 0 : index
    %get3A_1 = vector.load %arg0[%get3A, %get3A_0] : memref<10240x128xf32, #tpu.memory_space<vmem>>, vector<10240x128xf32>
    %get3A_2 = arith.constant 0 : index
    %get3A_3 = arith.constant 0 : index
    %get3A_4 = vector.load %arg2[%get3A_2, %get3A_3] : memref<128x128xf32, #tpu.memory_space<vmem>>, vector<128x128xf32>
    %convert_element_type3A = arith.truncf %get3A_1 : vector<10240x128xf32> to vector<10240x128xbf16>
    %convert_element_type3A_5 = arith.truncf %get3A_4 : vector<128x128xf32> to vector<128x128xbf16>
    %dot_general3A = arith.constant dense<0.000000e+00> : vector<10240x128xf32>
    %dot_general3A_6 = tpu.matmul %convert_element_type3A, %convert_element_type3A_5, %dot_general3A {dimension_numbers = #tpu.dot_dimension_numbers<[1], [0], [0], [1], [0, 0, 1, 1], [], []>, transpose_lhs_hint = false} : vector<10240x128xbf16>, vector<128x128xbf16>, vector<10240x128xf32> -> vector<10240x128xf32>
    %get3A_7 = arith.constant 0 : index
    %get3A_8 = arith.constant 0 : index
    %get3A_9 = vector.load %arg1[%get3A_7, %get3A_8] : memref<10240x128xf32, #tpu.memory_space<vmem>>, vector<10240x128xf32>
    %get3A_10 = arith.constant 0 : index
    %get3A_11 = arith.constant 0 : index
    %get3A_12 = vector.load %arg3[%get3A_10, %get3A_11] : memref<128x128xf32, #tpu.memory_space<vmem>>, vector<128x128xf32>
    %convert_element_type3A_13 = arith.truncf %get3A_9 : vector<10240x128xf32> to vector<10240x128xbf16>
    %convert_element_type3A_14 = arith.truncf %get3A_12 : vector<128x128xf32> to vector<128x128xbf16>
    %dot_general3A_15 = arith.constant dense<0.000000e+00> : vector<10240x128xf32>
    %dot_general3A_16 = tpu.matmul %convert_element_type3A_13, %convert_element_type3A_14, %dot_general3A_15 {dimension_numbers = #tpu.dot_dimension_numbers<[1], [0], [0], [1], [0, 0, 1, 1], [], []>, transpose_lhs_hint = false} : vector<10240x128xbf16>, vector<128x128xbf16>, vector<10240x128xf32> -> vector<10240x128xf32>
    %get3A_17 = arith.constant 0 : index
    %get3A_18 = arith.constant 0 : index
    %get3A_19 = vector.load %arg4[%get3A_17, %get3A_18] : memref<1x128xf32, #tpu.memory_space<vmem>>, vector<1x128xf32>
    %add3A = vector.broadcast %get3A_19 : vector<1x128xf32> to vector<10240x128xf32>
    %add3A_20 = arith.addf %dot_general3A_16, %add3A : vector<10240x128xf32>
    %add3A_21 = arith.addf %dot_general3A_6, %add3A_20 : vector<10240x128xf32>
    %swap3A = arith.constant 0 : index
    %swap3A_22 = arith.constant 0 : index
    %swap3A_23 = vector.load %arg5[%swap3A, %swap3A_22] : memref<10240x128xf32, #tpu.memory_space<vmem>>, vector<10240x128xf32>
    tpu.vector_store %arg5[%swap3A, %swap3A_22], %add3A_21 {strides = array<i32>} : memref<10240x128xf32, #tpu.memory_space<vmem>>, vector<10240x128xf32>,
    return
  }
}

module attributes {stable_mosaic.version = 14 : i64} {
  func.func @body(%arg0: memref<10240x128xf32, #tpu.memory_space<vmem>>, %arg1: memref<128x128xf32, #tpu.memory_space<vmem>>, %arg2: memref<1x128xf32, #tpu.memory_space<vmem>>, %arg3: memref<128x128xf32, #tpu.memory_space<vmem>>, %arg4: memref<1x128xf32, #tpu.memory_space<vmem>>, %arg5: memref<10240x128xf32, #tpu.memory_space<vmem>>) attributes {dimension_semantics = [], scalar_prefetch = 0 : i64, scratch_operands = 0 : i64, tpu.core_type = #tpu.core_type<tc>} {
    %get3A = arith.constant 0 : index
    %get3A_0 = arith.constant 0 : index
    %get3A_1 = vector.load %arg0[%get3A, %get3A_0] : memref<10240x128xf32, #tpu.memory_space<vmem>>, vector<10240x128xf32>
    %get3A_2 = arith.constant 0 : index
    %get3A_3 = arith.constant 0 : index
    %get3A_4 = vector.load %arg1[%get3A_2, %get3A_3] : memref<128x128xf32, #tpu.memory_space<vmem>>, vector<128x128xf32>
    %convert_element_type3A = arith.truncf %get3A_1 : vector<10240x128xf32> to vector<10240x128xbf16>
    %convert_element_type3A_5 = arith.truncf %get3A_4 : vector<128x128xf32> to vector<128x128xbf16>
    %dot_general3A = arith.constant dense<0.000000e+00> : vector<10240x128xf32>
    %dot_general3A_6 = tpu.matmul %convert_element_type3A, %convert_element_type3A_5, %dot_general3A {dimension_numbers = #tpu.dot_dimension_numbers<[1], [0], [0], [1], [0, 0, 1, 1], [], []>, transpose_lhs_hint = false} : vector<10240x128xbf16>, vector<128x128xbf16>, vector<10240x128xf32> -> vector<10240x128xf32>
    %get3A_7 = arith.constant 0 : index
    %get3A_8 = arith.constant 0 : index
    %get3A_9 = vector.load %arg2[%get3A_7, %get3A_8] : memref<1x128xf32, #tpu.memory_space<vmem>>, vector<1x128xf32>
    %add3A = vector.broadcast %get3A_9 : vector<1x128xf32> to vector<10240x128xf32>
    %add3A_10 = arith.addf %dot_general3A_6, %add3A : vector<10240x128xf32>
    %max3A = arith.constant 0.000000e+00 : f32
    %max3A_11 = vector.broadcast %max3A : f32 to vector<10240x128xf32>
    %max3A_12 = arith.maximumf %add3A_10, %max3A_11 : vector<10240x128xf32>
    %get3A_13 = arith.constant 0 : index
    %get3A_14 = arith.constant 0 : index
    %get3A_15 = vector.load %arg3[%get3A_13, %get3A_14] : memref<128x128xf32, #tpu.memory_space<vmem>>, vector<128x128xf32>
    %convert_element_type3A_16 = arith.truncf %max3A_12 : vector<10240x128xf32> to vector<10240x128xbf16>
    %convert_element_type3A_17 = arith.truncf %get3A_15 : vector<128x128xf32> to vector<128x128xbf16>
    %dot_general3A_18 = arith.constant dense<0.000000e+00> : vector<10240x128xf32>
    %dot_general3A_19 = tpu.matmul %convert_element_type3A_16, %convert_element_type3A_17, %dot_general3A_18 {dimension_numbers = #tpu.dot_dimension_numbers<[1], [0], [0], [1], [0, 0, 1, 1], [], []>, transpose_lhs_hint = false} : vector<10240x128xbf16>, vector<128x128xbf16>, vector<10240x128xf32> -> vector<10240x128xf32>
    %get3A_20 = arith.constant 0 : index
    %get3A_21 = arith.constant 0 : index
    %get3A_22 = vector.load %arg4[%get3A_20, %get3A_21] : memref<1x128xf32, #tpu.memory_space<vmem>>, vector<1x128xf32>
    %add3A_23 = vector.broadcast %get3A_22 : vector<1x128xf32> to vector<10240x128xf32>
    %add3A_24 = arith.addf %dot_general3A_19, %add3A_23 : vector<10240x128xf32>
    %swap3A = arith.constant 0 : index
    %swap3A_25 = arith.constant 0 : index
    %swap3A_26 = vector.load %arg5[%swap3A, %swap3A_25] : memref<10240x128xf32, #tpu.memory_space<vmem>>, vector<10240x128xf32>
    tpu.vector_store %arg5[%swap3A, %swap3A_25], %add3A_24 {strides = array<i32>} : memref<10240x128xf32, #tpu.memory_space<vmem>>, vector<10240x128xf32>,
    return
  }
}

</mosaic_0001>

<sc_bundles>
// kernel: kernel.20.cloned.1.call-start
scs
__scs_entry_jumppad:
0x0: {  	(pc) =	sbr.rel $0x88, $3  }
0x1: {  	(tag) =	ssettag $0x0;
	lr =	simm.s32 $0x1  }
0x2: {  	[smem:$0x3F7C] =	sst lr;
	_ =	strace $0xD0000000  }
0x3: {  	_ = 	snop  }
0x4: {  	_ = 	snop  }
0x5: {  	_ = 	snop  }
0x6: {  	_ = 	snop  }
0x7: {  	_ = 	snop  }
__scs_overlays_trampoline_lowered:
0x8: {  	[smem:$0x3F8B] =	sst s0  }
0x9: {  	[smem:$0x3F8C] =	sst s1  }
0xa: {  	[smem:$0x3F8D] =	sst s2  }
0xb: {  	[smem:$0x3F8E] =	sst s3  }
0xc: {  	[smem:$0x3F8F] =	sst s4  }
0xd: {  	[smem:$0x3F90] =	sst s5  }
0xe: {  	[smem:$0x3F91] =	sst s6  }
0xf: {  	[smem:$0x3F92] =	sst s7  }
0x10: {  	[smem:$0x3F93] =	sst s8  }
0x11: {  	[smem:$0x3F94] =	sst s9;
	s0 =	simm.s32 @!p0 $0x0  }
0x12: {  	s1 =	sld [smem:$0x3F7A];
	s0 =	simm.s32 @p0 $0x1  }
0x13: {  	[smem:$0x3F95] =	sst s0;
	s0 =	simm.s32 @!p1 $0x0  }
0x14: {  	s2 =	sld [smem:$0x3F79];
	s0 =	simm.s32 @p1 $0x1  }
0x15: {  	[smem:$0x3F96] =	sst s0;
	s0 =	simm.s32 @!p2 $0x0  }
0x16: {  	s3 =	sld [smem:$0x3FDB];
	s0 =	simm.s32 @p2 $0x1  }
0x17: {  	s4 =	simm.s32 $0x1BF5;
	[smem:$0x3F98] =	sst s0  }
0x18: {  	s0 =	sld [smem:$0x3F7B];
	_ =	swait.ge [sflag:s4], $0x0  }
0x19: {  	s7 =	sld [smem:$0x3F7C]  }
0x1a: {  	s8 =	sadd.s32 $0xFFFFE003, lr  }
0x1b: {  	s9 =	sadd.s32 $0xFFFFFEF7, lr;
	s5 =	simm.s32 $0xFFFFFFFF;
	p2 =	slt.u32 s8, $0xFFFFF086  }
0x1c: {  	p1 =	slt.u32 s9, $0xF7A;
	s5 =	simm.s32 @!p2 $0x0  }
0x1d: {  	s5 =	simm.s32 @p1 $0x1;
	p0 =	seq.s32 s7, s2  }
0x1e: {  	s7 =	smul.u32 @!p0 $0xF7A, s2;
	p2 =	seq.s32 @!p0 s5, $0x0  }
0x1f: {  	s9 =	smul.u32 $0xF7A, s1;
	s8 =	simm.s32 @!p0 $0x1BF5;
	p2 =	por !p2, p0  }
0x20: {  	[sflag:s8] =	ssyncset.s32 @!p0 $0xFFFFF086;
	s6 =	sadd.s32 @!p0 s3, s7;
	s7 =	simm.s32 @!p0 $0x108  }
0x21: {  	s3 =	sadd.s32 s3, s9;
	s6 =	sadd.s32 @!p0 $0x88, s6;
	s7 =	simm.s32 @p2 $0x1082  }
0x22: {  	[simem:s7], [sflag:s8] =	dma.local @!p0 [hbm:s6], $0xF7A  }
0x23: {  	s9 =	sor.u32 $0xD0000000, s2;
	s6 =	simm.s32 $0x108;
	_ =	swait.ge @!p0 [sflag:s8], $0x0  }
0x24: {  	s3 =	sadd.s32 $0x88, s3;
	s6 =	simm.s32 @!p1 $0x1082;
	[sflag:s4] =	ssyncset.s32 $0xFFFFF086  }
0x25: {  	[simem:s6], [sflag:s4] =	dma.local [hbm:s3], $0xF7A  }
0x26: {  	[smem:$0x3F7C] =	sst s1;
	(tag) =	ssettag s2;
	_ =	strace s9  }
0x27: {  	s1 =	sld [smem:$0x3F8C]  }
0x28: {  	s2 =	sld [smem:$0x3F8D]  }
0x29: {  	s4 =	sld [smem:$0x3F8F]  }
0x2a: {  	p0 =	seq.s32 s5, $0x0;
	s5 =	sld [smem:$0x3F90]  }
0x2b: {  	s6 =	sld [smem:$0x3F91]  }
0x2c: {  	s7 =	sld [smem:$0x3F92]  }
0x2d: {  	s3 =	simm.s32 $0x108;
	s8 =	sld [smem:$0x3F93]  }
0x2e: {  	s3 =	simm.s32 @!p0 $0x1082;
	s9 =	sld [smem:$0x3F94]  }
0x2f: {  	lr =	sadd.s32 s0, s3;
	s0 =	sld [smem:$0x3F8B]  }
0x30: {  	s3 =	sld [smem:$0x3F8E]  }
0x31: {  	[smem:$0x3F97] =	sst s10  }
0x32: {  	s10 =	sld [smem:$0x3F95];
	_ =	sdelay $0x3  }
0x33: {  	p0 =	seq.s32 s10, $0x1;
	s10 =	sld [smem:$0x3F97];
	_ =	sdelay $0x3  }
0x34: {  	[smem:$0x3F97] =	sst s10  }
0x35: {  	s10 =	sld [smem:$0x3F96];
	_ =	sdelay $0x3  }
0x36: {  	p1 =	seq.s32 s10, $0x1;
	s10 =	sld [smem:$0x3F97];
	_ =	sdelay $0x3  }
0x37: {  	[smem:$0x3F97] =	sst s10  }
0x38: {  	s10 =	sld [smem:$0x3F98]  }
0x39: {  	_ = 	snop;
	(pc) =	sbr.ind lr, $3  }
0x3a: {  	_ = 	snop  }
0x3b: {  	_ = 	snop  }
0x3c: {  	p2 =	seq.s32 s10, $0x1;
	s10 =	sld [smem:$0x3F97]  }
0x3d: {  	_ =	shalt  }
0x3e: {  	_ =	shalt  }
0x3f: {  	_ =	shalt  }
0x40: {  	_ =	shalt  }
0x41: {  	_ =	shalt  }
0x42: {  	_ =	shalt  }
0x43: {  	_ =	shalt  }
0x44: {  	_ =	shalt  }
0x45: {  	_ =	shalt  }
0x46: {  	_ =	shalt  }
0x47: {  	_ =	shalt  }
0x48: {  	_ =	shalt  }
0x49: {  	_ =	shalt  }
0x4a: {  	_ =	shalt  }
0x4b: {  	_ =	shalt  }
0x4c: {  	_ =	shalt  }
0x4d: {  	_ =	shalt  }
0x4e: {  	_ =	shalt  }
0x4f: {  	_ =	shalt  }
0x50: {  	_ =	shalt  }
0x51: {  	_ =	shalt  }
0x52: {  	_ =	shalt  }
0x53: {  	_ =	shalt  }
0x54: {  	_ =	shalt  }
0x55: {  	_ =	shalt  }
0x56: {  	_ =	shalt  }
0x57: {  	_ =	shalt  }
0x58: {  	_ =	shalt  }
0x59: {  	_ =	shalt  }
0x5a: {  	_ =	shalt  }
0x5b: {  	_ =	shalt  }
0x5c: {  	_ =	shalt  }
0x5d: {  	_ =	shalt  }
0x5e: {  	_ =	shalt  }
0x5f: {  	_ =	shalt  }
0x60: {  	_ =	shalt  }
0x61: {  	_ =	shalt  }
0x62: {  	_ =	shalt  }
0x63: {  	_ =	shalt  }
0x64: {  	_ =	shalt  }
0x65: {  	_ =	shalt  }
0x66: {  	_ =	shalt  }
0x67: {  	_ =	shalt  }
0x68: {  	_ =	shalt  }
0x69: {  	_ =	shalt  }
0x6a: {  	_ =	shalt  }
0x6b: {  	_ =	shalt  }
0x6c: {  	_ =	shalt  }
0x6d: {  	_ =	shalt  }
0x6e: {  	_ =	shalt  }
0x6f: {  	_ =	shalt  }
0x70: {  	_ =	shalt  }
0x71: {  	_ =	shalt  }
0x72: {  	_ =	shalt  }
0x73: {  	_ =	shalt  }
0x74: {  	_ =	shalt  }
0x75: {  	_ =	shalt  }
0x76: {  	_ =	shalt  }
0x77: {  	_ =	shalt  }
0x78: {  	_ =	shalt  }
0x79: {  	_ =	shalt  }
0x7a: {  	_ =	shalt  }
0x7b: {  	_ =	shalt  }
0x7c: {  	_ =	shalt  }
0x7d: {  	_ =	shalt  }
0x7e: {  	_ =	shalt  }
0x7f: {  	_ =	shalt  }
0x80: {  	_ =	shalt  }
0x81: {  	_ =	shalt  }
0x82: {  	_ =	shalt  }
0x83: {  	_ =	shalt  }
0x84: {  	_ =	shalt  }
0x85: {  	_ =	shalt  }
0x86: {  	_ =	shalt  }
0x87: {  	_ =	shalt  }
.Lfunc_end0:
.L_simem_size_0:
called_computation_lowered:
.L_overlay_start_0:
0x88: {  	s2 =	sld [smem:$0x3FD9]  }
0x89: {  	s3 =	sld [smem:$0x3FFE];
	_ =	sdelay $0x1  }
0x8a: {  	s1 =	srdreg.scid  }
0x8b: {  	s0 =	sand.u32 $0x1, s1  }
0x8c: {  	s17 =	sshll.u32 s0, $0xA;
	s2 =	sadd.s32 s3, s2  }
0x8d: {  	s2 =	sadd.s32 s2, s17  }
0x8e: {  	[smem:$0x3FA3] =	sst s2  }
0x8f: {  	_ = 	snop  }
0x90: {  	s2 =	sld [smem:$0x3FD0];
	(tm) =	ssettm $0x1  }
0x91: {  	s18 =	sld [smem:$0x3FFB];
	_ =	sdelay $0x3  }
0x92: {  	_ =	strace s18  }
0x93: {  	s3 =	sld [smem:$0x3FFC];
	_ =	sdelay $0x3  }
0x94: {  	_ =	strace s3  }
0x95: {  	s3 =	sld [smem:$0x3FFD];
	_ =	sdelay $0x3  }
0x96: {  	_ =	strace s3  }
0x97: {  	_ =	strace $0x8FFFFFFF  }
0x98: {  	s19 =	sld [smem:$0x3FDB];
	_ =	sdelay $0x1  }
0x99: {  	s4 =	simm.s32 $_scs_section_size  }
0x9a: {  	s5 =	simm.s32 $_size__tile_overlayer_lowered;
	s6 =	simm.s32 $_tile_overlayer_lowered  }
0x9b: {  	s22 =	simm.s32 $0x1BFF;
	s21 =	sshll.u32 s6, $0x1;
	s3 =	sadd.s32 s4, s19  }
0x9c: {  	s7 =	simm.s32 $0x0;
	s20 =	sshll.u32 s5, $0x1;
	s5 =	sadd.s32 s21, s3  }
0x9d: {  	[timem:s7], [sflag:s22] =	dma.local [hbm:s5], s20  }
0x9e: {  	_ =	swait.ge [sflag:s22], s20  }
0x9f: {  	s4 =	ssub.s32 $0x0, s20;
	[sflag:s22] =	ssyncset.done $0x0  }
0xa0: {  	[sflag:s22] =	ssyncadd.s32 s4;
	_ =	sdelay $0x1  }
0xa1: {  	s23 =	simm.s32 $0x1B8B  }
0xa2: {  	_ =	swait.ge [sflag:s23], $0x1  }
0xa3: {  	[sflag:s23] =	ssyncset.done $0x0  }
0xa4: {  	s25 =	simm.s32 $0x1B8E;
	s24 =	sld [smem:$0x3FFE];
	[sflag:s23] =	ssyncadd.s32 $0xFFFFFFFF  }
0xa5: {  	s26 =	simm.s32 $execute0_lowered;
	[smem:$0x3FD2] =	sst s25  }
0xa6: {  	s5 =	sshll.u32 s26, $0x1;
	_ =	strace $0x80000046;
	[dreg:$0x1] =	wrdreg $0xFFFFFFFF  }
0xa7: {  	s28 =	simm.s32 $_size_execute0_lowered;
	s3 =	sadd.s32 s3, s5;
	[dreg:$0x0] =	wrdreg $0x0  }
0xa8: {  	s5 =	sshll.u32 s28, $0x1;
	[dreg:$0x2] =	wrdreg s3  }
0xa9: {  	[dreg:$0x3] =	wrdreg s5  }
0xaa: {  	[dreg:$0x4] =	wrdreg $0xC0  }
0xab: {  	_ =	task [dreg:s7], $0x5FFFF  }
0xac: {  	[dreg:$0x1] =	wrdreg $0xFFFFFFFF  }
0xad: {  	[dreg:$0x0] =	wrdreg $0x60  }
0xae: {  	[dreg:$0x2] =	wrdreg s24  }
0xaf: {  	[dreg:$0x3] =	wrdreg s2  }
0xb0: {  	[dreg:$0x4] =	wrdreg $0x9  }
0xb1: {  	_ =	task.clear_ibuf [dreg:s7], $0x5FFFF;
	_ =	strace $0x90000046  }
0xb2: {  	s29 =	simm.s32 $0x9;
	_ =	strace $0x80000048  }
0xb3: {  	_ =	swait.ge [sflag:s29], $0x1  }
0xb4: {  	[sflag:s29] =	ssyncadd.s32 $0xFFFFFFFF  }
0xb5: {  	_ =	strace $0x90000048  }
0xb6: {  	_ =	sfence  }
0xb7: {  	s30 =	sld [smem:$0x0];
	_ =	sdelay $0x2  }
0xb8: {  	s31 =	sshll.u32 s1, $0xD;
	s1 =	sshrl.u32 s1, $0x2  }
0xb9: {  	s3 =	sand.u32 $0x4000, s31;
	s1 =	sadd.s32 s1, s30  }
0xba: {  	s0 =	sor.u32 s3, s0;
	s1 =	sshll.u32 s1, $0x11  }
0xbb: {  	s0 =	sor.u32 s1, s0  }
0xbc: {  	s0 =	sadd.s32 $0x8F2B, s0  }
0xbd: {  	[sflag:s0] =	ssyncadd.remote.s32 $0x1  }
0xbe: {  	_ =	sfence.sel $0xFFFF  }
0xbf: {  	[dreg:$0x0] =	wrdreg $0xFFFFFFFF;
	(pc) =	sbr.abs _section_cstart, $3  }
0xc0: {  	[dreg:$0x1] =	wrdreg $0xFFFFFFFF  }
0xc1: {  	_ =	task.clear_ibuf [dreg:s7], $0x2FFFF;
	_ =	strace $0x9FFFFFFF  }
0xc2: {  	(tm) =	ssettm $0x7FFFFFFF  }
0xc3: {  	_ =	shalt  }
tec
execute0_lowered:
.L_overlay_start_1:
0x0: {  	(tag) =	ssettag $0x1  }
0x1: {  	s6 =	rddreg [dreg:$0x0]  }
0x2: {  	s1 =	rddreg [dreg:$0x1]  }
0x3: {  	s0 =	rddreg [dreg:$0x2];
	s2 =	simm.s32 $0x0  }
0x4: {  	s3 =	srdreg.scid;
	s11 =	simm.s32 $0x200;
	s12 =	simm.s32 $0x1  }
0x5: {  	s13 =	simm.s32 $0x8200;
	s14 =	simm.s32 $0x0;
	[smem:$0x7FF] =	sst s2  }
0x6: {  	s7 =	sand.u32 $0x1, s3;
	s3 =	stileid.u32;
	s4 =	sadd.s32 $0x6000, s6  }
0x7: {  	s5 =	sadd.s32 $0x2E000, s6;
	s6 =	sadd.s32 $0x33000, s6;
	s8 =	ssub.s32 $0x2, s7  }
0x8: {  	_ =	strace $0x80000047;
	s10 =	sshll.u32 s3, $0x1;
	s9 =	sshrl.u32 s8, $0x1  }
0x9: {  	s7 =	sor.u32 s7, s10;
	s10 =	simm.s32 $0x100;
	s8 =	ssub.s32 s8, s9  }
0xa: {  	s7 =	smul.u32 $0x140, s7;
	s9 =	simm.s32 $0x2;
	s8 =	smax.u32 s8, $0x1  }
.LBB2_1:
0xb: {  	s15 =	simm.s32 $0x0  }
.LBB2_2:
0xc: {  	s16 =	sshll.u32 s15, $0x4  }
0xd: {  	s16 =	sadd.s32 s7, s16  }
0xe: {  	s18 =	sshll.u32 s16, $0x1  }
0xf: {  	s17 =	simm.s32 $0x0;
	s19 =	sadd.s32 s1, s18  }
0x10: {  	[tilespmem:s17], [sflag:$0x2] =	stream.linear.gather [hbm4b:s19+s17], $0x100, $0x38;
	[tilespmem:$0x8A00] =	vst v63  }
0x11: {  	_ =	swait.ge [sflag:s9], $0x100  }
0x12: {  	[sflag:s9] =	ssyncset.done $0x0  }
0x13: {  	s18 =	sadd.s32 s5, s18;
	[sflag:s9] =	ssyncadd.s32 $0xFFFFFF00  }
0x14: {  	[tilespmem:s10], [sflag:$0x2] =	stream.linear.gather [hbm4b:s18+s17], $0x100, $0x38;
	[tilespmem:$0x8A00] =	vst v63  }
0x15: {  	_ =	swait.ge [sflag:s9], $0x100  }
0x16: {  	[sflag:s9] =	ssyncset.done $0x0  }
0x17: {  	[sflag:s9] =	ssyncadd.s32 $0xFFFFFF00  }
0x18: {  	[tilespmem:s11], [sflag:$0x1] =	stream.indirect.gather [hbm4b:s4+s10], $0x80, s17, s10, $0xb8;
	[tilespmem:$0x8A00] =	vst v63  }
0x19: {  	_ =	swait.ge [sflag:s12], $0x8000  }
0x1a: {  	[sflag:s12] =	ssyncset.done $0x0  }
0x1b: {  	s19 =	simm.s32 $0x600;
	s18 =	simm.s32 $0x8240;
	[sflag:s12] =	ssyncadd.s32 $0xFFFF8000  }
.LBB2_3:
0x1c: {  	v1 =	vld [tilespmem:s19+$0xFFFFFC00]  }
0x1d: {  	v2 =	vld [tilespmem:s19+$0xFFFFFC10]  }
0x1e: {  	v4 =	vld [tilespmem:s19+$0xFFFFFC20]  }
0x1f: {  	v5 =	vld [tilespmem:s19+$0xFFFFFC30]  }
0x20: {  	v6 =	vld [tilespmem:s19+$0xFFFFFC80]  }
0x21: {  	v7 =	vld [tilespmem:s19+$0xFFFFFC90]  }
0x22: {  	v9 =	vld [tilespmem:s19+$0xFFFFFCA0]  }
0x23: {  	v11 =	vld [tilespmem:s19+$0xFFFFFCB0]  }
0x24: {  	s20 =	sshra.s32 s17, $0x2;
	v42 =	vld [tilespmem:s19+$0xFFFFFD00]  }
0x25: {  	v0 =	vld [tilespmem:s20+$0x100]  }
0x26: {  	v14 =	vld [tilespmem:s19+$0xFFFFFD10]  }
0x27: {  	v16 =	vld [tilespmem:s19+$0xFFFFFD20]  }
0x28: {  	v18 =	vld [tilespmem:s19+$0xFFFFFD30]  }
0x29: {  	v44 =	vld [tilespmem:s19+$0xFFFFFD80]  }
0x2a: {  	v50 =	vld [tilespmem:s19+$0xFFFFFDA0];
	v3 =	vbroadcast v0, $0x0  }
0x2b: {  	v53 =	vld [tilespmem:s19+$0xFFFFFDB0];
	v10 =	vbroadcast v0, $0x1;
	v17 =	vbroadcast v0, $0x2  }
0x2c: {  	v54 =	vld [tilespmem:s19+$0xFFFFFE00];
	v49 =	vbroadcast v0, $0x3;
	v59 =	vbroadcast v0, $0x4  }
0x2d: {  	v60 =	vld [tilespmem:s19+$0xFFFFFE30];
	v23 =	vbroadcast v0, $0x5;
	v29 =	vbroadcast v0, $0x6  }
0x2e: {  	v62 =	vld [tilespmem:s19+$0xFFFFFE80];
	v40 =	vbroadcast v0, $0x7;
	v1 =	vmul.f32 v3, v1  }
0x2f: {  	v22 =	vld [tilespmem:s19+$0xFFFFFEA0];
	v2 =	vmul.f32 v2, v3;
	v4 =	vmul.f32 v4, v3  }
0x30: {  	v24 =	vld [tilespmem:s19+$0xFFFFFEB0];
	v3 =	vmul.f32 v5, v3;
	v6 =	vmul.f32 v6, v10  }
0x31: {  	v26 =	vld [tilespmem:s19+$0xFFFFFF00];
	v7 =	vmul.f32 v7, v10;
	v9 =	vmul.f32 v9, v10  }
0x32: {  	v28 =	vld [tilespmem:s19+$0xFFFFFF10];
	v10 =	vmul.f32 v11, v10;
	v5 =	vmul.f32 v42, v17  }
0x33: {  	v30 =	vld [tilespmem:s19+$0xFFFFFF20];
	v48 =	vmul.f32 v14, v17;
	v51 =	vmul.f32 v16, v17  }
0x34: {  	v33 =	vld [tilespmem:s19+$0xFFFFFF30];
	v52 =	vmul.f32 v18, v17;
	v11 =	vmul.f32 v44, v49  }
0x35: {  	v35 =	vld [tilespmem:s19+$0xFFFFFF80];
	v58 =	vmul.f32 v50, v49;
	v61 =	vmul.f32 v53, v49  }
0x36: {  	v63 =	vmul.f32 v54, v59;
	v25 =	vmul.f32 v60, v59  }
0x37: {  	v27 =	vmul.f32 v62, v23;
	v31 =	vmul.f32 v22, v23  }
0x38: {  	v32 =	vmul.f32 v24, v23;
	v34 =	vmul.f32 v26, v29  }
0x39: {  	v37 =	vmul.f32 v28, v29;
	v39 =	vmul.f32 v30, v29  }
0x3a: {  	v42 =	vmul.f32 v33, v29;
	v44 =	vmul.f32 v35, v40  }
0x3b: {  	v47 =	vld [tilespmem:s19+$0xFFFFFD90];
	v22 =	vbroadcast v0, $0xA;
	v30 =	vbroadcast v0, $0xB  }
0x3c: {  	v56 =	vld [tilespmem:s19+$0xFFFFFE10];
	v8 =	vadd.f32 $0.0e+00, v1;
	v1 =	vmax.f32 v1, $-3.000000010e+38;
	v12 =	vadd.f32 $0.0e+00, v2  }
0x3d: {  	v57 =	vld [tilespmem:s19+$0xFFFFFE20];
	v2 =	vmax.f32 v2, $-3.000000010e+38;
	v13 =	vadd.f32 $0.0e+00, v4;
	v4 =	vmax.f32 v4, $-3.000000010e+38  }
0x3e: {  	v21 =	vld [tilespmem:s19+$0xFFFFFE90];
	v15 =	vadd.f32 $0.0e+00, v3;
	v3 =	vmax.f32 v3, $-3.000000010e+38;
	v1 =	vmax.f32 v1, v6  }
0x3f: {  	v41 =	vld [tilespmem:s19+$0xFFFFFFB0];
	v2 =	vmax.f32 v2, v7;
	v4 =	vmax.f32 v4, v9;
	v8 =	vadd.f32 v6, v8  }
0x40: {  	v3 =	vmax.f32 v3, v10;
	v43 =	vadd.f32 v7, v12;
	v45 =	vadd.f32 v9, v13  }
0x41: {  	v29 =	vld [tilespmem:s19+$0x1B0];
	v46 =	vadd.f32 v10, v15;
	v1 =	vmax.f32 v1, v5;
	v2 =	vmax.f32 v2, v48  }
0x42: {  	v4 =	vmax.f32 v4, v51;
	v10 =	vmul.f32 v47, v49;
	v9 =	vmul.f32 v56, v59  }
0x43: {  	v3 =	vmax.f32 v3, v52;
	v15 =	vmul.f32 v57, v59;
	v12 =	vmul.f32 v21, v23  }
0x44: {  	v36 =	vld [tilespmem:s19+$0xFFFFFF90];
	v47 =	vbroadcast v0, $0x8;
	v49 =	vmul.f32 v41, v40;
	v1 =	vmax.f32 v1, v11  }
0x45: {  	v38 =	vld [tilespmem:s19+$0xFFFFFFA0];
	v4 =	vmax.f32 v4, v58;
	v3 =	vmax.f32 v3, v61;
	v8 =	vadd.f32 v5, v8  }
0x46: {  	v50 =	vld [tilespmem:s19+$0x80];
	v41 =	vmul.f32 v29, v30;
	v6 =	vadd.f32 v48, v43;
	v7 =	vadd.f32 v51, v45  }
0x47: {  	v56 =	vld [tilespmem:s19+$0xB0];
	v55 =	vadd.f32 v52, v46;
	v2 =	vmax.f32 v2, v10;
	v1 =	vmax.f32 v1, v63  }
0x48: {  	v59 =	vld [tilespmem:s19+$0x100];
	v4 =	vmax.f32 v4, v15;
	v3 =	vmax.f32 v3, v25;
	v2 =	vmax.f32 v2, v9  }
0x49: {  	v23 =	vld [tilespmem:s19+$0x180];
	v1 =	vmax.f32 v1, v27;
	v4 =	vmax.f32 v4, v31;
	v8 =	vadd.f32 v11, v8  }
0x4a: {  	v43 =	vld [tilespmem:s19+$0x0];
	v3 =	vmax.f32 v3, v32;
	v6 =	vadd.f32 v10, v6;
	v7 =	vadd.f32 v58, v7  }
0x4b: {  	v45 =	vld [tilespmem:s19+$0x10];
	v5 =	vadd.f32 v61, v55;
	v2 =	vmax.f32 v2, v12;
	v1 =	vmax.f32 v1, v34  }
0x4c: {  	v46 =	vld [tilespmem:s19+$0x20];
	v4 =	vmax.f32 v4, v39;
	v3 =	vmax.f32 v3, v42;
	v11 =	vmul.f32 v38, v40  }
0x4d: {  	v48 =	vld [tilespmem:s19+$0x30];
	v55 =	vbroadcast v0, $0x9;
	v2 =	vmax.f32 v2, v37;
	v1 =	vmax.f32 v1, v44  }
0x4e: {  	v52 =	vld [tilespmem:s19+$0x90];
	v3 =	vmax.f32 v3, v49;
	v26 =	vmul.f32 v59, v22;
	v33 =	vmul.f32 v23, v30  }
0x4f: {  	v8 =	vadd.f32 v63, v8;
	v6 =	vadd.f32 v9, v6;
	v9 =	vmul.f32 v36, v40  }
0x50: {  	v21 =	vld [tilespmem:s19+$0x130];
	v7 =	vadd.f32 v15, v7;
	v60 =	vmul.f32 v50, v55;
	v24 =	vmul.f32 v56, v55  }
0x51: {  	v19 =	vld [tilespmem:s19+$0x200];
	v5 =	vadd.f32 v25, v5;
	v51 =	vmul.f32 v43, v47;
	v54 =	vmul.f32 v45, v47  }
0x52: {  	v61 =	vld [tilespmem:s19+$0x110];
	v4 =	vmax.f32 v4, v11;
	v57 =	vmul.f32 v46, v47;
	v58 =	vmul.f32 v48, v47  }
0x53: {  	v38 =	vld [tilespmem:s19+$0x280];
	v63 =	vmul.f32 v52, v55;
	v8 =	vadd.f32 v27, v8;
	v6 =	vadd.f32 v12, v6  }
0x54: {  	v20 =	vld [tilespmem:s19+$0x2B0];
	v46 =	vbroadcast v0, $0xD;
	v7 =	vadd.f32 v31, v7;
	v5 =	vadd.f32 v32, v5  }
0x55: {  	v25 =	vld [tilespmem:s19+$0x190];
	v2 =	vmax.f32 v2, v9;
	v31 =	vmul.f32 v21, v22;
	v1 =	vmax.f32 v1, v51  }
0x56: {  	v40 =	vld [tilespmem:s19+$0x290];
	v2 =	vmax.f32 v2, v54;
	v4 =	vmax.f32 v4, v57;
	v3 =	vmax.f32 v3, v58  }
0x57: {  	v53 =	vld [tilespmem:s19+$0xA0];
	v28 =	vmul.f32 v61, v22;
	v8 =	vadd.f32 v34, v8;
	v6 =	vadd.f32 v37, v6  }
0x58: {  	v62 =	vld [tilespmem:s19+$0x120];
	v48 =	vmul.f32 v38, v46;
	v7 =	vadd.f32 v39, v7;
	v5 =	vadd.f32 v42, v5  }
0x59: {  	v43 =	vld [tilespmem:s19+$0x2A0];
	v1 =	vmax.f32 v1, v60;
	v2 =	vmax.f32 v2, v63;
	v3 =	vmax.f32 v3, v24  }
0x5a: {  	v45 =	vld [tilespmem:s19+$0x300];
	v37 =	vbroadcast v0, $0xC;
	v1 =	vmax.f32 v1, v26;
	v2 =	vmax.f32 v2, v28  }
0x5b: {  	v27 =	vld [tilespmem:s19+$0x1A0];
	v35 =	vmul.f32 v25, v30;
	v3 =	vmax.f32 v3, v31;
	v50 =	vmul.f32 v40, v46  }
0x5c: {  	v32 =	vld [tilespmem:s19+$0x210];
	v8 =	vadd.f32 v44, v8;
	v7 =	vadd.f32 v11, v7;
	v11 =	vmul.f32 v53, v55  }
0x5d: {  	v47 =	vld [tilespmem:s19+$0x310];
	v6 =	vadd.f32 v9, v6;
	v9 =	vmul.f32 v62, v22;
	v42 =	vmul.f32 v19, v37  }
0x5e: {  	v52 =	vld [tilespmem:s19+$0x390];
	v5 =	vadd.f32 v49, v5;
	v49 =	vbroadcast v0, $0xE;
	v0 =	vbroadcast v0, $0xF  }
0x5f: {  	v21 =	vld [tilespmem:s19+$0x380];
	v1 =	vmax.f32 v1, v33;
	v17 =	vmul.f32 v43, v46;
	v19 =	vmul.f32 v20, v46  }
0x60: {  	v34 =	vld [tilespmem:s19+$0x220];
	v3 =	vmax.f32 v3, v41;
	v39 =	vmul.f32 v27, v30;
	v2 =	vmax.f32 v2, v35  }
0x61: {  	v44 =	vmul.f32 v32, v37;
	v8 =	vadd.f32 v51, v8;
	v6 =	vadd.f32 v54, v6  }
0x62: {  	v36 =	vld [tilespmem:s19+$0x230];
	v7 =	vadd.f32 v57, v7;
	v5 =	vadd.f32 v58, v5;
	v4 =	vmax.f32 v4, v11  }
0x63: {  	v1 =	vmax.f32 v1, v42;
	v12 =	vmul.f32 v45, v49;
	v55 =	vmul.f32 v47, v49  }
0x64: {  	v53 =	vld [tilespmem:s19+$0x330];
	v56 =	vmul.f32 v21, v0;
	v14 =	vmul.f32 v52, v0;
	v4 =	vmax.f32 v4, v9  }
0x65: {  	v13 =	vmul.f32 v34, v37;
	v2 =	vmax.f32 v2, v44;
	v8 =	vadd.f32 v60, v8  }
0x66: {  	v1 =	vmax.f32 v1, v48;
	v6 =	vadd.f32 v63, v6;
	v7 =	vadd.f32 v11, v7  }
0x67: {  	v5 =	vadd.f32 v24, v5;
	v4 =	vmax.f32 v4, v39;
	v11 =	vmul.f32 v36, v37  }
0x68: {  	v1 =	vmax.f32 v1, v12;
	v2 =	vmax.f32 v2, v50;
	v4 =	vmax.f32 v4, v13  }
0x69: {  	v51 =	vld [tilespmem:s19+$0x320];
	v10 =	vmul.f32 v53, v49;
	v1 =	vmax.f32 v1, v56;
	v8 =	vadd.f32 v26, v8  }
0x6a: {  	v54 =	vld [tilespmem:s19+$0x3A0];
	v2 =	vmax.f32 v2, v55;
	v6 =	vadd.f32 v28, v6;
	v7 =	vadd.f32 v9, v7  }
0x6b: {  	v57 =	vld [tilespmem:s19+$0x3B0];
	v5 =	vadd.f32 v31, v5;
	v4 =	vmax.f32 v4, v17;
	v8 =	vadd.f32 v33, v8  }
0x6c: {  	v59 =	vmax.f32 v2, v14;
	v6 =	vadd.f32 v35, v6;
	v7 =	vadd.f32 v39, v7  }
0x6d: {  	v3 =	vmax.f32 v3, v11;
	v5 =	vadd.f32 v41, v5;
	v8 =	vadd.f32 v42, v8  }
0x6e: {  	v16 =	vmul.f32 v51, v49;
	v6 =	vadd.f32 v44, v6;
	v7 =	vadd.f32 v13, v7  }
0x6f: {  	v58 =	vmul.f32 v54, v0;
	v5 =	vadd.f32 v11, v5;
	v8 =	vadd.f32 v48, v8  }
0x70: {  	v0 =	vmul.f32 v57, v0;
	v6 =	vadd.f32 v50, v6;
	v7 =	vadd.f32 v17, v7  }
0x71: {  	v62 =	vmax.f32 v3, v19;
	v5 =	vadd.f32 v19, v5;
	v8 =	vadd.f32 v12, v8  }
0x72: {  	[tilespmem:s18+$0x0] =	vst v1;
	v1 =	vmax.f32 v62, v10;
	v6 =	vadd.f32 v55, v6;
	v7 =	vadd.f32 v16, v7  }
0x73: {  	v4 =	vmax.f32 v4, v16;
	v5 =	vadd.f32 v10, v5;
	v8 =	vadd.f32 v56, v8  }
0x74: {  	[tilespmem:s18+$0x10] =	vst v59;
	v63 =	vmax.f32 v4, v58;
	v6 =	vadd.f32 v14, v6;
	v7 =	vadd.f32 v58, v7  }
0x75: {  	p0 =	sne.s32 s17, $0x3C0;
	[tilespmem:s18+$0x20] =	vst v63;
	v60 =	vadd.f32 v0, v5;
	v0 =	vmax.f32 v1, v0;
	v8 =	vmul.f32 $6.250000000e-02, v8  }
.Ltmp0:
0x76: {  	[tilespmem:s18+$0x30] =	vst v0;
	v6 =	vmul.f32 $6.250000000e-02, v6;
	(pc) =	sbr.rel @p0 .LBB2_3-.Ltmp0, $4  }
0x77: {  	v61 =	vmul.f32 $6.250000000e-02, v7;
	[tilespmem:s18+$0xFFFFFFC0] =	vst v8  }
0x78: {  	v2 =	vmul.f32 $6.250000000e-02, v60;
	[tilespmem:s18+$0xFFFFFFD0] =	vst v6  }
0x79: {  	[tilespmem:s18+$0xFFFFFFE0] =	vst v61  }
0x7a: {  	s17 =	sadd.s32 $0x40, s17;
	s19 =	sadd.s32 $0x800, s19;
	[tilespmem:s18+$0xFFFFFFF0] =	vst v2;
	s18 =	sadd.s32 $0x80, s18  }
0x7b: {  	s15 =	sadd.s32 $0x1, s15  }
0x7c: {  	s16 =	sshll.u32 s16, $0x4;
	p0 =	sne.s32 s15, $0x14  }
.Ltmp1:
0x7d: {  	s16 =	sadd.s32 s6, s16;
	(pc) =	sbr.rel @p0 .LBB2_2-.Ltmp1, $4  }
0x7e: {  	[hbm4b:s16+s2] =	stream.linear.scatter [tilespmem:s13], [sflag:$0x2], $0x800, $0x38;
	[tilespmem:$0x8A00] =	vst v63  }
0x7f: {  	_ =	swait.ge [sflag:s9], $0x800  }
0x80: {  	[sflag:s9] =	ssyncset.done $0x0  }
0x81: {  	[sflag:s9] =	ssyncadd.s32 $0xFFFFF800  }
0x82: {  	s14 =	sadd.s32 $0x1, s14  }
0x83: {  	p0 =	sne.s32 s14, s8  }
.Ltmp2:
0x84: {  	_ = 	snop;
	(pc) =	sbr.rel @p0 .LBB2_1-.Ltmp2, $1  }
0x85: {  	_ =	sdelay $0x3  }
0x86: {  	_ =	sfence.sel $0x180000  }
0x87: {  	[bflag:$0x0] =	sbarrier.arrive $0xFFFF  }
0x88: {  	p0 =	sne.s32 s3, $0x0;
	_ =	strace $0x90000047  }
0x89: {  	s0 =	sadd.s32 @!p0 $0x100000, s0;
	[bflag:$0x2] =	sbarrier.arrive $0xFFFF  }
0x8a: {  	[sflag:s0] =	ssyncadd.tile.s32 @!p0 $0x1;
	_ =	shalt  }
.Lfunc_end2:
_tile_overlayer_lowered:
.L_overlay_start_2:
0x8b: {  	(tag) =	ssettag $0x2  }
0x8c: {  	s0 =	rddreg [dreg:$0x0];
	s2 =	stileid.u32  }
0x8d: {  	s1 =	rddreg [dreg:$0x1];
	p0 =	sne.s32 s2, $0x0  }
0x8e: {  	s3 =	rddreg [dreg:$0x2];
	[bflag:$0x3] =	sbarrier.arrive $0xFFFF;
	s2 =	simm.s32 @!p0 $0x1C02  }
0x8f: {  	[timem:s3], [sflag:s2] =	dma.local @!p0 [hbm:s0], s1  }
0x90: {  	s0 =	simm.s32 @!p0 $0x2  }
0x91: {  	_ =	swait.ge @!p0 [sflag:s0], s1  }
0x92: {  	s1 =	ssub.s32 @!p0 $0x0, s1;
	[sflag:s0] =	ssyncset.done @!p0 $0x0  }
0x93: {  	[sflag:s0] =	ssyncadd.s32 @!p0 s1  }
0x94: {  	[bflag:$0x3] =	sbarrier.arrive $0xFFFF  }
0x95: {  	_ =	shalt  }

// kernel: kernel.23.cloned.1.call-start
scs
__scs_entry_jumppad:
0x0: {  	(pc) =	sbr.rel $0x88, $3  }
0x1: {  	(tag) =	ssettag $0x0;
	lr =	simm.s32 $0x1  }
0x2: {  	[smem:$0x3F7C] =	sst lr;
	_ =	strace $0xD0000000  }
0x3: {  	_ = 	snop  }
0x4: {  	_ = 	snop  }
0x5: {  	_ = 	snop  }
0x6: {  	_ = 	snop  }
0x7: {  	_ = 	snop  }
__scs_overlays_trampoline_lowered:
0x8: {  	[smem:$0x3F8B] =	sst s0  }
0x9: {  	[smem:$0x3F8C] =	sst s1  }
0xa: {  	[smem:$0x3F8D] =	sst s2  }
0xb: {  	[smem:$0x3F8E] =	sst s3  }
0xc: {  	[smem:$0x3F8F] =	sst s4  }
0xd: {  	[smem:$0x3F90] =	sst s5  }
0xe: {  	[smem:$0x3F91] =	sst s6  }
0xf: {  	[smem:$0x3F92] =	sst s7  }
0x10: {  	[smem:$0x3F93] =	sst s8  }
0x11: {  	[smem:$0x3F94] =	sst s9;
	s0 =	simm.s32 @!p0 $0x0  }
0x12: {  	s1 =	sld [smem:$0x3F7A];
	s0 =	simm.s32 @p0 $0x1  }
0x13: {  	[smem:$0x3F95] =	sst s0;
	s0 =	simm.s32 @!p1 $0x0  }
0x14: {  	s2 =	sld [smem:$0x3F79];
	s0 =	simm.s32 @p1 $0x1  }
0x15: {  	[smem:$0x3F96] =	sst s0;
	s0 =	simm.s32 @!p2 $0x0  }
0x16: {  	s3 =	sld [smem:$0x3FDB];
	s0 =	simm.s32 @p2 $0x1  }
0x17: {  	s4 =	simm.s32 $0x1BF5;
	[smem:$0x3F98] =	sst s0  }
0x18: {  	s0 =	sld [smem:$0x3F7B];
	_ =	swait.ge [sflag:s4], $0x0  }
0x19: {  	s7 =	sld [smem:$0x3F7C]  }
0x1a: {  	s8 =	sadd.s32 $0xFFFFE003, lr  }
0x1b: {  	s9 =	sadd.s32 $0xFFFFFEF7, lr;
	s5 =	simm.s32 $0xFFFFFFFF;
	p2 =	slt.u32 s8, $0xFFFFF086  }
0x1c: {  	p1 =	slt.u32 s9, $0xF7A;
	s5 =	simm.s32 @!p2 $0x0  }
0x1d: {  	s5 =	simm.s32 @p1 $0x1;
	p0 =	seq.s32 s7, s2  }
0x1e: {  	s7 =	smul.u32 @!p0 $0xF7A, s2;
	p2 =	seq.s32 @!p0 s5, $0x0  }
0x1f: {  	s9 =	smul.u32 $0xF7A, s1;
	s8 =	simm.s32 @!p0 $0x1BF5;
	p2 =	por !p2, p0  }
0x20: {  	[sflag:s8] =	ssyncset.s32 @!p0 $0xFFFFF086;
	s6 =	sadd.s32 @!p0 s3, s7;
	s7 =	simm.s32 @!p0 $0x108  }
0x21: {  	s3 =	sadd.s32 s3, s9;
	s6 =	sadd.s32 @!p0 $0x88, s6;
	s7 =	simm.s32 @p2 $0x1082  }
0x22: {  	[simem:s7], [sflag:s8] =	dma.local @!p0 [hbm:s6], $0xF7A  }
0x23: {  	s9 =	sor.u32 $0xD0000000, s2;
	s6 =	simm.s32 $0x108;
	_ =	swait.ge @!p0 [sflag:s8], $0x0  }
0x24: {  	s3 =	sadd.s32 $0x88, s3;
	s6 =	simm.s32 @!p1 $0x1082;
	[sflag:s4] =	ssyncset.s32 $0xFFFFF086  }
0x25: {  	[simem:s6], [sflag:s4] =	dma.local [hbm:s3], $0xF7A  }
0x26: {  	[smem:$0x3F7C] =	sst s1;
	(tag) =	ssettag s2;
	_ =	strace s9  }
0x27: {  	s1 =	sld [smem:$0x3F8C]  }
0x28: {  	s2 =	sld [smem:$0x3F8D]  }
0x29: {  	s4 =	sld [smem:$0x3F8F]  }
0x2a: {  	p0 =	seq.s32 s5, $0x0;
	s5 =	sld [smem:$0x3F90]  }
0x2b: {  	s6 =	sld [smem:$0x3F91]  }
0x2c: {  	s7 =	sld [smem:$0x3F92]  }
0x2d: {  	s3 =	simm.s32 $0x108;
	s8 =	sld [smem:$0x3F93]  }
0x2e: {  	s3 =	simm.s32 @!p0 $0x1082;
	s9 =	sld [smem:$0x3F94]  }
0x2f: {  	lr =	sadd.s32 s0, s3;
	s0 =	sld [smem:$0x3F8B]  }
0x30: {  	s3 =	sld [smem:$0x3F8E]  }
0x31: {  	[smem:$0x3F97] =	sst s10  }
0x32: {  	s10 =	sld [smem:$0x3F95];
	_ =	sdelay $0x3  }
0x33: {  	p0 =	seq.s32 s10, $0x1;
	s10 =	sld [smem:$0x3F97];
	_ =	sdelay $0x3  }
0x34: {  	[smem:$0x3F97] =	sst s10  }
0x35: {  	s10 =	sld [smem:$0x3F96];
	_ =	sdelay $0x3  }
0x36: {  	p1 =	seq.s32 s10, $0x1;
	s10 =	sld [smem:$0x3F97];
	_ =	sdelay $0x3  }
0x37: {  	[smem:$0x3F97] =	sst s10  }
0x38: {  	s10 =	sld [smem:$0x3F98]  }
0x39: {  	_ = 	snop;
	(pc) =	sbr.ind lr, $3  }
0x3a: {  	_ = 	snop  }
0x3b: {  	_ = 	snop  }
0x3c: {  	p2 =	seq.s32 s10, $0x1;
	s10 =	sld [smem:$0x3F97]  }
0x3d: {  	_ =	shalt  }
0x3e: {  	_ =	shalt  }
0x3f: {  	_ =	shalt  }
0x40: {  	_ =	shalt  }
0x41: {  	_ =	shalt  }
0x42: {  	_ =	shalt  }
0x43: {  	_ =	shalt  }
0x44: {  	_ =	shalt  }
0x45: {  	_ =	shalt  }
0x46: {  	_ =	shalt  }
0x47: {  	_ =	shalt  }
0x48: {  	_ =	shalt  }
0x49: {  	_ =	shalt  }
0x4a: {  	_ =	shalt  }
0x4b: {  	_ =	shalt  }
0x4c: {  	_ =	shalt  }
0x4d: {  	_ =	shalt  }
0x4e: {  	_ =	shalt  }
0x4f: {  	_ =	shalt  }
0x50: {  	_ =	shalt  }
0x51: {  	_ =	shalt  }
0x52: {  	_ =	shalt  }
0x53: {  	_ =	shalt  }
0x54: {  	_ =	shalt  }
0x55: {  	_ =	shalt  }
0x56: {  	_ =	shalt  }
0x57: {  	_ =	shalt  }
0x58: {  	_ =	shalt  }
0x59: {  	_ =	shalt  }
0x5a: {  	_ =	shalt  }
0x5b: {  	_ =	shalt  }
0x5c: {  	_ =	shalt  }
0x5d: {  	_ =	shalt  }
0x5e: {  	_ =	shalt  }
0x5f: {  	_ =	shalt  }
0x60: {  	_ =	shalt  }
0x61: {  	_ =	shalt  }
0x62: {  	_ =	shalt  }
0x63: {  	_ =	shalt  }
0x64: {  	_ =	shalt  }
0x65: {  	_ =	shalt  }
0x66: {  	_ =	shalt  }
0x67: {  	_ =	shalt  }
0x68: {  	_ =	shalt  }
0x69: {  	_ =	shalt  }
0x6a: {  	_ =	shalt  }
0x6b: {  	_ =	shalt  }
0x6c: {  	_ =	shalt  }
0x6d: {  	_ =	shalt  }
0x6e: {  	_ =	shalt  }
0x6f: {  	_ =	shalt  }
0x70: {  	_ =	shalt  }
0x71: {  	_ =	shalt  }
0x72: {  	_ =	shalt  }
0x73: {  	_ =	shalt  }
0x74: {  	_ =	shalt  }
0x75: {  	_ =	shalt  }
0x76: {  	_ =	shalt  }
0x77: {  	_ =	shalt  }
0x78: {  	_ =	shalt  }
0x79: {  	_ =	shalt  }
0x7a: {  	_ =	shalt  }
0x7b: {  	_ =	shalt  }
0x7c: {  	_ =	shalt  }
0x7d: {  	_ =	shalt  }
0x7e: {  	_ =	shalt  }
0x7f: {  	_ =	shalt  }
0x80: {  	_ =	shalt  }
0x81: {  	_ =	shalt  }
0x82: {  	_ =	shalt  }
0x83: {  	_ =	shalt  }
0x84: {  	_ =	shalt  }
0x85: {  	_ =	shalt  }
0x86: {  	_ =	shalt  }
0x87: {  	_ =	shalt  }
.Lfunc_end0:
.L_simem_size_0:
called_computation.1_lowered:
.L_overlay_start_0:
0x88: {  	s2 =	sld [smem:$0x3FD9]  }
0x89: {  	s3 =	sld [smem:$0x3FFE];
	_ =	sdelay $0x1  }
0x8a: {  	s1 =	srdreg.scid  }
0x8b: {  	s0 =	sand.u32 $0x1, s1  }
0x8c: {  	s17 =	sshll.u32 s0, $0xA;
	s2 =	sadd.s32 s3, s2  }
0x8d: {  	s2 =	sadd.s32 s2, s17  }
0x8e: {  	[smem:$0x3FA3] =	sst s2  }
0x8f: {  	_ = 	snop  }
0x90: {  	s2 =	sld [smem:$0x3FD0];
	(tm) =	ssettm $0x1  }
0x91: {  	s18 =	sld [smem:$0x3FFB];
	_ =	sdelay $0x3  }
0x92: {  	_ =	strace s18  }
0x93: {  	s3 =	sld [smem:$0x3FFC];
	_ =	sdelay $0x3  }
0x94: {  	_ =	strace s3  }
0x95: {  	s3 =	sld [smem:$0x3FFD];
	_ =	sdelay $0x3  }
0x96: {  	_ =	strace s3  }
0x97: {  	_ =	strace $0x8FFFFFFF  }
0x98: {  	s19 =	sld [smem:$0x3FDB];
	_ =	sdelay $0x1  }
0x99: {  	s4 =	simm.s32 $_scs_section_size  }
0x9a: {  	s5 =	simm.s32 $_size__tile_overlayer_lowered;
	s6 =	simm.s32 $_tile_overlayer_lowered  }
0x9b: {  	s22 =	simm.s32 $0x1BFF;
	s21 =	sshll.u32 s6, $0x1;
	s3 =	sadd.s32 s4, s19  }
0x9c: {  	s7 =	simm.s32 $0x0;
	s20 =	sshll.u32 s5, $0x1;
	s5 =	sadd.s32 s21, s3  }
0x9d: {  	[timem:s7], [sflag:s22] =	dma.local [hbm:s5], s20  }
0x9e: {  	_ =	swait.ge [sflag:s22], s20  }
0x9f: {  	s4 =	ssub.s32 $0x0, s20;
	[sflag:s22] =	ssyncset.done $0x0  }
0xa0: {  	[sflag:s22] =	ssyncadd.s32 s4;
	_ =	sdelay $0x1  }
0xa1: {  	s23 =	simm.s32 $0x1B8B  }
0xa2: {  	_ =	swait.ge [sflag:s23], $0x1  }
0xa3: {  	[sflag:s23] =	ssyncset.done $0x0  }
0xa4: {  	s25 =	simm.s32 $0x1B8E;
	s24 =	sld [smem:$0x3FFE];
	[sflag:s23] =	ssyncadd.s32 $0xFFFFFFFF  }
0xa5: {  	s26 =	simm.s32 $execute0_lowered;
	[smem:$0x3FD2] =	sst s25  }
0xa6: {  	s5 =	sshll.u32 s26, $0x1;
	_ =	strace $0x80000049;
	[dreg:$0x1] =	wrdreg $0xFFFFFFFF  }
0xa7: {  	s28 =	simm.s32 $_size_execute0_lowered;
	s3 =	sadd.s32 s3, s5;
	[dreg:$0x0] =	wrdreg $0x0  }
0xa8: {  	s5 =	sshll.u32 s28, $0x1;
	[dreg:$0x2] =	wrdreg s3  }
0xa9: {  	[dreg:$0x3] =	wrdreg s5  }
0xaa: {  	[dreg:$0x4] =	wrdreg $0xC0  }
0xab: {  	_ =	task [dreg:s7], $0x5FFFF  }
0xac: {  	[dreg:$0x1] =	wrdreg $0xFFFFFFFF  }
0xad: {  	[dreg:$0x0] =	wrdreg $0x60  }
0xae: {  	[dreg:$0x2] =	wrdreg s24  }
0xaf: {  	[dreg:$0x3] =	wrdreg s2  }
0xb0: {  	[dreg:$0x4] =	wrdreg $0x9  }
0xb1: {  	_ =	task.clear_ibuf [dreg:s7], $0x5FFFF;
	_ =	strace $0x90000049  }
0xb2: {  	s29 =	simm.s32 $0x9;
	_ =	strace $0x8000004B  }
0xb3: {  	_ =	swait.ge [sflag:s29], $0x1  }
0xb4: {  	[sflag:s29] =	ssyncadd.s32 $0xFFFFFFFF  }
0xb5: {  	_ =	strace $0x9000004B  }
0xb6: {  	_ =	sfence  }
0xb7: {  	s30 =	sld [smem:$0x0];
	_ =	sdelay $0x2  }
0xb8: {  	s31 =	sshll.u32 s1, $0xD;
	s1 =	sshrl.u32 s1, $0x2  }
0xb9: {  	s3 =	sand.u32 $0x4000, s31;
	s1 =	sadd.s32 s1, s30  }
0xba: {  	s0 =	sor.u32 s3, s0;
	s1 =	sshll.u32 s1, $0x11  }
0xbb: {  	s0 =	sor.u32 s1, s0  }
0xbc: {  	s0 =	sadd.s32 $0x8F2B, s0  }
0xbd: {  	[sflag:s0] =	ssyncadd.remote.s32 $0x1  }
0xbe: {  	_ =	sfence.sel $0xFFFF  }
0xbf: {  	[dreg:$0x0] =	wrdreg $0xFFFFFFFF;
	(pc) =	sbr.abs _section_cstart, $3  }
0xc0: {  	[dreg:$0x1] =	wrdreg $0xFFFFFFFF  }
0xc1: {  	_ =	task.clear_ibuf [dreg:s7], $0x2FFFF;
	_ =	strace $0x9FFFFFFF  }
0xc2: {  	(tm) =	ssettm $0x7FFFFFFF  }
0xc3: {  	_ =	shalt  }
tec
execute0_lowered:
.L_overlay_start_1:
0x0: {  	(tag) =	ssettag $0x1  }
0x1: {  	s6 =	rddreg [dreg:$0x0]  }
0x2: {  	s1 =	rddreg [dreg:$0x1]  }
0x3: {  	s0 =	rddreg [dreg:$0x2];
	s2 =	simm.s32 $0x0  }
0x4: {  	s3 =	srdreg.scid;
	s11 =	simm.s32 $0x200;
	s12 =	simm.s32 $0x1  }
0x5: {  	s13 =	simm.s32 $0x8200;
	s14 =	simm.s32 $0x0;
	[smem:$0x7FF] =	sst s2  }
0x6: {  	s7 =	sand.u32 $0x1, s3;
	s3 =	stileid.u32;
	s4 =	sadd.s32 $0x6000, s6  }
0x7: {  	s5 =	sadd.s32 $0x2E000, s6;
	s6 =	sadd.s32 $0x33000, s6;
	s8 =	ssub.s32 $0x2, s7  }
0x8: {  	_ =	strace $0x8000004A;
	s10 =	sshll.u32 s3, $0x1;
	s9 =	sshrl.u32 s8, $0x1  }
0x9: {  	s7 =	sor.u32 s7, s10;
	s10 =	simm.s32 $0x100;
	s8 =	ssub.s32 s8, s9  }
0xa: {  	s7 =	smul.u32 $0x140, s7;
	s9 =	simm.s32 $0x2;
	s8 =	smax.u32 s8, $0x1  }
.LBB2_1:
0xb: {  	s15 =	simm.s32 $0x0  }
.LBB2_2:
0xc: {  	s16 =	sshll.u32 s15, $0x4  }
0xd: {  	s16 =	sadd.s32 s7, s16  }
0xe: {  	s18 =	sshll.u32 s16, $0x1  }
0xf: {  	s17 =	simm.s32 $0x0;
	s19 =	sadd.s32 s1, s18  }
0x10: {  	[tilespmem:s17], [sflag:$0x2] =	stream.linear.gather [hbm4b:s19+s17], $0x100, $0x38;
	[tilespmem:$0x8A00] =	vst v63  }
0x11: {  	_ =	swait.ge [sflag:s9], $0x100  }
0x12: {  	[sflag:s9] =	ssyncset.done $0x0  }
0x13: {  	s18 =	sadd.s32 s5, s18;
	[sflag:s9] =	ssyncadd.s32 $0xFFFFFF00  }
0x14: {  	[tilespmem:s10], [sflag:$0x2] =	stream.linear.gather [hbm4b:s18+s17], $0x100, $0x38;
	[tilespmem:$0x8A00] =	vst v63  }
0x15: {  	_ =	swait.ge [sflag:s9], $0x100  }
0x16: {  	[sflag:s9] =	ssyncset.done $0x0  }
0x17: {  	[sflag:s9] =	ssyncadd.s32 $0xFFFFFF00  }
0x18: {  	[tilespmem:s11], [sflag:$0x1] =	stream.indirect.gather [hbm4b:s4+s10], $0x80, s17, s10, $0xb8;
	[tilespmem:$0x8A00] =	vst v63  }
0x19: {  	_ =	swait.ge [sflag:s12], $0x8000  }
0x1a: {  	[sflag:s12] =	ssyncset.done $0x0  }
0x1b: {  	s19 =	simm.s32 $0x600;
	s18 =	simm.s32 $0x8240;
	[sflag:s12] =	ssyncadd.s32 $0xFFFF8000  }
.LBB2_3:
0x1c: {  	v1 =	vld [tilespmem:s19+$0xFFFFFC00]  }
0x1d: {  	v2 =	vld [tilespmem:s19+$0xFFFFFC10]  }
0x1e: {  	v4 =	vld [tilespmem:s19+$0xFFFFFC20]  }
0x1f: {  	v5 =	vld [tilespmem:s19+$0xFFFFFC30]  }
0x20: {  	v6 =	vld [tilespmem:s19+$0xFFFFFC80]  }
0x21: {  	v7 =	vld [tilespmem:s19+$0xFFFFFC90]  }
0x22: {  	v9 =	vld [tilespmem:s19+$0xFFFFFCA0]  }
0x23: {  	v11 =	vld [tilespmem:s19+$0xFFFFFCB0]  }
0x24: {  	s20 =	sshra.s32 s17, $0x2;
	v42 =	vld [tilespmem:s19+$0xFFFFFD00]  }
0x25: {  	v0 =	vld [tilespmem:s20+$0x100]  }
0x26: {  	v14 =	vld [tilespmem:s19+$0xFFFFFD10]  }
0x27: {  	v16 =	vld [tilespmem:s19+$0xFFFFFD20]  }
0x28: {  	v18 =	vld [tilespmem:s19+$0xFFFFFD30]  }
0x29: {  	v44 =	vld [tilespmem:s19+$0xFFFFFD80]  }
0x2a: {  	v50 =	vld [tilespmem:s19+$0xFFFFFDA0];
	v3 =	vbroadcast v0, $0x0  }
0x2b: {  	v53 =	vld [tilespmem:s19+$0xFFFFFDB0];
	v10 =	vbroadcast v0, $0x1;
	v17 =	vbroadcast v0, $0x2  }
0x2c: {  	v54 =	vld [tilespmem:s19+$0xFFFFFE00];
	v49 =	vbroadcast v0, $0x3;
	v59 =	vbroadcast v0, $0x4  }
0x2d: {  	v60 =	vld [tilespmem:s19+$0xFFFFFE30];
	v23 =	vbroadcast v0, $0x5;
	v29 =	vbroadcast v0, $0x6  }
0x2e: {  	v62 =	vld [tilespmem:s19+$0xFFFFFE80];
	v40 =	vbroadcast v0, $0x7;
	v1 =	vmul.f32 v3, v1  }
0x2f: {  	v22 =	vld [tilespmem:s19+$0xFFFFFEA0];
	v2 =	vmul.f32 v2, v3;
	v4 =	vmul.f32 v4, v3  }
0x30: {  	v24 =	vld [tilespmem:s19+$0xFFFFFEB0];
	v3 =	vmul.f32 v5, v3;
	v6 =	vmul.f32 v6, v10  }
0x31: {  	v26 =	vld [tilespmem:s19+$0xFFFFFF00];
	v7 =	vmul.f32 v7, v10;
	v9 =	vmul.f32 v9, v10  }
0x32: {  	v28 =	vld [tilespmem:s19+$0xFFFFFF10];
	v10 =	vmul.f32 v11, v10;
	v5 =	vmul.f32 v42, v17  }
0x33: {  	v30 =	vld [tilespmem:s19+$0xFFFFFF20];
	v48 =	vmul.f32 v14, v17;
	v51 =	vmul.f32 v16, v17  }
0x34: {  	v33 =	vld [tilespmem:s19+$0xFFFFFF30];
	v52 =	vmul.f32 v18, v17;
	v11 =	vmul.f32 v44, v49  }
0x35: {  	v35 =	vld [tilespmem:s19+$0xFFFFFF80];
	v58 =	vmul.f32 v50, v49;
	v61 =	vmul.f32 v53, v49  }
0x36: {  	v63 =	vmul.f32 v54, v59;
	v25 =	vmul.f32 v60, v59  }
0x37: {  	v27 =	vmul.f32 v62, v23;
	v31 =	vmul.f32 v22, v23  }
0x38: {  	v32 =	vmul.f32 v24, v23;
	v34 =	vmul.f32 v26, v29  }
0x39: {  	v37 =	vmul.f32 v28, v29;
	v39 =	vmul.f32 v30, v29  }
0x3a: {  	v42 =	vmul.f32 v33, v29;
	v44 =	vmul.f32 v35, v40  }
0x3b: {  	v47 =	vld [tilespmem:s19+$0xFFFFFD90];
	v22 =	vbroadcast v0, $0xA;
	v30 =	vbroadcast v0, $0xB  }
0x3c: {  	v56 =	vld [tilespmem:s19+$0xFFFFFE10];
	v8 =	vadd.f32 $0.0e+00, v1;
	v1 =	vmax.f32 v1, $-3.000000010e+38;
	v12 =	vadd.f32 $0.0e+00, v2  }
0x3d: {  	v57 =	vld [tilespmem:s19+$0xFFFFFE20];
	v2 =	vmax.f32 v2, $-3.000000010e+38;
	v13 =	vadd.f32 $0.0e+00, v4;
	v4 =	vmax.f32 v4, $-3.000000010e+38  }
0x3e: {  	v21 =	vld [tilespmem:s19+$0xFFFFFE90];
	v15 =	vadd.f32 $0.0e+00, v3;
	v3 =	vmax.f32 v3, $-3.000000010e+38;
	v1 =	vmax.f32 v1, v6  }
0x3f: {  	v41 =	vld [tilespmem:s19+$0xFFFFFFB0];
	v2 =	vmax.f32 v2, v7;
	v4 =	vmax.f32 v4, v9;
	v8 =	vadd.f32 v6, v8  }
0x40: {  	v3 =	vmax.f32 v3, v10;
	v43 =	vadd.f32 v7, v12;
	v45 =	vadd.f32 v9, v13  }
0x41: {  	v29 =	vld [tilespmem:s19+$0x1B0];
	v46 =	vadd.f32 v10, v15;
	v1 =	vmax.f32 v1, v5;
	v2 =	vmax.f32 v2, v48  }
0x42: {  	v4 =	vmax.f32 v4, v51;
	v10 =	vmul.f32 v47, v49;
	v9 =	vmul.f32 v56, v59  }
0x43: {  	v3 =	vmax.f32 v3, v52;
	v15 =	vmul.f32 v57, v59;
	v12 =	vmul.f32 v21, v23  }
0x44: {  	v36 =	vld [tilespmem:s19+$0xFFFFFF90];
	v47 =	vbroadcast v0, $0x8;
	v49 =	vmul.f32 v41, v40;
	v1 =	vmax.f32 v1, v11  }
0x45: {  	v38 =	vld [tilespmem:s19+$0xFFFFFFA0];
	v4 =	vmax.f32 v4, v58;
	v3 =	vmax.f32 v3, v61;
	v8 =	vadd.f32 v5, v8  }
0x46: {  	v50 =	vld [tilespmem:s19+$0x80];
	v41 =	vmul.f32 v29, v30;
	v6 =	vadd.f32 v48, v43;
	v7 =	vadd.f32 v51, v45  }
0x47: {  	v56 =	vld [tilespmem:s19+$0xB0];
	v55 =	vadd.f32 v52, v46;
	v2 =	vmax.f32 v2, v10;
	v1 =	vmax.f32 v1, v63  }
0x48: {  	v59 =	vld [tilespmem:s19+$0x100];
	v4 =	vmax.f32 v4, v15;
	v3 =	vmax.f32 v3, v25;
	v2 =	vmax.f32 v2, v9  }
0x49: {  	v23 =	vld [tilespmem:s19+$0x180];
	v1 =	vmax.f32 v1, v27;
	v4 =	vmax.f32 v4, v31;
	v8 =	vadd.f32 v11, v8  }
0x4a: {  	v43 =	vld [tilespmem:s19+$0x0];
	v3 =	vmax.f32 v3, v32;
	v6 =	vadd.f32 v10, v6;
	v7 =	vadd.f32 v58, v7  }
0x4b: {  	v45 =	vld [tilespmem:s19+$0x10];
	v5 =	vadd.f32 v61, v55;
	v2 =	vmax.f32 v2, v12;
	v1 =	vmax.f32 v1, v34  }
0x4c: {  	v46 =	vld [tilespmem:s19+$0x20];
	v4 =	vmax.f32 v4, v39;
	v3 =	vmax.f32 v3, v42;
	v11 =	vmul.f32 v38, v40  }
0x4d: {  	v48 =	vld [tilespmem:s19+$0x30];
	v55 =	vbroadcast v0, $0x9;
	v2 =	vmax.f32 v2, v37;
	v1 =	vmax.f32 v1, v44  }
0x4e: {  	v52 =	vld [tilespmem:s19+$0x90];
	v3 =	vmax.f32 v3, v49;
	v26 =	vmul.f32 v59, v22;
	v33 =	vmul.f32 v23, v30  }
0x4f: {  	v8 =	vadd.f32 v63, v8;
	v6 =	vadd.f32 v9, v6;
	v9 =	vmul.f32 v36, v40  }
0x50: {  	v21 =	vld [tilespmem:s19+$0x130];
	v7 =	vadd.f32 v15, v7;
	v60 =	vmul.f32 v50, v55;
	v24 =	vmul.f32 v56, v55  }
0x51: {  	v19 =	vld [tilespmem:s19+$0x200];
	v5 =	vadd.f32 v25, v5;
	v51 =	vmul.f32 v43, v47;
	v54 =	vmul.f32 v45, v47  }
0x52: {  	v61 =	vld [tilespmem:s19+$0x110];
	v4 =	vmax.f32 v4, v11;
	v57 =	vmul.f32 v46, v47;
	v58 =	vmul.f32 v48, v47  }
0x53: {  	v38 =	vld [tilespmem:s19+$0x280];
	v63 =	vmul.f32 v52, v55;
	v8 =	vadd.f32 v27, v8;
	v6 =	vadd.f32 v12, v6  }
0x54: {  	v20 =	vld [tilespmem:s19+$0x2B0];
	v46 =	vbroadcast v0, $0xD;
	v7 =	vadd.f32 v31, v7;
	v5 =	vadd.f32 v32, v5  }
0x55: {  	v25 =	vld [tilespmem:s19+$0x190];
	v2 =	vmax.f32 v2, v9;
	v31 =	vmul.f32 v21, v22;
	v1 =	vmax.f32 v1, v51  }
0x56: {  	v40 =	vld [tilespmem:s19+$0x290];
	v2 =	vmax.f32 v2, v54;
	v4 =	vmax.f32 v4, v57;
	v3 =	vmax.f32 v3, v58  }
0x57: {  	v53 =	vld [tilespmem:s19+$0xA0];
	v28 =	vmul.f32 v61, v22;
	v8 =	vadd.f32 v34, v8;
	v6 =	vadd.f32 v37, v6  }
0x58: {  	v62 =	vld [tilespmem:s19+$0x120];
	v48 =	vmul.f32 v38, v46;
	v7 =	vadd.f32 v39, v7;
	v5 =	vadd.f32 v42, v5  }
0x59: {  	v43 =	vld [tilespmem:s19+$0x2A0];
	v1 =	vmax.f32 v1, v60;
	v2 =	vmax.f32 v2, v63;
	v3 =	vmax.f32 v3, v24  }
0x5a: {  	v45 =	vld [tilespmem:s19+$0x300];
	v37 =	vbroadcast v0, $0xC;
	v1 =	vmax.f32 v1, v26;
	v2 =	vmax.f32 v2, v28  }
0x5b: {  	v27 =	vld [tilespmem:s19+$0x1A0];
	v35 =	vmul.f32 v25, v30;
	v3 =	vmax.f32 v3, v31;
	v50 =	vmul.f32 v40, v46  }
0x5c: {  	v32 =	vld [tilespmem:s19+$0x210];
	v8 =	vadd.f32 v44, v8;
	v7 =	vadd.f32 v11, v7;
	v11 =	vmul.f32 v53, v55  }
0x5d: {  	v47 =	vld [tilespmem:s19+$0x310];
	v6 =	vadd.f32 v9, v6;
	v9 =	vmul.f32 v62, v22;
	v42 =	vmul.f32 v19, v37  }
0x5e: {  	v52 =	vld [tilespmem:s19+$0x390];
	v5 =	vadd.f32 v49, v5;
	v49 =	vbroadcast v0, $0xE;
	v0 =	vbroadcast v0, $0xF  }
0x5f: {  	v21 =	vld [tilespmem:s19+$0x380];
	v1 =	vmax.f32 v1, v33;
	v17 =	vmul.f32 v43, v46;
	v19 =	vmul.f32 v20, v46  }
0x60: {  	v34 =	vld [tilespmem:s19+$0x220];
	v3 =	vmax.f32 v3, v41;
	v39 =	vmul.f32 v27, v30;
	v2 =	vmax.f32 v2, v35  }
0x61: {  	v44 =	vmul.f32 v32, v37;
	v8 =	vadd.f32 v51, v8;
	v6 =	vadd.f32 v54, v6  }
0x62: {  	v36 =	vld [tilespmem:s19+$0x230];
	v7 =	vadd.f32 v57, v7;
	v5 =	vadd.f32 v58, v5;
	v4 =	vmax.f32 v4, v11  }
0x63: {  	v1 =	vmax.f32 v1, v42;
	v12 =	vmul.f32 v45, v49;
	v55 =	vmul.f32 v47, v49  }
0x64: {  	v53 =	vld [tilespmem:s19+$0x330];
	v56 =	vmul.f32 v21, v0;
	v14 =	vmul.f32 v52, v0;
	v4 =	vmax.f32 v4, v9  }
0x65: {  	v13 =	vmul.f32 v34, v37;
	v2 =	vmax.f32 v2, v44;
	v8 =	vadd.f32 v60, v8  }
0x66: {  	v1 =	vmax.f32 v1, v48;
	v6 =	vadd.f32 v63, v6;
	v7 =	vadd.f32 v11, v7  }
0x67: {  	v5 =	vadd.f32 v24, v5;
	v4 =	vmax.f32 v4, v39;
	v11 =	vmul.f32 v36, v37  }
0x68: {  	v1 =	vmax.f32 v1, v12;
	v2 =	vmax.f32 v2, v50;
	v4 =	vmax.f32 v4, v13  }
0x69: {  	v51 =	vld [tilespmem:s19+$0x320];
	v10 =	vmul.f32 v53, v49;
	v1 =	vmax.f32 v1, v56;
	v8 =	vadd.f32 v26, v8  }
0x6a: {  	v54 =	vld [tilespmem:s19+$0x3A0];
	v2 =	vmax.f32 v2, v55;
	v6 =	vadd.f32 v28, v6;
	v7 =	vadd.f32 v9, v7  }
0x6b: {  	v57 =	vld [tilespmem:s19+$0x3B0];
	v5 =	vadd.f32 v31, v5;
	v4 =	vmax.f32 v4, v17;
	v8 =	vadd.f32 v33, v8  }
0x6c: {  	v59 =	vmax.f32 v2, v14;
	v6 =	vadd.f32 v35, v6;
	v7 =	vadd.f32 v39, v7  }
0x6d: {  	v3 =	vmax.f32 v3, v11;
	v5 =	vadd.f32 v41, v5;
	v8 =	vadd.f32 v42, v8  }
0x6e: {  	v16 =	vmul.f32 v51, v49;
	v6 =	vadd.f32 v44, v6;
	v7 =	vadd.f32 v13, v7  }
0x6f: {  	v58 =	vmul.f32 v54, v0;
	v5 =	vadd.f32 v11, v5;
	v8 =	vadd.f32 v48, v8  }
0x70: {  	v0 =	vmul.f32 v57, v0;
	v6 =	vadd.f32 v50, v6;
	v7 =	vadd.f32 v17, v7  }
0x71: {  	v62 =	vmax.f32 v3, v19;
	v5 =	vadd.f32 v19, v5;
	v8 =	vadd.f32 v12, v8  }
0x72: {  	[tilespmem:s18+$0x0] =	vst v1;
	v1 =	vmax.f32 v62, v10;
	v6 =	vadd.f32 v55, v6;
	v7 =	vadd.f32 v16, v7  }
0x73: {  	v4 =	vmax.f32 v4, v16;
	v5 =	vadd.f32 v10, v5;
	v8 =	vadd.f32 v56, v8  }
0x74: {  	[tilespmem:s18+$0x10] =	vst v59;
	v63 =	vmax.f32 v4, v58;
	v6 =	vadd.f32 v14, v6;
	v7 =	vadd.f32 v58, v7  }
0x75: {  	p0 =	sne.s32 s17, $0x3C0;
	[tilespmem:s18+$0x20] =	vst v63;
	v60 =	vadd.f32 v0, v5;
	v0 =	vmax.f32 v1, v0;
	v8 =	vmul.f32 $6.250000000e-02, v8  }
.Ltmp0:
0x76: {  	[tilespmem:s18+$0x30] =	vst v0;
	v6 =	vmul.f32 $6.250000000e-02, v6;
	(pc) =	sbr.rel @p0 .LBB2_3-.Ltmp0, $4  }
0x77: {  	v61 =	vmul.f32 $6.250000000e-02, v7;
	[tilespmem:s18+$0xFFFFFFC0] =	vst v8  }
0x78: {  	v2 =	vmul.f32 $6.250000000e-02, v60;
	[tilespmem:s18+$0xFFFFFFD0] =	vst v6  }
0x79: {  	[tilespmem:s18+$0xFFFFFFE0] =	vst v61  }
0x7a: {  	s17 =	sadd.s32 $0x40, s17;
	s19 =	sadd.s32 $0x800, s19;
	[tilespmem:s18+$0xFFFFFFF0] =	vst v2;
	s18 =	sadd.s32 $0x80, s18  }
0x7b: {  	s15 =	sadd.s32 $0x1, s15  }
0x7c: {  	s16 =	sshll.u32 s16, $0x4;
	p0 =	sne.s32 s15, $0x14  }
.Ltmp1:
0x7d: {  	s16 =	sadd.s32 s6, s16;
	(pc) =	sbr.rel @p0 .LBB2_2-.Ltmp1, $4  }
0x7e: {  	[hbm4b:s16+s2] =	stream.linear.scatter [tilespmem:s13], [sflag:$0x2], $0x800, $0x38;
	[tilespmem:$0x8A00] =	vst v63  }
0x7f: {  	_ =	swait.ge [sflag:s9], $0x800  }
0x80: {  	[sflag:s9] =	ssyncset.done $0x0  }
0x81: {  	[sflag:s9] =	ssyncadd.s32 $0xFFFFF800  }
0x82: {  	s14 =	sadd.s32 $0x1, s14  }
0x83: {  	p0 =	sne.s32 s14, s8  }
.Ltmp2:
0x84: {  	_ = 	snop;
	(pc) =	sbr.rel @p0 .LBB2_1-.Ltmp2, $1  }
0x85: {  	_ =	sdelay $0x3  }
0x86: {  	_ =	sfence.sel $0x180000  }
0x87: {  	[bflag:$0x0] =	sbarrier.arrive $0xFFFF  }
0x88: {  	p0 =	sne.s32 s3, $0x0;
	_ =	strace $0x9000004A  }
0x89: {  	s0 =	sadd.s32 @!p0 $0x100000, s0;
	[bflag:$0x2] =	sbarrier.arrive $0xFFFF  }
0x8a: {  	[sflag:s0] =	ssyncadd.tile.s32 @!p0 $0x1;
	_ =	shalt  }
.Lfunc_end2:
_tile_overlayer_lowered:
.L_overlay_start_2:
0x8b: {  	(tag) =	ssettag $0x2  }
0x8c: {  	s0 =	rddreg [dreg:$0x0];
	s2 =	stileid.u32  }
0x8d: {  	s1 =	rddreg [dreg:$0x1];
	p0 =	sne.s32 s2, $0x0  }
0x8e: {  	s3 =	rddreg [dreg:$0x2];
	[bflag:$0x3] =	sbarrier.arrive $0xFFFF;
	s2 =	simm.s32 @!p0 $0x1C02  }
0x8f: {  	[timem:s3], [sflag:s2] =	dma.local @!p0 [hbm:s0], s1  }
0x90: {  	s0 =	simm.s32 @!p0 $0x2  }
0x91: {  	_ =	swait.ge @!p0 [sflag:s0], s1  }
0x92: {  	s1 =	ssub.s32 @!p0 $0x0, s1;
	[sflag:s0] =	ssyncset.done @!p0 $0x0  }
0x93: {  	[sflag:s0] =	ssyncadd.s32 @!p0 s1  }
0x94: {  	[bflag:$0x3] =	sbarrier.arrive $0xFFFF  }
0x95: {  	_ =	shalt  }

// kernel: kernel.26.cloned.1.call-start
scs
__scs_entry_jumppad:
0x0: {  	(pc) =	sbr.rel $0x88, $3  }
0x1: {  	(tag) =	ssettag $0x0;
	lr =	simm.s32 $0x1  }
0x2: {  	[smem:$0x3F7C] =	sst lr;
	_ =	strace $0xD0000000  }
0x3: {  	_ = 	snop  }
0x4: {  	_ = 	snop  }
0x5: {  	_ = 	snop  }
0x6: {  	_ = 	snop  }
0x7: {  	_ = 	snop  }
__scs_overlays_trampoline_lowered:
0x8: {  	[smem:$0x3F8B] =	sst s0  }
0x9: {  	[smem:$0x3F8C] =	sst s1  }
0xa: {  	[smem:$0x3F8D] =	sst s2  }
0xb: {  	[smem:$0x3F8E] =	sst s3  }
0xc: {  	[smem:$0x3F8F] =	sst s4  }
0xd: {  	[smem:$0x3F90] =	sst s5  }
0xe: {  	[smem:$0x3F91] =	sst s6  }
0xf: {  	[smem:$0x3F92] =	sst s7  }
0x10: {  	[smem:$0x3F93] =	sst s8  }
0x11: {  	[smem:$0x3F94] =	sst s9;
	s0 =	simm.s32 @!p0 $0x0  }
0x12: {  	s1 =	sld [smem:$0x3F7A];
	s0 =	simm.s32 @p0 $0x1  }
0x13: {  	[smem:$0x3F95] =	sst s0;
	s0 =	simm.s32 @!p1 $0x0  }
0x14: {  	s2 =	sld [smem:$0x3F79];
	s0 =	simm.s32 @p1 $0x1  }
0x15: {  	[smem:$0x3F96] =	sst s0;
	s0 =	simm.s32 @!p2 $0x0  }
0x16: {  	s3 =	sld [smem:$0x3FDB];
	s0 =	simm.s32 @p2 $0x1  }
0x17: {  	s4 =	simm.s32 $0x1BF5;
	[smem:$0x3F98] =	sst s0  }
0x18: {  	s0 =	sld [smem:$0x3F7B];
	_ =	swait.ge [sflag:s4], $0x0  }
0x19: {  	s7 =	sld [smem:$0x3F7C]  }
0x1a: {  	s8 =	sadd.s32 $0xFFFFE003, lr  }
0x1b: {  	s9 =	sadd.s32 $0xFFFFFEF7, lr;
	s5 =	simm.s32 $0xFFFFFFFF;
	p2 =	slt.u32 s8, $0xFFFFF086  }
0x1c: {  	p1 =	slt.u32 s9, $0xF7A;
	s5 =	simm.s32 @!p2 $0x0  }
0x1d: {  	s5 =	simm.s32 @p1 $0x1;
	p0 =	seq.s32 s7, s2  }
0x1e: {  	s7 =	smul.u32 @!p0 $0xF7A, s2;
	p2 =	seq.s32 @!p0 s5, $0x0  }
0x1f: {  	s9 =	smul.u32 $0xF7A, s1;
	s8 =	simm.s32 @!p0 $0x1BF5;
	p2 =	por !p2, p0  }
0x20: {  	[sflag:s8] =	ssyncset.s32 @!p0 $0xFFFFF086;
	s6 =	sadd.s32 @!p0 s3, s7;
	s7 =	simm.s32 @!p0 $0x108  }
0x21: {  	s3 =	sadd.s32 s3, s9;
	s6 =	sadd.s32 @!p0 $0x88, s6;
	s7 =	simm.s32 @p2 $0x1082  }
0x22: {  	[simem:s7], [sflag:s8] =	dma.local @!p0 [hbm:s6], $0xF7A  }
0x23: {  	s9 =	sor.u32 $0xD0000000, s2;
	s6 =	simm.s32 $0x108;
	_ =	swait.ge @!p0 [sflag:s8], $0x0  }
0x24: {  	s3 =	sadd.s32 $0x88, s3;
	s6 =	simm.s32 @!p1 $0x1082;
	[sflag:s4] =	ssyncset.s32 $0xFFFFF086  }
0x25: {  	[simem:s6], [sflag:s4] =	dma.local [hbm:s3], $0xF7A  }
0x26: {  	[smem:$0x3F7C] =	sst s1;
	(tag) =	ssettag s2;
	_ =	strace s9  }
0x27: {  	s1 =	sld [smem:$0x3F8C]  }
0x28: {  	s2 =	sld [smem:$0x3F8D]  }
0x29: {  	s4 =	sld [smem:$0x3F8F]  }
0x2a: {  	p0 =	seq.s32 s5, $0x0;
	s5 =	sld [smem:$0x3F90]  }
0x2b: {  	s6 =	sld [smem:$0x3F91]  }
0x2c: {  	s7 =	sld [smem:$0x3F92]  }
0x2d: {  	s3 =	simm.s32 $0x108;
	s8 =	sld [smem:$0x3F93]  }
0x2e: {  	s3 =	simm.s32 @!p0 $0x1082;
	s9 =	sld [smem:$0x3F94]  }
0x2f: {  	lr =	sadd.s32 s0, s3;
	s0 =	sld [smem:$0x3F8B]  }
0x30: {  	s3 =	sld [smem:$0x3F8E]  }
0x31: {  	[smem:$0x3F97] =	sst s10  }
0x32: {  	s10 =	sld [smem:$0x3F95];
	_ =	sdelay $0x3  }
0x33: {  	p0 =	seq.s32 s10, $0x1;
	s10 =	sld [smem:$0x3F97];
	_ =	sdelay $0x3  }
0x34: {  	[smem:$0x3F97] =	sst s10  }
0x35: {  	s10 =	sld [smem:$0x3F96];
	_ =	sdelay $0x3  }
0x36: {  	p1 =	seq.s32 s10, $0x1;
	s10 =	sld [smem:$0x3F97];
	_ =	sdelay $0x3  }
0x37: {  	[smem:$0x3F97] =	sst s10  }
0x38: {  	s10 =	sld [smem:$0x3F98]  }
0x39: {  	_ = 	snop;
	(pc) =	sbr.ind lr, $3  }
0x3a: {  	_ = 	snop  }
0x3b: {  	_ = 	snop  }
0x3c: {  	p2 =	seq.s32 s10, $0x1;
	s10 =	sld [smem:$0x3F97]  }
0x3d: {  	_ =	shalt  }
0x3e: {  	_ =	shalt  }
0x3f: {  	_ =	shalt  }
0x40: {  	_ =	shalt  }
0x41: {  	_ =	shalt  }
0x42: {  	_ =	shalt  }
0x43: {  	_ =	shalt  }
0x44: {  	_ =	shalt  }
0x45: {  	_ =	shalt  }
0x46: {  	_ =	shalt  }
0x47: {  	_ =	shalt  }
0x48: {  	_ =	shalt  }
0x49: {  	_ =	shalt  }
0x4a: {  	_ =	shalt  }
0x4b: {  	_ =	shalt  }
0x4c: {  	_ =	shalt  }
0x4d: {  	_ =	shalt  }
0x4e: {  	_ =	shalt  }
0x4f: {  	_ =	shalt  }
0x50: {  	_ =	shalt  }
0x51: {  	_ =	shalt  }
0x52: {  	_ =	shalt  }
0x53: {  	_ =	shalt  }
0x54: {  	_ =	shalt  }
0x55: {  	_ =	shalt  }
0x56: {  	_ =	shalt  }
0x57: {  	_ =	shalt  }
0x58: {  	_ =	shalt  }
0x59: {  	_ =	shalt  }
0x5a: {  	_ =	shalt  }
0x5b: {  	_ =	shalt  }
0x5c: {  	_ =	shalt  }
0x5d: {  	_ =	shalt  }
0x5e: {  	_ =	shalt  }
0x5f: {  	_ =	shalt  }
0x60: {  	_ =	shalt  }
0x61: {  	_ =	shalt  }
0x62: {  	_ =	shalt  }
0x63: {  	_ =	shalt  }
0x64: {  	_ =	shalt  }
0x65: {  	_ =	shalt  }
0x66: {  	_ =	shalt  }
0x67: {  	_ =	shalt  }
0x68: {  	_ =	shalt  }
0x69: {  	_ =	shalt  }
0x6a: {  	_ =	shalt  }
0x6b: {  	_ =	shalt  }
0x6c: {  	_ =	shalt  }
0x6d: {  	_ =	shalt  }
0x6e: {  	_ =	shalt  }
0x6f: {  	_ =	shalt  }
0x70: {  	_ =	shalt  }
0x71: {  	_ =	shalt  }
0x72: {  	_ =	shalt  }
0x73: {  	_ =	shalt  }
0x74: {  	_ =	shalt  }
0x75: {  	_ =	shalt  }
0x76: {  	_ =	shalt  }
0x77: {  	_ =	shalt  }
0x78: {  	_ =	shalt  }
0x79: {  	_ =	shalt  }
0x7a: {  	_ =	shalt  }
0x7b: {  	_ =	shalt  }
0x7c: {  	_ =	shalt  }
0x7d: {  	_ =	shalt  }
0x7e: {  	_ =	shalt  }
0x7f: {  	_ =	shalt  }
0x80: {  	_ =	shalt  }
0x81: {  	_ =	shalt  }
0x82: {  	_ =	shalt  }
0x83: {  	_ =	shalt  }
0x84: {  	_ =	shalt  }
0x85: {  	_ =	shalt  }
0x86: {  	_ =	shalt  }
0x87: {  	_ =	shalt  }
.Lfunc_end0:
.L_simem_size_0:
called_computation.2_lowered:
.L_overlay_start_0:
0x88: {  	s2 =	sld [smem:$0x3FD9]  }
0x89: {  	s3 =	sld [smem:$0x3FFE];
	_ =	sdelay $0x1  }
0x8a: {  	s1 =	srdreg.scid  }
0x8b: {  	s0 =	sand.u32 $0x1, s1  }
0x8c: {  	s17 =	sshll.u32 s0, $0xA;
	s2 =	sadd.s32 s3, s2  }
0x8d: {  	s2 =	sadd.s32 s2, s17  }
0x8e: {  	[smem:$0x3FA3] =	sst s2  }
0x8f: {  	_ = 	snop  }
0x90: {  	s2 =	sld [smem:$0x3FD0];
	(tm) =	ssettm $0x1  }
0x91: {  	s18 =	sld [smem:$0x3FFB];
	_ =	sdelay $0x3  }
0x92: {  	_ =	strace s18  }
0x93: {  	s3 =	sld [smem:$0x3FFC];
	_ =	sdelay $0x3  }
0x94: {  	_ =	strace s3  }
0x95: {  	s3 =	sld [smem:$0x3FFD];
	_ =	sdelay $0x3  }
0x96: {  	_ =	strace s3  }
0x97: {  	_ =	strace $0x8FFFFFFF  }
0x98: {  	s19 =	sld [smem:$0x3FDB];
	_ =	sdelay $0x1  }
0x99: {  	s4 =	simm.s32 $_scs_section_size  }
0x9a: {  	s5 =	simm.s32 $_size__tile_overlayer_lowered;
	s6 =	simm.s32 $_tile_overlayer_lowered  }
0x9b: {  	s22 =	simm.s32 $0x1BFF;
	s21 =	sshll.u32 s6, $0x1;
	s3 =	sadd.s32 s4, s19  }
0x9c: {  	s7 =	simm.s32 $0x0;
	s20 =	sshll.u32 s5, $0x1;
	s5 =	sadd.s32 s21, s3  }
0x9d: {  	[timem:s7], [sflag:s22] =	dma.local [hbm:s5], s20  }
0x9e: {  	_ =	swait.ge [sflag:s22], s20  }
0x9f: {  	s4 =	ssub.s32 $0x0, s20;
	[sflag:s22] =	ssyncset.done $0x0  }
0xa0: {  	[sflag:s22] =	ssyncadd.s32 s4;
	_ =	sdelay $0x1  }
0xa1: {  	s23 =	simm.s32 $0x1B8B  }
0xa2: {  	_ =	swait.ge [sflag:s23], $0x1  }
0xa3: {  	[sflag:s23] =	ssyncset.done $0x0  }
0xa4: {  	s25 =	simm.s32 $0x1B8E;
	s24 =	sld [smem:$0x3FFE];
	[sflag:s23] =	ssyncadd.s32 $0xFFFFFFFF  }
0xa5: {  	s26 =	simm.s32 $execute0_lowered;
	[smem:$0x3FD2] =	sst s25  }
0xa6: {  	s5 =	sshll.u32 s26, $0x1;
	_ =	strace $0x8000004C;
	[dreg:$0x1] =	wrdreg $0xFFFFFFFF  }
0xa7: {  	s28 =	simm.s32 $_size_execute0_lowered;
	s3 =	sadd.s32 s3, s5;
	[dreg:$0x0] =	wrdreg $0x0  }
0xa8: {  	s5 =	sshll.u32 s28, $0x1;
	[dreg:$0x2] =	wrdreg s3  }
0xa9: {  	[dreg:$0x3] =	wrdreg s5  }
0xaa: {  	[dreg:$0x4] =	wrdreg $0xC0  }
0xab: {  	_ =	task [dreg:s7], $0x5FFFF  }
0xac: {  	[dreg:$0x1] =	wrdreg $0xFFFFFFFF  }
0xad: {  	[dreg:$0x0] =	wrdreg $0x60  }
0xae: {  	[dreg:$0x2] =	wrdreg s24  }
0xaf: {  	[dreg:$0x3] =	wrdreg s2  }
0xb0: {  	[dreg:$0x4] =	wrdreg $0x9  }
0xb1: {  	_ =	task.clear_ibuf [dreg:s7], $0x5FFFF;
	_ =	strace $0x9000004C  }
0xb2: {  	s29 =	simm.s32 $0x9;
	_ =	strace $0x8000004E  }
0xb3: {  	_ =	swait.ge [sflag:s29], $0x1  }
0xb4: {  	[sflag:s29] =	ssyncadd.s32 $0xFFFFFFFF  }
0xb5: {  	_ =	strace $0x9000004E  }
0xb6: {  	_ =	sfence  }
0xb7: {  	s30 =	sld [smem:$0x0];
	_ =	sdelay $0x2  }
0xb8: {  	s31 =	sshll.u32 s1, $0xD;
	s1 =	sshrl.u32 s1, $0x2  }
0xb9: {  	s3 =	sand.u32 $0x4000, s31;
	s1 =	sadd.s32 s1, s30  }
0xba: {  	s0 =	sor.u32 s3, s0;
	s1 =	sshll.u32 s1, $0x11  }
0xbb: {  	s0 =	sor.u32 s1, s0  }
0xbc: {  	s0 =	sadd.s32 $0x8F2B, s0  }
0xbd: {  	[sflag:s0] =	ssyncadd.remote.s32 $0x1  }
0xbe: {  	_ =	sfence.sel $0xFFFF  }
0xbf: {  	[dreg:$0x0] =	wrdreg $0xFFFFFFFF;
	(pc) =	sbr.abs _section_cstart, $3  }
0xc0: {  	[dreg:$0x1] =	wrdreg $0xFFFFFFFF  }
0xc1: {  	_ =	task.clear_ibuf [dreg:s7], $0x2FFFF;
	_ =	strace $0x9FFFFFFF  }
0xc2: {  	(tm) =	ssettm $0x7FFFFFFF  }
0xc3: {  	_ =	shalt  }
tec
execute0_lowered:
.L_overlay_start_1:
0x0: {  	(tag) =	ssettag $0x1  }
0x1: {  	s6 =	rddreg [dreg:$0x0]  }
0x2: {  	s1 =	rddreg [dreg:$0x1]  }
0x3: {  	s0 =	rddreg [dreg:$0x2];
	s2 =	simm.s32 $0x0  }
0x4: {  	s3 =	srdreg.scid;
	s11 =	simm.s32 $0x200;
	s12 =	simm.s32 $0x1  }
0x5: {  	s13 =	simm.s32 $0x8200;
	s14 =	simm.s32 $0x0;
	[smem:$0x7FF] =	sst s2  }
0x6: {  	s7 =	sand.u32 $0x1, s3;
	s3 =	stileid.u32;
	s4 =	sadd.s32 $0x6000, s6  }
0x7: {  	s5 =	sadd.s32 $0x2E000, s6;
	s6 =	sadd.s32 $0x33000, s6;
	s8 =	ssub.s32 $0x2, s7  }
0x8: {  	_ =	strace $0x8000004D;
	s10 =	sshll.u32 s3, $0x1;
	s9 =	sshrl.u32 s8, $0x1  }
0x9: {  	s7 =	sor.u32 s7, s10;
	s10 =	simm.s32 $0x100;
	s8 =	ssub.s32 s8, s9  }
0xa: {  	s7 =	smul.u32 $0x140, s7;
	s9 =	simm.s32 $0x2;
	s8 =	smax.u32 s8, $0x1  }
.LBB2_1:
0xb: {  	s15 =	simm.s32 $0x0  }
.LBB2_2:
0xc: {  	s16 =	sshll.u32 s15, $0x4  }
0xd: {  	s16 =	sadd.s32 s7, s16  }
0xe: {  	s18 =	sshll.u32 s16, $0x1  }
0xf: {  	s17 =	simm.s32 $0x0;
	s19 =	sadd.s32 s1, s18  }
0x10: {  	[tilespmem:s17], [sflag:$0x2] =	stream.linear.gather [hbm4b:s19+s17], $0x100, $0x38;
	[tilespmem:$0x8A00] =	vst v63  }
0x11: {  	_ =	swait.ge [sflag:s9], $0x100  }
0x12: {  	[sflag:s9] =	ssyncset.done $0x0  }
0x13: {  	s18 =	sadd.s32 s5, s18;
	[sflag:s9] =	ssyncadd.s32 $0xFFFFFF00  }
0x14: {  	[tilespmem:s10], [sflag:$0x2] =	stream.linear.gather [hbm4b:s18+s17], $0x100, $0x38;
	[tilespmem:$0x8A00] =	vst v63  }
0x15: {  	_ =	swait.ge [sflag:s9], $0x100  }
0x16: {  	[sflag:s9] =	ssyncset.done $0x0  }
0x17: {  	[sflag:s9] =	ssyncadd.s32 $0xFFFFFF00  }
0x18: {  	[tilespmem:s11], [sflag:$0x1] =	stream.indirect.gather [hbm4b:s4+s10], $0x80, s17, s10, $0xb8;
	[tilespmem:$0x8A00] =	vst v63  }
0x19: {  	_ =	swait.ge [sflag:s12], $0x8000  }
0x1a: {  	[sflag:s12] =	ssyncset.done $0x0  }
0x1b: {  	s19 =	simm.s32 $0x600;
	s18 =	simm.s32 $0x8240;
	[sflag:s12] =	ssyncadd.s32 $0xFFFF8000  }
.LBB2_3:
0x1c: {  	v1 =	vld [tilespmem:s19+$0xFFFFFC00]  }
0x1d: {  	v2 =	vld [tilespmem:s19+$0xFFFFFC10]  }
0x1e: {  	v4 =	vld [tilespmem:s19+$0xFFFFFC20]  }
0x1f: {  	v5 =	vld [tilespmem:s19+$0xFFFFFC30]  }
0x20: {  	v6 =	vld [tilespmem:s19+$0xFFFFFC80]  }
0x21: {  	v7 =	vld [tilespmem:s19+$0xFFFFFC90]  }
0x22: {  	v9 =	vld [tilespmem:s19+$0xFFFFFCA0]  }
0x23: {  	v11 =	vld [tilespmem:s19+$0xFFFFFCB0]  }
0x24: {  	s20 =	sshra.s32 s17, $0x2;
	v42 =	vld [tilespmem:s19+$0xFFFFFD00]  }
0x25: {  	v0 =	vld [tilespmem:s20+$0x100]  }
0x26: {  	v14 =	vld [tilespmem:s19+$0xFFFFFD10]  }
0x27: {  	v16 =	vld [tilespmem:s19+$0xFFFFFD20]  }
0x28: {  	v18 =	vld [tilespmem:s19+$0xFFFFFD30]  }
0x29: {  	v44 =	vld [tilespmem:s19+$0xFFFFFD80]  }
0x2a: {  	v50 =	vld [tilespmem:s19+$0xFFFFFDA0];
	v3 =	vbroadcast v0, $0x0  }
0x2b: {  	v53 =	vld [tilespmem:s19+$0xFFFFFDB0];
	v10 =	vbroadcast v0, $0x1;
	v17 =	vbroadcast v0, $0x2  }
0x2c: {  	v54 =	vld [tilespmem:s19+$0xFFFFFE00];
	v49 =	vbroadcast v0, $0x3;
	v59 =	vbroadcast v0, $0x4  }
0x2d: {  	v60 =	vld [tilespmem:s19+$0xFFFFFE30];
	v23 =	vbroadcast v0, $0x5;
	v29 =	vbroadcast v0, $0x6  }
0x2e: {  	v62 =	vld [tilespmem:s19+$0xFFFFFE80];
	v40 =	vbroadcast v0, $0x7;
	v1 =	vmul.f32 v3, v1  }
0x2f: {  	v22 =	vld [tilespmem:s19+$0xFFFFFEA0];
	v2 =	vmul.f32 v2, v3;
	v4 =	vmul.f32 v4, v3  }
0x30: {  	v24 =	vld [tilespmem:s19+$0xFFFFFEB0];
	v3 =	vmul.f32 v5, v3;
	v6 =	vmul.f32 v6, v10  }
0x31: {  	v26 =	vld [tilespmem:s19+$0xFFFFFF00];
	v7 =	vmul.f32 v7, v10;
	v9 =	vmul.f32 v9, v10  }
0x32: {  	v28 =	vld [tilespmem:s19+$0xFFFFFF10];
	v10 =	vmul.f32 v11, v10;
	v5 =	vmul.f32 v42, v17  }
0x33: {  	v30 =	vld [tilespmem:s19+$0xFFFFFF20];
	v48 =	vmul.f32 v14, v17;
	v51 =	vmul.f32 v16, v17  }
0x34: {  	v33 =	vld [tilespmem:s19+$0xFFFFFF30];
	v52 =	vmul.f32 v18, v17;
	v11 =	vmul.f32 v44, v49  }
0x35: {  	v35 =	vld [tilespmem:s19+$0xFFFFFF80];
	v58 =	vmul.f32 v50, v49;
	v61 =	vmul.f32 v53, v49  }
0x36: {  	v63 =	vmul.f32 v54, v59;
	v25 =	vmul.f32 v60, v59  }
0x37: {  	v27 =	vmul.f32 v62, v23;
	v31 =	vmul.f32 v22, v23  }
0x38: {  	v32 =	vmul.f32 v24, v23;
	v34 =	vmul.f32 v26, v29  }
0x39: {  	v37 =	vmul.f32 v28, v29;
	v39 =	vmul.f32 v30, v29  }
0x3a: {  	v42 =	vmul.f32 v33, v29;
	v44 =	vmul.f32 v35, v40  }
0x3b: {  	v47 =	vld [tilespmem:s19+$0xFFFFFD90];
	v22 =	vbroadcast v0, $0xA;
	v30 =	vbroadcast v0, $0xB  }
0x3c: {  	v56 =	vld [tilespmem:s19+$0xFFFFFE10];
	v8 =	vadd.f32 $0.0e+00, v1;
	v1 =	vmax.f32 v1, $-3.000000010e+38;
	v12 =	vadd.f32 $0.0e+00, v2  }
0x3d: {  	v57 =	vld [tilespmem:s19+$0xFFFFFE20];
	v2 =	vmax.f32 v2, $-3.000000010e+38;
	v13 =	vadd.f32 $0.0e+00, v4;
	v4 =	vmax.f32 v4, $-3.000000010e+38  }
0x3e: {  	v21 =	vld [tilespmem:s19+$0xFFFFFE90];
	v15 =	vadd.f32 $0.0e+00, v3;
	v3 =	vmax.f32 v3, $-3.000000010e+38;
	v1 =	vmax.f32 v1, v6  }
0x3f: {  	v41 =	vld [tilespmem:s19+$0xFFFFFFB0];
	v2 =	vmax.f32 v2, v7;
	v4 =	vmax.f32 v4, v9;
	v8 =	vadd.f32 v6, v8  }
0x40: {  	v3 =	vmax.f32 v3, v10;
	v43 =	vadd.f32 v7, v12;
	v45 =	vadd.f32 v9, v13  }
0x41: {  	v29 =	vld [tilespmem:s19+$0x1B0];
	v46 =	vadd.f32 v10, v15;
	v1 =	vmax.f32 v1, v5;
	v2 =	vmax.f32 v2, v48  }
0x42: {  	v4 =	vmax.f32 v4, v51;
	v10 =	vmul.f32 v47, v49;
	v9 =	vmul.f32 v56, v59  }
0x43: {  	v3 =	vmax.f32 v3, v52;
	v15 =	vmul.f32 v57, v59;
	v12 =	vmul.f32 v21, v23  }
0x44: {  	v36 =	vld [tilespmem:s19+$0xFFFFFF90];
	v47 =	vbroadcast v0, $0x8;
	v49 =	vmul.f32 v41, v40;
	v1 =	vmax.f32 v1, v11  }
0x45: {  	v38 =	vld [tilespmem:s19+$0xFFFFFFA0];
	v4 =	vmax.f32 v4, v58;
	v3 =	vmax.f32 v3, v61;
	v8 =	vadd.f32 v5, v8  }
0x46: {  	v50 =	vld [tilespmem:s19+$0x80];
	v41 =	vmul.f32 v29, v30;
	v6 =	vadd.f32 v48, v43;
	v7 =	vadd.f32 v51, v45  }
0x47: {  	v56 =	vld [tilespmem:s19+$0xB0];
	v55 =	vadd.f32 v52, v46;
	v2 =	vmax.f32 v2, v10;
	v1 =	vmax.f32 v1, v63  }
0x48: {  	v59 =	vld [tilespmem:s19+$0x100];
	v4 =	vmax.f32 v4, v15;
	v3 =	vmax.f32 v3, v25;
	v2 =	vmax.f32 v2, v9  }
0x49: {  	v23 =	vld [tilespmem:s19+$0x180];
	v1 =	vmax.f32 v1, v27;
	v4 =	vmax.f32 v4, v31;
	v8 =	vadd.f32 v11, v8  }
0x4a: {  	v43 =	vld [tilespmem:s19+$0x0];
	v3 =	vmax.f32 v3, v32;
	v6 =	vadd.f32 v10, v6;
	v7 =	vadd.f32 v58, v7  }
0x4b: {  	v45 =	vld [tilespmem:s19+$0x10];
	v5 =	vadd.f32 v61, v55;
	v2 =	vmax.f32 v2, v12;
	v1 =	vmax.f32 v1, v34  }
0x4c: {  	v46 =	vld [tilespmem:s19+$0x20];
	v4 =	vmax.f32 v4, v39;
	v3 =	vmax.f32 v3, v42;
	v11 =	vmul.f32 v38, v40  }
0x4d: {  	v48 =	vld [tilespmem:s19+$0x30];
	v55 =	vbroadcast v0, $0x9;
	v2 =	vmax.f32 v2, v37;
	v1 =	vmax.f32 v1, v44  }
0x4e: {  	v52 =	vld [tilespmem:s19+$0x90];
	v3 =	vmax.f32 v3, v49;
	v26 =	vmul.f32 v59, v22;
	v33 =	vmul.f32 v23, v30  }
0x4f: {  	v8 =	vadd.f32 v63, v8;
	v6 =	vadd.f32 v9, v6;
	v9 =	vmul.f32 v36, v40  }
0x50: {  	v21 =	vld [tilespmem:s19+$0x130];
	v7 =	vadd.f32 v15, v7;
	v60 =	vmul.f32 v50, v55;
	v24 =	vmul.f32 v56, v55  }
0x51: {  	v19 =	vld [tilespmem:s19+$0x200];
	v5 =	vadd.f32 v25, v5;
	v51 =	vmul.f32 v43, v47;
	v54 =	vmul.f32 v45, v47  }
0x52: {  	v61 =	vld [tilespmem:s19+$0x110];
	v4 =	vmax.f32 v4, v11;
	v57 =	vmul.f32 v46, v47;
	v58 =	vmul.f32 v48, v47  }
0x53: {  	v38 =	vld [tilespmem:s19+$0x280];
	v63 =	vmul.f32 v52, v55;
	v8 =	vadd.f32 v27, v8;
	v6 =	vadd.f32 v12, v6  }
0x54: {  	v20 =	vld [tilespmem:s19+$0x2B0];
	v46 =	vbroadcast v0, $0xD;
	v7 =	vadd.f32 v31, v7;
	v5 =	vadd.f32 v32, v5  }
0x55: {  	v25 =	vld [tilespmem:s19+$0x190];
	v2 =	vmax.f32 v2, v9;
	v31 =	vmul.f32 v21, v22;
	v1 =	vmax.f32 v1, v51  }
0x56: {  	v40 =	vld [tilespmem:s19+$0x290];
	v2 =	vmax.f32 v2, v54;
	v4 =	vmax.f32 v4, v57;
	v3 =	vmax.f32 v3, v58  }
0x57: {  	v53 =	vld [tilespmem:s19+$0xA0];
	v28 =	vmul.f32 v61, v22;
	v8 =	vadd.f32 v34, v8;
	v6 =	vadd.f32 v37, v6  }
0x58: {  	v62 =	vld [tilespmem:s19+$0x120];
	v48 =	vmul.f32 v38, v46;
	v7 =	vadd.f32 v39, v7;
	v5 =	vadd.f32 v42, v5  }
0x59: {  	v43 =	vld [tilespmem:s19+$0x2A0];
	v1 =	vmax.f32 v1, v60;
	v2 =	vmax.f32 v2, v63;
	v3 =	vmax.f32 v3, v24  }
0x5a: {  	v45 =	vld [tilespmem:s19+$0x300];
	v37 =	vbroadcast v0, $0xC;
	v1 =	vmax.f32 v1, v26;
	v2 =	vmax.f32 v2, v28  }
0x5b: {  	v27 =	vld [tilespmem:s19+$0x1A0];
	v35 =	vmul.f32 v25, v30;
	v3 =	vmax.f32 v3, v31;
	v50 =	vmul.f32 v40, v46  }
0x5c: {  	v32 =	vld [tilespmem:s19+$0x210];
	v8 =	vadd.f32 v44, v8;
	v7 =	vadd.f32 v11, v7;
	v11 =	vmul.f32 v53, v55  }
0x5d: {  	v47 =	vld [tilespmem:s19+$0x310];
	v6 =	vadd.f32 v9, v6;
	v9 =	vmul.f32 v62, v22;
	v42 =	vmul.f32 v19, v37  }
0x5e: {  	v52 =	vld [tilespmem:s19+$0x390];
	v5 =	vadd.f32 v49, v5;
	v49 =	vbroadcast v0, $0xE;
	v0 =	vbroadcast v0, $0xF  }
0x5f: {  	v21 =	vld [tilespmem:s19+$0x380];
	v1 =	vmax.f32 v1, v33;
	v17 =	vmul.f32 v43, v46;
	v19 =	vmul.f32 v20, v46  }
0x60: {  	v34 =	vld [tilespmem:s19+$0x220];
	v3 =	vmax.f32 v3, v41;
	v39 =	vmul.f32 v27, v30;
	v2 =	vmax.f32 v2, v35  }
0x61: {  	v44 =	vmul.f32 v32, v37;
	v8 =	vadd.f32 v51, v8;
	v6 =	vadd.f32 v54, v6  }
0x62: {  	v36 =	vld [tilespmem:s19+$0x230];
	v7 =	vadd.f32 v57, v7;
	v5 =	vadd.f32 v58, v5;
	v4 =	vmax.f32 v4, v11  }
0x63: {  	v1 =	vmax.f32 v1, v42;
	v12 =	vmul.f32 v45, v49;
	v55 =	vmul.f32 v47, v49  }
0x64: {  	v53 =	vld [tilespmem:s19+$0x330];
	v56 =	vmul.f32 v21, v0;
	v14 =	vmul.f32 v52, v0;
	v4 =	vmax.f32 v4, v9  }
0x65: {  	v13 =	vmul.f32 v34, v37;
	v2 =	vmax.f32 v2, v44;
	v8 =	vadd.f32 v60, v8  }
0x66: {  	v1 =	vmax.f32 v1, v48;
	v6 =	vadd.f32 v63, v6;
	v7 =	vadd.f32 v11, v7  }
0x67: {  	v5 =	vadd.f32 v24, v5;
	v4 =	vmax.f32 v4, v39;
	v11 =	vmul.f32 v36, v37  }
0x68: {  	v1 =	vmax.f32 v1, v12;
	v2 =	vmax.f32 v2, v50;
	v4 =	vmax.f32 v4, v13  }
0x69: {  	v51 =	vld [tilespmem:s19+$0x320];
	v10 =	vmul.f32 v53, v49;
	v1 =	vmax.f32 v1, v56;
	v8 =	vadd.f32 v26, v8  }
0x6a: {  	v54 =	vld [tilespmem:s19+$0x3A0];
	v2 =	vmax.f32 v2, v55;
	v6 =	vadd.f32 v28, v6;
	v7 =	vadd.f32 v9, v7  }
0x6b: {  	v57 =	vld [tilespmem:s19+$0x3B0];
	v5 =	vadd.f32 v31, v5;
	v4 =	vmax.f32 v4, v17;
	v8 =	vadd.f32 v33, v8  }
0x6c: {  	v59 =	vmax.f32 v2, v14;
	v6 =	vadd.f32 v35, v6;
	v7 =	vadd.f32 v39, v7  }
0x6d: {  	v3 =	vmax.f32 v3, v11;
	v5 =	vadd.f32 v41, v5;
	v8 =	vadd.f32 v42, v8  }
0x6e: {  	v16 =	vmul.f32 v51, v49;
	v6 =	vadd.f32 v44, v6;
	v7 =	vadd.f32 v13, v7  }
0x6f: {  	v58 =	vmul.f32 v54, v0;
	v5 =	vadd.f32 v11, v5;
	v8 =	vadd.f32 v48, v8  }
0x70: {  	v0 =	vmul.f32 v57, v0;
	v6 =	vadd.f32 v50, v6;
	v7 =	vadd.f32 v17, v7  }
0x71: {  	v62 =	vmax.f32 v3, v19;
	v5 =	vadd.f32 v19, v5;
	v8 =	vadd.f32 v12, v8  }
0x72: {  	[tilespmem:s18+$0x0] =	vst v1;
	v1 =	vmax.f32 v62, v10;
	v6 =	vadd.f32 v55, v6;
	v7 =	vadd.f32 v16, v7  }
0x73: {  	v4 =	vmax.f32 v4, v16;
	v5 =	vadd.f32 v10, v5;
	v8 =	vadd.f32 v56, v8  }
0x74: {  	[tilespmem:s18+$0x10] =	vst v59;
	v63 =	vmax.f32 v4, v58;
	v6 =	vadd.f32 v14, v6;
	v7 =	vadd.f32 v58, v7  }
0x75: {  	p0 =	sne.s32 s17, $0x3C0;
	[tilespmem:s18+$0x20] =	vst v63;
	v60 =	vadd.f32 v0, v5;
	v0 =	vmax.f32 v1, v0;
	v8 =	vmul.f32 $6.250000000e-02, v8  }
.Ltmp0:
0x76: {  	[tilespmem:s18+$0x30] =	vst v0;
	v6 =	vmul.f32 $6.250000000e-02, v6;
	(pc) =	sbr.rel @p0 .LBB2_3-.Ltmp0, $4  }
0x77: {  	v61 =	vmul.f32 $6.250000000e-02, v7;
	[tilespmem:s18+$0xFFFFFFC0] =	vst v8  }
0x78: {  	v2 =	vmul.f32 $6.250000000e-02, v60;
	[tilespmem:s18+$0xFFFFFFD0] =	vst v6  }
0x79: {  	[tilespmem:s18+$0xFFFFFFE0] =	vst v61  }
0x7a: {  	s17 =	sadd.s32 $0x40, s17;
	s19 =	sadd.s32 $0x800, s19;
	[tilespmem:s18+$0xFFFFFFF0] =	vst v2;
	s18 =	sadd.s32 $0x80, s18  }
0x7b: {  	s15 =	sadd.s32 $0x1, s15  }
0x7c: {  	s16 =	sshll.u32 s16, $0x4;
	p0 =	sne.s32 s15, $0x14  }
.Ltmp1:
0x7d: {  	s16 =	sadd.s32 s6, s16;
	(pc) =	sbr.rel @p0 .LBB2_2-.Ltmp1, $4  }
0x7e: {  	[hbm4b:s16+s2] =	stream.linear.scatter [tilespmem:s13], [sflag:$0x2], $0x800, $0x38;
	[tilespmem:$0x8A00] =	vst v63  }
0x7f: {  	_ =	swait.ge [sflag:s9], $0x800  }
0x80: {  	[sflag:s9] =	ssyncset.done $0x0  }
0x81: {  	[sflag:s9] =	ssyncadd.s32 $0xFFFFF800  }
0x82: {  	s14 =	sadd.s32 $0x1, s14  }
0x83: {  	p0 =	sne.s32 s14, s8  }
.Ltmp2:
0x84: {  	_ = 	snop;
	(pc) =	sbr.rel @p0 .LBB2_1-.Ltmp2, $1  }
0x85: {  	_ =	sdelay $0x3  }
0x86: {  	_ =	sfence.sel $0x180000  }
0x87: {  	[bflag:$0x0] =	sbarrier.arrive $0xFFFF  }
0x88: {  	p0 =	sne.s32 s3, $0x0;
	_ =	strace $0x9000004D  }
0x89: {  	s0 =	sadd.s32 @!p0 $0x100000, s0;
	[bflag:$0x2] =	sbarrier.arrive $0xFFFF  }
0x8a: {  	[sflag:s0] =	ssyncadd.tile.s32 @!p0 $0x1;
	_ =	shalt  }
.Lfunc_end2:
_tile_overlayer_lowered:
.L_overlay_start_2:
0x8b: {  	(tag) =	ssettag $0x2  }
0x8c: {  	s0 =	rddreg [dreg:$0x0];
	s2 =	stileid.u32  }
0x8d: {  	s1 =	rddreg [dreg:$0x1];
	p0 =	sne.s32 s2, $0x0  }
0x8e: {  	s3 =	rddreg [dreg:$0x2];
	[bflag:$0x3] =	sbarrier.arrive $0xFFFF;
	s2 =	simm.s32 @!p0 $0x1C02  }
0x8f: {  	[timem:s3], [sflag:s2] =	dma.local @!p0 [hbm:s0], s1  }
0x90: {  	s0 =	simm.s32 @!p0 $0x2  }
0x91: {  	_ =	swait.ge @!p0 [sflag:s0], s1  }
0x92: {  	s1 =	ssub.s32 @!p0 $0x0, s1;
	[sflag:s0] =	ssyncset.done @!p0 $0x0  }
0x93: {  	[sflag:s0] =	ssyncadd.s32 @!p0 s1  }
0x94: {  	[bflag:$0x3] =	sbarrier.arrive $0xFFFF  }
0x95: {  	_ =	shalt  }

// kernel: kernel.29.cloned.1.call-start
scs
__scs_entry_jumppad:
0x0: {  	(pc) =	sbr.rel $0x88, $3  }
0x1: {  	(tag) =	ssettag $0x0;
	lr =	simm.s32 $0x1  }
0x2: {  	[smem:$0x3F7C] =	sst lr;
	_ =	strace $0xD0000000  }
0x3: {  	_ = 	snop  }
0x4: {  	_ = 	snop  }
0x5: {  	_ = 	snop  }
0x6: {  	_ = 	snop  }
0x7: {  	_ = 	snop  }
__scs_overlays_trampoline_lowered:
0x8: {  	[smem:$0x3F8B] =	sst s0  }
0x9: {  	[smem:$0x3F8C] =	sst s1  }
0xa: {  	[smem:$0x3F8D] =	sst s2  }
0xb: {  	[smem:$0x3F8E] =	sst s3  }
0xc: {  	[smem:$0x3F8F] =	sst s4  }
0xd: {  	[smem:$0x3F90] =	sst s5  }
0xe: {  	[smem:$0x3F91] =	sst s6  }
0xf: {  	[smem:$0x3F92] =	sst s7  }
0x10: {  	[smem:$0x3F93] =	sst s8  }
0x11: {  	[smem:$0x3F94] =	sst s9;
	s0 =	simm.s32 @!p0 $0x0  }
0x12: {  	s1 =	sld [smem:$0x3F7A];
	s0 =	simm.s32 @p0 $0x1  }
0x13: {  	[smem:$0x3F95] =	sst s0;
	s0 =	simm.s32 @!p1 $0x0  }
0x14: {  	s2 =	sld [smem:$0x3F79];
	s0 =	simm.s32 @p1 $0x1  }
0x15: {  	[smem:$0x3F96] =	sst s0;
	s0 =	simm.s32 @!p2 $0x0  }
0x16: {  	s3 =	sld [smem:$0x3FDB];
	s0 =	simm.s32 @p2 $0x1  }
0x17: {  	s4 =	simm.s32 $0x1BF5;
	[smem:$0x3F98] =	sst s0  }
0x18: {  	s0 =	sld [smem:$0x3F7B];
	_ =	swait.ge [sflag:s4], $0x0  }
0x19: {  	s7 =	sld [smem:$0x3F7C]  }
0x1a: {  	s8 =	sadd.s32 $0xFFFFE003, lr  }
0x1b: {  	s9 =	sadd.s32 $0xFFFFFEF7, lr;
	s5 =	simm.s32 $0xFFFFFFFF;
	p2 =	slt.u32 s8, $0xFFFFF086  }
0x1c: {  	p1 =	slt.u32 s9, $0xF7A;
	s5 =	simm.s32 @!p2 $0x0  }
0x1d: {  	s5 =	simm.s32 @p1 $0x1;
	p0 =	seq.s32 s7, s2  }
0x1e: {  	s7 =	smul.u32 @!p0 $0xF7A, s2;
	p2 =	seq.s32 @!p0 s5, $0x0  }
0x1f: {  	s9 =	smul.u32 $0xF7A, s1;
	s8 =	simm.s32 @!p0 $0x1BF5;
	p2 =	por !p2, p0  }
0x20: {  	[sflag:s8] =	ssyncset.s32 @!p0 $0xFFFFF086;
	s6 =	sadd.s32 @!p0 s3, s7;
	s7 =	simm.s32 @!p0 $0x108  }
0x21: {  	s3 =	sadd.s32 s3, s9;
	s6 =	sadd.s32 @!p0 $0x88, s6;
	s7 =	simm.s32 @p2 $0x1082  }
0x22: {  	[simem:s7], [sflag:s8] =	dma.local @!p0 [hbm:s6], $0xF7A  }
0x23: {  	s9 =	sor.u32 $0xD0000000, s2;
	s6 =	simm.s32 $0x108;
	_ =	swait.ge @!p0 [sflag:s8], $0x0  }
0x24: {  	s3 =	sadd.s32 $0x88, s3;
	s6 =	simm.s32 @!p1 $0x1082;
	[sflag:s4] =	ssyncset.s32 $0xFFFFF086  }
0x25: {  	[simem:s6], [sflag:s4] =	dma.local [hbm:s3], $0xF7A  }
0x26: {  	[smem:$0x3F7C] =	sst s1;
	(tag) =	ssettag s2;
	_ =	strace s9  }
0x27: {  	s1 =	sld [smem:$0x3F8C]  }
0x28: {  	s2 =	sld [smem:$0x3F8D]  }
0x29: {  	s4 =	sld [smem:$0x3F8F]  }
0x2a: {  	p0 =	seq.s32 s5, $0x0;
	s5 =	sld [smem:$0x3F90]  }
0x2b: {  	s6 =	sld [smem:$0x3F91]  }
0x2c: {  	s7 =	sld [smem:$0x3F92]  }
0x2d: {  	s3 =	simm.s32 $0x108;
	s8 =	sld [smem:$0x3F93]  }
0x2e: {  	s3 =	simm.s32 @!p0 $0x1082;
	s9 =	sld [smem:$0x3F94]  }
0x2f: {  	lr =	sadd.s32 s0, s3;
	s0 =	sld [smem:$0x3F8B]  }
0x30: {  	s3 =	sld [smem:$0x3F8E]  }
0x31: {  	[smem:$0x3F97] =	sst s10  }
0x32: {  	s10 =	sld [smem:$0x3F95];
	_ =	sdelay $0x3  }
0x33: {  	p0 =	seq.s32 s10, $0x1;
	s10 =	sld [smem:$0x3F97];
	_ =	sdelay $0x3  }
0x34: {  	[smem:$0x3F97] =	sst s10  }
0x35: {  	s10 =	sld [smem:$0x3F96];
	_ =	sdelay $0x3  }
0x36: {  	p1 =	seq.s32 s10, $0x1;
	s10 =	sld [smem:$0x3F97];
	_ =	sdelay $0x3  }
0x37: {  	[smem:$0x3F97] =	sst s10  }
0x38: {  	s10 =	sld [smem:$0x3F98]  }
0x39: {  	_ = 	snop;
	(pc) =	sbr.ind lr, $3  }
0x3a: {  	_ = 	snop  }
0x3b: {  	_ = 	snop  }
0x3c: {  	p2 =	seq.s32 s10, $0x1;
	s10 =	sld [smem:$0x3F97]  }
0x3d: {  	_ =	shalt  }
0x3e: {  	_ =	shalt  }
0x3f: {  	_ =	shalt  }
0x40: {  	_ =	shalt  }
0x41: {  	_ =	shalt  }
0x42: {  	_ =	shalt  }
0x43: {  	_ =	shalt  }
0x44: {  	_ =	shalt  }
0x45: {  	_ =	shalt  }
0x46: {  	_ =	shalt  }
0x47: {  	_ =	shalt  }
0x48: {  	_ =	shalt  }
0x49: {  	_ =	shalt  }
0x4a: {  	_ =	shalt  }
0x4b: {  	_ =	shalt  }
0x4c: {  	_ =	shalt  }
0x4d: {  	_ =	shalt  }
0x4e: {  	_ =	shalt  }
0x4f: {  	_ =	shalt  }
0x50: {  	_ =	shalt  }
0x51: {  	_ =	shalt  }
0x52: {  	_ =	shalt  }
0x53: {  	_ =	shalt  }
0x54: {  	_ =	shalt  }
0x55: {  	_ =	shalt  }
0x56: {  	_ =	shalt  }
0x57: {  	_ =	shalt  }
0x58: {  	_ =	shalt  }
0x59: {  	_ =	shalt  }
0x5a: {  	_ =	shalt  }
0x5b: {  	_ =	shalt  }
0x5c: {  	_ =	shalt  }
0x5d: {  	_ =	shalt  }
0x5e: {  	_ =	shalt  }
0x5f: {  	_ =	shalt  }
0x60: {  	_ =	shalt  }
0x61: {  	_ =	shalt  }
0x62: {  	_ =	shalt  }
0x63: {  	_ =	shalt  }
0x64: {  	_ =	shalt  }
0x65: {  	_ =	shalt  }
0x66: {  	_ =	shalt  }
0x67: {  	_ =	shalt  }
0x68: {  	_ =	shalt  }
0x69: {  	_ =	shalt  }
0x6a: {  	_ =	shalt  }
0x6b: {  	_ =	shalt  }
0x6c: {  	_ =	shalt  }
0x6d: {  	_ =	shalt  }
0x6e: {  	_ =	shalt  }
0x6f: {  	_ =	shalt  }
0x70: {  	_ =	shalt  }
0x71: {  	_ =	shalt  }
0x72: {  	_ =	shalt  }
0x73: {  	_ =	shalt  }
0x74: {  	_ =	shalt  }
0x75: {  	_ =	shalt  }
0x76: {  	_ =	shalt  }
0x77: {  	_ =	shalt  }
0x78: {  	_ =	shalt  }
0x79: {  	_ =	shalt  }
0x7a: {  	_ =	shalt  }
0x7b: {  	_ =	shalt  }
0x7c: {  	_ =	shalt  }
0x7d: {  	_ =	shalt  }
0x7e: {  	_ =	shalt  }
0x7f: {  	_ =	shalt  }
0x80: {  	_ =	shalt  }
0x81: {  	_ =	shalt  }
0x82: {  	_ =	shalt  }
0x83: {  	_ =	shalt  }
0x84: {  	_ =	shalt  }
0x85: {  	_ =	shalt  }
0x86: {  	_ =	shalt  }
0x87: {  	_ =	shalt  }
.Lfunc_end0:
.L_simem_size_0:
called_computation.3_lowered:
.L_overlay_start_0:
0x88: {  	s2 =	sld [smem:$0x3FD9]  }
0x89: {  	s3 =	sld [smem:$0x3FFE];
	_ =	sdelay $0x1  }
0x8a: {  	s1 =	srdreg.scid  }
0x8b: {  	s0 =	sand.u32 $0x1, s1  }
0x8c: {  	s17 =	sshll.u32 s0, $0xA;
	s2 =	sadd.s32 s3, s2  }
0x8d: {  	s2 =	sadd.s32 s2, s17  }
0x8e: {  	[smem:$0x3FA3] =	sst s2  }
0x8f: {  	_ = 	snop  }
0x90: {  	s2 =	sld [smem:$0x3FD0];
	(tm) =	ssettm $0x1  }
0x91: {  	s18 =	sld [smem:$0x3FFB];
	_ =	sdelay $0x3  }
0x92: {  	_ =	strace s18  }
0x93: {  	s3 =	sld [smem:$0x3FFC];
	_ =	sdelay $0x3  }
0x94: {  	_ =	strace s3  }
0x95: {  	s3 =	sld [smem:$0x3FFD];
	_ =	sdelay $0x3  }
0x96: {  	_ =	strace s3  }
0x97: {  	_ =	strace $0x8FFFFFFF  }
0x98: {  	s19 =	sld [smem:$0x3FDB];
	_ =	sdelay $0x1  }
0x99: {  	s4 =	simm.s32 $_scs_section_size  }
0x9a: {  	s5 =	simm.s32 $_size__tile_overlayer_lowered;
	s6 =	simm.s32 $_tile_overlayer_lowered  }
0x9b: {  	s22 =	simm.s32 $0x1BFF;
	s21 =	sshll.u32 s6, $0x1;
	s3 =	sadd.s32 s4, s19  }
0x9c: {  	s7 =	simm.s32 $0x0;
	s20 =	sshll.u32 s5, $0x1;
	s5 =	sadd.s32 s21, s3  }
0x9d: {  	[timem:s7], [sflag:s22] =	dma.local [hbm:s5], s20  }
0x9e: {  	_ =	swait.ge [sflag:s22], s20  }
0x9f: {  	s4 =	ssub.s32 $0x0, s20;
	[sflag:s22] =	ssyncset.done $0x0  }
0xa0: {  	[sflag:s22] =	ssyncadd.s32 s4;
	_ =	sdelay $0x1  }
0xa1: {  	s23 =	simm.s32 $0x1B8B  }
0xa2: {  	_ =	swait.ge [sflag:s23], $0x1  }
0xa3: {  	[sflag:s23] =	ssyncset.done $0x0  }
0xa4: {  	s25 =	simm.s32 $0x1B8E;
	s24 =	sld [smem:$0x3FFE];
	[sflag:s23] =	ssyncadd.s32 $0xFFFFFFFF  }
0xa5: {  	s26 =	simm.s32 $execute0_lowered;
	[smem:$0x3FD2] =	sst s25  }
0xa6: {  	s5 =	sshll.u32 s26, $0x1;
	_ =	strace $0x8000004F;
	[dreg:$0x1] =	wrdreg $0xFFFFFFFF  }
0xa7: {  	s28 =	simm.s32 $_size_execute0_lowered;
	s3 =	sadd.s32 s3, s5;
	[dreg:$0x0] =	wrdreg $0x0  }
0xa8: {  	s5 =	sshll.u32 s28, $0x1;
	[dreg:$0x2] =	wrdreg s3  }
0xa9: {  	[dreg:$0x3] =	wrdreg s5  }
0xaa: {  	[dreg:$0x4] =	wrdreg $0xC0  }
0xab: {  	_ =	task [dreg:s7], $0x5FFFF  }
0xac: {  	[dreg:$0x1] =	wrdreg $0xFFFFFFFF  }
0xad: {  	[dreg:$0x0] =	wrdreg $0x60  }
0xae: {  	[dreg:$0x2] =	wrdreg s24  }
0xaf: {  	[dreg:$0x3] =	wrdreg s2  }
0xb0: {  	[dreg:$0x4] =	wrdreg $0x9  }
0xb1: {  	_ =	task.clear_ibuf [dreg:s7], $0x5FFFF;
	_ =	strace $0x9000004F  }
0xb2: {  	s29 =	simm.s32 $0x9;
	_ =	strace $0x80000051  }
0xb3: {  	_ =	swait.ge [sflag:s29], $0x1  }
0xb4: {  	[sflag:s29] =	ssyncadd.s32 $0xFFFFFFFF  }
0xb5: {  	_ =	strace $0x90000051  }
0xb6: {  	_ =	sfence  }
0xb7: {  	s30 =	sld [smem:$0x0];
	_ =	sdelay $0x2  }
0xb8: {  	s31 =	sshll.u32 s1, $0xD;
	s1 =	sshrl.u32 s1, $0x2  }
0xb9: {  	s3 =	sand.u32 $0x4000, s31;
	s1 =	sadd.s32 s1, s30  }
0xba: {  	s0 =	sor.u32 s3, s0;
	s1 =	sshll.u32 s1, $0x11  }
0xbb: {  	s0 =	sor.u32 s1, s0  }
0xbc: {  	s0 =	sadd.s32 $0x8F2B, s0  }
0xbd: {  	[sflag:s0] =	ssyncadd.remote.s32 $0x1  }
0xbe: {  	_ =	sfence.sel $0xFFFF  }
0xbf: {  	[dreg:$0x0] =	wrdreg $0xFFFFFFFF;
	(pc) =	sbr.abs _section_cstart, $3  }
0xc0: {  	[dreg:$0x1] =	wrdreg $0xFFFFFFFF  }
0xc1: {  	_ =	task.clear_ibuf [dreg:s7], $0x2FFFF;
	_ =	strace $0x9FFFFFFF  }
0xc2: {  	(tm) =	ssettm $0x7FFFFFFF  }
0xc3: {  	_ =	shalt  }
tec
execute0_lowered:
.L_overlay_start_1:
0x0: {  	(tag) =	ssettag $0x1  }
0x1: {  	s6 =	rddreg [dreg:$0x0]  }
0x2: {  	s1 =	rddreg [dreg:$0x1]  }
0x3: {  	s0 =	rddreg [dreg:$0x2];
	s2 =	simm.s32 $0x0  }
0x4: {  	s3 =	srdreg.scid;
	s11 =	simm.s32 $0x200;
	s12 =	simm.s32 $0x1  }
0x5: {  	s13 =	simm.s32 $0x8200;
	s14 =	simm.s32 $0x0;
	[smem:$0x7FF] =	sst s2  }
0x6: {  	s7 =	sand.u32 $0x1, s3;
	s3 =	stileid.u32;
	s4 =	sadd.s32 $0x6000, s6  }
0x7: {  	s5 =	sadd.s32 $0x2E000, s6;
	s6 =	sadd.s32 $0x33000, s6;
	s8 =	ssub.s32 $0x2, s7  }
0x8: {  	_ =	strace $0x80000050;
	s10 =	sshll.u32 s3, $0x1;
	s9 =	sshrl.u32 s8, $0x1  }
0x9: {  	s7 =	sor.u32 s7, s10;
	s10 =	simm.s32 $0x100;
	s8 =	ssub.s32 s8, s9  }
0xa: {  	s7 =	smul.u32 $0x140, s7;
	s9 =	simm.s32 $0x2;
	s8 =	smax.u32 s8, $0x1  }
.LBB2_1:
0xb: {  	s15 =	simm.s32 $0x0  }
.LBB2_2:
0xc: {  	s16 =	sshll.u32 s15, $0x4  }
0xd: {  	s16 =	sadd.s32 s7, s16  }
0xe: {  	s18 =	sshll.u32 s16, $0x1  }
0xf: {  	s17 =	simm.s32 $0x0;
	s19 =	sadd.s32 s1, s18  }
0x10: {  	[tilespmem:s17], [sflag:$0x2] =	stream.linear.gather [hbm4b:s19+s17], $0x100, $0x38;
	[tilespmem:$0x8A00] =	vst v63  }
0x11: {  	_ =	swait.ge [sflag:s9], $0x100  }
0x12: {  	[sflag:s9] =	ssyncset.done $0x0  }
0x13: {  	s18 =	sadd.s32 s5, s18;
	[sflag:s9] =	ssyncadd.s32 $0xFFFFFF00  }
0x14: {  	[tilespmem:s10], [sflag:$0x2] =	stream.linear.gather [hbm4b:s18+s17], $0x100, $0x38;
	[tilespmem:$0x8A00] =	vst v63  }
0x15: {  	_ =	swait.ge [sflag:s9], $0x100  }
0x16: {  	[sflag:s9] =	ssyncset.done $0x0  }
0x17: {  	[sflag:s9] =	ssyncadd.s32 $0xFFFFFF00  }
0x18: {  	[tilespmem:s11], [sflag:$0x1] =	stream.indirect.gather [hbm4b:s4+s10], $0x80, s17, s10, $0xb8;
	[tilespmem:$0x8A00] =	vst v63  }
0x19: {  	_ =	swait.ge [sflag:s12], $0x8000  }
0x1a: {  	[sflag:s12] =	ssyncset.done $0x0  }
0x1b: {  	s19 =	simm.s32 $0x600;
	s18 =	simm.s32 $0x8240;
	[sflag:s12] =	ssyncadd.s32 $0xFFFF8000  }
.LBB2_3:
0x1c: {  	v1 =	vld [tilespmem:s19+$0xFFFFFC00]  }
0x1d: {  	v2 =	vld [tilespmem:s19+$0xFFFFFC10]  }
0x1e: {  	v4 =	vld [tilespmem:s19+$0xFFFFFC20]  }
0x1f: {  	v5 =	vld [tilespmem:s19+$0xFFFFFC30]  }
0x20: {  	v6 =	vld [tilespmem:s19+$0xFFFFFC80]  }
0x21: {  	v7 =	vld [tilespmem:s19+$0xFFFFFC90]  }
0x22: {  	v9 =	vld [tilespmem:s19+$0xFFFFFCA0]  }
0x23: {  	v11 =	vld [tilespmem:s19+$0xFFFFFCB0]  }
0x24: {  	s20 =	sshra.s32 s17, $0x2;
	v42 =	vld [tilespmem:s19+$0xFFFFFD00]  }
0x25: {  	v0 =	vld [tilespmem:s20+$0x100]  }
0x26: {  	v14 =	vld [tilespmem:s19+$0xFFFFFD10]  }
0x27: {  	v16 =	vld [tilespmem:s19+$0xFFFFFD20]  }
0x28: {  	v18 =	vld [tilespmem:s19+$0xFFFFFD30]  }
0x29: {  	v44 =	vld [tilespmem:s19+$0xFFFFFD80]  }
0x2a: {  	v50 =	vld [tilespmem:s19+$0xFFFFFDA0];
	v3 =	vbroadcast v0, $0x0  }
0x2b: {  	v53 =	vld [tilespmem:s19+$0xFFFFFDB0];
	v10 =	vbroadcast v0, $0x1;
	v17 =	vbroadcast v0, $0x2  }
0x2c: {  	v54 =	vld [tilespmem:s19+$0xFFFFFE00];
	v49 =	vbroadcast v0, $0x3;
	v59 =	vbroadcast v0, $0x4  }
0x2d: {  	v60 =	vld [tilespmem:s19+$0xFFFFFE30];
	v23 =	vbroadcast v0, $0x5;
	v29 =	vbroadcast v0, $0x6  }
0x2e: {  	v62 =	vld [tilespmem:s19+$0xFFFFFE80];
	v40 =	vbroadcast v0, $0x7;
	v1 =	vmul.f32 v3, v1  }
0x2f: {  	v22 =	vld [tilespmem:s19+$0xFFFFFEA0];
	v2 =	vmul.f32 v2, v3;
	v4 =	vmul.f32 v4, v3  }
0x30: {  	v24 =	vld [tilespmem:s19+$0xFFFFFEB0];
	v3 =	vmul.f32 v5, v3;
	v6 =	vmul.f32 v6, v10  }
0x31: {  	v26 =	vld [tilespmem:s19+$0xFFFFFF00];
	v7 =	vmul.f32 v7, v10;
	v9 =	vmul.f32 v9, v10  }
0x32: {  	v28 =	vld [tilespmem:s19+$0xFFFFFF10];
	v10 =	vmul.f32 v11, v10;
	v5 =	vmul.f32 v42, v17  }
0x33: {  	v30 =	vld [tilespmem:s19+$0xFFFFFF20];
	v48 =	vmul.f32 v14, v17;
	v51 =	vmul.f32 v16, v17  }
0x34: {  	v33 =	vld [tilespmem:s19+$0xFFFFFF30];
	v52 =	vmul.f32 v18, v17;
	v11 =	vmul.f32 v44, v49  }
0x35: {  	v35 =	vld [tilespmem:s19+$0xFFFFFF80];
	v58 =	vmul.f32 v50, v49;
	v61 =	vmul.f32 v53, v49  }
0x36: {  	v63 =	vmul.f32 v54, v59;
	v25 =	vmul.f32 v60, v59  }
0x37: {  	v27 =	vmul.f32 v62, v23;
	v31 =	vmul.f32 v22, v23  }
0x38: {  	v32 =	vmul.f32 v24, v23;
	v34 =	vmul.f32 v26, v29  }
0x39: {  	v37 =	vmul.f32 v28, v29;
	v39 =	vmul.f32 v30, v29  }
0x3a: {  	v42 =	vmul.f32 v33, v29;
	v44 =	vmul.f32 v35, v40  }
0x3b: {  	v47 =	vld [tilespmem:s19+$0xFFFFFD90];
	v22 =	vbroadcast v0, $0xA;
	v30 =	vbroadcast v0, $0xB  }
0x3c: {  	v56 =	vld [tilespmem:s19+$0xFFFFFE10];
	v8 =	vadd.f32 $0.0e+00, v1;
	v1 =	vmax.f32 v1, $-3.000000010e+38;
	v12 =	vadd.f32 $0.0e+00, v2  }
0x3d: {  	v57 =	vld [tilespmem:s19+$0xFFFFFE20];
	v2 =	vmax.f32 v2, $-3.000000010e+38;
	v13 =	vadd.f32 $0.0e+00, v4;
	v4 =	vmax.f32 v4, $-3.000000010e+38  }
0x3e: {  	v21 =	vld [tilespmem:s19+$0xFFFFFE90];
	v15 =	vadd.f32 $0.0e+00, v3;
	v3 =	vmax.f32 v3, $-3.000000010e+38;
	v1 =	vmax.f32 v1, v6  }
0x3f: {  	v41 =	vld [tilespmem:s19+$0xFFFFFFB0];
	v2 =	vmax.f32 v2, v7;
	v4 =	vmax.f32 v4, v9;
	v8 =	vadd.f32 v6, v8  }
0x40: {  	v3 =	vmax.f32 v3, v10;
	v43 =	vadd.f32 v7, v12;
	v45 =	vadd.f32 v9, v13  }
0x41: {  	v29 =	vld [tilespmem:s19+$0x1B0];
	v46 =	vadd.f32 v10, v15;
	v1 =	vmax.f32 v1, v5;
	v2 =	vmax.f32 v2, v48  }
0x42: {  	v4 =	vmax.f32 v4, v51;
	v10 =	vmul.f32 v47, v49;
	v9 =	vmul.f32 v56, v59  }
0x43: {  	v3 =	vmax.f32 v3, v52;
	v15 =	vmul.f32 v57, v59;
	v12 =	vmul.f32 v21, v23  }
0x44: {  	v36 =	vld [tilespmem:s19+$0xFFFFFF90];
	v47 =	vbroadcast v0, $0x8;
	v49 =	vmul.f32 v41, v40;
	v1 =	vmax.f32 v1, v11  }
0x45: {  	v38 =	vld [tilespmem:s19+$0xFFFFFFA0];
	v4 =	vmax.f32 v4, v58;
	v3 =	vmax.f32 v3, v61;
	v8 =	vadd.f32 v5, v8  }
0x46: {  	v50 =	vld [tilespmem:s19+$0x80];
	v41 =	vmul.f32 v29, v30;
	v6 =	vadd.f32 v48, v43;
	v7 =	vadd.f32 v51, v45  }
0x47: {  	v56 =	vld [tilespmem:s19+$0xB0];
	v55 =	vadd.f32 v52, v46;
	v2 =	vmax.f32 v2, v10;
	v1 =	vmax.f32 v1, v63  }
0x48: {  	v59 =	vld [tilespmem:s19+$0x100];
	v4 =	vmax.f32 v4, v15;
	v3 =	vmax.f32 v3, v25;
	v2 =	vmax.f32 v2, v9  }
0x49: {  	v23 =	vld [tilespmem:s19+$0x180];
	v1 =	vmax.f32 v1, v27;
	v4 =	vmax.f32 v4, v31;
	v8 =	vadd.f32 v11, v8  }
0x4a: {  	v43 =	vld [tilespmem:s19+$0x0];
	v3 =	vmax.f32 v3, v32;
	v6 =	vadd.f32 v10, v6;
	v7 =	vadd.f32 v58, v7  }
0x4b: {  	v45 =	vld [tilespmem:s19+$0x10];
	v5 =	vadd.f32 v61, v55;
	v2 =	vmax.f32 v2, v12;
	v1 =	vmax.f32 v1, v34  }
0x4c: {  	v46 =	vld [tilespmem:s19+$0x20];
	v4 =	vmax.f32 v4, v39;
	v3 =	vmax.f32 v3, v42;
	v11 =	vmul.f32 v38, v40  }
0x4d: {  	v48 =	vld [tilespmem:s19+$0x30];
	v55 =	vbroadcast v0, $0x9;
	v2 =	vmax.f32 v2, v37;
	v1 =	vmax.f32 v1, v44  }
0x4e: {  	v52 =	vld [tilespmem:s19+$0x90];
	v3 =	vmax.f32 v3, v49;
	v26 =	vmul.f32 v59, v22;
	v33 =	vmul.f32 v23, v30  }
0x4f: {  	v8 =	vadd.f32 v63, v8;
	v6 =	vadd.f32 v9, v6;
	v9 =	vmul.f32 v36, v40  }
0x50: {  	v21 =	vld [tilespmem:s19+$0x130];
	v7 =	vadd.f32 v15, v7;
	v60 =	vmul.f32 v50, v55;
	v24 =	vmul.f32 v56, v55  }
0x51: {  	v19 =	vld [tilespmem:s19+$0x200];
	v5 =	vadd.f32 v25, v5;
	v51 =	vmul.f32 v43, v47;
	v54 =	vmul.f32 v45, v47  }
0x52: {  	v61 =	vld [tilespmem:s19+$0x110];
	v4 =	vmax.f32 v4, v11;
	v57 =	vmul.f32 v46, v47;
	v58 =	vmul.f32 v48, v47  }
0x53: {  	v38 =	vld [tilespmem:s19+$0x280];
	v63 =	vmul.f32 v52, v55;
	v8 =	vadd.f32 v27, v8;
	v6 =	vadd.f32 v12, v6  }
0x54: {  	v20 =	vld [tilespmem:s19+$0x2B0];
	v46 =	vbroadcast v0, $0xD;
	v7 =	vadd.f32 v31, v7;
	v5 =	vadd.f32 v32, v5  }
0x55: {  	v25 =	vld [tilespmem:s19+$0x190];
	v2 =	vmax.f32 v2, v9;
	v31 =	vmul.f32 v21, v22;
	v1 =	vmax.f32 v1, v51  }
0x56: {  	v40 =	vld [tilespmem:s19+$0x290];
	v2 =	vmax.f32 v2, v54;
	v4 =	vmax.f32 v4, v57;
	v3 =	vmax.f32 v3, v58  }
0x57: {  	v53 =	vld [tilespmem:s19+$0xA0];
	v28 =	vmul.f32 v61, v22;
	v8 =	vadd.f32 v34, v8;
	v6 =	vadd.f32 v37, v6  }
0x58: {  	v62 =	vld [tilespmem:s19+$0x120];
	v48 =	vmul.f32 v38, v46;
	v7 =	vadd.f32 v39, v7;
	v5 =	vadd.f32 v42, v5  }
0x59: {  	v43 =	vld [tilespmem:s19+$0x2A0];
	v1 =	vmax.f32 v1, v60;
	v2 =	vmax.f32 v2, v63;
	v3 =	vmax.f32 v3, v24  }
0x5a: {  	v45 =	vld [tilespmem:s19+$0x300];
	v37 =	vbroadcast v0, $0xC;
	v1 =	vmax.f32 v1, v26;
	v2 =	vmax.f32 v2, v28  }
0x5b: {  	v27 =	vld [tilespmem:s19+$0x1A0];
	v35 =	vmul.f32 v25, v30;
	v3 =	vmax.f32 v3, v31;
	v50 =	vmul.f32 v40, v46  }
0x5c: {  	v32 =	vld [tilespmem:s19+$0x210];
	v8 =	vadd.f32 v44, v8;
	v7 =	vadd.f32 v11, v7;
	v11 =	vmul.f32 v53, v55  }
0x5d: {  	v47 =	vld [tilespmem:s19+$0x310];
	v6 =	vadd.f32 v9, v6;
	v9 =	vmul.f32 v62, v22;
	v42 =	vmul.f32 v19, v37  }
0x5e: {  	v52 =	vld [tilespmem:s19+$0x390];
	v5 =	vadd.f32 v49, v5;
	v49 =	vbroadcast v0, $0xE;
	v0 =	vbroadcast v0, $0xF  }
0x5f: {  	v21 =	vld [tilespmem:s19+$0x380];
	v1 =	vmax.f32 v1, v33;
	v17 =	vmul.f32 v43, v46;
	v19 =	vmul.f32 v20, v46  }
0x60: {  	v34 =	vld [tilespmem:s19+$0x220];
	v3 =	vmax.f32 v3, v41;
	v39 =	vmul.f32 v27, v30;
	v2 =	vmax.f32 v2, v35  }
0x61: {  	v44 =	vmul.f32 v32, v37;
	v8 =	vadd.f32 v51, v8;
	v6 =	vadd.f32 v54, v6  }
0x62: {  	v36 =	vld [tilespmem:s19+$0x230];
	v7 =	vadd.f32 v57, v7;
	v5 =	vadd.f32 v58, v5;
	v4 =	vmax.f32 v4, v11  }
0x63: {  	v1 =	vmax.f32 v1, v42;
	v12 =	vmul.f32 v45, v49;
	v55 =	vmul.f32 v47, v49  }
0x64: {  	v53 =	vld [tilespmem:s19+$0x330];
	v56 =	vmul.f32 v21, v0;
	v14 =	vmul.f32 v52, v0;
	v4 =	vmax.f32 v4, v9  }
0x65: {  	v13 =	vmul.f32 v34, v37;
	v2 =	vmax.f32 v2, v44;
	v8 =	vadd.f32 v60, v8  }
0x66: {  	v1 =	vmax.f32 v1, v48;
	v6 =	vadd.f32 v63, v6;
	v7 =	vadd.f32 v11, v7  }
0x67: {  	v5 =	vadd.f32 v24, v5;
	v4 =	vmax.f32 v4, v39;
	v11 =	vmul.f32 v36, v37  }
0x68: {  	v1 =	vmax.f32 v1, v12;
	v2 =	vmax.f32 v2, v50;
	v4 =	vmax.f32 v4, v13  }
0x69: {  	v51 =	vld [tilespmem:s19+$0x320];
	v10 =	vmul.f32 v53, v49;
	v1 =	vmax.f32 v1, v56;
	v8 =	vadd.f32 v26, v8  }
0x6a: {  	v54 =	vld [tilespmem:s19+$0x3A0];
	v2 =	vmax.f32 v2, v55;
	v6 =	vadd.f32 v28, v6;
	v7 =	vadd.f32 v9, v7  }
0x6b: {  	v57 =	vld [tilespmem:s19+$0x3B0];
	v5 =	vadd.f32 v31, v5;
	v4 =	vmax.f32 v4, v17;
	v8 =	vadd.f32 v33, v8  }
0x6c: {  	v59 =	vmax.f32 v2, v14;
	v6 =	vadd.f32 v35, v6;
	v7 =	vadd.f32 v39, v7  }
0x6d: {  	v3 =	vmax.f32 v3, v11;
	v5 =	vadd.f32 v41, v5;
	v8 =	vadd.f32 v42, v8  }
0x6e: {  	v16 =	vmul.f32 v51, v49;
	v6 =	vadd.f32 v44, v6;
	v7 =	vadd.f32 v13, v7  }
0x6f: {  	v58 =	vmul.f32 v54, v0;
	v5 =	vadd.f32 v11, v5;
	v8 =	vadd.f32 v48, v8  }
0x70: {  	v0 =	vmul.f32 v57, v0;
	v6 =	vadd.f32 v50, v6;
	v7 =	vadd.f32 v17, v7  }
0x71: {  	v62 =	vmax.f32 v3, v19;
	v5 =	vadd.f32 v19, v5;
	v8 =	vadd.f32 v12, v8  }
0x72: {  	[tilespmem:s18+$0x0] =	vst v1;
	v1 =	vmax.f32 v62, v10;
	v6 =	vadd.f32 v55, v6;
	v7 =	vadd.f32 v16, v7  }
0x73: {  	v4 =	vmax.f32 v4, v16;
	v5 =	vadd.f32 v10, v5;
	v8 =	vadd.f32 v56, v8  }
0x74: {  	[tilespmem:s18+$0x10] =	vst v59;
	v63 =	vmax.f32 v4, v58;
	v6 =	vadd.f32 v14, v6;
	v7 =	vadd.f32 v58, v7  }
0x75: {  	p0 =	sne.s32 s17, $0x3C0;
	[tilespmem:s18+$0x20] =	vst v63;
	v60 =	vadd.f32 v0, v5;
	v0 =	vmax.f32 v1, v0;
	v8 =	vmul.f32 $6.250000000e-02, v8  }
.Ltmp0:
0x76: {  	[tilespmem:s18+$0x30] =	vst v0;
	v6 =	vmul.f32 $6.250000000e-02, v6;
	(pc) =	sbr.rel @p0 .LBB2_3-.Ltmp0, $4  }
0x77: {  	v61 =	vmul.f32 $6.250000000e-02, v7;
	[tilespmem:s18+$0xFFFFFFC0] =	vst v8  }
0x78: {  	v2 =	vmul.f32 $6.250000000e-02, v60;
	[tilespmem:s18+$0xFFFFFFD0] =	vst v6  }
0x79: {  	[tilespmem:s18+$0xFFFFFFE0] =	vst v61  }
0x7a: {  	s17 =	sadd.s32 $0x40, s17;
	s19 =	sadd.s32 $0x800, s19;
	[tilespmem:s18+$0xFFFFFFF0] =	vst v2;
	s18 =	sadd.s32 $0x80, s18  }
0x7b: {  	s15 =	sadd.s32 $0x1, s15  }
0x7c: {  	s16 =	sshll.u32 s16, $0x4;
	p0 =	sne.s32 s15, $0x14  }
.Ltmp1:
0x7d: {  	s16 =	sadd.s32 s6, s16;
	(pc) =	sbr.rel @p0 .LBB2_2-.Ltmp1, $4  }
0x7e: {  	[hbm4b:s16+s2] =	stream.linear.scatter [tilespmem:s13], [sflag:$0x2], $0x800, $0x38;
	[tilespmem:$0x8A00] =	vst v63  }
0x7f: {  	_ =	swait.ge [sflag:s9], $0x800  }
0x80: {  	[sflag:s9] =	ssyncset.done $0x0  }
0x81: {  	[sflag:s9] =	ssyncadd.s32 $0xFFFFF800  }
0x82: {  	s14 =	sadd.s32 $0x1, s14  }
0x83: {  	p0 =	sne.s32 s14, s8  }
.Ltmp2:
0x84: {  	_ = 	snop;
	(pc) =	sbr.rel @p0 .LBB2_1-.Ltmp2, $1  }
0x85: {  	_ =	sdelay $0x3  }
0x86: {  	_ =	sfence.sel $0x180000  }
0x87: {  	[bflag:$0x0] =	sbarrier.arrive $0xFFFF  }
0x88: {  	p0 =	sne.s32 s3, $0x0;
	_ =	strace $0x90000050  }
0x89: {  	s0 =	sadd.s32 @!p0 $0x100000, s0;
	[bflag:$0x2] =	sbarrier.arrive $0xFFFF  }
0x8a: {  	[sflag:s0] =	ssyncadd.tile.s32 @!p0 $0x1;
	_ =	shalt  }
.Lfunc_end2:
_tile_overlayer_lowered:
.L_overlay_start_2:
0x8b: {  	(tag) =	ssettag $0x2  }
0x8c: {  	s0 =	rddreg [dreg:$0x0];
	s2 =	stileid.u32  }
0x8d: {  	s1 =	rddreg [dreg:$0x1];
	p0 =	sne.s32 s2, $0x0  }
0x8e: {  	s3 =	rddreg [dreg:$0x2];
	[bflag:$0x3] =	sbarrier.arrive $0xFFFF;
	s2 =	simm.s32 @!p0 $0x1C02  }
0x8f: {  	[timem:s3], [sflag:s2] =	dma.local @!p0 [hbm:s0], s1  }
0x90: {  	s0 =	simm.s32 @!p0 $0x2  }
0x91: {  	_ =	swait.ge @!p0 [sflag:s0], s1  }
0x92: {  	s1 =	ssub.s32 @!p0 $0x0, s1;
	[sflag:s0] =	ssyncset.done @!p0 $0x0  }
0x93: {  	[sflag:s0] =	ssyncadd.s32 @!p0 s1  }
0x94: {  	[bflag:$0x3] =	sbarrier.arrive $0xFFFF  }
0x95: {  	_ =	shalt  }

</sc_bundles>
